<compile_context>
chip_gen: v7x
topology: tpu7x:2x2x1
jax: 0.10.2.dev20260603
libtpu: 0.0.44.dev20260713+nightly
codegen_flags: <defaults>
</compile_context>

<pallas_src>
import functools

import jax
import jax.numpy as jnp
from jax import lax
from jax.experimental import pallas as pl
from jax.experimental.pallas import tpu as pltpu
from jax.experimental.pallas import tpu_sc as plsc

_N, _D = 16384, 32
_MARGIN = 0.1
_K = 10
_N_RAND = 131072

_R = 256
_CT = 2048
_G = 128
_NG = _N // _G
_NT = _N // _CT
_GPT = _CT // _G
_NB = _N // _R
_BIG = 1e9
_INF = float("inf")


def _knn_block_kernel(x_ref, pidc_ref, pidr_ref, out_ref,
                      m1_ref, p1_ref, m2_ref, p2_ref):
    b = pl.program_id(0)
    q = x_ref[pl.ds(b * _R, _R), :]
    ones = jnp.ones((1, _D), jnp.float32)
    dn = (((1,), (1,)), ((), ()))
    q2t = jax.lax.dot_general(ones, q * q, dn,
                              preferred_element_type=jnp.float32)
    qb = q.astype(jnp.bfloat16)

    def tile_body(t):
        xt = x_ref[pl.ds(t * _CT, _CT), :]
        x2t = jax.lax.dot_general(xt * xt, ones, dn,
                                  preferred_element_type=jnp.float32)
        s = jax.lax.dot_general(xt.astype(jnp.bfloat16), qb, dn,
                                preferred_element_type=jnp.float32)
        d2 = x2t + q2t - 2.0 * s
        ci = jax.lax.broadcasted_iota(jnp.int32, (_CT, _R), 0) + t * _CT
        ri = jax.lax.broadcasted_iota(jnp.int32, (_CT, _R), 1) + b * _R
        d2 = jnp.where(ci == ri, _INF, d2)

        tt = d2.reshape(_GPT, _G, _R)
        pidt = pidc_ref[pl.ds(t * _CT, _CT), :].reshape(_GPT, _G, 1)
        m1 = jnp.min(tt, axis=1)
        e1 = tt == m1[:, None, :]
        p1 = jnp.min(jnp.where(e1, pidt, _BIG), axis=1)
        t2 = jnp.where(e1, _INF, tt)
        m2 = jnp.min(t2, axis=1)
        p2 = jnp.min(jnp.where(t2 == m2[:, None, :], pidt, _BIG), axis=1)
        m1_ref[pl.ds(t * _GPT, _GPT), :] = m1
        p1_ref[pl.ds(t * _GPT, _GPT), :] = p1
        m2_ref[pl.ds(t * _GPT, _GPT), :] = m2
        p2_ref[pl.ds(t * _GPT, _GPT), :] = p2

    for t in range(_NT):
        tile_body(t)

    pid_rows = pidr_ref[0]
    gi = jax.lax.broadcasted_iota(jnp.int32, (_NG, _R), 0)

    def extract_body(carry):
        m1, p1, m2, acc = carry
        m = jnp.min(m1, axis=0, keepdims=True)
        gsel = jnp.min(jnp.where(m1 == m, gi, jnp.int32(1 << 30)),
                       axis=0, keepdims=True)
        msk = gi == gsel
        psel = jnp.min(jnp.where(msk, p1, _BIG), axis=0, keepdims=True)
        d = jnp.sqrt(jnp.maximum(m, 0.0) + 1e-12)
        term = jnp.where(psel == pid_rows, d,
                         jnp.maximum(0.0, _MARGIN - d))
        acc = acc + term
        m1 = jnp.where(msk, m2, m1)
        p1 = jnp.where(msk, p2_ref[...], p1)
        m2 = jnp.where(msk, _INF, m2)
        return m1, p1, m2, acc

    carry = (m1_ref[...], p1_ref[...], m2_ref[...],
             jnp.zeros((1, _R), jnp.float32))
    for _ in range(_K):
        carry = extract_body(carry)
    acc = carry[3]
    out_ref[...] = acc.reshape(1, 1, _R)


def _knn_hinge_sums(x, pid_f32):
    pidc = pid_f32.reshape(_N, 1)
    pidr = pid_f32.reshape(_NB, 1, _R)
    return pl.pallas_call(
        _knn_block_kernel,
        grid=(_NB,),
        in_specs=[
            pl.BlockSpec((_N, _D), lambda b: (b - b, b - b)),
            pl.BlockSpec((_N, 1), lambda b: (b - b, b - b)),
            pl.BlockSpec((1, 1, _R), lambda b: (b, b - b, b - b)),
        ],
        out_specs=pl.BlockSpec((1, 1, _R), lambda b: (b, b - b, b - b)),
        out_shape=jax.ShapeDtypeStruct((_NB, 1, _R), jnp.float32),
        scratch_shapes=[pltpu.VMEM((_NG, _R), jnp.float32)] * 4,
        compiler_params=pltpu.CompilerParams(
            dimension_semantics=("parallel",),
        ),
    )(x, pidc, pidr)


_NSIG = 65536
_B = 128
_NW = 32
_SB = _NSIG // _NW // _B
_RB = _N_RAND // _NW // _B


def _edge_kernel(x_hbm, ss_hbm, sd_hbm, rs_hbm, rd_hbm, pid_hbm, out_hbm,
                 pid_v, idx_s, idx_d, rows_s, rows_d, acc_v, sem1, sem2):
    wid = lax.axis_index("s") * 2 + lax.axis_index("c")
    pltpu.sync_copy(pid_hbm, pid_v)
    iota16 = lax.iota(jnp.int32, 16)

    def make_batch_body(src_hbm, dst_hbm, nbatch, with_pid):
        def batch_body(i, acc):
            base = (wid * nbatch + i) * _B
            pltpu.sync_copy(src_hbm.at[pl.ds(base, _B)], idx_s)
            pltpu.sync_copy(dst_hbm.at[pl.ds(base, _B)], idx_d)
            pltpu.async_copy(x_hbm.at[idx_s], rows_s, sem1).wait()
            pltpu.async_copy(x_hbm.at[idx_d], rows_d, sem2).wait()

            def grp(j, acc2):
                eids = j * 16 + iota16
                d2 = jnp.zeros((16,), jnp.float32)
                for c in range(_D):
                    cs = jnp.full((16,), c, jnp.int32)
                    a = plsc.load_gather(rows_s, [eids, cs])
                    b = plsc.load_gather(rows_d, [eids, cs])
                    df = a - b
                    d2 = d2 + df * df
                xv = d2 + 1e-12
                bits = lax.bitcast_convert_type(xv, jnp.int32)
                y = lax.bitcast_convert_type(
                    lax.shift_right_logical(bits, jnp.int32(1))
                    + jnp.int32(0x1FBD1DF5),
                    jnp.float32)
                y = 0.5 * (y + xv / y)
                y = 0.5 * (y + xv / y)
                if with_pid:
                    si = plsc.load_gather(idx_s, [eids])
                    di = plsc.load_gather(idx_d, [eids])
                    ps = plsc.load_gather(pid_v, [si])
                    pd = plsc.load_gather(pid_v, [di])
                    term = jnp.where(ps == pd, y,
                                     jnp.maximum(0.0, _MARGIN - y))
                else:
                    term = y
                return acc2 + term

            return lax.fori_loop(jnp.int32(0), jnp.int32(_B // 16), grp, acc)
        return batch_body

    zero = jnp.zeros((16,), jnp.float32)
    acc = lax.fori_loop(jnp.int32(0), jnp.int32(_SB),
                        make_batch_body(ss_hbm, sd_hbm, _SB, False), zero)
    acc_v[...] = acc
    pltpu.sync_copy(acc_v, out_hbm.at[jnp.int32(0), wid])
    acc = lax.fori_loop(jnp.int32(0), jnp.int32(_RB),
                        make_batch_body(rs_hbm, rd_hbm, _RB, True), zero)
    acc_v[...] = acc
    pltpu.sync_copy(acc_v, out_hbm.at[jnp.int32(1), wid])


def _edge_losses(x, ss, sd, rs, rd, pid_i32):
    mesh = plsc.VectorSubcoreMesh(core_axis_name="c", subcore_axis_name="s",
                                  num_cores=2, num_subcores=16)
    return pl.kernel(
        _edge_kernel,
        out_type=jax.ShapeDtypeStruct((2, _NW, 16), jnp.float32),
        mesh=mesh,
        scratch_types=[
            pltpu.VMEM((_N,), jnp.int32),
            pltpu.VMEM((_B,), jnp.int32),
            pltpu.VMEM((_B,), jnp.int32),
            pltpu.VMEM((_B, _D), jnp.float32),
            pltpu.VMEM((_B, _D), jnp.float32),
            pltpu.VMEM((16,), jnp.float32),
            pltpu.SemaphoreType.DMA,
            pltpu.SemaphoreType.DMA,
        ],
        compiler_params=pltpu.CompilerParams(needs_layout_passes=False,
                                             use_tc_tiling_on_sc=False),
    )(x, ss, sd, rs, rd, pid_i32)


def _combine_kernel(knn_ref, sc_ref, o_ref):
    knn = jnp.sum(knn_ref[...]) / jnp.float32(_N * _K)
    sig = jnp.sum(sc_ref[0]) / jnp.float32(_NSIG)
    rnd = jnp.sum(sc_ref[1]) / jnp.float32(_N_RAND)
    o_ref[...] = (knn + sig + rnd).reshape(1, 1)


def kernel(x, track_edges, pid):
    pid_i32 = pid.astype(jnp.int32)
    pid_f32 = pid_i32.astype(jnp.float32)
    knn_sums = _knn_hinge_sums(x, pid_f32)

    ts = track_edges[0].astype(jnp.int32)
    td = track_edges[1].astype(jnp.int32)
    edges_rand = jax.random.randint(jax.random.key(7), (2, _N_RAND), 0, _N)
    sc_out = _edge_losses(x, ts, td, edges_rand[0].astype(jnp.int32),
                          edges_rand[1].astype(jnp.int32), pid_i32)

    total = pl.pallas_call(
        _combine_kernel,
        out_shape=jax.ShapeDtypeStruct((1, 1), jnp.float32),
    )(knn_sums, sc_out)
    return total[0, 0]

# --- scband reference (transcript-rebuilt; emitter-appended) ---
"""Pipeline reference for scband-contrastive-31628139168312 (READ-ONLY COPY).

The authoritative reference and input builder live on the scoring server;
editing this copy changes nothing except your own understanding.
"""

import jax, jax.numpy as jnp
import numpy as np
jax.config.update("jax_enable_x64", True)

N, D = 16384, 32
E_TRACK = 65536
MARGIN = 0.1
K_KNN = 10
N_RAND = 131072
CHUNK = 2048


def setup_inputs(seed: int = 0):
    key = jax.random.key(seed)
    k1, k2, k3 = jax.random.split(key, 3)
    x = jax.random.normal(k1, (N, D), dtype=jnp.float32)
    track_edges = jax.random.randint(k2, (2, E_TRACK), 0, N, dtype=jnp.int64)
    pid = jax.random.randint(k3, (N,), 0, 4096, dtype=jnp.int64)
    return {"x": x, "track_edges": track_edges, "pid": pid}


def knn_graph(x, k):
    # brute-force kNN in embedding space (stand-in for cu_knn / FRNN)
    n = x.shape[0]
    x2 = jnp.sum(x * x, axis=-1)
    rows = jnp.arange(n)

    def chunk_fn(args):
        q, r = args  # q: [CHUNK, D], r: [CHUNK]
        d2 = jnp.sum(q * q, axis=-1)[:, None] - 2.0 * (q @ x.T) + x2[None, :]
        d2 = d2.at[jnp.arange(q.shape[0]), r].set(jnp.inf)  # mask self
        _, idx = jax.lax.top_k(-d2, k)
        return idx

    nchunks = n // CHUNK
    idx = jax.lax.map(chunk_fn, (x.reshape(nchunks, CHUNK, -1), rows.reshape(nchunks, CHUNK)))
    idx = idx.reshape(n, k)
    src = jnp.repeat(jnp.arange(n), k)
    dst = idx.reshape(-1)
    return jnp.stack([src, dst], axis=0)


def hinge_loss(x, edges, margin, y):
    diff = x[edges[0]] - x[edges[1]]
    d = jnp.sqrt(jnp.sum(diff * diff, axis=-1) + 1e-12)
    loss = jnp.where(y > 0, d, jnp.maximum(0.0, margin - d))
    return jnp.mean(loss)


def pid_truth(pid, edges):
    return jnp.where(pid[edges[0]] == pid[edges[1]], 1, -1)


def reference(x, track_edges, pid):
    # signal_contrastive_loss: true track edges, y = ones
    y_sig = jnp.ones(track_edges.shape[1], dtype=jnp.int32)
    signal_loss = hinge_loss(x, track_edges, MARGIN, y_sig)

    # knn_contrastive_loss: edges from kNN graph in embedding space
    edges_knn = knn_graph(x, K_KNN)
    y_knn = pid_truth(pid, edges_knn)
    knn_loss = hinge_loss(x, edges_knn, MARGIN, y_knn)

    # random_contrastive_loss: random edge pairs
    edges_rand = jax.random.randint(jax.random.key(7), (2, N_RAND), 0, x.shape[0])
    y_rand = pid_truth(pid, edges_rand)
    random_loss = hinge_loss(x, edges_rand, MARGIN, y_rand)

    total = signal_loss + knn_loss + random_loss
    return total

if __name__ == "__main__":
    import jax
    _d = setup_inputs()
    print(jax.jit(kernel)(*tuple(_d.values())))

</pallas_src>

<mosaic_0001>
#map = affine_map<(d0, d1) -> (0, 0)>
#map1 = affine_map<(d0, d1) -> (0)>
#map2 = affine_map<(d0, d1) -> (0, 0, 0)>
module attributes {stable_mosaic.version = 14 : i64} {
  func.func @_edge_kernel(%arg0: i32, %arg1: i32, %arg2: memref<16384x32xf32, #tpu.memory_space<hbm>>, %arg3: memref<65536xi32, #tpu.memory_space<hbm>>, %arg4: memref<65536xi32, #tpu.memory_space<hbm>>, %arg5: memref<131072xi32, #tpu.memory_space<hbm>>, %arg6: memref<131072xi32, #tpu.memory_space<hbm>>, %arg7: memref<16384xi32, #tpu.memory_space<hbm>>, %arg8: memref<2x32x16xf32, #tpu.memory_space<hbm>>, %arg9: memref<16384xi32, #tpu.memory_space<vmem>>, %arg10: memref<128xi32, #tpu.memory_space<vmem>>, %arg11: memref<128xi32, #tpu.memory_space<vmem>>, %arg12: memref<128x32xf32, #tpu.memory_space<vmem>>, %arg13: memref<128x32xf32, #tpu.memory_space<vmem>>, %arg14: memref<16xf32, #tpu.memory_space<vmem>>, %arg15: memref<!tpu.dma_semaphore, #tpu.memory_space<semaphore_mem>>, %arg16: memref<!tpu.dma_semaphore, #tpu.memory_space<semaphore_mem>>) attributes {dimension_semantics = [#tpu.dimension_semantics<core_parallel>, #tpu.dimension_semantics<subcore_parallel>], iteration_bounds = array<i64: 2, 16>, scalar_prefetch = 0 : i64, scratch_operands = 8 : i64, tpu.core_type = #tpu.core_type<sc_vector_subcore>, window_params = [{transform_indices = #map}, {transform_indices = #map1}, {transform_indices = #map1}, {transform_indices = #map1}, {transform_indices = #map1}, {transform_indices = #map1}, {transform_indices = #map2}]} {
    %mul3A = arith.constant 2 : i32
    %mul3A_0 = arith.muli %arg1, %mul3A : i32
    %add3A = arith.addi %mul3A_0, %arg0 : i32
    "tpu.region"() ({
      %run_scoped3A_29 = tpu.sem_alloc : memref<!tpu.dma_semaphore, #tpu.memory_space<semaphore_mem>>
      tpu.enqueue_dma source(%arg7 : memref<16384xi32, #tpu.memory_space<hbm>>) target(%arg9 : memref<16384xi32, #tpu.memory_space<vmem>>) target_semaphore(%run_scoped3A_29 : memref<!tpu.dma_semaphore, #tpu.memory_space<semaphore_mem>>)
      tpu.wait_dma2 semaphore(%run_scoped3A_29 : memref<!tpu.dma_semaphore, #tpu.memory_space<semaphore_mem>>) src(%arg7 : memref<16384xi32, #tpu.memory_space<hbm>>) dst(%arg9 : memref<16384xi32, #tpu.memory_space<vmem>>)
      tpu.yield
    }) : () -> ()
    %iota3A = tpu.iota {dimensions = array<i32: 0>} : vector<16xi32>
    %broadcast_in_dim3A = arith.constant 0.000000e+00 : f32
    %broadcast_in_dim3A_1 = vector.broadcast %broadcast_in_dim3A : f32 to vector<16xf32>
    %while3A = arith.constant 0 : i32
    %while3A_2 = arith.constant 16 : i32
    %while3A_3 = arith.subi %while3A_2, %while3A : i32
    %while3A_4 = arith.addi %while3A, %while3A_3 : i32
    %while3A_5 = arith.constant 1 : i32
    %while3A_6 = arith.divsi %while3A_3, %while3A_5 : i32
    %while3A_7 = arith.muli %while3A_6, %while3A_5 : i32
    %while3A_8 = arith.addi %while3A, %while3A_7 : i32
    %while3A_9 = arith.constant 1 : i32
    %while3A_10 = scf.for %while3A_29 = %while3A to %while3A_8 step %while3A_9 iter_args(%while3A_30 = %broadcast_in_dim3A_1) -> (vector<16xf32>)  : i32 {
      %mul3A_31 = arith.constant 16 : i32
      %mul3A_32 = arith.muli %add3A, %mul3A_31 : i32
      %add3A_33 = arith.addi %mul3A_32, %while3A_29 : i32
      %mul3A_34 = arith.constant 128 : i32
      %mul3A_35 = arith.muli %add3A_33, %mul3A_34 : i32
      "tpu.region"() ({
        %run_scoped3A_58 = tpu.sem_alloc : memref<!tpu.dma_semaphore, #tpu.memory_space<semaphore_mem>>
        %dma_start3A_59 = tpu.memref_slice %arg3[%mul3A_35] : memref<65536xi32, #tpu.memory_space<hbm>> -> memref<128xi32, #tpu.memory_space<hbm>>
        %dma_start3A_60 = tpu.memref_slice %arg3[%mul3A_35] : memref<65536xi32, #tpu.memory_space<hbm>> -> memref<128xi32, #tpu.memory_space<hbm>>
        tpu.enqueue_dma source(%dma_start3A_60 : memref<128xi32, #tpu.memory_space<hbm>>) target(%arg10 : memref<128xi32, #tpu.memory_space<vmem>>) target_semaphore(%run_scoped3A_58 : memref<!tpu.dma_semaphore, #tpu.memory_space<semaphore_mem>>)
        %dma_wait3A_61 = tpu.memref_slice %arg3[%mul3A_35] : memref<65536xi32, #tpu.memory_space<hbm>> -> memref<128xi32, #tpu.memory_space<hbm>>
        %dma_wait3A_62 = tpu.memref_slice %arg3[%mul3A_35] : memref<65536xi32, #tpu.memory_space<hbm>> -> memref<128xi32, #tpu.memory_space<hbm>>
        tpu.wait_dma2 semaphore(%run_scoped3A_58 : memref<!tpu.dma_semaphore, #tpu.memory_space<semaphore_mem>>) src(%dma_wait3A_62 : memref<128xi32, #tpu.memory_space<hbm>>) dst(%arg10 : memref<128xi32, #tpu.memory_space<vmem>>)
        tpu.yield
      }) : () -> ()
      "tpu.region"() ({
        %run_scoped3A_58 = tpu.sem_alloc : memref<!tpu.dma_semaphore, #tpu.memory_space<semaphore_mem>>
        %dma_start3A_59 = tpu.memref_slice %arg4[%mul3A_35] : memref<65536xi32, #tpu.memory_space<hbm>> -> memref<128xi32, #tpu.memory_space<hbm>>
        %dma_start3A_60 = tpu.memref_slice %arg4[%mul3A_35] : memref<65536xi32, #tpu.memory_space<hbm>> -> memref<128xi32, #tpu.memory_space<hbm>>
        tpu.enqueue_dma source(%dma_start3A_60 : memref<128xi32, #tpu.memory_space<hbm>>) target(%arg11 : memref<128xi32, #tpu.memory_space<vmem>>) target_semaphore(%run_scoped3A_58 : memref<!tpu.dma_semaphore, #tpu.memory_space<semaphore_mem>>)
        %dma_wait3A_61 = tpu.memref_slice %arg4[%mul3A_35] : memref<65536xi32, #tpu.memory_space<hbm>> -> memref<128xi32, #tpu.memory_space<hbm>>
        %dma_wait3A_62 = tpu.memref_slice %arg4[%mul3A_35] : memref<65536xi32, #tpu.memory_space<hbm>> -> memref<128xi32, #tpu.memory_space<hbm>>
        tpu.wait_dma2 semaphore(%run_scoped3A_58 : memref<!tpu.dma_semaphore, #tpu.memory_space<semaphore_mem>>) src(%dma_wait3A_62 : memref<128xi32, #tpu.memory_space<hbm>>) dst(%arg11 : memref<128xi32, #tpu.memory_space<vmem>>)
        tpu.yield
      }) : () -> ()
      %dma_start3A = arith.constant 0 : i32
      %dma_start3A_36 = arith.constant 0 : i32
      %dma_start3A_37 = tpu.memref_slice %arg2[%dma_start3A, %dma_start3A_36] : memref<16384x32xf32, #tpu.memory_space<hbm>> -> memref<16384x32xf32, #tpu.memory_space<hbm>>
      tpu.enqueue_indirect_dma source(%dma_start3A_37 : memref<16384x32xf32, #tpu.memory_space<hbm>>) target(%arg12 : memref<128x32xf32, #tpu.memory_space<vmem>>) offsets(%arg10 : memref<128xi32, #tpu.memory_space<vmem>>) semaphore(%arg15 : memref<!tpu.dma_semaphore, #tpu.memory_space<semaphore_mem>>)
      %dma_wait3A = arith.constant 0 : i32
      %dma_wait3A_38 = arith.constant 0 : i32
      %dma_wait3A_39 = tpu.memref_slice %arg2[%dma_wait3A, %dma_wait3A_38] : memref<16384x32xf32, #tpu.memory_space<hbm>> -> memref<16384x32xf32, #tpu.memory_space<hbm>>
      tpu.wait_indirect_dma semaphore(%arg15 : memref<!tpu.dma_semaphore, #tpu.memory_space<semaphore_mem>>) src(%dma_wait3A_39 : memref<16384x32xf32, #tpu.memory_space<hbm>>) dst(%arg12 : memref<128x32xf32, #tpu.memory_space<vmem>>)
      %dma_start3A_40 = arith.constant 0 : i32
      %dma_start3A_41 = arith.constant 0 : i32
      %dma_start3A_42 = tpu.memref_slice %arg2[%dma_start3A_40, %dma_start3A_41] : memref<16384x32xf32, #tpu.memory_space<hbm>> -> memref<16384x32xf32, #tpu.memory_space<hbm>>
      tpu.enqueue_indirect_dma source(%dma_start3A_42 : memref<16384x32xf32, #tpu.memory_space<hbm>>) target(%arg13 : memref<128x32xf32, #tpu.memory_space<vmem>>) offsets(%arg11 : memref<128xi32, #tpu.memory_space<vmem>>) semaphore(%arg16 : memref<!tpu.dma_semaphore, #tpu.memory_space<semaphore_mem>>)
      %dma_wait3A_43 = arith.constant 0 : i32
      %dma_wait3A_44 = arith.constant 0 : i32
      %dma_wait3A_45 = tpu.memref_slice %arg2[%dma_wait3A_43, %dma_wait3A_44] : memref<16384x32xf32, #tpu.memory_space<hbm>> -> memref<16384x32xf32, #tpu.memory_space<hbm>>
      tpu.wait_indirect_dma semaphore(%arg16 : memref<!tpu.dma_semaphore, #tpu.memory_space<semaphore_mem>>) src(%dma_wait3A_45 : memref<16384x32xf32, #tpu.memory_space<hbm>>) dst(%arg13 : memref<128x32xf32, #tpu.memory_space<vmem>>)
      %while3A_46 = arith.constant 0 : i32
      %while3A_47 = arith.constant 8 : i32
      %while3A_48 = arith.subi %while3A_47, %while3A_46 : i32
      %while3A_49 = arith.addi %while3A_46, %while3A_48 : i32
      %while3A_50 = arith.constant 1 : i32
      %while3A_51 = arith.divsi %while3A_48, %while3A_50 : i32
      %while3A_52 = arith.muli %while3A_51, %while3A_50 : i32
      %while3A_53 = arith.addi %while3A_46, %while3A_52 : i32
      %while3A_54 = arith.constant 1 : i32
      %while3A_55 = scf.for %while3A_58 = %while3A_46 to %while3A_53 step %while3A_54 iter_args(%while3A_59 = %while3A_30) -> (vector<16xf32>)  : i32 {
        %mul3A_60 = arith.constant 16 : i32
        %mul3A_61 = arith.muli %while3A_58, %mul3A_60 : i32
        %add3A_62 = vector.broadcast %mul3A_61 : i32 to vector<16xi32>
        %add3A_63 = arith.addi %add3A_62, %iota3A : vector<16xi32>
        %broadcast_in_dim3A_64 = arith.constant 0.000000e+00 : f32
        %broadcast_in_dim3A_65 = vector.broadcast %broadcast_in_dim3A_64 : f32 to vector<16xf32>
        %broadcast_in_dim3A_66 = arith.constant 0 : i32
        %broadcast_in_dim3A_67 = vector.broadcast %broadcast_in_dim3A_66 : i32 to vector<16xi32>
        %gather3A = tpu.vector_load_idx %arg12[%add3A_63, %broadcast_in_dim3A_67] : memref<128x32xf32, #tpu.memory_space<vmem>>[vector<16xi32>, vector<16xi32>], vector<16xf32>,
        %gather3A_68 = tpu.vector_load_idx %arg13[%add3A_63, %broadcast_in_dim3A_67] : memref<128x32xf32, #tpu.memory_space<vmem>>[vector<16xi32>, vector<16xi32>], vector<16xf32>,
        %sub3A = arith.subf %gather3A, %gather3A_68 : vector<16xf32>
        %mul3A_69 = arith.mulf %sub3A, %sub3A : vector<16xf32>
        %add3A_70 = arith.addf %broadcast_in_dim3A_65, %mul3A_69 : vector<16xf32>
        %broadcast_in_dim3A_71 = arith.constant 1 : i32
        %broadcast_in_dim3A_72 = vector.broadcast %broadcast_in_dim3A_71 : i32 to vector<16xi32>
        %gather3A_73 = tpu.vector_load_idx %arg12[%add3A_63, %broadcast_in_dim3A_72] : memref<128x32xf32, #tpu.memory_space<vmem>>[vector<16xi32>, vector<16xi32>], vector<16xf32>,
        %gather3A_74 = tpu.vector_load_idx %arg13[%add3A_63, %broadcast_in_dim3A_72] : memref<128x32xf32, #tpu.memory_space<vmem>>[vector<16xi32>, vector<16xi32>], vector<16xf32>,
        %sub3A_75 = arith.subf %gather3A_73, %gather3A_74 : vector<16xf32>
        %mul3A_76 = arith.mulf %sub3A_75, %sub3A_75 : vector<16xf32>
        %add3A_77 = arith.addf %add3A_70, %mul3A_76 : vector<16xf32>
        %broadcast_in_dim3A_78 = arith.constant 2 : i32
        %broadcast_in_dim3A_79 = vector.broadcast %broadcast_in_dim3A_78 : i32 to vector<16xi32>
        %gather3A_80 = tpu.vector_load_idx %arg12[%add3A_63, %broadcast_in_dim3A_79] : memref<128x32xf32, #tpu.memory_space<vmem>>[vector<16xi32>, vector<16xi32>], vector<16xf32>,
        %gather3A_81 = tpu.vector_load_idx %arg13[%add3A_63, %broadcast_in_dim3A_79] : memref<128x32xf32, #tpu.memory_space<vmem>>[vector<16xi32>, vector<16xi32>], vector<16xf32>,
        %sub3A_82 = arith.subf %gather3A_80, %gather3A_81 : vector<16xf32>
        %mul3A_83 = arith.mulf %sub3A_82, %sub3A_82 : vector<16xf32>
        %add3A_84 = arith.addf %add3A_77, %mul3A_83 : vector<16xf32>
        %broadcast_in_dim3A_85 = arith.constant 3 : i32
        %broadcast_in_dim3A_86 = vector.broadcast %broadcast_in_dim3A_85 : i32 to vector<16xi32>
        %gather3A_87 = tpu.vector_load_idx %arg12[%add3A_63, %broadcast_in_dim3A_86] : memref<128x32xf32, #tpu.memory_space<vmem>>[vector<16xi32>, vector<16xi32>], vector<16xf32>,
        %gather3A_88 = tpu.vector_load_idx %arg13[%add3A_63, %broadcast_in_dim3A_86] : memref<128x32xf32, #tpu.memory_space<vmem>>[vector<16xi32>, vector<16xi32>], vector<16xf32>,
        %sub3A_89 = arith.subf %gather3A_87, %gather3A_88 : vector<16xf32>
        %mul3A_90 = arith.mulf %sub3A_89, %sub3A_89 : vector<16xf32>
        %add3A_91 = arith.addf %add3A_84, %mul3A_90 : vector<16xf32>
        %broadcast_in_dim3A_92 = arith.constant 4 : i32
        %broadcast_in_dim3A_93 = vector.broadcast %broadcast_in_dim3A_92 : i32 to vector<16xi32>
        %gather3A_94 = tpu.vector_load_idx %arg12[%add3A_63, %broadcast_in_dim3A_93] : memref<128x32xf32, #tpu.memory_space<vmem>>[vector<16xi32>, vector<16xi32>], vector<16xf32>,
        %gather3A_95 = tpu.vector_load_idx %arg13[%add3A_63, %broadcast_in_dim3A_93] : memref<128x32xf32, #tpu.memory_space<vmem>>[vector<16xi32>, vector<16xi32>], vector<16xf32>,
        %sub3A_96 = arith.subf %gather3A_94, %gather3A_95 : vector<16xf32>
        %mul3A_97 = arith.mulf %sub3A_96, %sub3A_96 : vector<16xf32>
        %add3A_98 = arith.addf %add3A_91, %mul3A_97 : vector<16xf32>
        %broadcast_in_dim3A_99 = arith.constant 5 : i32
        %broadcast_in_dim3A_100 = vector.broadcast %broadcast_in_dim3A_99 : i32 to vector<16xi32>
        %gather3A_101 = tpu.vector_load_idx %arg12[%add3A_63, %broadcast_in_dim3A_100] : memref<128x32xf32, #tpu.memory_space<vmem>>[vector<16xi32>, vector<16xi32>], vector<16xf32>,
        %gather3A_102 = tpu.vector_load_idx %arg13[%add3A_63, %broadcast_in_dim3A_100] : memref<128x32xf32, #tpu.memory_space<vmem>>[vector<16xi32>, vector<16xi32>], vector<16xf32>,
        %sub3A_103 = arith.subf %gather3A_101, %gather3A_102 : vector<16xf32>
        %mul3A_104 = arith.mulf %sub3A_103, %sub3A_103 : vector<16xf32>
        %add3A_105 = arith.addf %add3A_98, %mul3A_104 : vector<16xf32>
        %broadcast_in_dim3A_106 = arith.constant 6 : i32
        %broadcast_in_dim3A_107 = vector.broadcast %broadcast_in_dim3A_106 : i32 to vector<16xi32>
        %gather3A_108 = tpu.vector_load_idx %arg12[%add3A_63, %broadcast_in_dim3A_107] : memref<128x32xf32, #tpu.memory_space<vmem>>[vector<16xi32>, vector<16xi32>], vector<16xf32>,
        %gather3A_109 = tpu.vector_load_idx %arg13[%add3A_63, %broadcast_in_dim3A_107] : memref<128x32xf32, #tpu.memory_space<vmem>>[vector<16xi32>, vector<16xi32>], vector<16xf32>,
        %sub3A_110 = arith.subf %gather3A_108, %gather3A_109 : vector<16xf32>
        %mul3A_111 = arith.mulf %sub3A_110, %sub3A_110 : vector<16xf32>
        %add3A_112 = arith.addf %add3A_105, %mul3A_111 : vector<16xf32>
        %broadcast_in_dim3A_113 = arith.constant 7 : i32
        %broadcast_in_dim3A_114 = vector.broadcast %broadcast_in_dim3A_113 : i32 to vector<16xi32>
        %gather3A_115 = tpu.vector_load_idx %arg12[%add3A_63, %broadcast_in_dim3A_114] : memref<128x32xf32, #tpu.memory_space<vmem>>[vector<16xi32>, vector<16xi32>], vector<16xf32>,
        %gather3A_116 = tpu.vector_load_idx %arg13[%add3A_63, %broadcast_in_dim3A_114] : memref<128x32xf32, #tpu.memory_space<vmem>>[vector<16xi32>, vector<16xi32>], vector<16xf32>,
        %sub3A_117 = arith.subf %gather3A_115, %gather3A_116 : vector<16xf32>
        %mul3A_118 = arith.mulf %sub3A_117, %sub3A_117 : vector<16xf32>
        %add3A_119 = arith.addf %add3A_112, %mul3A_118 : vector<16xf32>
        %broadcast_in_dim3A_120 = arith.constant 8 : i32
        %broadcast_in_dim3A_121 = vector.broadcast %broadcast_in_dim3A_120 : i32 to vector<16xi32>
        %gather3A_122 = tpu.vector_load_idx %arg12[%add3A_63, %broadcast_in_dim3A_121] : memref<128x32xf32, #tpu.memory_space<vmem>>[vector<16xi32>, vector<16xi32>], vector<16xf32>,
        %gather3A_123 = tpu.vector_load_idx %arg13[%add3A_63, %broadcast_in_dim3A_121] : memref<128x32xf32, #tpu.memory_space<vmem>>[vector<16xi32>, vector<16xi32>], vector<16xf32>,
        %sub3A_124 = arith.subf %gather3A_122, %gather3A_123 : vector<16xf32>
        %mul3A_125 = arith.mulf %sub3A_124, %sub3A_124 : vector<16xf32>
        %add3A_126 = arith.addf %add3A_119, %mul3A_125 : vector<16xf32>
        %broadcast_in_dim3A_127 = arith.constant 9 : i32
        %broadcast_in_dim3A_128 = vector.broadcast %broadcast_in_dim3A_127 : i32 to vector<16xi32>
        %gather3A_129 = tpu.vector_load_idx %arg12[%add3A_63, %broadcast_in_dim3A_128] : memref<128x32xf32, #tpu.memory_space<vmem>>[vector<16xi32>, vector<16xi32>], vector<16xf32>,
        %gather3A_130 = tpu.vector_load_idx %arg13[%add3A_63, %broadcast_in_dim3A_128] : memref<128x32xf32, #tpu.memory_space<vmem>>[vector<16xi32>, vector<16xi32>], vector<16xf32>,
        %sub3A_131 = arith.subf %gather3A_129, %gather3A_130 : vector<16xf32>
        %mul3A_132 = arith.mulf %sub3A_131, %sub3A_131 : vector<16xf32>
        %add3A_133 = arith.addf %add3A_126, %mul3A_132 : vector<16xf32>
        %broadcast_in_dim3A_134 = arith.constant 10 : i32
        %broadcast_in_dim3A_135 = vector.broadcast %broadcast_in_dim3A_134 : i32 to vector<16xi32>
        %gather3A_136 = tpu.vector_load_idx %arg12[%add3A_63, %broadcast_in_dim3A_135] : memref<128x32xf32, #tpu.memory_space<vmem>>[vector<16xi32>, vector<16xi32>], vector<16xf32>,
        %gather3A_137 = tpu.vector_load_idx %arg13[%add3A_63, %broadcast_in_dim3A_135] : memref<128x32xf32, #tpu.memory_space<vmem>>[vector<16xi32>, vector<16xi32>], vector<16xf32>,
        %sub3A_138 = arith.subf %gather3A_136, %gather3A_137 : vector<16xf32>
        %mul3A_139 = arith.mulf %sub3A_138, %sub3A_138 : vector<16xf32>
        %add3A_140 = arith.addf %add3A_133, %mul3A_139 : vector<16xf32>
        %broadcast_in_dim3A_141 = arith.constant 11 : i32
        %broadcast_in_dim3A_142 = vector.broadcast %broadcast_in_dim3A_141 : i32 to vector<16xi32>
        %gather3A_143 = tpu.vector_load_idx %arg12[%add3A_63, %broadcast_in_dim3A_142] : memref<128x32xf32, #tpu.memory_space<vmem>>[vector<16xi32>, vector<16xi32>], vector<16xf32>,
        %gather3A_144 = tpu.vector_load_idx %arg13[%add3A_63, %broadcast_in_dim3A_142] : memref<128x32xf32, #tpu.memory_space<vmem>>[vector<16xi32>, vector<16xi32>], vector<16xf32>,
        %sub3A_145 = arith.subf %gather3A_143, %gather3A_144 : vector<16xf32>
        %mul3A_146 = arith.mulf %sub3A_145, %sub3A_145 : vector<16xf32>
        %add3A_147 = arith.addf %add3A_140, %mul3A_146 : vector<16xf32>
        %broadcast_in_dim3A_148 = arith.constant 12 : i32
        %broadcast_in_dim3A_149 = vector.broadcast %broadcast_in_dim3A_148 : i32 to vector<16xi32>
        %gather3A_150 = tpu.vector_load_idx %arg12[%add3A_63, %broadcast_in_dim3A_149] : memref<128x32xf32, #tpu.memory_space<vmem>>[vector<16xi32>, vector<16xi32>], vector<16xf32>,
        %gather3A_151 = tpu.vector_load_idx %arg13[%add3A_63, %broadcast_in_dim3A_149] : memref<128x32xf32, #tpu.memory_space<vmem>>[vector<16xi32>, vector<16xi32>], vector<16xf32>,
        %sub3A_152 = arith.subf %gather3A_150, %gather3A_151 : vector<16xf32>
        %mul3A_153 = arith.mulf %sub3A_152, %sub3A_152 : vector<16xf32>
        %add3A_154 = arith.addf %add3A_147, %mul3A_153 : vector<16xf32>
        %broadcast_in_dim3A_155 = arith.constant 13 : i32
        %broadcast_in_dim3A_156 = vector.broadcast %broadcast_in_dim3A_155 : i32 to vector<16xi32>
        %gather3A_157 = tpu.vector_load_idx %arg12[%add3A_63, %broadcast_in_dim3A_156] : memref<128x32xf32, #tpu.memory_space<vmem>>[vector<16xi32>, vector<16xi32>], vector<16xf32>,
        %gather3A_158 = tpu.vector_load_idx %arg13[%add3A_63, %broadcast_in_dim3A_156] : memref<128x32xf32, #tpu.memory_space<vmem>>[vector<16xi32>, vector<16xi32>], vector<16xf32>,
        %sub3A_159 = arith.subf %gather3A_157, %gather3A_158 : vector<16xf32>
        %mul3A_160 = arith.mulf %sub3A_159, %sub3A_159 : vector<16xf32>
        %add3A_161 = arith.addf %add3A_154, %mul3A_160 : vector<16xf32>
        %broadcast_in_dim3A_162 = arith.constant 14 : i32
        %broadcast_in_dim3A_163 = vector.broadcast %broadcast_in_dim3A_162 : i32 to vector<16xi32>
        %gather3A_164 = tpu.vector_load_idx %arg12[%add3A_63, %broadcast_in_dim3A_163] : memref<128x32xf32, #tpu.memory_space<vmem>>[vector<16xi32>, vector<16xi32>], vector<16xf32>,
        %gather3A_165 = tpu.vector_load_idx %arg13[%add3A_63, %broadcast_in_dim3A_163] : memref<128x32xf32, #tpu.memory_space<vmem>>[vector<16xi32>, vector<16xi32>], vector<16xf32>,
        %sub3A_166 = arith.subf %gather3A_164, %gather3A_165 : vector<16xf32>
        %mul3A_167 = arith.mulf %sub3A_166, %sub3A_166 : vector<16xf32>
        %add3A_168 = arith.addf %add3A_161, %mul3A_167 : vector<16xf32>
        %broadcast_in_dim3A_169 = arith.constant 15 : i32
        %broadcast_in_dim3A_170 = vector.broadcast %broadcast_in_dim3A_169 : i32 to vector<16xi32>
        %gather3A_171 = tpu.vector_load_idx %arg12[%add3A_63, %broadcast_in_dim3A_170] : memref<128x32xf32, #tpu.memory_space<vmem>>[vector<16xi32>, vector<16xi32>], vector<16xf32>,
        %gather3A_172 = tpu.vector_load_idx %arg13[%add3A_63, %broadcast_in_dim3A_170] : memref<128x32xf32, #tpu.memory_space<vmem>>[vector<16xi32>, vector<16xi32>], vector<16xf32>,
        %sub3A_173 = arith.subf %gather3A_171, %gather3A_172 : vector<16xf32>
        %mul3A_174 = arith.mulf %sub3A_173, %sub3A_173 : vector<16xf32>
        %add3A_175 = arith.addf %add3A_168, %mul3A_174 : vector<16xf32>
        %broadcast_in_dim3A_176 = arith.constant 16 : i32
        %broadcast_in_dim3A_177 = vector.broadcast %broadcast_in_dim3A_176 : i32 to vector<16xi32>
        %gather3A_178 = tpu.vector_load_idx %arg12[%add3A_63, %broadcast_in_dim3A_177] : memref<128x32xf32, #tpu.memory_space<vmem>>[vector<16xi32>, vector<16xi32>], vector<16xf32>,
        %gather3A_179 = tpu.vector_load_idx %arg13[%add3A_63, %broadcast_in_dim3A_177] : memref<128x32xf32, #tpu.memory_space<vmem>>[vector<16xi32>, vector<16xi32>], vector<16xf32>,
        %sub3A_180 = arith.subf %gather3A_178, %gather3A_179 : vector<16xf32>
        %mul3A_181 = arith.mulf %sub3A_180, %sub3A_180 : vector<16xf32>
        %add3A_182 = arith.addf %add3A_175, %mul3A_181 : vector<16xf32>
        %broadcast_in_dim3A_183 = arith.constant 17 : i32
        %broadcast_in_dim3A_184 = vector.broadcast %broadcast_in_dim3A_183 : i32 to vector<16xi32>
        %gather3A_185 = tpu.vector_load_idx %arg12[%add3A_63, %broadcast_in_dim3A_184] : memref<128x32xf32, #tpu.memory_space<vmem>>[vector<16xi32>, vector<16xi32>], vector<16xf32>,
        %gather3A_186 = tpu.vector_load_idx %arg13[%add3A_63, %broadcast_in_dim3A_184] : memref<128x32xf32, #tpu.memory_space<vmem>>[vector<16xi32>, vector<16xi32>], vector<16xf32>,
        %sub3A_187 = arith.subf %gather3A_185, %gather3A_186 : vector<16xf32>
        %mul3A_188 = arith.mulf %sub3A_187, %sub3A_187 : vector<16xf32>
        %add3A_189 = arith.addf %add3A_182, %mul3A_188 : vector<16xf32>
        %broadcast_in_dim3A_190 = arith.constant 18 : i32
        %broadcast_in_dim3A_191 = vector.broadcast %broadcast_in_dim3A_190 : i32 to vector<16xi32>
        %gather3A_192 = tpu.vector_load_idx %arg12[%add3A_63, %broadcast_in_dim3A_191] : memref<128x32xf32, #tpu.memory_space<vmem>>[vector<16xi32>, vector<16xi32>], vector<16xf32>,
        %gather3A_193 = tpu.vector_load_idx %arg13[%add3A_63, %broadcast_in_dim3A_191] : memref<128x32xf32, #tpu.memory_space<vmem>>[vector<16xi32>, vector<16xi32>], vector<16xf32>,
        %sub3A_194 = arith.subf %gather3A_192, %gather3A_193 : vector<16xf32>
        %mul3A_195 = arith.mulf %sub3A_194, %sub3A_194 : vector<16xf32>
        %add3A_196 = arith.addf %add3A_189, %mul3A_195 : vector<16xf32>
        %broadcast_in_dim3A_197 = arith.constant 19 : i32
        %broadcast_in_dim3A_198 = vector.broadcast %broadcast_in_dim3A_197 : i32 to vector<16xi32>
        %gather3A_199 = tpu.vector_load_idx %arg12[%add3A_63, %broadcast_in_dim3A_198] : memref<128x32xf32, #tpu.memory_space<vmem>>[vector<16xi32>, vector<16xi32>], vector<16xf32>,
        %gather3A_200 = tpu.vector_load_idx %arg13[%add3A_63, %broadcast_in_dim3A_198] : memref<128x32xf32, #tpu.memory_space<vmem>>[vector<16xi32>, vector<16xi32>], vector<16xf32>,
        %sub3A_201 = arith.subf %gather3A_199, %gather3A_200 : vector<16xf32>
        %mul3A_202 = arith.mulf %sub3A_201, %sub3A_201 : vector<16xf32>
        %add3A_203 = arith.addf %add3A_196, %mul3A_202 : vector<16xf32>
        %broadcast_in_dim3A_204 = arith.constant 20 : i32
        %broadcast_in_dim3A_205 = vector.broadcast %broadcast_in_dim3A_204 : i32 to vector<16xi32>
        %gather3A_206 = tpu.vector_load_idx %arg12[%add3A_63, %broadcast_in_dim3A_205] : memref<128x32xf32, #tpu.memory_space<vmem>>[vector<16xi32>, vector<16xi32>], vector<16xf32>,
        %gather3A_207 = tpu.vector_load_idx %arg13[%add3A_63, %broadcast_in_dim3A_205] : memref<128x32xf32, #tpu.memory_space<vmem>>[vector<16xi32>, vector<16xi32>], vector<16xf32>,
        %sub3A_208 = arith.subf %gather3A_206, %gather3A_207 : vector<16xf32>
        %mul3A_209 = arith.mulf %sub3A_208, %sub3A_208 : vector<16xf32>
        %add3A_210 = arith.addf %add3A_203, %mul3A_209 : vector<16xf32>
        %broadcast_in_dim3A_211 = arith.constant 21 : i32
        %broadcast_in_dim3A_212 = vector.broadcast %broadcast_in_dim3A_211 : i32 to vector<16xi32>
        %gather3A_213 = tpu.vector_load_idx %arg12[%add3A_63, %broadcast_in_dim3A_212] : memref<128x32xf32, #tpu.memory_space<vmem>>[vector<16xi32>, vector<16xi32>], vector<16xf32>,
        %gather3A_214 = tpu.vector_load_idx %arg13[%add3A_63, %broadcast_in_dim3A_212] : memref<128x32xf32, #tpu.memory_space<vmem>>[vector<16xi32>, vector<16xi32>], vector<16xf32>,
        %sub3A_215 = arith.subf %gather3A_213, %gather3A_214 : vector<16xf32>
        %mul3A_216 = arith.mulf %sub3A_215, %sub3A_215 : vector<16xf32>
        %add3A_217 = arith.addf %add3A_210, %mul3A_216 : vector<16xf32>
        %broadcast_in_dim3A_218 = arith.constant 22 : i32
        %broadcast_in_dim3A_219 = vector.broadcast %broadcast_in_dim3A_218 : i32 to vector<16xi32>
        %gather3A_220 = tpu.vector_load_idx %arg12[%add3A_63, %broadcast_in_dim3A_219] : memref<128x32xf32, #tpu.memory_space<vmem>>[vector<16xi32>, vector<16xi32>], vector<16xf32>,
        %gather3A_221 = tpu.vector_load_idx %arg13[%add3A_63, %broadcast_in_dim3A_219] : memref<128x32xf32, #tpu.memory_space<vmem>>[vector<16xi32>, vector<16xi32>], vector<16xf32>,
        %sub3A_222 = arith.subf %gather3A_220, %gather3A_221 : vector<16xf32>
        %mul3A_223 = arith.mulf %sub3A_222, %sub3A_222 : vector<16xf32>
        %add3A_224 = arith.addf %add3A_217, %mul3A_223 : vector<16xf32>
        %broadcast_in_dim3A_225 = arith.constant 23 : i32
        %broadcast_in_dim3A_226 = vector.broadcast %broadcast_in_dim3A_225 : i32 to vector<16xi32>
        %gather3A_227 = tpu.vector_load_idx %arg12[%add3A_63, %broadcast_in_dim3A_226] : memref<128x32xf32, #tpu.memory_space<vmem>>[vector<16xi32>, vector<16xi32>], vector<16xf32>,
        %gather3A_228 = tpu.vector_load_idx %arg13[%add3A_63, %broadcast_in_dim3A_226] : memref<128x32xf32, #tpu.memory_space<vmem>>[vector<16xi32>, vector<16xi32>], vector<16xf32>,
        %sub3A_229 = arith.subf %gather3A_227, %gather3A_228 : vector<16xf32>
        %mul3A_230 = arith.mulf %sub3A_229, %sub3A_229 : vector<16xf32>
        %add3A_231 = arith.addf %add3A_224, %mul3A_230 : vector<16xf32>
        %broadcast_in_dim3A_232 = arith.constant 24 : i32
        %broadcast_in_dim3A_233 = vector.broadcast %broadcast_in_dim3A_232 : i32 to vector<16xi32>
        %gather3A_234 = tpu.vector_load_idx %arg12[%add3A_63, %broadcast_in_dim3A_233] : memref<128x32xf32, #tpu.memory_space<vmem>>[vector<16xi32>, vector<16xi32>], vector<16xf32>,
        %gather3A_235 = tpu.vector_load_idx %arg13[%add3A_63, %broadcast_in_dim3A_233] : memref<128x32xf32, #tpu.memory_space<vmem>>[vector<16xi32>, vector<16xi32>], vector<16xf32>,
        %sub3A_236 = arith.subf %gather3A_234, %gather3A_235 : vector<16xf32>
        %mul3A_237 = arith.mulf %sub3A_236, %sub3A_236 : vector<16xf32>
        %add3A_238 = arith.addf %add3A_231, %mul3A_237 : vector<16xf32>
        %broadcast_in_dim3A_239 = arith.constant 25 : i32
        %broadcast_in_dim3A_240 = vector.broadcast %broadcast_in_dim3A_239 : i32 to vector<16xi32>
        %gather3A_241 = tpu.vector_load_idx %arg12[%add3A_63, %broadcast_in_dim3A_240] : memref<128x32xf32, #tpu.memory_space<vmem>>[vector<16xi32>, vector<16xi32>], vector<16xf32>,
        %gather3A_242 = tpu.vector_load_idx %arg13[%add3A_63, %broadcast_in_dim3A_240] : memref<128x32xf32, #tpu.memory_space<vmem>>[vector<16xi32>, vector<16xi32>], vector<16xf32>,
        %sub3A_243 = arith.subf %gather3A_241, %gather3A_242 : vector<16xf32>
        %mul3A_244 = arith.mulf %sub3A_243, %sub3A_243 : vector<16xf32>
        %add3A_245 = arith.addf %add3A_238, %mul3A_244 : vector<16xf32>
        %broadcast_in_dim3A_246 = arith.constant 26 : i32
        %broadcast_in_dim3A_247 = vector.broadcast %broadcast_in_dim3A_246 : i32 to vector<16xi32>
        %gather3A_248 = tpu.vector_load_idx %arg12[%add3A_63, %broadcast_in_dim3A_247] : memref<128x32xf32, #tpu.memory_space<vmem>>[vector<16xi32>, vector<16xi32>], vector<16xf32>,
        %gather3A_249 = tpu.vector_load_idx %arg13[%add3A_63, %broadcast_in_dim3A_247] : memref<128x32xf32, #tpu.memory_space<vmem>>[vector<16xi32>, vector<16xi32>], vector<16xf32>,
        %sub3A_250 = arith.subf %gather3A_248, %gather3A_249 : vector<16xf32>
        %mul3A_251 = arith.mulf %sub3A_250, %sub3A_250 : vector<16xf32>
        %add3A_252 = arith.addf %add3A_245, %mul3A_251 : vector<16xf32>
        %broadcast_in_dim3A_253 = arith.constant 27 : i32
        %broadcast_in_dim3A_254 = vector.broadcast %broadcast_in_dim3A_253 : i32 to vector<16xi32>
        %gather3A_255 = tpu.vector_load_idx %arg12[%add3A_63, %broadcast_in_dim3A_254] : memref<128x32xf32, #tpu.memory_space<vmem>>[vector<16xi32>, vector<16xi32>], vector<16xf32>,
        %gather3A_256 = tpu.vector_load_idx %arg13[%add3A_63, %broadcast_in_dim3A_254] : memref<128x32xf32, #tpu.memory_space<vmem>>[vector<16xi32>, vector<16xi32>], vector<16xf32>,
        %sub3A_257 = arith.subf %gather3A_255, %gather3A_256 : vector<16xf32>
        %mul3A_258 = arith.mulf %sub3A_257, %sub3A_257 : vector<16xf32>
        %add3A_259 = arith.addf %add3A_252, %mul3A_258 : vector<16xf32>
        %broadcast_in_dim3A_260 = arith.constant 28 : i32
        %broadcast_in_dim3A_261 = vector.broadcast %broadcast_in_dim3A_260 : i32 to vector<16xi32>
        %gather3A_262 = tpu.vector_load_idx %arg12[%add3A_63, %broadcast_in_dim3A_261] : memref<128x32xf32, #tpu.memory_space<vmem>>[vector<16xi32>, vector<16xi32>], vector<16xf32>,
        %gather3A_263 = tpu.vector_load_idx %arg13[%add3A_63, %broadcast_in_dim3A_261] : memref<128x32xf32, #tpu.memory_space<vmem>>[vector<16xi32>, vector<16xi32>], vector<16xf32>,
        %sub3A_264 = arith.subf %gather3A_262, %gather3A_263 : vector<16xf32>
        %mul3A_265 = arith.mulf %sub3A_264, %sub3A_264 : vector<16xf32>
        %add3A_266 = arith.addf %add3A_259, %mul3A_265 : vector<16xf32>
        %broadcast_in_dim3A_267 = arith.constant 29 : i32
        %broadcast_in_dim3A_268 = vector.broadcast %broadcast_in_dim3A_267 : i32 to vector<16xi32>
        %gather3A_269 = tpu.vector_load_idx %arg12[%add3A_63, %broadcast_in_dim3A_268] : memref<128x32xf32, #tpu.memory_space<vmem>>[vector<16xi32>, vector<16xi32>], vector<16xf32>,
        %gather3A_270 = tpu.vector_load_idx %arg13[%add3A_63, %broadcast_in_dim3A_268] : memref<128x32xf32, #tpu.memory_space<vmem>>[vector<16xi32>, vector<16xi32>], vector<16xf32>,
        %sub3A_271 = arith.subf %gather3A_269, %gather3A_270 : vector<16xf32>
        %mul3A_272 = arith.mulf %sub3A_271, %sub3A_271 : vector<16xf32>
        %add3A_273 = arith.addf %add3A_266, %mul3A_272 : vector<16xf32>
        %broadcast_in_dim3A_274 = arith.constant 30 : i32
        %broadcast_in_dim3A_275 = vector.broadcast %broadcast_in_dim3A_274 : i32 to vector<16xi32>
        %gather3A_276 = tpu.vector_load_idx %arg12[%add3A_63, %broadcast_in_dim3A_275] : memref<128x32xf32, #tpu.memory_space<vmem>>[vector<16xi32>, vector<16xi32>], vector<16xf32>,
        %gather3A_277 = tpu.vector_load_idx %arg13[%add3A_63, %broadcast_in_dim3A_275] : memref<128x32xf32, #tpu.memory_space<vmem>>[vector<16xi32>, vector<16xi32>], vector<16xf32>,
        %sub3A_278 = arith.subf %gather3A_276, %gather3A_277 : vector<16xf32>
        %mul3A_279 = arith.mulf %sub3A_278, %sub3A_278 : vector<16xf32>
        %add3A_280 = arith.addf %add3A_273, %mul3A_279 : vector<16xf32>
        %broadcast_in_dim3A_281 = arith.constant 31 : i32
        %broadcast_in_dim3A_282 = vector.broadcast %broadcast_in_dim3A_281 : i32 to vector<16xi32>
        %gather3A_283 = tpu.vector_load_idx %arg12[%add3A_63, %broadcast_in_dim3A_282] : memref<128x32xf32, #tpu.memory_space<vmem>>[vector<16xi32>, vector<16xi32>], vector<16xf32>,
        %gather3A_284 = tpu.vector_load_idx %arg13[%add3A_63, %broadcast_in_dim3A_282] : memref<128x32xf32, #tpu.memory_space<vmem>>[vector<16xi32>, vector<16xi32>], vector<16xf32>,
        %sub3A_285 = arith.subf %gather3A_283, %gather3A_284 : vector<16xf32>
        %mul3A_286 = arith.mulf %sub3A_285, %sub3A_285 : vector<16xf32>
        %add3A_287 = arith.addf %add3A_280, %mul3A_286 : vector<16xf32>
        %add3A_288 = arith.constant 9.99999996E-13 : f32
        %add3A_289 = vector.broadcast %add3A_288 : f32 to vector<16xf32>
        %add3A_290 = arith.addf %add3A_287, %add3A_289 : vector<16xf32>
        %bitcast_convert_type3A = tpu.bitcast %add3A_290 : vector<16xf32> -> vector<16xi32>
        %shift_right_logical3A = arith.constant 1 : i32
        %shift_right_logical3A_291 = vector.broadcast %shift_right_logical3A : i32 to vector<16xi32>
        %shift_right_logical3A_292 = arith.shrui %bitcast_convert_type3A, %shift_right_logical3A_291 : vector<16xi32>
        %add3A_293 = arith.constant 532487669 : i32
        %add3A_294 = vector.broadcast %add3A_293 : i32 to vector<16xi32>
        %add3A_295 = arith.addi %shift_right_logical3A_292, %add3A_294 : vector<16xi32>
        %bitcast_convert_type3A_296 = tpu.bitcast %add3A_295 : vector<16xi32> -> vector<16xf32>
        %div3A = arith.divf %add3A_290, %bitcast_convert_type3A_296 : vector<16xf32>
        %add3A_297 = arith.addf %bitcast_convert_type3A_296, %div3A : vector<16xf32>
        %mul3A_298 = arith.constant 5.000000e-01 : f32
        %mul3A_299 = vector.broadcast %mul3A_298 : f32 to vector<16xf32>
        %mul3A_300 = arith.mulf %mul3A_299, %add3A_297 : vector<16xf32>
        %div3A_301 = arith.divf %add3A_290, %mul3A_300 : vector<16xf32>
        %add3A_302 = arith.addf %mul3A_300, %div3A_301 : vector<16xf32>
        %mul3A_303 = arith.constant 5.000000e-01 : f32
        %mul3A_304 = vector.broadcast %mul3A_303 : f32 to vector<16xf32>
        %mul3A_305 = arith.mulf %mul3A_304, %add3A_302 : vector<16xf32>
        %add3A_306 = arith.addf %while3A_59, %mul3A_305 : vector<16xf32>
        scf.yield %add3A_306 : vector<16xf32>
      }
      %while3A_56 = arith.constant 1 : i32
      %while3A_57 = scf.for %while3A_58 = %while3A_53 to %while3A_49 step %while3A_56 iter_args(%while3A_59 = %while3A_55) -> (vector<16xf32>)  : i32 {
        %mul3A_60 = arith.constant 16 : i32
        %mul3A_61 = arith.muli %while3A_58, %mul3A_60 : i32
        %add3A_62 = vector.broadcast %mul3A_61 : i32 to vector<16xi32>
        %add3A_63 = arith.addi %add3A_62, %iota3A : vector<16xi32>
        %broadcast_in_dim3A_64 = arith.constant 0.000000e+00 : f32
        %broadcast_in_dim3A_65 = vector.broadcast %broadcast_in_dim3A_64 : f32 to vector<16xf32>
        %broadcast_in_dim3A_66 = arith.constant 0 : i32
        %broadcast_in_dim3A_67 = vector.broadcast %broadcast_in_dim3A_66 : i32 to vector<16xi32>
        %gather3A = tpu.vector_load_idx %arg12[%add3A_63, %broadcast_in_dim3A_67] : memref<128x32xf32, #tpu.memory_space<vmem>>[vector<16xi32>, vector<16xi32>], vector<16xf32>,
        %gather3A_68 = tpu.vector_load_idx %arg13[%add3A_63, %broadcast_in_dim3A_67] : memref<128x32xf32, #tpu.memory_space<vmem>>[vector<16xi32>, vector<16xi32>], vector<16xf32>,
        %sub3A = arith.subf %gather3A, %gather3A_68 : vector<16xf32>
        %mul3A_69 = arith.mulf %sub3A, %sub3A : vector<16xf32>
        %add3A_70 = arith.addf %broadcast_in_dim3A_65, %mul3A_69 : vector<16xf32>
        %broadcast_in_dim3A_71 = arith.constant 1 : i32
        %broadcast_in_dim3A_72 = vector.broadcast %broadcast_in_dim3A_71 : i32 to vector<16xi32>
        %gather3A_73 = tpu.vector_load_idx %arg12[%add3A_63, %broadcast_in_dim3A_72] : memref<128x32xf32, #tpu.memory_space<vmem>>[vector<16xi32>, vector<16xi32>], vector<16xf32>,
        %gather3A_74 = tpu.vector_load_idx %arg13[%add3A_63, %broadcast_in_dim3A_72] : memref<128x32xf32, #tpu.memory_space<vmem>>[vector<16xi32>, vector<16xi32>], vector<16xf32>,
        %sub3A_75 = arith.subf %gather3A_73, %gather3A_74 : vector<16xf32>
        %mul3A_76 = arith.mulf %sub3A_75, %sub3A_75 : vector<16xf32>
        %add3A_77 = arith.addf %add3A_70, %mul3A_76 : vector<16xf32>
        %broadcast_in_dim3A_78 = arith.constant 2 : i32
        %broadcast_in_dim3A_79 = vector.broadcast %broadcast_in_dim3A_78 : i32 to vector<16xi32>
        %gather3A_80 = tpu.vector_load_idx %arg12[%add3A_63, %broadcast_in_dim3A_79] : memref<128x32xf32, #tpu.memory_space<vmem>>[vector<16xi32>, vector<16xi32>], vector<16xf32>,
        %gather3A_81 = tpu.vector_load_idx %arg13[%add3A_63, %broadcast_in_dim3A_79] : memref<128x32xf32, #tpu.memory_space<vmem>>[vector<16xi32>, vector<16xi32>], vector<16xf32>,
        %sub3A_82 = arith.subf %gather3A_80, %gather3A_81 : vector<16xf32>
        %mul3A_83 = arith.mulf %sub3A_82, %sub3A_82 : vector<16xf32>
        %add3A_84 = arith.addf %add3A_77, %mul3A_83 : vector<16xf32>
        %broadcast_in_dim3A_85 = arith.constant 3 : i32
        %broadcast_in_dim3A_86 = vector.broadcast %broadcast_in_dim3A_85 : i32 to vector<16xi32>
        %gather3A_87 = tpu.vector_load_idx %arg12[%add3A_63, %broadcast_in_dim3A_86] : memref<128x32xf32, #tpu.memory_space<vmem>>[vector<16xi32>, vector<16xi32>], vector<16xf32>,
        %gather3A_88 = tpu.vector_load_idx %arg13[%add3A_63, %broadcast_in_dim3A_86] : memref<128x32xf32, #tpu.memory_space<vmem>>[vector<16xi32>, vector<16xi32>], vector<16xf32>,
        %sub3A_89 = arith.subf %gather3A_87, %gather3A_88 : vector<16xf32>
        %mul3A_90 = arith.mulf %sub3A_89, %sub3A_89 : vector<16xf32>
        %add3A_91 = arith.addf %add3A_84, %mul3A_90 : vector<16xf32>
        %broadcast_in_dim3A_92 = arith.constant 4 : i32
        %broadcast_in_dim3A_93 = vector.broadcast %broadcast_in_dim3A_92 : i32 to vector<16xi32>
        %gather3A_94 = tpu.vector_load_idx %arg12[%add3A_63, %broadcast_in_dim3A_93] : memref<128x32xf32, #tpu.memory_space<vmem>>[vector<16xi32>, vector<16xi32>], vector<16xf32>,
        %gather3A_95 = tpu.vector_load_idx %arg13[%add3A_63, %broadcast_in_dim3A_93] : memref<128x32xf32, #tpu.memory_space<vmem>>[vector<16xi32>, vector<16xi32>], vector<16xf32>,
        %sub3A_96 = arith.subf %gather3A_94, %gather3A_95 : vector<16xf32>
        %mul3A_97 = arith.mulf %sub3A_96, %sub3A_96 : vector<16xf32>
        %add3A_98 = arith.addf %add3A_91, %mul3A_97 : vector<16xf32>
        %broadcast_in_dim3A_99 = arith.constant 5 : i32
        %broadcast_in_dim3A_100 = vector.broadcast %broadcast_in_dim3A_99 : i32 to vector<16xi32>
        %gather3A_101 = tpu.vector_load_idx %arg12[%add3A_63, %broadcast_in_dim3A_100] : memref<128x32xf32, #tpu.memory_space<vmem>>[vector<16xi32>, vector<16xi32>], vector<16xf32>,
        %gather3A_102 = tpu.vector_load_idx %arg13[%add3A_63, %broadcast_in_dim3A_100] : memref<128x32xf32, #tpu.memory_space<vmem>>[vector<16xi32>, vector<16xi32>], vector<16xf32>,
        %sub3A_103 = arith.subf %gather3A_101, %gather3A_102 : vector<16xf32>
        %mul3A_104 = arith.mulf %sub3A_103, %sub3A_103 : vector<16xf32>
        %add3A_105 = arith.addf %add3A_98, %mul3A_104 : vector<16xf32>
        %broadcast_in_dim3A_106 = arith.constant 6 : i32
        %broadcast_in_dim3A_107 = vector.broadcast %broadcast_in_dim3A_106 : i32 to vector<16xi32>
        %gather3A_108 = tpu.vector_load_idx %arg12[%add3A_63, %broadcast_in_dim3A_107] : memref<128x32xf32, #tpu.memory_space<vmem>>[vector<16xi32>, vector<16xi32>], vector<16xf32>,
        %gather3A_109 = tpu.vector_load_idx %arg13[%add3A_63, %broadcast_in_dim3A_107] : memref<128x32xf32, #tpu.memory_space<vmem>>[vector<16xi32>, vector<16xi32>], vector<16xf32>,
        %sub3A_110 = arith.subf %gather3A_108, %gather3A_109 : vector<16xf32>
        %mul3A_111 = arith.mulf %sub3A_110, %sub3A_110 : vector<16xf32>
        %add3A_112 = arith.addf %add3A_105, %mul3A_111 : vector<16xf32>
        %broadcast_in_dim3A_113 = arith.constant 7 : i32
        %broadcast_in_dim3A_114 = vector.broadcast %broadcast_in_dim3A_113 : i32 to vector<16xi32>
        %gather3A_115 = tpu.vector_load_idx %arg12[%add3A_63, %broadcast_in_dim3A_114] : memref<128x32xf32, #tpu.memory_space<vmem>>[vector<16xi32>, vector<16xi32>], vector<16xf32>,
        %gather3A_116 = tpu.vector_load_idx %arg13[%add3A_63, %broadcast_in_dim3A_114] : memref<128x32xf32, #tpu.memory_space<vmem>>[vector<16xi32>, vector<16xi32>], vector<16xf32>,
        %sub3A_117 = arith.subf %gather3A_115, %gather3A_116 : vector<16xf32>
        %mul3A_118 = arith.mulf %sub3A_117, %sub3A_117 : vector<16xf32>
        %add3A_119 = arith.addf %add3A_112, %mul3A_118 : vector<16xf32>
        %broadcast_in_dim3A_120 = arith.constant 8 : i32
        %broadcast_in_dim3A_121 = vector.broadcast %broadcast_in_dim3A_120 : i32 to vector<16xi32>
        %gather3A_122 = tpu.vector_load_idx %arg12[%add3A_63, %broadcast_in_dim3A_121] : memref<128x32xf32, #tpu.memory_space<vmem>>[vector<16xi32>, vector<16xi32>], vector<16xf32>,
        %gather3A_123 = tpu.vector_load_idx %arg13[%add3A_63, %broadcast_in_dim3A_121] : memref<128x32xf32, #tpu.memory_space<vmem>>[vector<16xi32>, vector<16xi32>], vector<16xf32>,
        %sub3A_124 = arith.subf %gather3A_122, %gather3A_123 : vector<16xf32>
        %mul3A_125 = arith.mulf %sub3A_124, %sub3A_124 : vector<16xf32>
        %add3A_126 = arith.addf %add3A_119, %mul3A_125 : vector<16xf32>
        %broadcast_in_dim3A_127 = arith.constant 9 : i32
        %broadcast_in_dim3A_128 = vector.broadcast %broadcast_in_dim3A_127 : i32 to vector<16xi32>
        %gather3A_129 = tpu.vector_load_idx %arg12[%add3A_63, %broadcast_in_dim3A_128] : memref<128x32xf32, #tpu.memory_space<vmem>>[vector<16xi32>, vector<16xi32>], vector<16xf32>,
        %gather3A_130 = tpu.vector_load_idx %arg13[%add3A_63, %broadcast_in_dim3A_128] : memref<128x32xf32, #tpu.memory_space<vmem>>[vector<16xi32>, vector<16xi32>], vector<16xf32>,
        %sub3A_131 = arith.subf %gather3A_129, %gather3A_130 : vector<16xf32>
        %mul3A_132 = arith.mulf %sub3A_131, %sub3A_131 : vector<16xf32>
        %add3A_133 = arith.addf %add3A_126, %mul3A_132 : vector<16xf32>
        %broadcast_in_dim3A_134 = arith.constant 10 : i32
        %broadcast_in_dim3A_135 = vector.broadcast %broadcast_in_dim3A_134 : i32 to vector<16xi32>
        %gather3A_136 = tpu.vector_load_idx %arg12[%add3A_63, %broadcast_in_dim3A_135] : memref<128x32xf32, #tpu.memory_space<vmem>>[vector<16xi32>, vector<16xi32>], vector<16xf32>,
        %gather3A_137 = tpu.vector_load_idx %arg13[%add3A_63, %broadcast_in_dim3A_135] : memref<128x32xf32, #tpu.memory_space<vmem>>[vector<16xi32>, vector<16xi32>], vector<16xf32>,
        %sub3A_138 = arith.subf %gather3A_136, %gather3A_137 : vector<16xf32>
        %mul3A_139 = arith.mulf %sub3A_138, %sub3A_138 : vector<16xf32>
        %add3A_140 = arith.addf %add3A_133, %mul3A_139 : vector<16xf32>
        %broadcast_in_dim3A_141 = arith.constant 11 : i32
        %broadcast_in_dim3A_142 = vector.broadcast %broadcast_in_dim3A_141 : i32 to vector<16xi32>
        %gather3A_143 = tpu.vector_load_idx %arg12[%add3A_63, %broadcast_in_dim3A_142] : memref<128x32xf32, #tpu.memory_space<vmem>>[vector<16xi32>, vector<16xi32>], vector<16xf32>,
        %gather3A_144 = tpu.vector_load_idx %arg13[%add3A_63, %broadcast_in_dim3A_142] : memref<128x32xf32, #tpu.memory_space<vmem>>[vector<16xi32>, vector<16xi32>], vector<16xf32>,
        %sub3A_145 = arith.subf %gather3A_143, %gather3A_144 : vector<16xf32>
        %mul3A_146 = arith.mulf %sub3A_145, %sub3A_145 : vector<16xf32>
        %add3A_147 = arith.addf %add3A_140, %mul3A_146 : vector<16xf32>
        %broadcast_in_dim3A_148 = arith.constant 12 : i32
        %broadcast_in_dim3A_149 = vector.broadcast %broadcast_in_dim3A_148 : i32 to vector<16xi32>
        %gather3A_150 = tpu.vector_load_idx %arg12[%add3A_63, %broadcast_in_dim3A_149] : memref<128x32xf32, #tpu.memory_space<vmem>>[vector<16xi32>, vector<16xi32>], vector<16xf32>,
        %gather3A_151 = tpu.vector_load_idx %arg13[%add3A_63, %broadcast_in_dim3A_149] : memref<128x32xf32, #tpu.memory_space<vmem>>[vector<16xi32>, vector<16xi32>], vector<16xf32>,
        %sub3A_152 = arith.subf %gather3A_150, %gather3A_151 : vector<16xf32>
        %mul3A_153 = arith.mulf %sub3A_152, %sub3A_152 : vector<16xf32>
        %add3A_154 = arith.addf %add3A_147, %mul3A_153 : vector<16xf32>
        %broadcast_in_dim3A_155 = arith.constant 13 : i32
        %broadcast_in_dim3A_156 = vector.broadcast %broadcast_in_dim3A_155 : i32 to vector<16xi32>
        %gather3A_157 = tpu.vector_load_idx %arg12[%add3A_63, %broadcast_in_dim3A_156] : memref<128x32xf32, #tpu.memory_space<vmem>>[vector<16xi32>, vector<16xi32>], vector<16xf32>,
        %gather3A_158 = tpu.vector_load_idx %arg13[%add3A_63, %broadcast_in_dim3A_156] : memref<128x32xf32, #tpu.memory_space<vmem>>[vector<16xi32>, vector<16xi32>], vector<16xf32>,
        %sub3A_159 = arith.subf %gather3A_157, %gather3A_158 : vector<16xf32>
        %mul3A_160 = arith.mulf %sub3A_159, %sub3A_159 : vector<16xf32>
        %add3A_161 = arith.addf %add3A_154, %mul3A_160 : vector<16xf32>
        %broadcast_in_dim3A_162 = arith.constant 14 : i32
        %broadcast_in_dim3A_163 = vector.broadcast %broadcast_in_dim3A_162 : i32 to vector<16xi32>
        %gather3A_164 = tpu.vector_load_idx %arg12[%add3A_63, %broadcast_in_dim3A_163] : memref<128x32xf32, #tpu.memory_space<vmem>>[vector<16xi32>, vector<16xi32>], vector<16xf32>,
        %gather3A_165 = tpu.vector_load_idx %arg13[%add3A_63, %broadcast_in_dim3A_163] : memref<128x32xf32, #tpu.memory_space<vmem>>[vector<16xi32>, vector<16xi32>], vector<16xf32>,
        %sub3A_166 = arith.subf %gather3A_164, %gather3A_165 : vector<16xf32>
        %mul3A_167 = arith.mulf %sub3A_166, %sub3A_166 : vector<16xf32>
        %add3A_168 = arith.addf %add3A_161, %mul3A_167 : vector<16xf32>
        %broadcast_in_dim3A_169 = arith.constant 15 : i32
        %broadcast_in_dim3A_170 = vector.broadcast %broadcast_in_dim3A_169 : i32 to vector<16xi32>
        %gather3A_171 = tpu.vector_load_idx %arg12[%add3A_63, %broadcast_in_dim3A_170] : memref<128x32xf32, #tpu.memory_space<vmem>>[vector<16xi32>, vector<16xi32>], vector<16xf32>,
        %gather3A_172 = tpu.vector_load_idx %arg13[%add3A_63, %broadcast_in_dim3A_170] : memref<128x32xf32, #tpu.memory_space<vmem>>[vector<16xi32>, vector<16xi32>], vector<16xf32>,
        %sub3A_173 = arith.subf %gather3A_171, %gather3A_172 : vector<16xf32>
        %mul3A_174 = arith.mulf %sub3A_173, %sub3A_173 : vector<16xf32>
        %add3A_175 = arith.addf %add3A_168, %mul3A_174 : vector<16xf32>
        %broadcast_in_dim3A_176 = arith.constant 16 : i32
        %broadcast_in_dim3A_177 = vector.broadcast %broadcast_in_dim3A_176 : i32 to vector<16xi32>
        %gather3A_178 = tpu.vector_load_idx %arg12[%add3A_63, %broadcast_in_dim3A_177] : memref<128x32xf32, #tpu.memory_space<vmem>>[vector<16xi32>, vector<16xi32>], vector<16xf32>,
        %gather3A_179 = tpu.vector_load_idx %arg13[%add3A_63, %broadcast_in_dim3A_177] : memref<128x32xf32, #tpu.memory_space<vmem>>[vector<16xi32>, vector<16xi32>], vector<16xf32>,
        %sub3A_180 = arith.subf %gather3A_178, %gather3A_179 : vector<16xf32>
        %mul3A_181 = arith.mulf %sub3A_180, %sub3A_180 : vector<16xf32>
        %add3A_182 = arith.addf %add3A_175, %mul3A_181 : vector<16xf32>
        %broadcast_in_dim3A_183 = arith.constant 17 : i32
        %broadcast_in_dim3A_184 = vector.broadcast %broadcast_in_dim3A_183 : i32 to vector<16xi32>
        %gather3A_185 = tpu.vector_load_idx %arg12[%add3A_63, %broadcast_in_dim3A_184] : memref<128x32xf32, #tpu.memory_space<vmem>>[vector<16xi32>, vector<16xi32>], vector<16xf32>,
        %gather3A_186 = tpu.vector_load_idx %arg13[%add3A_63, %broadcast_in_dim3A_184] : memref<128x32xf32, #tpu.memory_space<vmem>>[vector<16xi32>, vector<16xi32>], vector<16xf32>,
        %sub3A_187 = arith.subf %gather3A_185, %gather3A_186 : vector<16xf32>
        %mul3A_188 = arith.mulf %sub3A_187, %sub3A_187 : vector<16xf32>
        %add3A_189 = arith.addf %add3A_182, %mul3A_188 : vector<16xf32>
        %broadcast_in_dim3A_190 = arith.constant 18 : i32
        %broadcast_in_dim3A_191 = vector.broadcast %broadcast_in_dim3A_190 : i32 to vector<16xi32>
        %gather3A_192 = tpu.vector_load_idx %arg12[%add3A_63, %broadcast_in_dim3A_191] : memref<128x32xf32, #tpu.memory_space<vmem>>[vector<16xi32>, vector<16xi32>], vector<16xf32>,
        %gather3A_193 = tpu.vector_load_idx %arg13[%add3A_63, %broadcast_in_dim3A_191] : memref<128x32xf32, #tpu.memory_space<vmem>>[vector<16xi32>, vector<16xi32>], vector<16xf32>,
        %sub3A_194 = arith.subf %gather3A_192, %gather3A_193 : vector<16xf32>
        %mul3A_195 = arith.mulf %sub3A_194, %sub3A_194 : vector<16xf32>
        %add3A_196 = arith.addf %add3A_189, %mul3A_195 : vector<16xf32>
        %broadcast_in_dim3A_197 = arith.constant 19 : i32
        %broadcast_in_dim3A_198 = vector.broadcast %broadcast_in_dim3A_197 : i32 to vector<16xi32>
        %gather3A_199 = tpu.vector_load_idx %arg12[%add3A_63, %broadcast_in_dim3A_198] : memref<128x32xf32, #tpu.memory_space<vmem>>[vector<16xi32>, vector<16xi32>], vector<16xf32>,
        %gather3A_200 = tpu.vector_load_idx %arg13[%add3A_63, %broadcast_in_dim3A_198] : memref<128x32xf32, #tpu.memory_space<vmem>>[vector<16xi32>, vector<16xi32>], vector<16xf32>,
        %sub3A_201 = arith.subf %gather3A_199, %gather3A_200 : vector<16xf32>
        %mul3A_202 = arith.mulf %sub3A_201, %sub3A_201 : vector<16xf32>
        %add3A_203 = arith.addf %add3A_196, %mul3A_202 : vector<16xf32>
        %broadcast_in_dim3A_204 = arith.constant 20 : i32
        %broadcast_in_dim3A_205 = vector.broadcast %broadcast_in_dim3A_204 : i32 to vector<16xi32>
        %gather3A_206 = tpu.vector_load_idx %arg12[%add3A_63, %broadcast_in_dim3A_205] : memref<128x32xf32, #tpu.memory_space<vmem>>[vector<16xi32>, vector<16xi32>], vector<16xf32>,
        %gather3A_207 = tpu.vector_load_idx %arg13[%add3A_63, %broadcast_in_dim3A_205] : memref<128x32xf32, #tpu.memory_space<vmem>>[vector<16xi32>, vector<16xi32>], vector<16xf32>,
        %sub3A_208 = arith.subf %gather3A_206, %gather3A_207 : vector<16xf32>
        %mul3A_209 = arith.mulf %sub3A_208, %sub3A_208 : vector<16xf32>
        %add3A_210 = arith.addf %add3A_203, %mul3A_209 : vector<16xf32>
        %broadcast_in_dim3A_211 = arith.constant 21 : i32
        %broadcast_in_dim3A_212 = vector.broadcast %broadcast_in_dim3A_211 : i32 to vector<16xi32>
        %gather3A_213 = tpu.vector_load_idx %arg12[%add3A_63, %broadcast_in_dim3A_212] : memref<128x32xf32, #tpu.memory_space<vmem>>[vector<16xi32>, vector<16xi32>], vector<16xf32>,
        %gather3A_214 = tpu.vector_load_idx %arg13[%add3A_63, %broadcast_in_dim3A_212] : memref<128x32xf32, #tpu.memory_space<vmem>>[vector<16xi32>, vector<16xi32>], vector<16xf32>,
        %sub3A_215 = arith.subf %gather3A_213, %gather3A_214 : vector<16xf32>
        %mul3A_216 = arith.mulf %sub3A_215, %sub3A_215 : vector<16xf32>
        %add3A_217 = arith.addf %add3A_210, %mul3A_216 : vector<16xf32>
        %broadcast_in_dim3A_218 = arith.constant 22 : i32
        %broadcast_in_dim3A_219 = vector.broadcast %broadcast_in_dim3A_218 : i32 to vector<16xi32>
        %gather3A_220 = tpu.vector_load_idx %arg12[%add3A_63, %broadcast_in_dim3A_219] : memref<128x32xf32, #tpu.memory_space<vmem>>[vector<16xi32>, vector<16xi32>], vector<16xf32>,
        %gather3A_221 = tpu.vector_load_idx %arg13[%add3A_63, %broadcast_in_dim3A_219] : memref<128x32xf32, #tpu.memory_space<vmem>>[vector<16xi32>, vector<16xi32>], vector<16xf32>,
        %sub3A_222 = arith.subf %gather3A_220, %gather3A_221 : vector<16xf32>
        %mul3A_223 = arith.mulf %sub3A_222, %sub3A_222 : vector<16xf32>
        %add3A_224 = arith.addf %add3A_217, %mul3A_223 : vector<16xf32>
        %broadcast_in_dim3A_225 = arith.constant 23 : i32
        %broadcast_in_dim3A_226 = vector.broadcast %broadcast_in_dim3A_225 : i32 to vector<16xi32>
        %gather3A_227 = tpu.vector_load_idx %arg12[%add3A_63, %broadcast_in_dim3A_226] : memref<128x32xf32, #tpu.memory_space<vmem>>[vector<16xi32>, vector<16xi32>], vector<16xf32>,
        %gather3A_228 = tpu.vector_load_idx %arg13[%add3A_63, %broadcast_in_dim3A_226] : memref<128x32xf32, #tpu.memory_space<vmem>>[vector<16xi32>, vector<16xi32>], vector<16xf32>,
        %sub3A_229 = arith.subf %gather3A_227, %gather3A_228 : vector<16xf32>
        %mul3A_230 = arith.mulf %sub3A_229, %sub3A_229 : vector<16xf32>
        %add3A_231 = arith.addf %add3A_224, %mul3A_230 : vector<16xf32>
        %broadcast_in_dim3A_232 = arith.constant 24 : i32
        %broadcast_in_dim3A_233 = vector.broadcast %broadcast_in_dim3A_232 : i32 to vector<16xi32>
        %gather3A_234 = tpu.vector_load_idx %arg12[%add3A_63, %broadcast_in_dim3A_233] : memref<128x32xf32, #tpu.memory_space<vmem>>[vector<16xi32>, vector<16xi32>], vector<16xf32>,
        %gather3A_235 = tpu.vector_load_idx %arg13[%add3A_63, %broadcast_in_dim3A_233] : memref<128x32xf32, #tpu.memory_space<vmem>>[vector<16xi32>, vector<16xi32>], vector<16xf32>,
        %sub3A_236 = arith.subf %gather3A_234, %gather3A_235 : vector<16xf32>
        %mul3A_237 = arith.mulf %sub3A_236, %sub3A_236 : vector<16xf32>
        %add3A_238 = arith.addf %add3A_231, %mul3A_237 : vector<16xf32>
        %broadcast_in_dim3A_239 = arith.constant 25 : i32
        %broadcast_in_dim3A_240 = vector.broadcast %broadcast_in_dim3A_239 : i32 to vector<16xi32>
        %gather3A_241 = tpu.vector_load_idx %arg12[%add3A_63, %broadcast_in_dim3A_240] : memref<128x32xf32, #tpu.memory_space<vmem>>[vector<16xi32>, vector<16xi32>], vector<16xf32>,
        %gather3A_242 = tpu.vector_load_idx %arg13[%add3A_63, %broadcast_in_dim3A_240] : memref<128x32xf32, #tpu.memory_space<vmem>>[vector<16xi32>, vector<16xi32>], vector<16xf32>,
        %sub3A_243 = arith.subf %gather3A_241, %gather3A_242 : vector<16xf32>
        %mul3A_244 = arith.mulf %sub3A_243, %sub3A_243 : vector<16xf32>
        %add3A_245 = arith.addf %add3A_238, %mul3A_244 : vector<16xf32>
        %broadcast_in_dim3A_246 = arith.constant 26 : i32
        %broadcast_in_dim3A_247 = vector.broadcast %broadcast_in_dim3A_246 : i32 to vector<16xi32>
        %gather3A_248 = tpu.vector_load_idx %arg12[%add3A_63, %broadcast_in_dim3A_247] : memref<128x32xf32, #tpu.memory_space<vmem>>[vector<16xi32>, vector<16xi32>], vector<16xf32>,
        %gather3A_249 = tpu.vector_load_idx %arg13[%add3A_63, %broadcast_in_dim3A_247] : memref<128x32xf32, #tpu.memory_space<vmem>>[vector<16xi32>, vector<16xi32>], vector<16xf32>,
        %sub3A_250 = arith.subf %gather3A_248, %gather3A_249 : vector<16xf32>
        %mul3A_251 = arith.mulf %sub3A_250, %sub3A_250 : vector<16xf32>
        %add3A_252 = arith.addf %add3A_245, %mul3A_251 : vector<16xf32>
        %broadcast_in_dim3A_253 = arith.constant 27 : i32
        %broadcast_in_dim3A_254 = vector.broadcast %broadcast_in_dim3A_253 : i32 to vector<16xi32>
        %gather3A_255 = tpu.vector_load_idx %arg12[%add3A_63, %broadcast_in_dim3A_254] : memref<128x32xf32, #tpu.memory_space<vmem>>[vector<16xi32>, vector<16xi32>], vector<16xf32>,
        %gather3A_256 = tpu.vector_load_idx %arg13[%add3A_63, %broadcast_in_dim3A_254] : memref<128x32xf32, #tpu.memory_space<vmem>>[vector<16xi32>, vector<16xi32>], vector<16xf32>,
        %sub3A_257 = arith.subf %gather3A_255, %gather3A_256 : vector<16xf32>
        %mul3A_258 = arith.mulf %sub3A_257, %sub3A_257 : vector<16xf32>
        %add3A_259 = arith.addf %add3A_252, %mul3A_258 : vector<16xf32>
        %broadcast_in_dim3A_260 = arith.constant 28 : i32
        %broadcast_in_dim3A_261 = vector.broadcast %broadcast_in_dim3A_260 : i32 to vector<16xi32>
        %gather3A_262 = tpu.vector_load_idx %arg12[%add3A_63, %broadcast_in_dim3A_261] : memref<128x32xf32, #tpu.memory_space<vmem>>[vector<16xi32>, vector<16xi32>], vector<16xf32>,
        %gather3A_263 = tpu.vector_load_idx %arg13[%add3A_63, %broadcast_in_dim3A_261] : memref<128x32xf32, #tpu.memory_space<vmem>>[vector<16xi32>, vector<16xi32>], vector<16xf32>,
        %sub3A_264 = arith.subf %gather3A_262, %gather3A_263 : vector<16xf32>
        %mul3A_265 = arith.mulf %sub3A_264, %sub3A_264 : vector<16xf32>
        %add3A_266 = arith.addf %add3A_259, %mul3A_265 : vector<16xf32>
        %broadcast_in_dim3A_267 = arith.constant 29 : i32
        %broadcast_in_dim3A_268 = vector.broadcast %broadcast_in_dim3A_267 : i32 to vector<16xi32>
        %gather3A_269 = tpu.vector_load_idx %arg12[%add3A_63, %broadcast_in_dim3A_268] : memref<128x32xf32, #tpu.memory_space<vmem>>[vector<16xi32>, vector<16xi32>], vector<16xf32>,
        %gather3A_270 = tpu.vector_load_idx %arg13[%add3A_63, %broadcast_in_dim3A_268] : memref<128x32xf32, #tpu.memory_space<vmem>>[vector<16xi32>, vector<16xi32>], vector<16xf32>,
        %sub3A_271 = arith.subf %gather3A_269, %gather3A_270 : vector<16xf32>
        %mul3A_272 = arith.mulf %sub3A_271, %sub3A_271 : vector<16xf32>
        %add3A_273 = arith.addf %add3A_266, %mul3A_272 : vector<16xf32>
        %broadcast_in_dim3A_274 = arith.constant 30 : i32
        %broadcast_in_dim3A_275 = vector.broadcast %broadcast_in_dim3A_274 : i32 to vector<16xi32>
        %gather3A_276 = tpu.vector_load_idx %arg12[%add3A_63, %broadcast_in_dim3A_275] : memref<128x32xf32, #tpu.memory_space<vmem>>[vector<16xi32>, vector<16xi32>], vector<16xf32>,
        %gather3A_277 = tpu.vector_load_idx %arg13[%add3A_63, %broadcast_in_dim3A_275] : memref<128x32xf32, #tpu.memory_space<vmem>>[vector<16xi32>, vector<16xi32>], vector<16xf32>,
        %sub3A_278 = arith.subf %gather3A_276, %gather3A_277 : vector<16xf32>
        %mul3A_279 = arith.mulf %sub3A_278, %sub3A_278 : vector<16xf32>
        %add3A_280 = arith.addf %add3A_273, %mul3A_279 : vector<16xf32>
        %broadcast_in_dim3A_281 = arith.constant 31 : i32
        %broadcast_in_dim3A_282 = vector.broadcast %broadcast_in_dim3A_281 : i32 to vector<16xi32>
        %gather3A_283 = tpu.vector_load_idx %arg12[%add3A_63, %broadcast_in_dim3A_282] : memref<128x32xf32, #tpu.memory_space<vmem>>[vector<16xi32>, vector<16xi32>], vector<16xf32>,
        %gather3A_284 = tpu.vector_load_idx %arg13[%add3A_63, %broadcast_in_dim3A_282] : memref<128x32xf32, #tpu.memory_space<vmem>>[vector<16xi32>, vector<16xi32>], vector<16xf32>,
        %sub3A_285 = arith.subf %gather3A_283, %gather3A_284 : vector<16xf32>
        %mul3A_286 = arith.mulf %sub3A_285, %sub3A_285 : vector<16xf32>
        %add3A_287 = arith.addf %add3A_280, %mul3A_286 : vector<16xf32>
        %add3A_288 = arith.constant 9.99999996E-13 : f32
        %add3A_289 = vector.broadcast %add3A_288 : f32 to vector<16xf32>
        %add3A_290 = arith.addf %add3A_287, %add3A_289 : vector<16xf32>
        %bitcast_convert_type3A = tpu.bitcast %add3A_290 : vector<16xf32> -> vector<16xi32>
        %shift_right_logical3A = arith.constant 1 : i32
        %shift_right_logical3A_291 = vector.broadcast %shift_right_logical3A : i32 to vector<16xi32>
        %shift_right_logical3A_292 = arith.shrui %bitcast_convert_type3A, %shift_right_logical3A_291 : vector<16xi32>
        %add3A_293 = arith.constant 532487669 : i32
        %add3A_294 = vector.broadcast %add3A_293 : i32 to vector<16xi32>
        %add3A_295 = arith.addi %shift_right_logical3A_292, %add3A_294 : vector<16xi32>
        %bitcast_convert_type3A_296 = tpu.bitcast %add3A_295 : vector<16xi32> -> vector<16xf32>
        %div3A = arith.divf %add3A_290, %bitcast_convert_type3A_296 : vector<16xf32>
        %add3A_297 = arith.addf %bitcast_convert_type3A_296, %div3A : vector<16xf32>
        %mul3A_298 = arith.constant 5.000000e-01 : f32
        %mul3A_299 = vector.broadcast %mul3A_298 : f32 to vector<16xf32>
        %mul3A_300 = arith.mulf %mul3A_299, %add3A_297 : vector<16xf32>
        %div3A_301 = arith.divf %add3A_290, %mul3A_300 : vector<16xf32>
        %add3A_302 = arith.addf %mul3A_300, %div3A_301 : vector<16xf32>
        %mul3A_303 = arith.constant 5.000000e-01 : f32
        %mul3A_304 = vector.broadcast %mul3A_303 : f32 to vector<16xf32>
        %mul3A_305 = arith.mulf %mul3A_304, %add3A_302 : vector<16xf32>
        %add3A_306 = arith.addf %while3A_59, %mul3A_305 : vector<16xf32>
        scf.yield %add3A_306 : vector<16xf32>
      }
      scf.yield %while3A_57 : vector<16xf32>
    }
    %while3A_11 = arith.constant 1 : i32
    %while3A_12 = scf.for %while3A_29 = %while3A_8 to %while3A_4 step %while3A_11 iter_args(%while3A_30 = %while3A_10) -> (vector<16xf32>)  : i32 {
      %mul3A_31 = arith.constant 16 : i32
      %mul3A_32 = arith.muli %add3A, %mul3A_31 : i32
      %add3A_33 = arith.addi %mul3A_32, %while3A_29 : i32
      %mul3A_34 = arith.constant 128 : i32
      %mul3A_35 = arith.muli %add3A_33, %mul3A_34 : i32
      "tpu.region"() ({
        %run_scoped3A_58 = tpu.sem_alloc : memref<!tpu.dma_semaphore, #tpu.memory_space<semaphore_mem>>
        %dma_start3A_59 = tpu.memref_slice %arg3[%mul3A_35] : memref<65536xi32, #tpu.memory_space<hbm>> -> memref<128xi32, #tpu.memory_space<hbm>>
        %dma_start3A_60 = tpu.memref_slice %arg3[%mul3A_35] : memref<65536xi32, #tpu.memory_space<hbm>> -> memref<128xi32, #tpu.memory_space<hbm>>
        tpu.enqueue_dma source(%dma_start3A_60 : memref<128xi32, #tpu.memory_space<hbm>>) target(%arg10 : memref<128xi32, #tpu.memory_space<vmem>>) target_semaphore(%run_scoped3A_58 : memref<!tpu.dma_semaphore, #tpu.memory_space<semaphore_mem>>)
        %dma_wait3A_61 = tpu.memref_slice %arg3[%mul3A_35] : memref<65536xi32, #tpu.memory_space<hbm>> -> memref<128xi32, #tpu.memory_space<hbm>>
        %dma_wait3A_62 = tpu.memref_slice %arg3[%mul3A_35] : memref<65536xi32, #tpu.memory_space<hbm>> -> memref<128xi32, #tpu.memory_space<hbm>>
        tpu.wait_dma2 semaphore(%run_scoped3A_58 : memref<!tpu.dma_semaphore, #tpu.memory_space<semaphore_mem>>) src(%dma_wait3A_62 : memref<128xi32, #tpu.memory_space<hbm>>) dst(%arg10 : memref<128xi32, #tpu.memory_space<vmem>>)
        tpu.yield
      }) : () -> ()
      "tpu.region"() ({
        %run_scoped3A_58 = tpu.sem_alloc : memref<!tpu.dma_semaphore, #tpu.memory_space<semaphore_mem>>
        %dma_start3A_59 = tpu.memref_slice %arg4[%mul3A_35] : memref<65536xi32, #tpu.memory_space<hbm>> -> memref<128xi32, #tpu.memory_space<hbm>>
        %dma_start3A_60 = tpu.memref_slice %arg4[%mul3A_35] : memref<65536xi32, #tpu.memory_space<hbm>> -> memref<128xi32, #tpu.memory_space<hbm>>
        tpu.enqueue_dma source(%dma_start3A_60 : memref<128xi32, #tpu.memory_space<hbm>>) target(%arg11 : memref<128xi32, #tpu.memory_space<vmem>>) target_semaphore(%run_scoped3A_58 : memref<!tpu.dma_semaphore, #tpu.memory_space<semaphore_mem>>)
        %dma_wait3A_61 = tpu.memref_slice %arg4[%mul3A_35] : memref<65536xi32, #tpu.memory_space<hbm>> -> memref<128xi32, #tpu.memory_space<hbm>>
        %dma_wait3A_62 = tpu.memref_slice %arg4[%mul3A_35] : memref<65536xi32, #tpu.memory_space<hbm>> -> memref<128xi32, #tpu.memory_space<hbm>>
        tpu.wait_dma2 semaphore(%run_scoped3A_58 : memref<!tpu.dma_semaphore, #tpu.memory_space<semaphore_mem>>) src(%dma_wait3A_62 : memref<128xi32, #tpu.memory_space<hbm>>) dst(%arg11 : memref<128xi32, #tpu.memory_space<vmem>>)
        tpu.yield
      }) : () -> ()
      %dma_start3A = arith.constant 0 : i32
      %dma_start3A_36 = arith.constant 0 : i32
      %dma_start3A_37 = tpu.memref_slice %arg2[%dma_start3A, %dma_start3A_36] : memref<16384x32xf32, #tpu.memory_space<hbm>> -> memref<16384x32xf32, #tpu.memory_space<hbm>>
      tpu.enqueue_indirect_dma source(%dma_start3A_37 : memref<16384x32xf32, #tpu.memory_space<hbm>>) target(%arg12 : memref<128x32xf32, #tpu.memory_space<vmem>>) offsets(%arg10 : memref<128xi32, #tpu.memory_space<vmem>>) semaphore(%arg15 : memref<!tpu.dma_semaphore, #tpu.memory_space<semaphore_mem>>)
      %dma_wait3A = arith.constant 0 : i32
      %dma_wait3A_38 = arith.constant 0 : i32
      %dma_wait3A_39 = tpu.memref_slice %arg2[%dma_wait3A, %dma_wait3A_38] : memref<16384x32xf32, #tpu.memory_space<hbm>> -> memref<16384x32xf32, #tpu.memory_space<hbm>>
      tpu.wait_indirect_dma semaphore(%arg15 : memref<!tpu.dma_semaphore, #tpu.memory_space<semaphore_mem>>) src(%dma_wait3A_39 : memref<16384x32xf32, #tpu.memory_space<hbm>>) dst(%arg12 : memref<128x32xf32, #tpu.memory_space<vmem>>)
      %dma_start3A_40 = arith.constant 0 : i32
      %dma_start3A_41 = arith.constant 0 : i32
      %dma_start3A_42 = tpu.memref_slice %arg2[%dma_start3A_40, %dma_start3A_41] : memref<16384x32xf32, #tpu.memory_space<hbm>> -> memref<16384x32xf32, #tpu.memory_space<hbm>>
      tpu.enqueue_indirect_dma source(%dma_start3A_42 : memref<16384x32xf32, #tpu.memory_space<hbm>>) target(%arg13 : memref<128x32xf32, #tpu.memory_space<vmem>>) offsets(%arg11 : memref<128xi32, #tpu.memory_space<vmem>>) semaphore(%arg16 : memref<!tpu.dma_semaphore, #tpu.memory_space<semaphore_mem>>)
      %dma_wait3A_43 = arith.constant 0 : i32
      %dma_wait3A_44 = arith.constant 0 : i32
      %dma_wait3A_45 = tpu.memref_slice %arg2[%dma_wait3A_43, %dma_wait3A_44] : memref<16384x32xf32, #tpu.memory_space<hbm>> -> memref<16384x32xf32, #tpu.memory_space<hbm>>
      tpu.wait_indirect_dma semaphore(%arg16 : memref<!tpu.dma_semaphore, #tpu.memory_space<semaphore_mem>>) src(%dma_wait3A_45 : memref<16384x32xf32, #tpu.memory_space<hbm>>) dst(%arg13 : memref<128x32xf32, #tpu.memory_space<vmem>>)
      %while3A_46 = arith.constant 0 : i32
      %while3A_47 = arith.constant 8 : i32
      %while3A_48 = arith.subi %while3A_47, %while3A_46 : i32
      %while3A_49 = arith.addi %while3A_46, %while3A_48 : i32
      %while3A_50 = arith.constant 1 : i32
      %while3A_51 = arith.divsi %while3A_48, %while3A_50 : i32
      %while3A_52 = arith.muli %while3A_51, %while3A_50 : i32
      %while3A_53 = arith.addi %while3A_46, %while3A_52 : i32
      %while3A_54 = arith.constant 1 : i32
      %while3A_55 = scf.for %while3A_58 = %while3A_46 to %while3A_53 step %while3A_54 iter_args(%while3A_59 = %while3A_30) -> (vector<16xf32>)  : i32 {
        %mul3A_60 = arith.constant 16 : i32
        %mul3A_61 = arith.muli %while3A_58, %mul3A_60 : i32
        %add3A_62 = vector.broadcast %mul3A_61 : i32 to vector<16xi32>
        %add3A_63 = arith.addi %add3A_62, %iota3A : vector<16xi32>
        %broadcast_in_dim3A_64 = arith.constant 0.000000e+00 : f32
        %broadcast_in_dim3A_65 = vector.broadcast %broadcast_in_dim3A_64 : f32 to vector<16xf32>
        %broadcast_in_dim3A_66 = arith.constant 0 : i32
        %broadcast_in_dim3A_67 = vector.broadcast %broadcast_in_dim3A_66 : i32 to vector<16xi32>
        %gather3A = tpu.vector_load_idx %arg12[%add3A_63, %broadcast_in_dim3A_67] : memref<128x32xf32, #tpu.memory_space<vmem>>[vector<16xi32>, vector<16xi32>], vector<16xf32>,
        %gather3A_68 = tpu.vector_load_idx %arg13[%add3A_63, %broadcast_in_dim3A_67] : memref<128x32xf32, #tpu.memory_space<vmem>>[vector<16xi32>, vector<16xi32>], vector<16xf32>,
        %sub3A = arith.subf %gather3A, %gather3A_68 : vector<16xf32>
        %mul3A_69 = arith.mulf %sub3A, %sub3A : vector<16xf32>
        %add3A_70 = arith.addf %broadcast_in_dim3A_65, %mul3A_69 : vector<16xf32>
        %broadcast_in_dim3A_71 = arith.constant 1 : i32
        %broadcast_in_dim3A_72 = vector.broadcast %broadcast_in_dim3A_71 : i32 to vector<16xi32>
        %gather3A_73 = tpu.vector_load_idx %arg12[%add3A_63, %broadcast_in_dim3A_72] : memref<128x32xf32, #tpu.memory_space<vmem>>[vector<16xi32>, vector<16xi32>], vector<16xf32>,
        %gather3A_74 = tpu.vector_load_idx %arg13[%add3A_63, %broadcast_in_dim3A_72] : memref<128x32xf32, #tpu.memory_space<vmem>>[vector<16xi32>, vector<16xi32>], vector<16xf32>,
        %sub3A_75 = arith.subf %gather3A_73, %gather3A_74 : vector<16xf32>
        %mul3A_76 = arith.mulf %sub3A_75, %sub3A_75 : vector<16xf32>
        %add3A_77 = arith.addf %add3A_70, %mul3A_76 : vector<16xf32>
        %broadcast_in_dim3A_78 = arith.constant 2 : i32
        %broadcast_in_dim3A_79 = vector.broadcast %broadcast_in_dim3A_78 : i32 to vector<16xi32>
        %gather3A_80 = tpu.vector_load_idx %arg12[%add3A_63, %broadcast_in_dim3A_79] : memref<128x32xf32, #tpu.memory_space<vmem>>[vector<16xi32>, vector<16xi32>], vector<16xf32>,
        %gather3A_81 = tpu.vector_load_idx %arg13[%add3A_63, %broadcast_in_dim3A_79] : memref<128x32xf32, #tpu.memory_space<vmem>>[vector<16xi32>, vector<16xi32>], vector<16xf32>,
        %sub3A_82 = arith.subf %gather3A_80, %gather3A_81 : vector<16xf32>
        %mul3A_83 = arith.mulf %sub3A_82, %sub3A_82 : vector<16xf32>
        %add3A_84 = arith.addf %add3A_77, %mul3A_83 : vector<16xf32>
        %broadcast_in_dim3A_85 = arith.constant 3 : i32
        %broadcast_in_dim3A_86 = vector.broadcast %broadcast_in_dim3A_85 : i32 to vector<16xi32>
        %gather3A_87 = tpu.vector_load_idx %arg12[%add3A_63, %broadcast_in_dim3A_86] : memref<128x32xf32, #tpu.memory_space<vmem>>[vector<16xi32>, vector<16xi32>], vector<16xf32>,
        %gather3A_88 = tpu.vector_load_idx %arg13[%add3A_63, %broadcast_in_dim3A_86] : memref<128x32xf32, #tpu.memory_space<vmem>>[vector<16xi32>, vector<16xi32>], vector<16xf32>,
        %sub3A_89 = arith.subf %gather3A_87, %gather3A_88 : vector<16xf32>
        %mul3A_90 = arith.mulf %sub3A_89, %sub3A_89 : vector<16xf32>
        %add3A_91 = arith.addf %add3A_84, %mul3A_90 : vector<16xf32>
        %broadcast_in_dim3A_92 = arith.constant 4 : i32
        %broadcast_in_dim3A_93 = vector.broadcast %broadcast_in_dim3A_92 : i32 to vector<16xi32>
        %gather3A_94 = tpu.vector_load_idx %arg12[%add3A_63, %broadcast_in_dim3A_93] : memref<128x32xf32, #tpu.memory_space<vmem>>[vector<16xi32>, vector<16xi32>], vector<16xf32>,
        %gather3A_95 = tpu.vector_load_idx %arg13[%add3A_63, %broadcast_in_dim3A_93] : memref<128x32xf32, #tpu.memory_space<vmem>>[vector<16xi32>, vector<16xi32>], vector<16xf32>,
        %sub3A_96 = arith.subf %gather3A_94, %gather3A_95 : vector<16xf32>
        %mul3A_97 = arith.mulf %sub3A_96, %sub3A_96 : vector<16xf32>
        %add3A_98 = arith.addf %add3A_91, %mul3A_97 : vector<16xf32>
        %broadcast_in_dim3A_99 = arith.constant 5 : i32
        %broadcast_in_dim3A_100 = vector.broadcast %broadcast_in_dim3A_99 : i32 to vector<16xi32>
        %gather3A_101 = tpu.vector_load_idx %arg12[%add3A_63, %broadcast_in_dim3A_100] : memref<128x32xf32, #tpu.memory_space<vmem>>[vector<16xi32>, vector<16xi32>], vector<16xf32>,
        %gather3A_102 = tpu.vector_load_idx %arg13[%add3A_63, %broadcast_in_dim3A_100] : memref<128x32xf32, #tpu.memory_space<vmem>>[vector<16xi32>, vector<16xi32>], vector<16xf32>,
        %sub3A_103 = arith.subf %gather3A_101, %gather3A_102 : vector<16xf32>
        %mul3A_104 = arith.mulf %sub3A_103, %sub3A_103 : vector<16xf32>
        %add3A_105 = arith.addf %add3A_98, %mul3A_104 : vector<16xf32>
        %broadcast_in_dim3A_106 = arith.constant 6 : i32
        %broadcast_in_dim3A_107 = vector.broadcast %broadcast_in_dim3A_106 : i32 to vector<16xi32>
        %gather3A_108 = tpu.vector_load_idx %arg12[%add3A_63, %broadcast_in_dim3A_107] : memref<128x32xf32, #tpu.memory_space<vmem>>[vector<16xi32>, vector<16xi32>], vector<16xf32>,
        %gather3A_109 = tpu.vector_load_idx %arg13[%add3A_63, %broadcast_in_dim3A_107] : memref<128x32xf32, #tpu.memory_space<vmem>>[vector<16xi32>, vector<16xi32>], vector<16xf32>,
        %sub3A_110 = arith.subf %gather3A_108, %gather3A_109 : vector<16xf32>
        %mul3A_111 = arith.mulf %sub3A_110, %sub3A_110 : vector<16xf32>
        %add3A_112 = arith.addf %add3A_105, %mul3A_111 : vector<16xf32>
        %broadcast_in_dim3A_113 = arith.constant 7 : i32
        %broadcast_in_dim3A_114 = vector.broadcast %broadcast_in_dim3A_113 : i32 to vector<16xi32>
        %gather3A_115 = tpu.vector_load_idx %arg12[%add3A_63, %broadcast_in_dim3A_114] : memref<128x32xf32, #tpu.memory_space<vmem>>[vector<16xi32>, vector<16xi32>], vector<16xf32>,
        %gather3A_116 = tpu.vector_load_idx %arg13[%add3A_63, %broadcast_in_dim3A_114] : memref<128x32xf32, #tpu.memory_space<vmem>>[vector<16xi32>, vector<16xi32>], vector<16xf32>,
        %sub3A_117 = arith.subf %gather3A_115, %gather3A_116 : vector<16xf32>
        %mul3A_118 = arith.mulf %sub3A_117, %sub3A_117 : vector<16xf32>
        %add3A_119 = arith.addf %add3A_112, %mul3A_118 : vector<16xf32>
        %broadcast_in_dim3A_120 = arith.constant 8 : i32
        %broadcast_in_dim3A_121 = vector.broadcast %broadcast_in_dim3A_120 : i32 to vector<16xi32>
        %gather3A_122 = tpu.vector_load_idx %arg12[%add3A_63, %broadcast_in_dim3A_121] : memref<128x32xf32, #tpu.memory_space<vmem>>[vector<16xi32>, vector<16xi32>], vector<16xf32>,
        %gather3A_123 = tpu.vector_load_idx %arg13[%add3A_63, %broadcast_in_dim3A_121] : memref<128x32xf32, #tpu.memory_space<vmem>>[vector<16xi32>, vector<16xi32>], vector<16xf32>,
        %sub3A_124 = arith.subf %gather3A_122, %gather3A_123 : vector<16xf32>
        %mul3A_125 = arith.mulf %sub3A_124, %sub3A_124 : vector<16xf32>
        %add3A_126 = arith.addf %add3A_119, %mul3A_125 : vector<16xf32>
        %broadcast_in_dim3A_127 = arith.constant 9 : i32
        %broadcast_in_dim3A_128 = vector.broadcast %broadcast_in_dim3A_127 : i32 to vector<16xi32>
        %gather3A_129 = tpu.vector_load_idx %arg12[%add3A_63, %broadcast_in_dim3A_128] : memref<128x32xf32, #tpu.memory_space<vmem>>[vector<16xi32>, vector<16xi32>], vector<16xf32>,
        %gather3A_130 = tpu.vector_load_idx %arg13[%add3A_63, %broadcast_in_dim3A_128] : memref<128x32xf32, #tpu.memory_space<vmem>>[vector<16xi32>, vector<16xi32>], vector<16xf32>,
        %sub3A_131 = arith.subf %gather3A_129, %gather3A_130 : vector<16xf32>
        %mul3A_132 = arith.mulf %sub3A_131, %sub3A_131 : vector<16xf32>
        %add3A_133 = arith.addf %add3A_126, %mul3A_132 : vector<16xf32>
        %broadcast_in_dim3A_134 = arith.constant 10 : i32
        %broadcast_in_dim3A_135 = vector.broadcast %broadcast_in_dim3A_134 : i32 to vector<16xi32>
        %gather3A_136 = tpu.vector_load_idx %arg12[%add3A_63, %broadcast_in_dim3A_135] : memref<128x32xf32, #tpu.memory_space<vmem>>[vector<16xi32>, vector<16xi32>], vector<16xf32>,
        %gather3A_137 = tpu.vector_load_idx %arg13[%add3A_63, %broadcast_in_dim3A_135] : memref<128x32xf32, #tpu.memory_space<vmem>>[vector<16xi32>, vector<16xi32>], vector<16xf32>,
        %sub3A_138 = arith.subf %gather3A_136, %gather3A_137 : vector<16xf32>
        %mul3A_139 = arith.mulf %sub3A_138, %sub3A_138 : vector<16xf32>
        %add3A_140 = arith.addf %add3A_133, %mul3A_139 : vector<16xf32>
        %broadcast_in_dim3A_141 = arith.constant 11 : i32
        %broadcast_in_dim3A_142 = vector.broadcast %broadcast_in_dim3A_141 : i32 to vector<16xi32>
        %gather3A_143 = tpu.vector_load_idx %arg12[%add3A_63, %broadcast_in_dim3A_142] : memref<128x32xf32, #tpu.memory_space<vmem>>[vector<16xi32>, vector<16xi32>], vector<16xf32>,
        %gather3A_144 = tpu.vector_load_idx %arg13[%add3A_63, %broadcast_in_dim3A_142] : memref<128x32xf32, #tpu.memory_space<vmem>>[vector<16xi32>, vector<16xi32>], vector<16xf32>,
        %sub3A_145 = arith.subf %gather3A_143, %gather3A_144 : vector<16xf32>
        %mul3A_146 = arith.mulf %sub3A_145, %sub3A_145 : vector<16xf32>
        %add3A_147 = arith.addf %add3A_140, %mul3A_146 : vector<16xf32>
        %broadcast_in_dim3A_148 = arith.constant 12 : i32
        %broadcast_in_dim3A_149 = vector.broadcast %broadcast_in_dim3A_148 : i32 to vector<16xi32>
        %gather3A_150 = tpu.vector_load_idx %arg12[%add3A_63, %broadcast_in_dim3A_149] : memref<128x32xf32, #tpu.memory_space<vmem>>[vector<16xi32>, vector<16xi32>], vector<16xf32>,
        %gather3A_151 = tpu.vector_load_idx %arg13[%add3A_63, %broadcast_in_dim3A_149] : memref<128x32xf32, #tpu.memory_space<vmem>>[vector<16xi32>, vector<16xi32>], vector<16xf32>,
        %sub3A_152 = arith.subf %gather3A_150, %gather3A_151 : vector<16xf32>
        %mul3A_153 = arith.mulf %sub3A_152, %sub3A_152 : vector<16xf32>
        %add3A_154 = arith.addf %add3A_147, %mul3A_153 : vector<16xf32>
        %broadcast_in_dim3A_155 = arith.constant 13 : i32
        %broadcast_in_dim3A_156 = vector.broadcast %broadcast_in_dim3A_155 : i32 to vector<16xi32>
        %gather3A_157 = tpu.vector_load_idx %arg12[%add3A_63, %broadcast_in_dim3A_156] : memref<128x32xf32, #tpu.memory_space<vmem>>[vector<16xi32>, vector<16xi32>], vector<16xf32>,
        %gather3A_158 = tpu.vector_load_idx %arg13[%add3A_63, %broadcast_in_dim3A_156] : memref<128x32xf32, #tpu.memory_space<vmem>>[vector<16xi32>, vector<16xi32>], vector<16xf32>,
        %sub3A_159 = arith.subf %gather3A_157, %gather3A_158 : vector<16xf32>
        %mul3A_160 = arith.mulf %sub3A_159, %sub3A_159 : vector<16xf32>
        %add3A_161 = arith.addf %add3A_154, %mul3A_160 : vector<16xf32>
        %broadcast_in_dim3A_162 = arith.constant 14 : i32
        %broadcast_in_dim3A_163 = vector.broadcast %broadcast_in_dim3A_162 : i32 to vector<16xi32>
        %gather3A_164 = tpu.vector_load_idx %arg12[%add3A_63, %broadcast_in_dim3A_163] : memref<128x32xf32, #tpu.memory_space<vmem>>[vector<16xi32>, vector<16xi32>], vector<16xf32>,
        %gather3A_165 = tpu.vector_load_idx %arg13[%add3A_63, %broadcast_in_dim3A_163] : memref<128x32xf32, #tpu.memory_space<vmem>>[vector<16xi32>, vector<16xi32>], vector<16xf32>,
        %sub3A_166 = arith.subf %gather3A_164, %gather3A_165 : vector<16xf32>
        %mul3A_167 = arith.mulf %sub3A_166, %sub3A_166 : vector<16xf32>
        %add3A_168 = arith.addf %add3A_161, %mul3A_167 : vector<16xf32>
        %broadcast_in_dim3A_169 = arith.constant 15 : i32
        %broadcast_in_dim3A_170 = vector.broadcast %broadcast_in_dim3A_169 : i32 to vector<16xi32>
        %gather3A_171 = tpu.vector_load_idx %arg12[%add3A_63, %broadcast_in_dim3A_170] : memref<128x32xf32, #tpu.memory_space<vmem>>[vector<16xi32>, vector<16xi32>], vector<16xf32>,
        %gather3A_172 = tpu.vector_load_idx %arg13[%add3A_63, %broadcast_in_dim3A_170] : memref<128x32xf32, #tpu.memory_space<vmem>>[vector<16xi32>, vector<16xi32>], vector<16xf32>,
        %sub3A_173 = arith.subf %gather3A_171, %gather3A_172 : vector<16xf32>
        %mul3A_174 = arith.mulf %sub3A_173, %sub3A_173 : vector<16xf32>
        %add3A_175 = arith.addf %add3A_168, %mul3A_174 : vector<16xf32>
        %broadcast_in_dim3A_176 = arith.constant 16 : i32
        %broadcast_in_dim3A_177 = vector.broadcast %broadcast_in_dim3A_176 : i32 to vector<16xi32>
        %gather3A_178 = tpu.vector_load_idx %arg12[%add3A_63, %broadcast_in_dim3A_177] : memref<128x32xf32, #tpu.memory_space<vmem>>[vector<16xi32>, vector<16xi32>], vector<16xf32>,
        %gather3A_179 = tpu.vector_load_idx %arg13[%add3A_63, %broadcast_in_dim3A_177] : memref<128x32xf32, #tpu.memory_space<vmem>>[vector<16xi32>, vector<16xi32>], vector<16xf32>,
        %sub3A_180 = arith.subf %gather3A_178, %gather3A_179 : vector<16xf32>
        %mul3A_181 = arith.mulf %sub3A_180, %sub3A_180 : vector<16xf32>
        %add3A_182 = arith.addf %add3A_175, %mul3A_181 : vector<16xf32>
        %broadcast_in_dim3A_183 = arith.constant 17 : i32
        %broadcast_in_dim3A_184 = vector.broadcast %broadcast_in_dim3A_183 : i32 to vector<16xi32>
        %gather3A_185 = tpu.vector_load_idx %arg12[%add3A_63, %broadcast_in_dim3A_184] : memref<128x32xf32, #tpu.memory_space<vmem>>[vector<16xi32>, vector<16xi32>], vector<16xf32>,
        %gather3A_186 = tpu.vector_load_idx %arg13[%add3A_63, %broadcast_in_dim3A_184] : memref<128x32xf32, #tpu.memory_space<vmem>>[vector<16xi32>, vector<16xi32>], vector<16xf32>,
        %sub3A_187 = arith.subf %gather3A_185, %gather3A_186 : vector<16xf32>
        %mul3A_188 = arith.mulf %sub3A_187, %sub3A_187 : vector<16xf32>
        %add3A_189 = arith.addf %add3A_182, %mul3A_188 : vector<16xf32>
        %broadcast_in_dim3A_190 = arith.constant 18 : i32
        %broadcast_in_dim3A_191 = vector.broadcast %broadcast_in_dim3A_190 : i32 to vector<16xi32>
        %gather3A_192 = tpu.vector_load_idx %arg12[%add3A_63, %broadcast_in_dim3A_191] : memref<128x32xf32, #tpu.memory_space<vmem>>[vector<16xi32>, vector<16xi32>], vector<16xf32>,
        %gather3A_193 = tpu.vector_load_idx %arg13[%add3A_63, %broadcast_in_dim3A_191] : memref<128x32xf32, #tpu.memory_space<vmem>>[vector<16xi32>, vector<16xi32>], vector<16xf32>,
        %sub3A_194 = arith.subf %gather3A_192, %gather3A_193 : vector<16xf32>
        %mul3A_195 = arith.mulf %sub3A_194, %sub3A_194 : vector<16xf32>
        %add3A_196 = arith.addf %add3A_189, %mul3A_195 : vector<16xf32>
        %broadcast_in_dim3A_197 = arith.constant 19 : i32
        %broadcast_in_dim3A_198 = vector.broadcast %broadcast_in_dim3A_197 : i32 to vector<16xi32>
        %gather3A_199 = tpu.vector_load_idx %arg12[%add3A_63, %broadcast_in_dim3A_198] : memref<128x32xf32, #tpu.memory_space<vmem>>[vector<16xi32>, vector<16xi32>], vector<16xf32>,
        %gather3A_200 = tpu.vector_load_idx %arg13[%add3A_63, %broadcast_in_dim3A_198] : memref<128x32xf32, #tpu.memory_space<vmem>>[vector<16xi32>, vector<16xi32>], vector<16xf32>,
        %sub3A_201 = arith.subf %gather3A_199, %gather3A_200 : vector<16xf32>
        %mul3A_202 = arith.mulf %sub3A_201, %sub3A_201 : vector<16xf32>
        %add3A_203 = arith.addf %add3A_196, %mul3A_202 : vector<16xf32>
        %broadcast_in_dim3A_204 = arith.constant 20 : i32
        %broadcast_in_dim3A_205 = vector.broadcast %broadcast_in_dim3A_204 : i32 to vector<16xi32>
        %gather3A_206 = tpu.vector_load_idx %arg12[%add3A_63, %broadcast_in_dim3A_205] : memref<128x32xf32, #tpu.memory_space<vmem>>[vector<16xi32>, vector<16xi32>], vector<16xf32>,
        %gather3A_207 = tpu.vector_load_idx %arg13[%add3A_63, %broadcast_in_dim3A_205] : memref<128x32xf32, #tpu.memory_space<vmem>>[vector<16xi32>, vector<16xi32>], vector<16xf32>,
        %sub3A_208 = arith.subf %gather3A_206, %gather3A_207 : vector<16xf32>
        %mul3A_209 = arith.mulf %sub3A_208, %sub3A_208 : vector<16xf32>
        %add3A_210 = arith.addf %add3A_203, %mul3A_209 : vector<16xf32>
        %broadcast_in_dim3A_211 = arith.constant 21 : i32
        %broadcast_in_dim3A_212 = vector.broadcast %broadcast_in_dim3A_211 : i32 to vector<16xi32>
        %gather3A_213 = tpu.vector_load_idx %arg12[%add3A_63, %broadcast_in_dim3A_212] : memref<128x32xf32, #tpu.memory_space<vmem>>[vector<16xi32>, vector<16xi32>], vector<16xf32>,
        %gather3A_214 = tpu.vector_load_idx %arg13[%add3A_63, %broadcast_in_dim3A_212] : memref<128x32xf32, #tpu.memory_space<vmem>>[vector<16xi32>, vector<16xi32>], vector<16xf32>,
        %sub3A_215 = arith.subf %gather3A_213, %gather3A_214 : vector<16xf32>
        %mul3A_216 = arith.mulf %sub3A_215, %sub3A_215 : vector<16xf32>
        %add3A_217 = arith.addf %add3A_210, %mul3A_216 : vector<16xf32>
        %broadcast_in_dim3A_218 = arith.constant 22 : i32
        %broadcast_in_dim3A_219 = vector.broadcast %broadcast_in_dim3A_218 : i32 to vector<16xi32>
        %gather3A_220 = tpu.vector_load_idx %arg12[%add3A_63, %broadcast_in_dim3A_219] : memref<128x32xf32, #tpu.memory_space<vmem>>[vector<16xi32>, vector<16xi32>], vector<16xf32>,
        %gather3A_221 = tpu.vector_load_idx %arg13[%add3A_63, %broadcast_in_dim3A_219] : memref<128x32xf32, #tpu.memory_space<vmem>>[vector<16xi32>, vector<16xi32>], vector<16xf32>,
        %sub3A_222 = arith.subf %gather3A_220, %gather3A_221 : vector<16xf32>
        %mul3A_223 = arith.mulf %sub3A_222, %sub3A_222 : vector<16xf32>
        %add3A_224 = arith.addf %add3A_217, %mul3A_223 : vector<16xf32>
        %broadcast_in_dim3A_225 = arith.constant 23 : i32
        %broadcast_in_dim3A_226 = vector.broadcast %broadcast_in_dim3A_225 : i32 to vector<16xi32>
        %gather3A_227 = tpu.vector_load_idx %arg12[%add3A_63, %broadcast_in_dim3A_226] : memref<128x32xf32, #tpu.memory_space<vmem>>[vector<16xi32>, vector<16xi32>], vector<16xf32>,
        %gather3A_228 = tpu.vector_load_idx %arg13[%add3A_63, %broadcast_in_dim3A_226] : memref<128x32xf32, #tpu.memory_space<vmem>>[vector<16xi32>, vector<16xi32>], vector<16xf32>,
        %sub3A_229 = arith.subf %gather3A_227, %gather3A_228 : vector<16xf32>
        %mul3A_230 = arith.mulf %sub3A_229, %sub3A_229 : vector<16xf32>
        %add3A_231 = arith.addf %add3A_224, %mul3A_230 : vector<16xf32>
        %broadcast_in_dim3A_232 = arith.constant 24 : i32
        %broadcast_in_dim3A_233 = vector.broadcast %broadcast_in_dim3A_232 : i32 to vector<16xi32>
        %gather3A_234 = tpu.vector_load_idx %arg12[%add3A_63, %broadcast_in_dim3A_233] : memref<128x32xf32, #tpu.memory_space<vmem>>[vector<16xi32>, vector<16xi32>], vector<16xf32>,
        %gather3A_235 = tpu.vector_load_idx %arg13[%add3A_63, %broadcast_in_dim3A_233] : memref<128x32xf32, #tpu.memory_space<vmem>>[vector<16xi32>, vector<16xi32>], vector<16xf32>,
        %sub3A_236 = arith.subf %gather3A_234, %gather3A_235 : vector<16xf32>
        %mul3A_237 = arith.mulf %sub3A_236, %sub3A_236 : vector<16xf32>
        %add3A_238 = arith.addf %add3A_231, %mul3A_237 : vector<16xf32>
        %broadcast_in_dim3A_239 = arith.constant 25 : i32
        %broadcast_in_dim3A_240 = vector.broadcast %broadcast_in_dim3A_239 : i32 to vector<16xi32>
        %gather3A_241 = tpu.vector_load_idx %arg12[%add3A_63, %broadcast_in_dim3A_240] : memref<128x32xf32, #tpu.memory_space<vmem>>[vector<16xi32>, vector<16xi32>], vector<16xf32>,
        %gather3A_242 = tpu.vector_load_idx %arg13[%add3A_63, %broadcast_in_dim3A_240] : memref<128x32xf32, #tpu.memory_space<vmem>>[vector<16xi32>, vector<16xi32>], vector<16xf32>,
        %sub3A_243 = arith.subf %gather3A_241, %gather3A_242 : vector<16xf32>
        %mul3A_244 = arith.mulf %sub3A_243, %sub3A_243 : vector<16xf32>
        %add3A_245 = arith.addf %add3A_238, %mul3A_244 : vector<16xf32>
        %broadcast_in_dim3A_246 = arith.constant 26 : i32
        %broadcast_in_dim3A_247 = vector.broadcast %broadcast_in_dim3A_246 : i32 to vector<16xi32>
        %gather3A_248 = tpu.vector_load_idx %arg12[%add3A_63, %broadcast_in_dim3A_247] : memref<128x32xf32, #tpu.memory_space<vmem>>[vector<16xi32>, vector<16xi32>], vector<16xf32>,
        %gather3A_249 = tpu.vector_load_idx %arg13[%add3A_63, %broadcast_in_dim3A_247] : memref<128x32xf32, #tpu.memory_space<vmem>>[vector<16xi32>, vector<16xi32>], vector<16xf32>,
        %sub3A_250 = arith.subf %gather3A_248, %gather3A_249 : vector<16xf32>
        %mul3A_251 = arith.mulf %sub3A_250, %sub3A_250 : vector<16xf32>
        %add3A_252 = arith.addf %add3A_245, %mul3A_251 : vector<16xf32>
        %broadcast_in_dim3A_253 = arith.constant 27 : i32
        %broadcast_in_dim3A_254 = vector.broadcast %broadcast_in_dim3A_253 : i32 to vector<16xi32>
        %gather3A_255 = tpu.vector_load_idx %arg12[%add3A_63, %broadcast_in_dim3A_254] : memref<128x32xf32, #tpu.memory_space<vmem>>[vector<16xi32>, vector<16xi32>], vector<16xf32>,
        %gather3A_256 = tpu.vector_load_idx %arg13[%add3A_63, %broadcast_in_dim3A_254] : memref<128x32xf32, #tpu.memory_space<vmem>>[vector<16xi32>, vector<16xi32>], vector<16xf32>,
        %sub3A_257 = arith.subf %gather3A_255, %gather3A_256 : vector<16xf32>
        %mul3A_258 = arith.mulf %sub3A_257, %sub3A_257 : vector<16xf32>
        %add3A_259 = arith.addf %add3A_252, %mul3A_258 : vector<16xf32>
        %broadcast_in_dim3A_260 = arith.constant 28 : i32
        %broadcast_in_dim3A_261 = vector.broadcast %broadcast_in_dim3A_260 : i32 to vector<16xi32>
        %gather3A_262 = tpu.vector_load_idx %arg12[%add3A_63, %broadcast_in_dim3A_261] : memref<128x32xf32, #tpu.memory_space<vmem>>[vector<16xi32>, vector<16xi32>], vector<16xf32>,
        %gather3A_263 = tpu.vector_load_idx %arg13[%add3A_63, %broadcast_in_dim3A_261] : memref<128x32xf32, #tpu.memory_space<vmem>>[vector<16xi32>, vector<16xi32>], vector<16xf32>,
        %sub3A_264 = arith.subf %gather3A_262, %gather3A_263 : vector<16xf32>
        %mul3A_265 = arith.mulf %sub3A_264, %sub3A_264 : vector<16xf32>
        %add3A_266 = arith.addf %add3A_259, %mul3A_265 : vector<16xf32>
        %broadcast_in_dim3A_267 = arith.constant 29 : i32
        %broadcast_in_dim3A_268 = vector.broadcast %broadcast_in_dim3A_267 : i32 to vector<16xi32>
        %gather3A_269 = tpu.vector_load_idx %arg12[%add3A_63, %broadcast_in_dim3A_268] : memref<128x32xf32, #tpu.memory_space<vmem>>[vector<16xi32>, vector<16xi32>], vector<16xf32>,
        %gather3A_270 = tpu.vector_load_idx %arg13[%add3A_63, %broadcast_in_dim3A_268] : memref<128x32xf32, #tpu.memory_space<vmem>>[vector<16xi32>, vector<16xi32>], vector<16xf32>,
        %sub3A_271 = arith.subf %gather3A_269, %gather3A_270 : vector<16xf32>
        %mul3A_272 = arith.mulf %sub3A_271, %sub3A_271 : vector<16xf32>
        %add3A_273 = arith.addf %add3A_266, %mul3A_272 : vector<16xf32>
        %broadcast_in_dim3A_274 = arith.constant 30 : i32
        %broadcast_in_dim3A_275 = vector.broadcast %broadcast_in_dim3A_274 : i32 to vector<16xi32>
        %gather3A_276 = tpu.vector_load_idx %arg12[%add3A_63, %broadcast_in_dim3A_275] : memref<128x32xf32, #tpu.memory_space<vmem>>[vector<16xi32>, vector<16xi32>], vector<16xf32>,
        %gather3A_277 = tpu.vector_load_idx %arg13[%add3A_63, %broadcast_in_dim3A_275] : memref<128x32xf32, #tpu.memory_space<vmem>>[vector<16xi32>, vector<16xi32>], vector<16xf32>,
        %sub3A_278 = arith.subf %gather3A_276, %gather3A_277 : vector<16xf32>
        %mul3A_279 = arith.mulf %sub3A_278, %sub3A_278 : vector<16xf32>
        %add3A_280 = arith.addf %add3A_273, %mul3A_279 : vector<16xf32>
        %broadcast_in_dim3A_281 = arith.constant 31 : i32
        %broadcast_in_dim3A_282 = vector.broadcast %broadcast_in_dim3A_281 : i32 to vector<16xi32>
        %gather3A_283 = tpu.vector_load_idx %arg12[%add3A_63, %broadcast_in_dim3A_282] : memref<128x32xf32, #tpu.memory_space<vmem>>[vector<16xi32>, vector<16xi32>], vector<16xf32>,
        %gather3A_284 = tpu.vector_load_idx %arg13[%add3A_63, %broadcast_in_dim3A_282] : memref<128x32xf32, #tpu.memory_space<vmem>>[vector<16xi32>, vector<16xi32>], vector<16xf32>,
        %sub3A_285 = arith.subf %gather3A_283, %gather3A_284 : vector<16xf32>
        %mul3A_286 = arith.mulf %sub3A_285, %sub3A_285 : vector<16xf32>
        %add3A_287 = arith.addf %add3A_280, %mul3A_286 : vector<16xf32>
        %add3A_288 = arith.constant 9.99999996E-13 : f32
        %add3A_289 = vector.broadcast %add3A_288 : f32 to vector<16xf32>
        %add3A_290 = arith.addf %add3A_287, %add3A_289 : vector<16xf32>
        %bitcast_convert_type3A = tpu.bitcast %add3A_290 : vector<16xf32> -> vector<16xi32>
        %shift_right_logical3A = arith.constant 1 : i32
        %shift_right_logical3A_291 = vector.broadcast %shift_right_logical3A : i32 to vector<16xi32>
        %shift_right_logical3A_292 = arith.shrui %bitcast_convert_type3A, %shift_right_logical3A_291 : vector<16xi32>
        %add3A_293 = arith.constant 532487669 : i32
        %add3A_294 = vector.broadcast %add3A_293 : i32 to vector<16xi32>
        %add3A_295 = arith.addi %shift_right_logical3A_292, %add3A_294 : vector<16xi32>
        %bitcast_convert_type3A_296 = tpu.bitcast %add3A_295 : vector<16xi32> -> vector<16xf32>
        %div3A = arith.divf %add3A_290, %bitcast_convert_type3A_296 : vector<16xf32>
        %add3A_297 = arith.addf %bitcast_convert_type3A_296, %div3A : vector<16xf32>
        %mul3A_298 = arith.constant 5.000000e-01 : f32
        %mul3A_299 = vector.broadcast %mul3A_298 : f32 to vector<16xf32>
        %mul3A_300 = arith.mulf %mul3A_299, %add3A_297 : vector<16xf32>
        %div3A_301 = arith.divf %add3A_290, %mul3A_300 : vector<16xf32>
        %add3A_302 = arith.addf %mul3A_300, %div3A_301 : vector<16xf32>
        %mul3A_303 = arith.constant 5.000000e-01 : f32
        %mul3A_304 = vector.broadcast %mul3A_303 : f32 to vector<16xf32>
        %mul3A_305 = arith.mulf %mul3A_304, %add3A_302 : vector<16xf32>
        %add3A_306 = arith.addf %while3A_59, %mul3A_305 : vector<16xf32>
        scf.yield %add3A_306 : vector<16xf32>
      }
      %while3A_56 = arith.constant 1 : i32
      %while3A_57 = scf.for %while3A_58 = %while3A_53 to %while3A_49 step %while3A_56 iter_args(%while3A_59 = %while3A_55) -> (vector<16xf32>)  : i32 {
        %mul3A_60 = arith.constant 16 : i32
        %mul3A_61 = arith.muli %while3A_58, %mul3A_60 : i32
        %add3A_62 = vector.broadcast %mul3A_61 : i32 to vector<16xi32>
        %add3A_63 = arith.addi %add3A_62, %iota3A : vector<16xi32>
        %broadcast_in_dim3A_64 = arith.constant 0.000000e+00 : f32
        %broadcast_in_dim3A_65 = vector.broadcast %broadcast_in_dim3A_64 : f32 to vector<16xf32>
        %broadcast_in_dim3A_66 = arith.constant 0 : i32
        %broadcast_in_dim3A_67 = vector.broadcast %broadcast_in_dim3A_66 : i32 to vector<16xi32>
        %gather3A = tpu.vector_load_idx %arg12[%add3A_63, %broadcast_in_dim3A_67] : memref<128x32xf32, #tpu.memory_space<vmem>>[vector<16xi32>, vector<16xi32>], vector<16xf32>,
        %gather3A_68 = tpu.vector_load_idx %arg13[%add3A_63, %broadcast_in_dim3A_67] : memref<128x32xf32, #tpu.memory_space<vmem>>[vector<16xi32>, vector<16xi32>], vector<16xf32>,
        %sub3A = arith.subf %gather3A, %gather3A_68 : vector<16xf32>
        %mul3A_69 = arith.mulf %sub3A, %sub3A : vector<16xf32>
        %add3A_70 = arith.addf %broadcast_in_dim3A_65, %mul3A_69 : vector<16xf32>
        %broadcast_in_dim3A_71 = arith.constant 1 : i32
        %broadcast_in_dim3A_72 = vector.broadcast %broadcast_in_dim3A_71 : i32 to vector<16xi32>
        %gather3A_73 = tpu.vector_load_idx %arg12[%add3A_63, %broadcast_in_dim3A_72] : memref<128x32xf32, #tpu.memory_space<vmem>>[vector<16xi32>, vector<16xi32>], vector<16xf32>,
        %gather3A_74 = tpu.vector_load_idx %arg13[%add3A_63, %broadcast_in_dim3A_72] : memref<128x32xf32, #tpu.memory_space<vmem>>[vector<16xi32>, vector<16xi32>], vector<16xf32>,
        %sub3A_75 = arith.subf %gather3A_73, %gather3A_74 : vector<16xf32>
        %mul3A_76 = arith.mulf %sub3A_75, %sub3A_75 : vector<16xf32>
        %add3A_77 = arith.addf %add3A_70, %mul3A_76 : vector<16xf32>
        %broadcast_in_dim3A_78 = arith.constant 2 : i32
        %broadcast_in_dim3A_79 = vector.broadcast %broadcast_in_dim3A_78 : i32 to vector<16xi32>
        %gather3A_80 = tpu.vector_load_idx %arg12[%add3A_63, %broadcast_in_dim3A_79] : memref<128x32xf32, #tpu.memory_space<vmem>>[vector<16xi32>, vector<16xi32>], vector<16xf32>,
        %gather3A_81 = tpu.vector_load_idx %arg13[%add3A_63, %broadcast_in_dim3A_79] : memref<128x32xf32, #tpu.memory_space<vmem>>[vector<16xi32>, vector<16xi32>], vector<16xf32>,
        %sub3A_82 = arith.subf %gather3A_80, %gather3A_81 : vector<16xf32>
        %mul3A_83 = arith.mulf %sub3A_82, %sub3A_82 : vector<16xf32>
        %add3A_84 = arith.addf %add3A_77, %mul3A_83 : vector<16xf32>
        %broadcast_in_dim3A_85 = arith.constant 3 : i32
        %broadcast_in_dim3A_86 = vector.broadcast %broadcast_in_dim3A_85 : i32 to vector<16xi32>
        %gather3A_87 = tpu.vector_load_idx %arg12[%add3A_63, %broadcast_in_dim3A_86] : memref<128x32xf32, #tpu.memory_space<vmem>>[vector<16xi32>, vector<16xi32>], vector<16xf32>,
        %gather3A_88 = tpu.vector_load_idx %arg13[%add3A_63, %broadcast_in_dim3A_86] : memref<128x32xf32, #tpu.memory_space<vmem>>[vector<16xi32>, vector<16xi32>], vector<16xf32>,
        %sub3A_89 = arith.subf %gather3A_87, %gather3A_88 : vector<16xf32>
        %mul3A_90 = arith.mulf %sub3A_89, %sub3A_89 : vector<16xf32>
        %add3A_91 = arith.addf %add3A_84, %mul3A_90 : vector<16xf32>
        %broadcast_in_dim3A_92 = arith.constant 4 : i32
        %broadcast_in_dim3A_93 = vector.broadcast %broadcast_in_dim3A_92 : i32 to vector<16xi32>
        %gather3A_94 = tpu.vector_load_idx %arg12[%add3A_63, %broadcast_in_dim3A_93] : memref<128x32xf32, #tpu.memory_space<vmem>>[vector<16xi32>, vector<16xi32>], vector<16xf32>,
        %gather3A_95 = tpu.vector_load_idx %arg13[%add3A_63, %broadcast_in_dim3A_93] : memref<128x32xf32, #tpu.memory_space<vmem>>[vector<16xi32>, vector<16xi32>], vector<16xf32>,
        %sub3A_96 = arith.subf %gather3A_94, %gather3A_95 : vector<16xf32>
        %mul3A_97 = arith.mulf %sub3A_96, %sub3A_96 : vector<16xf32>
        %add3A_98 = arith.addf %add3A_91, %mul3A_97 : vector<16xf32>
        %broadcast_in_dim3A_99 = arith.constant 5 : i32
        %broadcast_in_dim3A_100 = vector.broadcast %broadcast_in_dim3A_99 : i32 to vector<16xi32>
        %gather3A_101 = tpu.vector_load_idx %arg12[%add3A_63, %broadcast_in_dim3A_100] : memref<128x32xf32, #tpu.memory_space<vmem>>[vector<16xi32>, vector<16xi32>], vector<16xf32>,
        %gather3A_102 = tpu.vector_load_idx %arg13[%add3A_63, %broadcast_in_dim3A_100] : memref<128x32xf32, #tpu.memory_space<vmem>>[vector<16xi32>, vector<16xi32>], vector<16xf32>,
        %sub3A_103 = arith.subf %gather3A_101, %gather3A_102 : vector<16xf32>
        %mul3A_104 = arith.mulf %sub3A_103, %sub3A_103 : vector<16xf32>
        %add3A_105 = arith.addf %add3A_98, %mul3A_104 : vector<16xf32>
        %broadcast_in_dim3A_106 = arith.constant 6 : i32
        %broadcast_in_dim3A_107 = vector.broadcast %broadcast_in_dim3A_106 : i32 to vector<16xi32>
        %gather3A_108 = tpu.vector_load_idx %arg12[%add3A_63, %broadcast_in_dim3A_107] : memref<128x32xf32, #tpu.memory_space<vmem>>[vector<16xi32>, vector<16xi32>], vector<16xf32>,
        %gather3A_109 = tpu.vector_load_idx %arg13[%add3A_63, %broadcast_in_dim3A_107] : memref<128x32xf32, #tpu.memory_space<vmem>>[vector<16xi32>, vector<16xi32>], vector<16xf32>,
        %sub3A_110 = arith.subf %gather3A_108, %gather3A_109 : vector<16xf32>
        %mul3A_111 = arith.mulf %sub3A_110, %sub3A_110 : vector<16xf32>
        %add3A_112 = arith.addf %add3A_105, %mul3A_111 : vector<16xf32>
        %broadcast_in_dim3A_113 = arith.constant 7 : i32
        %broadcast_in_dim3A_114 = vector.broadcast %broadcast_in_dim3A_113 : i32 to vector<16xi32>
        %gather3A_115 = tpu.vector_load_idx %arg12[%add3A_63, %broadcast_in_dim3A_114] : memref<128x32xf32, #tpu.memory_space<vmem>>[vector<16xi32>, vector<16xi32>], vector<16xf32>,
        %gather3A_116 = tpu.vector_load_idx %arg13[%add3A_63, %broadcast_in_dim3A_114] : memref<128x32xf32, #tpu.memory_space<vmem>>[vector<16xi32>, vector<16xi32>], vector<16xf32>,
        %sub3A_117 = arith.subf %gather3A_115, %gather3A_116 : vector<16xf32>
        %mul3A_118 = arith.mulf %sub3A_117, %sub3A_117 : vector<16xf32>
        %add3A_119 = arith.addf %add3A_112, %mul3A_118 : vector<16xf32>
        %broadcast_in_dim3A_120 = arith.constant 8 : i32
        %broadcast_in_dim3A_121 = vector.broadcast %broadcast_in_dim3A_120 : i32 to vector<16xi32>
        %gather3A_122 = tpu.vector_load_idx %arg12[%add3A_63, %broadcast_in_dim3A_121] : memref<128x32xf32, #tpu.memory_space<vmem>>[vector<16xi32>, vector<16xi32>], vector<16xf32>,
        %gather3A_123 = tpu.vector_load_idx %arg13[%add3A_63, %broadcast_in_dim3A_121] : memref<128x32xf32, #tpu.memory_space<vmem>>[vector<16xi32>, vector<16xi32>], vector<16xf32>,
        %sub3A_124 = arith.subf %gather3A_122, %gather3A_123 : vector<16xf32>
        %mul3A_125 = arith.mulf %sub3A_124, %sub3A_124 : vector<16xf32>
        %add3A_126 = arith.addf %add3A_119, %mul3A_125 : vector<16xf32>
        %broadcast_in_dim3A_127 = arith.constant 9 : i32
        %broadcast_in_dim3A_128 = vector.broadcast %broadcast_in_dim3A_127 : i32 to vector<16xi32>
        %gather3A_129 = tpu.vector_load_idx %arg12[%add3A_63, %broadcast_in_dim3A_128] : memref<128x32xf32, #tpu.memory_space<vmem>>[vector<16xi32>, vector<16xi32>], vector<16xf32>,
        %gather3A_130 = tpu.vector_load_idx %arg13[%add3A_63, %broadcast_in_dim3A_128] : memref<128x32xf32, #tpu.memory_space<vmem>>[vector<16xi32>, vector<16xi32>], vector<16xf32>,
        %sub3A_131 = arith.subf %gather3A_129, %gather3A_130 : vector<16xf32>
        %mul3A_132 = arith.mulf %sub3A_131, %sub3A_131 : vector<16xf32>
        %add3A_133 = arith.addf %add3A_126, %mul3A_132 : vector<16xf32>
        %broadcast_in_dim3A_134 = arith.constant 10 : i32
        %broadcast_in_dim3A_135 = vector.broadcast %broadcast_in_dim3A_134 : i32 to vector<16xi32>
        %gather3A_136 = tpu.vector_load_idx %arg12[%add3A_63, %broadcast_in_dim3A_135] : memref<128x32xf32, #tpu.memory_space<vmem>>[vector<16xi32>, vector<16xi32>], vector<16xf32>,
        %gather3A_137 = tpu.vector_load_idx %arg13[%add3A_63, %broadcast_in_dim3A_135] : memref<128x32xf32, #tpu.memory_space<vmem>>[vector<16xi32>, vector<16xi32>], vector<16xf32>,
        %sub3A_138 = arith.subf %gather3A_136, %gather3A_137 : vector<16xf32>
        %mul3A_139 = arith.mulf %sub3A_138, %sub3A_138 : vector<16xf32>
        %add3A_140 = arith.addf %add3A_133, %mul3A_139 : vector<16xf32>
        %broadcast_in_dim3A_141 = arith.constant 11 : i32
        %broadcast_in_dim3A_142 = vector.broadcast %broadcast_in_dim3A_141 : i32 to vector<16xi32>
        %gather3A_143 = tpu.vector_load_idx %arg12[%add3A_63, %broadcast_in_dim3A_142] : memref<128x32xf32, #tpu.memory_space<vmem>>[vector<16xi32>, vector<16xi32>], vector<16xf32>,
        %gather3A_144 = tpu.vector_load_idx %arg13[%add3A_63, %broadcast_in_dim3A_142] : memref<128x32xf32, #tpu.memory_space<vmem>>[vector<16xi32>, vector<16xi32>], vector<16xf32>,
        %sub3A_145 = arith.subf %gather3A_143, %gather3A_144 : vector<16xf32>
        %mul3A_146 = arith.mulf %sub3A_145, %sub3A_145 : vector<16xf32>
        %add3A_147 = arith.addf %add3A_140, %mul3A_146 : vector<16xf32>
        %broadcast_in_dim3A_148 = arith.constant 12 : i32
        %broadcast_in_dim3A_149 = vector.broadcast %broadcast_in_dim3A_148 : i32 to vector<16xi32>
        %gather3A_150 = tpu.vector_load_idx %arg12[%add3A_63, %broadcast_in_dim3A_149] : memref<128x32xf32, #tpu.memory_space<vmem>>[vector<16xi32>, vector<16xi32>], vector<16xf32>,
        %gather3A_151 = tpu.vector_load_idx %arg13[%add3A_63, %broadcast_in_dim3A_149] : memref<128x32xf32, #tpu.memory_space<vmem>>[vector<16xi32>, vector<16xi32>], vector<16xf32>,
        %sub3A_152 = arith.subf %gather3A_150, %gather3A_151 : vector<16xf32>
        %mul3A_153 = arith.mulf %sub3A_152, %sub3A_152 : vector<16xf32>
        %add3A_154 = arith.addf %add3A_147, %mul3A_153 : vector<16xf32>
        %broadcast_in_dim3A_155 = arith.constant 13 : i32
        %broadcast_in_dim3A_156 = vector.broadcast %broadcast_in_dim3A_155 : i32 to vector<16xi32>
        %gather3A_157 = tpu.vector_load_idx %arg12[%add3A_63, %broadcast_in_dim3A_156] : memref<128x32xf32, #tpu.memory_space<vmem>>[vector<16xi32>, vector<16xi32>], vector<16xf32>,
        %gather3A_158 = tpu.vector_load_idx %arg13[%add3A_63, %broadcast_in_dim3A_156] : memref<128x32xf32, #tpu.memory_space<vmem>>[vector<16xi32>, vector<16xi32>], vector<16xf32>,
        %sub3A_159 = arith.subf %gather3A_157, %gather3A_158 : vector<16xf32>
        %mul3A_160 = arith.mulf %sub3A_159, %sub3A_159 : vector<16xf32>
        %add3A_161 = arith.addf %add3A_154, %mul3A_160 : vector<16xf32>
        %broadcast_in_dim3A_162 = arith.constant 14 : i32
        %broadcast_in_dim3A_163 = vector.broadcast %broadcast_in_dim3A_162 : i32 to vector<16xi32>
        %gather3A_164 = tpu.vector_load_idx %arg12[%add3A_63, %broadcast_in_dim3A_163] : memref<128x32xf32, #tpu.memory_space<vmem>>[vector<16xi32>, vector<16xi32>], vector<16xf32>,
        %gather3A_165 = tpu.vector_load_idx %arg13[%add3A_63, %broadcast_in_dim3A_163] : memref<128x32xf32, #tpu.memory_space<vmem>>[vector<16xi32>, vector<16xi32>], vector<16xf32>,
        %sub3A_166 = arith.subf %gather3A_164, %gather3A_165 : vector<16xf32>
        %mul3A_167 = arith.mulf %sub3A_166, %sub3A_166 : vector<16xf32>
        %add3A_168 = arith.addf %add3A_161, %mul3A_167 : vector<16xf32>
        %broadcast_in_dim3A_169 = arith.constant 15 : i32
        %broadcast_in_dim3A_170 = vector.broadcast %broadcast_in_dim3A_169 : i32 to vector<16xi32>
        %gather3A_171 = tpu.vector_load_idx %arg12[%add3A_63, %broadcast_in_dim3A_170] : memref<128x32xf32, #tpu.memory_space<vmem>>[vector<16xi32>, vector<16xi32>], vector<16xf32>,
        %gather3A_172 = tpu.vector_load_idx %arg13[%add3A_63, %broadcast_in_dim3A_170] : memref<128x32xf32, #tpu.memory_space<vmem>>[vector<16xi32>, vector<16xi32>], vector<16xf32>,
        %sub3A_173 = arith.subf %gather3A_171, %gather3A_172 : vector<16xf32>
        %mul3A_174 = arith.mulf %sub3A_173, %sub3A_173 : vector<16xf32>
        %add3A_175 = arith.addf %add3A_168, %mul3A_174 : vector<16xf32>
        %broadcast_in_dim3A_176 = arith.constant 16 : i32
        %broadcast_in_dim3A_177 = vector.broadcast %broadcast_in_dim3A_176 : i32 to vector<16xi32>
        %gather3A_178 = tpu.vector_load_idx %arg12[%add3A_63, %broadcast_in_dim3A_177] : memref<128x32xf32, #tpu.memory_space<vmem>>[vector<16xi32>, vector<16xi32>], vector<16xf32>,
        %gather3A_179 = tpu.vector_load_idx %arg13[%add3A_63, %broadcast_in_dim3A_177] : memref<128x32xf32, #tpu.memory_space<vmem>>[vector<16xi32>, vector<16xi32>], vector<16xf32>,
        %sub3A_180 = arith.subf %gather3A_178, %gather3A_179 : vector<16xf32>
        %mul3A_181 = arith.mulf %sub3A_180, %sub3A_180 : vector<16xf32>
        %add3A_182 = arith.addf %add3A_175, %mul3A_181 : vector<16xf32>
        %broadcast_in_dim3A_183 = arith.constant 17 : i32
        %broadcast_in_dim3A_184 = vector.broadcast %broadcast_in_dim3A_183 : i32 to vector<16xi32>
        %gather3A_185 = tpu.vector_load_idx %arg12[%add3A_63, %broadcast_in_dim3A_184] : memref<128x32xf32, #tpu.memory_space<vmem>>[vector<16xi32>, vector<16xi32>], vector<16xf32>,
        %gather3A_186 = tpu.vector_load_idx %arg13[%add3A_63, %broadcast_in_dim3A_184] : memref<128x32xf32, #tpu.memory_space<vmem>>[vector<16xi32>, vector<16xi32>], vector<16xf32>,
        %sub3A_187 = arith.subf %gather3A_185, %gather3A_186 : vector<16xf32>
        %mul3A_188 = arith.mulf %sub3A_187, %sub3A_187 : vector<16xf32>
        %add3A_189 = arith.addf %add3A_182, %mul3A_188 : vector<16xf32>
        %broadcast_in_dim3A_190 = arith.constant 18 : i32
        %broadcast_in_dim3A_191 = vector.broadcast %broadcast_in_dim3A_190 : i32 to vector<16xi32>
        %gather3A_192 = tpu.vector_load_idx %arg12[%add3A_63, %broadcast_in_dim3A_191] : memref<128x32xf32, #tpu.memory_space<vmem>>[vector<16xi32>, vector<16xi32>], vector<16xf32>,
        %gather3A_193 = tpu.vector_load_idx %arg13[%add3A_63, %broadcast_in_dim3A_191] : memref<128x32xf32, #tpu.memory_space<vmem>>[vector<16xi32>, vector<16xi32>], vector<16xf32>,
        %sub3A_194 = arith.subf %gather3A_192, %gather3A_193 : vector<16xf32>
        %mul3A_195 = arith.mulf %sub3A_194, %sub3A_194 : vector<16xf32>
        %add3A_196 = arith.addf %add3A_189, %mul3A_195 : vector<16xf32>
        %broadcast_in_dim3A_197 = arith.constant 19 : i32
        %broadcast_in_dim3A_198 = vector.broadcast %broadcast_in_dim3A_197 : i32 to vector<16xi32>
        %gather3A_199 = tpu.vector_load_idx %arg12[%add3A_63, %broadcast_in_dim3A_198] : memref<128x32xf32, #tpu.memory_space<vmem>>[vector<16xi32>, vector<16xi32>], vector<16xf32>,
        %gather3A_200 = tpu.vector_load_idx %arg13[%add3A_63, %broadcast_in_dim3A_198] : memref<128x32xf32, #tpu.memory_space<vmem>>[vector<16xi32>, vector<16xi32>], vector<16xf32>,
        %sub3A_201 = arith.subf %gather3A_199, %gather3A_200 : vector<16xf32>
        %mul3A_202 = arith.mulf %sub3A_201, %sub3A_201 : vector<16xf32>
        %add3A_203 = arith.addf %add3A_196, %mul3A_202 : vector<16xf32>
        %broadcast_in_dim3A_204 = arith.constant 20 : i32
        %broadcast_in_dim3A_205 = vector.broadcast %broadcast_in_dim3A_204 : i32 to vector<16xi32>
        %gather3A_206 = tpu.vector_load_idx %arg12[%add3A_63, %broadcast_in_dim3A_205] : memref<128x32xf32, #tpu.memory_space<vmem>>[vector<16xi32>, vector<16xi32>], vector<16xf32>,
        %gather3A_207 = tpu.vector_load_idx %arg13[%add3A_63, %broadcast_in_dim3A_205] : memref<128x32xf32, #tpu.memory_space<vmem>>[vector<16xi32>, vector<16xi32>], vector<16xf32>,
        %sub3A_208 = arith.subf %gather3A_206, %gather3A_207 : vector<16xf32>
        %mul3A_209 = arith.mulf %sub3A_208, %sub3A_208 : vector<16xf32>
        %add3A_210 = arith.addf %add3A_203, %mul3A_209 : vector<16xf32>
        %broadcast_in_dim3A_211 = arith.constant 21 : i32
        %broadcast_in_dim3A_212 = vector.broadcast %broadcast_in_dim3A_211 : i32 to vector<16xi32>
        %gather3A_213 = tpu.vector_load_idx %arg12[%add3A_63, %broadcast_in_dim3A_212] : memref<128x32xf32, #tpu.memory_space<vmem>>[vector<16xi32>, vector<16xi32>], vector<16xf32>,
        %gather3A_214 = tpu.vector_load_idx %arg13[%add3A_63, %broadcast_in_dim3A_212] : memref<128x32xf32, #tpu.memory_space<vmem>>[vector<16xi32>, vector<16xi32>], vector<16xf32>,
        %sub3A_215 = arith.subf %gather3A_213, %gather3A_214 : vector<16xf32>
        %mul3A_216 = arith.mulf %sub3A_215, %sub3A_215 : vector<16xf32>
        %add3A_217 = arith.addf %add3A_210, %mul3A_216 : vector<16xf32>
        %broadcast_in_dim3A_218 = arith.constant 22 : i32
        %broadcast_in_dim3A_219 = vector.broadcast %broadcast_in_dim3A_218 : i32 to vector<16xi32>
        %gather3A_220 = tpu.vector_load_idx %arg12[%add3A_63, %broadcast_in_dim3A_219] : memref<128x32xf32, #tpu.memory_space<vmem>>[vector<16xi32>, vector<16xi32>], vector<16xf32>,
        %gather3A_221 = tpu.vector_load_idx %arg13[%add3A_63, %broadcast_in_dim3A_219] : memref<128x32xf32, #tpu.memory_space<vmem>>[vector<16xi32>, vector<16xi32>], vector<16xf32>,
        %sub3A_222 = arith.subf %gather3A_220, %gather3A_221 : vector<16xf32>
        %mul3A_223 = arith.mulf %sub3A_222, %sub3A_222 : vector<16xf32>
        %add3A_224 = arith.addf %add3A_217, %mul3A_223 : vector<16xf32>
        %broadcast_in_dim3A_225 = arith.constant 23 : i32
        %broadcast_in_dim3A_226 = vector.broadcast %broadcast_in_dim3A_225 : i32 to vector<16xi32>
        %gather3A_227 = tpu.vector_load_idx %arg12[%add3A_63, %broadcast_in_dim3A_226] : memref<128x32xf32, #tpu.memory_space<vmem>>[vector<16xi32>, vector<16xi32>], vector<16xf32>,
        %gather3A_228 = tpu.vector_load_idx %arg13[%add3A_63, %broadcast_in_dim3A_226] : memref<128x32xf32, #tpu.memory_space<vmem>>[vector<16xi32>, vector<16xi32>], vector<16xf32>,
        %sub3A_229 = arith.subf %gather3A_227, %gather3A_228 : vector<16xf32>
        %mul3A_230 = arith.mulf %sub3A_229, %sub3A_229 : vector<16xf32>
        %add3A_231 = arith.addf %add3A_224, %mul3A_230 : vector<16xf32>
        %broadcast_in_dim3A_232 = arith.constant 24 : i32
        %broadcast_in_dim3A_233 = vector.broadcast %broadcast_in_dim3A_232 : i32 to vector<16xi32>
        %gather3A_234 = tpu.vector_load_idx %arg12[%add3A_63, %broadcast_in_dim3A_233] : memref<128x32xf32, #tpu.memory_space<vmem>>[vector<16xi32>, vector<16xi32>], vector<16xf32>,
        %gather3A_235 = tpu.vector_load_idx %arg13[%add3A_63, %broadcast_in_dim3A_233] : memref<128x32xf32, #tpu.memory_space<vmem>>[vector<16xi32>, vector<16xi32>], vector<16xf32>,
        %sub3A_236 = arith.subf %gather3A_234, %gather3A_235 : vector<16xf32>
        %mul3A_237 = arith.mulf %sub3A_236, %sub3A_236 : vector<16xf32>
        %add3A_238 = arith.addf %add3A_231, %mul3A_237 : vector<16xf32>
        %broadcast_in_dim3A_239 = arith.constant 25 : i32
        %broadcast_in_dim3A_240 = vector.broadcast %broadcast_in_dim3A_239 : i32 to vector<16xi32>
        %gather3A_241 = tpu.vector_load_idx %arg12[%add3A_63, %broadcast_in_dim3A_240] : memref<128x32xf32, #tpu.memory_space<vmem>>[vector<16xi32>, vector<16xi32>], vector<16xf32>,
        %gather3A_242 = tpu.vector_load_idx %arg13[%add3A_63, %broadcast_in_dim3A_240] : memref<128x32xf32, #tpu.memory_space<vmem>>[vector<16xi32>, vector<16xi32>], vector<16xf32>,
        %sub3A_243 = arith.subf %gather3A_241, %gather3A_242 : vector<16xf32>
        %mul3A_244 = arith.mulf %sub3A_243, %sub3A_243 : vector<16xf32>
        %add3A_245 = arith.addf %add3A_238, %mul3A_244 : vector<16xf32>
        %broadcast_in_dim3A_246 = arith.constant 26 : i32
        %broadcast_in_dim3A_247 = vector.broadcast %broadcast_in_dim3A_246 : i32 to vector<16xi32>
        %gather3A_248 = tpu.vector_load_idx %arg12[%add3A_63, %broadcast_in_dim3A_247] : memref<128x32xf32, #tpu.memory_space<vmem>>[vector<16xi32>, vector<16xi32>], vector<16xf32>,
        %gather3A_249 = tpu.vector_load_idx %arg13[%add3A_63, %broadcast_in_dim3A_247] : memref<128x32xf32, #tpu.memory_space<vmem>>[vector<16xi32>, vector<16xi32>], vector<16xf32>,
        %sub3A_250 = arith.subf %gather3A_248, %gather3A_249 : vector<16xf32>
        %mul3A_251 = arith.mulf %sub3A_250, %sub3A_250 : vector<16xf32>
        %add3A_252 = arith.addf %add3A_245, %mul3A_251 : vector<16xf32>
        %broadcast_in_dim3A_253 = arith.constant 27 : i32
        %broadcast_in_dim3A_254 = vector.broadcast %broadcast_in_dim3A_253 : i32 to vector<16xi32>
        %gather3A_255 = tpu.vector_load_idx %arg12[%add3A_63, %broadcast_in_dim3A_254] : memref<128x32xf32, #tpu.memory_space<vmem>>[vector<16xi32>, vector<16xi32>], vector<16xf32>,
        %gather3A_256 = tpu.vector_load_idx %arg13[%add3A_63, %broadcast_in_dim3A_254] : memref<128x32xf32, #tpu.memory_space<vmem>>[vector<16xi32>, vector<16xi32>], vector<16xf32>,
        %sub3A_257 = arith.subf %gather3A_255, %gather3A_256 : vector<16xf32>
        %mul3A_258 = arith.mulf %sub3A_257, %sub3A_257 : vector<16xf32>
        %add3A_259 = arith.addf %add3A_252, %mul3A_258 : vector<16xf32>
        %broadcast_in_dim3A_260 = arith.constant 28 : i32
        %broadcast_in_dim3A_261 = vector.broadcast %broadcast_in_dim3A_260 : i32 to vector<16xi32>
        %gather3A_262 = tpu.vector_load_idx %arg12[%add3A_63, %broadcast_in_dim3A_261] : memref<128x32xf32, #tpu.memory_space<vmem>>[vector<16xi32>, vector<16xi32>], vector<16xf32>,
        %gather3A_263 = tpu.vector_load_idx %arg13[%add3A_63, %broadcast_in_dim3A_261] : memref<128x32xf32, #tpu.memory_space<vmem>>[vector<16xi32>, vector<16xi32>], vector<16xf32>,
        %sub3A_264 = arith.subf %gather3A_262, %gather3A_263 : vector<16xf32>
        %mul3A_265 = arith.mulf %sub3A_264, %sub3A_264 : vector<16xf32>
        %add3A_266 = arith.addf %add3A_259, %mul3A_265 : vector<16xf32>
        %broadcast_in_dim3A_267 = arith.constant 29 : i32
        %broadcast_in_dim3A_268 = vector.broadcast %broadcast_in_dim3A_267 : i32 to vector<16xi32>
        %gather3A_269 = tpu.vector_load_idx %arg12[%add3A_63, %broadcast_in_dim3A_268] : memref<128x32xf32, #tpu.memory_space<vmem>>[vector<16xi32>, vector<16xi32>], vector<16xf32>,
        %gather3A_270 = tpu.vector_load_idx %arg13[%add3A_63, %broadcast_in_dim3A_268] : memref<128x32xf32, #tpu.memory_space<vmem>>[vector<16xi32>, vector<16xi32>], vector<16xf32>,
        %sub3A_271 = arith.subf %gather3A_269, %gather3A_270 : vector<16xf32>
        %mul3A_272 = arith.mulf %sub3A_271, %sub3A_271 : vector<16xf32>
        %add3A_273 = arith.addf %add3A_266, %mul3A_272 : vector<16xf32>
        %broadcast_in_dim3A_274 = arith.constant 30 : i32
        %broadcast_in_dim3A_275 = vector.broadcast %broadcast_in_dim3A_274 : i32 to vector<16xi32>
        %gather3A_276 = tpu.vector_load_idx %arg12[%add3A_63, %broadcast_in_dim3A_275] : memref<128x32xf32, #tpu.memory_space<vmem>>[vector<16xi32>, vector<16xi32>], vector<16xf32>,
        %gather3A_277 = tpu.vector_load_idx %arg13[%add3A_63, %broadcast_in_dim3A_275] : memref<128x32xf32, #tpu.memory_space<vmem>>[vector<16xi32>, vector<16xi32>], vector<16xf32>,
        %sub3A_278 = arith.subf %gather3A_276, %gather3A_277 : vector<16xf32>
        %mul3A_279 = arith.mulf %sub3A_278, %sub3A_278 : vector<16xf32>
        %add3A_280 = arith.addf %add3A_273, %mul3A_279 : vector<16xf32>
        %broadcast_in_dim3A_281 = arith.constant 31 : i32
        %broadcast_in_dim3A_282 = vector.broadcast %broadcast_in_dim3A_281 : i32 to vector<16xi32>
        %gather3A_283 = tpu.vector_load_idx %arg12[%add3A_63, %broadcast_in_dim3A_282] : memref<128x32xf32, #tpu.memory_space<vmem>>[vector<16xi32>, vector<16xi32>], vector<16xf32>,
        %gather3A_284 = tpu.vector_load_idx %arg13[%add3A_63, %broadcast_in_dim3A_282] : memref<128x32xf32, #tpu.memory_space<vmem>>[vector<16xi32>, vector<16xi32>], vector<16xf32>,
        %sub3A_285 = arith.subf %gather3A_283, %gather3A_284 : vector<16xf32>
        %mul3A_286 = arith.mulf %sub3A_285, %sub3A_285 : vector<16xf32>
        %add3A_287 = arith.addf %add3A_280, %mul3A_286 : vector<16xf32>
        %add3A_288 = arith.constant 9.99999996E-13 : f32
        %add3A_289 = vector.broadcast %add3A_288 : f32 to vector<16xf32>
        %add3A_290 = arith.addf %add3A_287, %add3A_289 : vector<16xf32>
        %bitcast_convert_type3A = tpu.bitcast %add3A_290 : vector<16xf32> -> vector<16xi32>
        %shift_right_logical3A = arith.constant 1 : i32
        %shift_right_logical3A_291 = vector.broadcast %shift_right_logical3A : i32 to vector<16xi32>
        %shift_right_logical3A_292 = arith.shrui %bitcast_convert_type3A, %shift_right_logical3A_291 : vector<16xi32>
        %add3A_293 = arith.constant 532487669 : i32
        %add3A_294 = vector.broadcast %add3A_293 : i32 to vector<16xi32>
        %add3A_295 = arith.addi %shift_right_logical3A_292, %add3A_294 : vector<16xi32>
        %bitcast_convert_type3A_296 = tpu.bitcast %add3A_295 : vector<16xi32> -> vector<16xf32>
        %div3A = arith.divf %add3A_290, %bitcast_convert_type3A_296 : vector<16xf32>
        %add3A_297 = arith.addf %bitcast_convert_type3A_296, %div3A : vector<16xf32>
        %mul3A_298 = arith.constant 5.000000e-01 : f32
        %mul3A_299 = vector.broadcast %mul3A_298 : f32 to vector<16xf32>
        %mul3A_300 = arith.mulf %mul3A_299, %add3A_297 : vector<16xf32>
        %div3A_301 = arith.divf %add3A_290, %mul3A_300 : vector<16xf32>
        %add3A_302 = arith.addf %mul3A_300, %div3A_301 : vector<16xf32>
        %mul3A_303 = arith.constant 5.000000e-01 : f32
        %mul3A_304 = vector.broadcast %mul3A_303 : f32 to vector<16xf32>
        %mul3A_305 = arith.mulf %mul3A_304, %add3A_302 : vector<16xf32>
        %add3A_306 = arith.addf %while3A_59, %mul3A_305 : vector<16xf32>
        scf.yield %add3A_306 : vector<16xf32>
      }
      scf.yield %while3A_57 : vector<16xf32>
    }
    %swap3A = arith.constant 0 : index
    %swap3A_13 = tpu.vector_load %arg14[%swap3A] {strides = array<i32>} : memref<16xf32, #tpu.memory_space<vmem>>, vector<16xf32>,
    tpu.vector_store %arg14[%swap3A], %while3A_12 {strides = array<i32>} : memref<16xf32, #tpu.memory_space<vmem>>, vector<16xf32>,
    %run_scoped3A = arith.constant 0 : i32
    "tpu.region"() ({
      %run_scoped3A_29 = tpu.sem_alloc : memref<!tpu.dma_semaphore, #tpu.memory_space<semaphore_mem>>
      %dma_start3A = arith.constant 0 : i32
      %dma_start3A_30 = tpu.memref_slice %arg8[%run_scoped3A, %add3A, %dma_start3A] : memref<2x32x16xf32, #tpu.memory_space<hbm>> -> memref<1x1x16xf32, #tpu.memory_space<hbm>>
      %dma_start3A_31 = tpu.memref_squeeze %dma_start3A_30 : memref<1x1x16xf32, #tpu.memory_space<hbm>> -> memref<16xf32, #tpu.memory_space<hbm>>
      %dma_start3A_32 = arith.constant 0 : i32
      %dma_start3A_33 = tpu.memref_slice %arg8[%run_scoped3A, %add3A, %dma_start3A_32] : memref<2x32x16xf32, #tpu.memory_space<hbm>> -> memref<1x1x16xf32, #tpu.memory_space<hbm>>
      %dma_start3A_34 = tpu.memref_squeeze %dma_start3A_33 : memref<1x1x16xf32, #tpu.memory_space<hbm>> -> memref<16xf32, #tpu.memory_space<hbm>>
      tpu.enqueue_dma source(%arg14 : memref<16xf32, #tpu.memory_space<vmem>>) target(%dma_start3A_34 : memref<16xf32, #tpu.memory_space<hbm>>) target_semaphore(%run_scoped3A_29 : memref<!tpu.dma_semaphore, #tpu.memory_space<semaphore_mem>>)
      %dma_wait3A = arith.constant 0 : i32
      %dma_wait3A_35 = tpu.memref_slice %arg8[%run_scoped3A, %add3A, %dma_wait3A] : memref<2x32x16xf32, #tpu.memory_space<hbm>> -> memref<1x1x16xf32, #tpu.memory_space<hbm>>
      %dma_wait3A_36 = tpu.memref_squeeze %dma_wait3A_35 : memref<1x1x16xf32, #tpu.memory_space<hbm>> -> memref<16xf32, #tpu.memory_space<hbm>>
      %dma_wait3A_37 = arith.constant 0 : i32
      %dma_wait3A_38 = tpu.memref_slice %arg8[%run_scoped3A, %add3A, %dma_wait3A_37] : memref<2x32x16xf32, #tpu.memory_space<hbm>> -> memref<1x1x16xf32, #tpu.memory_space<hbm>>
      %dma_wait3A_39 = tpu.memref_squeeze %dma_wait3A_38 : memref<1x1x16xf32, #tpu.memory_space<hbm>> -> memref<16xf32, #tpu.memory_space<hbm>>
      tpu.wait_dma2 semaphore(%run_scoped3A_29 : memref<!tpu.dma_semaphore, #tpu.memory_space<semaphore_mem>>) src(%arg14 : memref<16xf32, #tpu.memory_space<vmem>>) dst(%dma_wait3A_39 : memref<16xf32, #tpu.memory_space<hbm>>)
      tpu.yield
    }) : () -> ()
    %while3A_14 = arith.constant 0 : i32
    %while3A_15 = arith.constant 32 : i32
    %while3A_16 = arith.subi %while3A_15, %while3A_14 : i32
    %while3A_17 = arith.addi %while3A_14, %while3A_16 : i32
    %while3A_18 = arith.constant 1 : i32
    %while3A_19 = arith.divsi %while3A_16, %while3A_18 : i32
    %while3A_20 = arith.muli %while3A_19, %while3A_18 : i32
    %while3A_21 = arith.addi %while3A_14, %while3A_20 : i32
    %while3A_22 = arith.constant 1 : i32
    %while3A_23 = scf.for %while3A_29 = %while3A_14 to %while3A_21 step %while3A_22 iter_args(%while3A_30 = %broadcast_in_dim3A_1) -> (vector<16xf32>)  : i32 {
      %mul3A_31 = arith.constant 32 : i32
      %mul3A_32 = arith.muli %add3A, %mul3A_31 : i32
      %add3A_33 = arith.addi %mul3A_32, %while3A_29 : i32
      %mul3A_34 = arith.constant 128 : i32
      %mul3A_35 = arith.muli %add3A_33, %mul3A_34 : i32
      "tpu.region"() ({
        %run_scoped3A_58 = tpu.sem_alloc : memref<!tpu.dma_semaphore, #tpu.memory_space<semaphore_mem>>
        %dma_start3A_59 = tpu.memref_slice %arg5[%mul3A_35] : memref<131072xi32, #tpu.memory_space<hbm>> -> memref<128xi32, #tpu.memory_space<hbm>>
        %dma_start3A_60 = tpu.memref_slice %arg5[%mul3A_35] : memref<131072xi32, #tpu.memory_space<hbm>> -> memref<128xi32, #tpu.memory_space<hbm>>
        tpu.enqueue_dma source(%dma_start3A_60 : memref<128xi32, #tpu.memory_space<hbm>>) target(%arg10 : memref<128xi32, #tpu.memory_space<vmem>>) target_semaphore(%run_scoped3A_58 : memref<!tpu.dma_semaphore, #tpu.memory_space<semaphore_mem>>)
        %dma_wait3A_61 = tpu.memref_slice %arg5[%mul3A_35] : memref<131072xi32, #tpu.memory_space<hbm>> -> memref<128xi32, #tpu.memory_space<hbm>>
        %dma_wait3A_62 = tpu.memref_slice %arg5[%mul3A_35] : memref<131072xi32, #tpu.memory_space<hbm>> -> memref<128xi32, #tpu.memory_space<hbm>>
        tpu.wait_dma2 semaphore(%run_scoped3A_58 : memref<!tpu.dma_semaphore, #tpu.memory_space<semaphore_mem>>) src(%dma_wait3A_62 : memref<128xi32, #tpu.memory_space<hbm>>) dst(%arg10 : memref<128xi32, #tpu.memory_space<vmem>>)
        tpu.yield
      }) : () -> ()
      "tpu.region"() ({
        %run_scoped3A_58 = tpu.sem_alloc : memref<!tpu.dma_semaphore, #tpu.memory_space<semaphore_mem>>
        %dma_start3A_59 = tpu.memref_slice %arg6[%mul3A_35] : memref<131072xi32, #tpu.memory_space<hbm>> -> memref<128xi32, #tpu.memory_space<hbm>>
        %dma_start3A_60 = tpu.memref_slice %arg6[%mul3A_35] : memref<131072xi32, #tpu.memory_space<hbm>> -> memref<128xi32, #tpu.memory_space<hbm>>
        tpu.enqueue_dma source(%dma_start3A_60 : memref<128xi32, #tpu.memory_space<hbm>>) target(%arg11 : memref<128xi32, #tpu.memory_space<vmem>>) target_semaphore(%run_scoped3A_58 : memref<!tpu.dma_semaphore, #tpu.memory_space<semaphore_mem>>)
        %dma_wait3A_61 = tpu.memref_slice %arg6[%mul3A_35] : memref<131072xi32, #tpu.memory_space<hbm>> -> memref<128xi32, #tpu.memory_space<hbm>>
        %dma_wait3A_62 = tpu.memref_slice %arg6[%mul3A_35] : memref<131072xi32, #tpu.memory_space<hbm>> -> memref<128xi32, #tpu.memory_space<hbm>>
        tpu.wait_dma2 semaphore(%run_scoped3A_58 : memref<!tpu.dma_semaphore, #tpu.memory_space<semaphore_mem>>) src(%dma_wait3A_62 : memref<128xi32, #tpu.memory_space<hbm>>) dst(%arg11 : memref<128xi32, #tpu.memory_space<vmem>>)
        tpu.yield
      }) : () -> ()
      %dma_start3A = arith.constant 0 : i32
      %dma_start3A_36 = arith.constant 0 : i32
      %dma_start3A_37 = tpu.memref_slice %arg2[%dma_start3A, %dma_start3A_36] : memref<16384x32xf32, #tpu.memory_space<hbm>> -> memref<16384x32xf32, #tpu.memory_space<hbm>>
      tpu.enqueue_indirect_dma source(%dma_start3A_37 : memref<16384x32xf32, #tpu.memory_space<hbm>>) target(%arg12 : memref<128x32xf32, #tpu.memory_space<vmem>>) offsets(%arg10 : memref<128xi32, #tpu.memory_space<vmem>>) semaphore(%arg15 : memref<!tpu.dma_semaphore, #tpu.memory_space<semaphore_mem>>)
      %dma_wait3A = arith.constant 0 : i32
      %dma_wait3A_38 = arith.constant 0 : i32
      %dma_wait3A_39 = tpu.memref_slice %arg2[%dma_wait3A, %dma_wait3A_38] : memref<16384x32xf32, #tpu.memory_space<hbm>> -> memref<16384x32xf32, #tpu.memory_space<hbm>>
      tpu.wait_indirect_dma semaphore(%arg15 : memref<!tpu.dma_semaphore, #tpu.memory_space<semaphore_mem>>) src(%dma_wait3A_39 : memref<16384x32xf32, #tpu.memory_space<hbm>>) dst(%arg12 : memref<128x32xf32, #tpu.memory_space<vmem>>)
      %dma_start3A_40 = arith.constant 0 : i32
      %dma_start3A_41 = arith.constant 0 : i32
      %dma_start3A_42 = tpu.memref_slice %arg2[%dma_start3A_40, %dma_start3A_41] : memref<16384x32xf32, #tpu.memory_space<hbm>> -> memref<16384x32xf32, #tpu.memory_space<hbm>>
      tpu.enqueue_indirect_dma source(%dma_start3A_42 : memref<16384x32xf32, #tpu.memory_space<hbm>>) target(%arg13 : memref<128x32xf32, #tpu.memory_space<vmem>>) offsets(%arg11 : memref<128xi32, #tpu.memory_space<vmem>>) semaphore(%arg16 : memref<!tpu.dma_semaphore, #tpu.memory_space<semaphore_mem>>)
      %dma_wait3A_43 = arith.constant 0 : i32
      %dma_wait3A_44 = arith.constant 0 : i32
      %dma_wait3A_45 = tpu.memref_slice %arg2[%dma_wait3A_43, %dma_wait3A_44] : memref<16384x32xf32, #tpu.memory_space<hbm>> -> memref<16384x32xf32, #tpu.memory_space<hbm>>
      tpu.wait_indirect_dma semaphore(%arg16 : memref<!tpu.dma_semaphore, #tpu.memory_space<semaphore_mem>>) src(%dma_wait3A_45 : memref<16384x32xf32, #tpu.memory_space<hbm>>) dst(%arg13 : memref<128x32xf32, #tpu.memory_space<vmem>>)
      %while3A_46 = arith.constant 0 : i32
      %while3A_47 = arith.constant 8 : i32
      %while3A_48 = arith.subi %while3A_47, %while3A_46 : i32
      %while3A_49 = arith.addi %while3A_46, %while3A_48 : i32
      %while3A_50 = arith.constant 1 : i32
      %while3A_51 = arith.divsi %while3A_48, %while3A_50 : i32
      %while3A_52 = arith.muli %while3A_51, %while3A_50 : i32
      %while3A_53 = arith.addi %while3A_46, %while3A_52 : i32
      %while3A_54 = arith.constant 1 : i32
      %while3A_55 = scf.for %while3A_58 = %while3A_46 to %while3A_53 step %while3A_54 iter_args(%while3A_59 = %while3A_30) -> (vector<16xf32>)  : i32 {
        %mul3A_60 = arith.constant 16 : i32
        %mul3A_61 = arith.muli %while3A_58, %mul3A_60 : i32
        %add3A_62 = vector.broadcast %mul3A_61 : i32 to vector<16xi32>
        %add3A_63 = arith.addi %add3A_62, %iota3A : vector<16xi32>
        %broadcast_in_dim3A_64 = arith.constant 0.000000e+00 : f32
        %broadcast_in_dim3A_65 = vector.broadcast %broadcast_in_dim3A_64 : f32 to vector<16xf32>
        %broadcast_in_dim3A_66 = arith.constant 0 : i32
        %broadcast_in_dim3A_67 = vector.broadcast %broadcast_in_dim3A_66 : i32 to vector<16xi32>
        %gather3A = tpu.vector_load_idx %arg12[%add3A_63, %broadcast_in_dim3A_67] : memref<128x32xf32, #tpu.memory_space<vmem>>[vector<16xi32>, vector<16xi32>], vector<16xf32>,
        %gather3A_68 = tpu.vector_load_idx %arg13[%add3A_63, %broadcast_in_dim3A_67] : memref<128x32xf32, #tpu.memory_space<vmem>>[vector<16xi32>, vector<16xi32>], vector<16xf32>,
        %sub3A = arith.subf %gather3A, %gather3A_68 : vector<16xf32>
        %mul3A_69 = arith.mulf %sub3A, %sub3A : vector<16xf32>
        %add3A_70 = arith.addf %broadcast_in_dim3A_65, %mul3A_69 : vector<16xf32>
        %broadcast_in_dim3A_71 = arith.constant 1 : i32
        %broadcast_in_dim3A_72 = vector.broadcast %broadcast_in_dim3A_71 : i32 to vector<16xi32>
        %gather3A_73 = tpu.vector_load_idx %arg12[%add3A_63, %broadcast_in_dim3A_72] : memref<128x32xf32, #tpu.memory_space<vmem>>[vector<16xi32>, vector<16xi32>], vector<16xf32>,
        %gather3A_74 = tpu.vector_load_idx %arg13[%add3A_63, %broadcast_in_dim3A_72] : memref<128x32xf32, #tpu.memory_space<vmem>>[vector<16xi32>, vector<16xi32>], vector<16xf32>,
        %sub3A_75 = arith.subf %gather3A_73, %gather3A_74 : vector<16xf32>
        %mul3A_76 = arith.mulf %sub3A_75, %sub3A_75 : vector<16xf32>
        %add3A_77 = arith.addf %add3A_70, %mul3A_76 : vector<16xf32>
        %broadcast_in_dim3A_78 = arith.constant 2 : i32
        %broadcast_in_dim3A_79 = vector.broadcast %broadcast_in_dim3A_78 : i32 to vector<16xi32>
        %gather3A_80 = tpu.vector_load_idx %arg12[%add3A_63, %broadcast_in_dim3A_79] : memref<128x32xf32, #tpu.memory_space<vmem>>[vector<16xi32>, vector<16xi32>], vector<16xf32>,
        %gather3A_81 = tpu.vector_load_idx %arg13[%add3A_63, %broadcast_in_dim3A_79] : memref<128x32xf32, #tpu.memory_space<vmem>>[vector<16xi32>, vector<16xi32>], vector<16xf32>,
        %sub3A_82 = arith.subf %gather3A_80, %gather3A_81 : vector<16xf32>
        %mul3A_83 = arith.mulf %sub3A_82, %sub3A_82 : vector<16xf32>
        %add3A_84 = arith.addf %add3A_77, %mul3A_83 : vector<16xf32>
        %broadcast_in_dim3A_85 = arith.constant 3 : i32
        %broadcast_in_dim3A_86 = vector.broadcast %broadcast_in_dim3A_85 : i32 to vector<16xi32>
        %gather3A_87 = tpu.vector_load_idx %arg12[%add3A_63, %broadcast_in_dim3A_86] : memref<128x32xf32, #tpu.memory_space<vmem>>[vector<16xi32>, vector<16xi32>], vector<16xf32>,
        %gather3A_88 = tpu.vector_load_idx %arg13[%add3A_63, %broadcast_in_dim3A_86] : memref<128x32xf32, #tpu.memory_space<vmem>>[vector<16xi32>, vector<16xi32>], vector<16xf32>,
        %sub3A_89 = arith.subf %gather3A_87, %gather3A_88 : vector<16xf32>
        %mul3A_90 = arith.mulf %sub3A_89, %sub3A_89 : vector<16xf32>
        %add3A_91 = arith.addf %add3A_84, %mul3A_90 : vector<16xf32>
        %broadcast_in_dim3A_92 = arith.constant 4 : i32
        %broadcast_in_dim3A_93 = vector.broadcast %broadcast_in_dim3A_92 : i32 to vector<16xi32>
        %gather3A_94 = tpu.vector_load_idx %arg12[%add3A_63, %broadcast_in_dim3A_93] : memref<128x32xf32, #tpu.memory_space<vmem>>[vector<16xi32>, vector<16xi32>], vector<16xf32>,
        %gather3A_95 = tpu.vector_load_idx %arg13[%add3A_63, %broadcast_in_dim3A_93] : memref<128x32xf32, #tpu.memory_space<vmem>>[vector<16xi32>, vector<16xi32>], vector<16xf32>,
        %sub3A_96 = arith.subf %gather3A_94, %gather3A_95 : vector<16xf32>
        %mul3A_97 = arith.mulf %sub3A_96, %sub3A_96 : vector<16xf32>
        %add3A_98 = arith.addf %add3A_91, %mul3A_97 : vector<16xf32>
        %broadcast_in_dim3A_99 = arith.constant 5 : i32
        %broadcast_in_dim3A_100 = vector.broadcast %broadcast_in_dim3A_99 : i32 to vector<16xi32>
        %gather3A_101 = tpu.vector_load_idx %arg12[%add3A_63, %broadcast_in_dim3A_100] : memref<128x32xf32, #tpu.memory_space<vmem>>[vector<16xi32>, vector<16xi32>], vector<16xf32>,
        %gather3A_102 = tpu.vector_load_idx %arg13[%add3A_63, %broadcast_in_dim3A_100] : memref<128x32xf32, #tpu.memory_space<vmem>>[vector<16xi32>, vector<16xi32>], vector<16xf32>,
        %sub3A_103 = arith.subf %gather3A_101, %gather3A_102 : vector<16xf32>
        %mul3A_104 = arith.mulf %sub3A_103, %sub3A_103 : vector<16xf32>
        %add3A_105 = arith.addf %add3A_98, %mul3A_104 : vector<16xf32>
        %broadcast_in_dim3A_106 = arith.constant 6 : i32
        %broadcast_in_dim3A_107 = vector.broadcast %broadcast_in_dim3A_106 : i32 to vector<16xi32>
        %gather3A_108 = tpu.vector_load_idx %arg12[%add3A_63, %broadcast_in_dim3A_107] : memref<128x32xf32, #tpu.memory_space<vmem>>[vector<16xi32>, vector<16xi32>], vector<16xf32>,
        %gather3A_109 = tpu.vector_load_idx %arg13[%add3A_63, %broadcast_in_dim3A_107] : memref<128x32xf32, #tpu.memory_space<vmem>>[vector<16xi32>, vector<16xi32>], vector<16xf32>,
        %sub3A_110 = arith.subf %gather3A_108, %gather3A_109 : vector<16xf32>
        %mul3A_111 = arith.mulf %sub3A_110, %sub3A_110 : vector<16xf32>
        %add3A_112 = arith.addf %add3A_105, %mul3A_111 : vector<16xf32>
        %broadcast_in_dim3A_113 = arith.constant 7 : i32
        %broadcast_in_dim3A_114 = vector.broadcast %broadcast_in_dim3A_113 : i32 to vector<16xi32>
        %gather3A_115 = tpu.vector_load_idx %arg12[%add3A_63, %broadcast_in_dim3A_114] : memref<128x32xf32, #tpu.memory_space<vmem>>[vector<16xi32>, vector<16xi32>], vector<16xf32>,
        %gather3A_116 = tpu.vector_load_idx %arg13[%add3A_63, %broadcast_in_dim3A_114] : memref<128x32xf32, #tpu.memory_space<vmem>>[vector<16xi32>, vector<16xi32>], vector<16xf32>,
        %sub3A_117 = arith.subf %gather3A_115, %gather3A_116 : vector<16xf32>
        %mul3A_118 = arith.mulf %sub3A_117, %sub3A_117 : vector<16xf32>
        %add3A_119 = arith.addf %add3A_112, %mul3A_118 : vector<16xf32>
        %broadcast_in_dim3A_120 = arith.constant 8 : i32
        %broadcast_in_dim3A_121 = vector.broadcast %broadcast_in_dim3A_120 : i32 to vector<16xi32>
        %gather3A_122 = tpu.vector_load_idx %arg12[%add3A_63, %broadcast_in_dim3A_121] : memref<128x32xf32, #tpu.memory_space<vmem>>[vector<16xi32>, vector<16xi32>], vector<16xf32>,
        %gather3A_123 = tpu.vector_load_idx %arg13[%add3A_63, %broadcast_in_dim3A_121] : memref<128x32xf32, #tpu.memory_space<vmem>>[vector<16xi32>, vector<16xi32>], vector<16xf32>,
        %sub3A_124 = arith.subf %gather3A_122, %gather3A_123 : vector<16xf32>
        %mul3A_125 = arith.mulf %sub3A_124, %sub3A_124 : vector<16xf32>
        %add3A_126 = arith.addf %add3A_119, %mul3A_125 : vector<16xf32>
        %broadcast_in_dim3A_127 = arith.constant 9 : i32
        %broadcast_in_dim3A_128 = vector.broadcast %broadcast_in_dim3A_127 : i32 to vector<16xi32>
        %gather3A_129 = tpu.vector_load_idx %arg12[%add3A_63, %broadcast_in_dim3A_128] : memref<128x32xf32, #tpu.memory_space<vmem>>[vector<16xi32>, vector<16xi32>], vector<16xf32>,
        %gather3A_130 = tpu.vector_load_idx %arg13[%add3A_63, %broadcast_in_dim3A_128] : memref<128x32xf32, #tpu.memory_space<vmem>>[vector<16xi32>, vector<16xi32>], vector<16xf32>,
        %sub3A_131 = arith.subf %gather3A_129, %gather3A_130 : vector<16xf32>
        %mul3A_132 = arith.mulf %sub3A_131, %sub3A_131 : vector<16xf32>
        %add3A_133 = arith.addf %add3A_126, %mul3A_132 : vector<16xf32>
        %broadcast_in_dim3A_134 = arith.constant 10 : i32
        %broadcast_in_dim3A_135 = vector.broadcast %broadcast_in_dim3A_134 : i32 to vector<16xi32>
        %gather3A_136 = tpu.vector_load_idx %arg12[%add3A_63, %broadcast_in_dim3A_135] : memref<128x32xf32, #tpu.memory_space<vmem>>[vector<16xi32>, vector<16xi32>], vector<16xf32>,
        %gather3A_137 = tpu.vector_load_idx %arg13[%add3A_63, %broadcast_in_dim3A_135] : memref<128x32xf32, #tpu.memory_space<vmem>>[vector<16xi32>, vector<16xi32>], vector<16xf32>,
        %sub3A_138 = arith.subf %gather3A_136, %gather3A_137 : vector<16xf32>
        %mul3A_139 = arith.mulf %sub3A_138, %sub3A_138 : vector<16xf32>
        %add3A_140 = arith.addf %add3A_133, %mul3A_139 : vector<16xf32>
        %broadcast_in_dim3A_141 = arith.constant 11 : i32
        %broadcast_in_dim3A_142 = vector.broadcast %broadcast_in_dim3A_141 : i32 to vector<16xi32>
        %gather3A_143 = tpu.vector_load_idx %arg12[%add3A_63, %broadcast_in_dim3A_142] : memref<128x32xf32, #tpu.memory_space<vmem>>[vector<16xi32>, vector<16xi32>], vector<16xf32>,
        %gather3A_144 = tpu.vector_load_idx %arg13[%add3A_63, %broadcast_in_dim3A_142] : memref<128x32xf32, #tpu.memory_space<vmem>>[vector<16xi32>, vector<16xi32>], vector<16xf32>,
        %sub3A_145 = arith.subf %gather3A_143, %gather3A_144 : vector<16xf32>
        %mul3A_146 = arith.mulf %sub3A_145, %sub3A_145 : vector<16xf32>
        %add3A_147 = arith.addf %add3A_140, %mul3A_146 : vector<16xf32>
        %broadcast_in_dim3A_148 = arith.constant 12 : i32
        %broadcast_in_dim3A_149 = vector.broadcast %broadcast_in_dim3A_148 : i32 to vector<16xi32>
        %gather3A_150 = tpu.vector_load_idx %arg12[%add3A_63, %broadcast_in_dim3A_149] : memref<128x32xf32, #tpu.memory_space<vmem>>[vector<16xi32>, vector<16xi32>], vector<16xf32>,
        %gather3A_151 = tpu.vector_load_idx %arg13[%add3A_63, %broadcast_in_dim3A_149] : memref<128x32xf32, #tpu.memory_space<vmem>>[vector<16xi32>, vector<16xi32>], vector<16xf32>,
        %sub3A_152 = arith.subf %gather3A_150, %gather3A_151 : vector<16xf32>
        %mul3A_153 = arith.mulf %sub3A_152, %sub3A_152 : vector<16xf32>
        %add3A_154 = arith.addf %add3A_147, %mul3A_153 : vector<16xf32>
        %broadcast_in_dim3A_155 = arith.constant 13 : i32
        %broadcast_in_dim3A_156 = vector.broadcast %broadcast_in_dim3A_155 : i32 to vector<16xi32>
        %gather3A_157 = tpu.vector_load_idx %arg12[%add3A_63, %broadcast_in_dim3A_156] : memref<128x32xf32, #tpu.memory_space<vmem>>[vector<16xi32>, vector<16xi32>], vector<16xf32>,
        %gather3A_158 = tpu.vector_load_idx %arg13[%add3A_63, %broadcast_in_dim3A_156] : memref<128x32xf32, #tpu.memory_space<vmem>>[vector<16xi32>, vector<16xi32>], vector<16xf32>,
        %sub3A_159 = arith.subf %gather3A_157, %gather3A_158 : vector<16xf32>
        %mul3A_160 = arith.mulf %sub3A_159, %sub3A_159 : vector<16xf32>
        %add3A_161 = arith.addf %add3A_154, %mul3A_160 : vector<16xf32>
        %broadcast_in_dim3A_162 = arith.constant 14 : i32
        %broadcast_in_dim3A_163 = vector.broadcast %broadcast_in_dim3A_162 : i32 to vector<16xi32>
        %gather3A_164 = tpu.vector_load_idx %arg12[%add3A_63, %broadcast_in_dim3A_163] : memref<128x32xf32, #tpu.memory_space<vmem>>[vector<16xi32>, vector<16xi32>], vector<16xf32>,
        %gather3A_165 = tpu.vector_load_idx %arg13[%add3A_63, %broadcast_in_dim3A_163] : memref<128x32xf32, #tpu.memory_space<vmem>>[vector<16xi32>, vector<16xi32>], vector<16xf32>,
        %sub3A_166 = arith.subf %gather3A_164, %gather3A_165 : vector<16xf32>
        %mul3A_167 = arith.mulf %sub3A_166, %sub3A_166 : vector<16xf32>
        %add3A_168 = arith.addf %add3A_161, %mul3A_167 : vector<16xf32>
        %broadcast_in_dim3A_169 = arith.constant 15 : i32
        %broadcast_in_dim3A_170 = vector.broadcast %broadcast_in_dim3A_169 : i32 to vector<16xi32>
        %gather3A_171 = tpu.vector_load_idx %arg12[%add3A_63, %broadcast_in_dim3A_170] : memref<128x32xf32, #tpu.memory_space<vmem>>[vector<16xi32>, vector<16xi32>], vector<16xf32>,
        %gather3A_172 = tpu.vector_load_idx %arg13[%add3A_63, %broadcast_in_dim3A_170] : memref<128x32xf32, #tpu.memory_space<vmem>>[vector<16xi32>, vector<16xi32>], vector<16xf32>,
        %sub3A_173 = arith.subf %gather3A_171, %gather3A_172 : vector<16xf32>
        %mul3A_174 = arith.mulf %sub3A_173, %sub3A_173 : vector<16xf32>
        %add3A_175 = arith.addf %add3A_168, %mul3A_174 : vector<16xf32>
        %broadcast_in_dim3A_176 = arith.constant 16 : i32
        %broadcast_in_dim3A_177 = vector.broadcast %broadcast_in_dim3A_176 : i32 to vector<16xi32>
        %gather3A_178 = tpu.vector_load_idx %arg12[%add3A_63, %broadcast_in_dim3A_177] : memref<128x32xf32, #tpu.memory_space<vmem>>[vector<16xi32>, vector<16xi32>], vector<16xf32>,
        %gather3A_179 = tpu.vector_load_idx %arg13[%add3A_63, %broadcast_in_dim3A_177] : memref<128x32xf32, #tpu.memory_space<vmem>>[vector<16xi32>, vector<16xi32>], vector<16xf32>,
        %sub3A_180 = arith.subf %gather3A_178, %gather3A_179 : vector<16xf32>
        %mul3A_181 = arith.mulf %sub3A_180, %sub3A_180 : vector<16xf32>
        %add3A_182 = arith.addf %add3A_175, %mul3A_181 : vector<16xf32>
        %broadcast_in_dim3A_183 = arith.constant 17 : i32
        %broadcast_in_dim3A_184 = vector.broadcast %broadcast_in_dim3A_183 : i32 to vector<16xi32>
        %gather3A_185 = tpu.vector_load_idx %arg12[%add3A_63, %broadcast_in_dim3A_184] : memref<128x32xf32, #tpu.memory_space<vmem>>[vector<16xi32>, vector<16xi32>], vector<16xf32>,
        %gather3A_186 = tpu.vector_load_idx %arg13[%add3A_63, %broadcast_in_dim3A_184] : memref<128x32xf32, #tpu.memory_space<vmem>>[vector<16xi32>, vector<16xi32>], vector<16xf32>,
        %sub3A_187 = arith.subf %gather3A_185, %gather3A_186 : vector<16xf32>
        %mul3A_188 = arith.mulf %sub3A_187, %sub3A_187 : vector<16xf32>
        %add3A_189 = arith.addf %add3A_182, %mul3A_188 : vector<16xf32>
        %broadcast_in_dim3A_190 = arith.constant 18 : i32
        %broadcast_in_dim3A_191 = vector.broadcast %broadcast_in_dim3A_190 : i32 to vector<16xi32>
        %gather3A_192 = tpu.vector_load_idx %arg12[%add3A_63, %broadcast_in_dim3A_191] : memref<128x32xf32, #tpu.memory_space<vmem>>[vector<16xi32>, vector<16xi32>], vector<16xf32>,
        %gather3A_193 = tpu.vector_load_idx %arg13[%add3A_63, %broadcast_in_dim3A_191] : memref<128x32xf32, #tpu.memory_space<vmem>>[vector<16xi32>, vector<16xi32>], vector<16xf32>,
        %sub3A_194 = arith.subf %gather3A_192, %gather3A_193 : vector<16xf32>
        %mul3A_195 = arith.mulf %sub3A_194, %sub3A_194 : vector<16xf32>
        %add3A_196 = arith.addf %add3A_189, %mul3A_195 : vector<16xf32>
        %broadcast_in_dim3A_197 = arith.constant 19 : i32
        %broadcast_in_dim3A_198 = vector.broadcast %broadcast_in_dim3A_197 : i32 to vector<16xi32>
        %gather3A_199 = tpu.vector_load_idx %arg12[%add3A_63, %broadcast_in_dim3A_198] : memref<128x32xf32, #tpu.memory_space<vmem>>[vector<16xi32>, vector<16xi32>], vector<16xf32>,
        %gather3A_200 = tpu.vector_load_idx %arg13[%add3A_63, %broadcast_in_dim3A_198] : memref<128x32xf32, #tpu.memory_space<vmem>>[vector<16xi32>, vector<16xi32>], vector<16xf32>,
        %sub3A_201 = arith.subf %gather3A_199, %gather3A_200 : vector<16xf32>
        %mul3A_202 = arith.mulf %sub3A_201, %sub3A_201 : vector<16xf32>
        %add3A_203 = arith.addf %add3A_196, %mul3A_202 : vector<16xf32>
        %broadcast_in_dim3A_204 = arith.constant 20 : i32
        %broadcast_in_dim3A_205 = vector.broadcast %broadcast_in_dim3A_204 : i32 to vector<16xi32>
        %gather3A_206 = tpu.vector_load_idx %arg12[%add3A_63, %broadcast_in_dim3A_205] : memref<128x32xf32, #tpu.memory_space<vmem>>[vector<16xi32>, vector<16xi32>], vector<16xf32>,
        %gather3A_207 = tpu.vector_load_idx %arg13[%add3A_63, %broadcast_in_dim3A_205] : memref<128x32xf32, #tpu.memory_space<vmem>>[vector<16xi32>, vector<16xi32>], vector<16xf32>,
        %sub3A_208 = arith.subf %gather3A_206, %gather3A_207 : vector<16xf32>
        %mul3A_209 = arith.mulf %sub3A_208, %sub3A_208 : vector<16xf32>
        %add3A_210 = arith.addf %add3A_203, %mul3A_209 : vector<16xf32>
        %broadcast_in_dim3A_211 = arith.constant 21 : i32
        %broadcast_in_dim3A_212 = vector.broadcast %broadcast_in_dim3A_211 : i32 to vector<16xi32>
        %gather3A_213 = tpu.vector_load_idx %arg12[%add3A_63, %broadcast_in_dim3A_212] : memref<128x32xf32, #tpu.memory_space<vmem>>[vector<16xi32>, vector<16xi32>], vector<16xf32>,
        %gather3A_214 = tpu.vector_load_idx %arg13[%add3A_63, %broadcast_in_dim3A_212] : memref<128x32xf32, #tpu.memory_space<vmem>>[vector<16xi32>, vector<16xi32>], vector<16xf32>,
        %sub3A_215 = arith.subf %gather3A_213, %gather3A_214 : vector<16xf32>
        %mul3A_216 = arith.mulf %sub3A_215, %sub3A_215 : vector<16xf32>
        %add3A_217 = arith.addf %add3A_210, %mul3A_216 : vector<16xf32>
        %broadcast_in_dim3A_218 = arith.constant 22 : i32
        %broadcast_in_dim3A_219 = vector.broadcast %broadcast_in_dim3A_218 : i32 to vector<16xi32>
        %gather3A_220 = tpu.vector_load_idx %arg12[%add3A_63, %broadcast_in_dim3A_219] : memref<128x32xf32, #tpu.memory_space<vmem>>[vector<16xi32>, vector<16xi32>], vector<16xf32>,
        %gather3A_221 = tpu.vector_load_idx %arg13[%add3A_63, %broadcast_in_dim3A_219] : memref<128x32xf32, #tpu.memory_space<vmem>>[vector<16xi32>, vector<16xi32>], vector<16xf32>,
        %sub3A_222 = arith.subf %gather3A_220, %gather3A_221 : vector<16xf32>
        %mul3A_223 = arith.mulf %sub3A_222, %sub3A_222 : vector<16xf32>
        %add3A_224 = arith.addf %add3A_217, %mul3A_223 : vector<16xf32>
        %broadcast_in_dim3A_225 = arith.constant 23 : i32
        %broadcast_in_dim3A_226 = vector.broadcast %broadcast_in_dim3A_225 : i32 to vector<16xi32>
        %gather3A_227 = tpu.vector_load_idx %arg12[%add3A_63, %broadcast_in_dim3A_226] : memref<128x32xf32, #tpu.memory_space<vmem>>[vector<16xi32>, vector<16xi32>], vector<16xf32>,
        %gather3A_228 = tpu.vector_load_idx %arg13[%add3A_63, %broadcast_in_dim3A_226] : memref<128x32xf32, #tpu.memory_space<vmem>>[vector<16xi32>, vector<16xi32>], vector<16xf32>,
        %sub3A_229 = arith.subf %gather3A_227, %gather3A_228 : vector<16xf32>
        %mul3A_230 = arith.mulf %sub3A_229, %sub3A_229 : vector<16xf32>
        %add3A_231 = arith.addf %add3A_224, %mul3A_230 : vector<16xf32>
        %broadcast_in_dim3A_232 = arith.constant 24 : i32
        %broadcast_in_dim3A_233 = vector.broadcast %broadcast_in_dim3A_232 : i32 to vector<16xi32>
        %gather3A_234 = tpu.vector_load_idx %arg12[%add3A_63, %broadcast_in_dim3A_233] : memref<128x32xf32, #tpu.memory_space<vmem>>[vector<16xi32>, vector<16xi32>], vector<16xf32>,
        %gather3A_235 = tpu.vector_load_idx %arg13[%add3A_63, %broadcast_in_dim3A_233] : memref<128x32xf32, #tpu.memory_space<vmem>>[vector<16xi32>, vector<16xi32>], vector<16xf32>,
        %sub3A_236 = arith.subf %gather3A_234, %gather3A_235 : vector<16xf32>
        %mul3A_237 = arith.mulf %sub3A_236, %sub3A_236 : vector<16xf32>
        %add3A_238 = arith.addf %add3A_231, %mul3A_237 : vector<16xf32>
        %broadcast_in_dim3A_239 = arith.constant 25 : i32
        %broadcast_in_dim3A_240 = vector.broadcast %broadcast_in_dim3A_239 : i32 to vector<16xi32>
        %gather3A_241 = tpu.vector_load_idx %arg12[%add3A_63, %broadcast_in_dim3A_240] : memref<128x32xf32, #tpu.memory_space<vmem>>[vector<16xi32>, vector<16xi32>], vector<16xf32>,
        %gather3A_242 = tpu.vector_load_idx %arg13[%add3A_63, %broadcast_in_dim3A_240] : memref<128x32xf32, #tpu.memory_space<vmem>>[vector<16xi32>, vector<16xi32>], vector<16xf32>,
        %sub3A_243 = arith.subf %gather3A_241, %gather3A_242 : vector<16xf32>
        %mul3A_244 = arith.mulf %sub3A_243, %sub3A_243 : vector<16xf32>
        %add3A_245 = arith.addf %add3A_238, %mul3A_244 : vector<16xf32>
        %broadcast_in_dim3A_246 = arith.constant 26 : i32
        %broadcast_in_dim3A_247 = vector.broadcast %broadcast_in_dim3A_246 : i32 to vector<16xi32>
        %gather3A_248 = tpu.vector_load_idx %arg12[%add3A_63, %broadcast_in_dim3A_247] : memref<128x32xf32, #tpu.memory_space<vmem>>[vector<16xi32>, vector<16xi32>], vector<16xf32>,
        %gather3A_249 = tpu.vector_load_idx %arg13[%add3A_63, %broadcast_in_dim3A_247] : memref<128x32xf32, #tpu.memory_space<vmem>>[vector<16xi32>, vector<16xi32>], vector<16xf32>,
        %sub3A_250 = arith.subf %gather3A_248, %gather3A_249 : vector<16xf32>
        %mul3A_251 = arith.mulf %sub3A_250, %sub3A_250 : vector<16xf32>
        %add3A_252 = arith.addf %add3A_245, %mul3A_251 : vector<16xf32>
        %broadcast_in_dim3A_253 = arith.constant 27 : i32
        %broadcast_in_dim3A_254 = vector.broadcast %broadcast_in_dim3A_253 : i32 to vector<16xi32>
        %gather3A_255 = tpu.vector_load_idx %arg12[%add3A_63, %broadcast_in_dim3A_254] : memref<128x32xf32, #tpu.memory_space<vmem>>[vector<16xi32>, vector<16xi32>], vector<16xf32>,
        %gather3A_256 = tpu.vector_load_idx %arg13[%add3A_63, %broadcast_in_dim3A_254] : memref<128x32xf32, #tpu.memory_space<vmem>>[vector<16xi32>, vector<16xi32>], vector<16xf32>,
        %sub3A_257 = arith.subf %gather3A_255, %gather3A_256 : vector<16xf32>
        %mul3A_258 = arith.mulf %sub3A_257, %sub3A_257 : vector<16xf32>
        %add3A_259 = arith.addf %add3A_252, %mul3A_258 : vector<16xf32>
        %broadcast_in_dim3A_260 = arith.constant 28 : i32
        %broadcast_in_dim3A_261 = vector.broadcast %broadcast_in_dim3A_260 : i32 to vector<16xi32>
        %gather3A_262 = tpu.vector_load_idx %arg12[%add3A_63, %broadcast_in_dim3A_261] : memref<128x32xf32, #tpu.memory_space<vmem>>[vector<16xi32>, vector<16xi32>], vector<16xf32>,
        %gather3A_263 = tpu.vector_load_idx %arg13[%add3A_63, %broadcast_in_dim3A_261] : memref<128x32xf32, #tpu.memory_space<vmem>>[vector<16xi32>, vector<16xi32>], vector<16xf32>,
        %sub3A_264 = arith.subf %gather3A_262, %gather3A_263 : vector<16xf32>
        %mul3A_265 = arith.mulf %sub3A_264, %sub3A_264 : vector<16xf32>
        %add3A_266 = arith.addf %add3A_259, %mul3A_265 : vector<16xf32>
        %broadcast_in_dim3A_267 = arith.constant 29 : i32
        %broadcast_in_dim3A_268 = vector.broadcast %broadcast_in_dim3A_267 : i32 to vector<16xi32>
        %gather3A_269 = tpu.vector_load_idx %arg12[%add3A_63, %broadcast_in_dim3A_268] : memref<128x32xf32, #tpu.memory_space<vmem>>[vector<16xi32>, vector<16xi32>], vector<16xf32>,
        %gather3A_270 = tpu.vector_load_idx %arg13[%add3A_63, %broadcast_in_dim3A_268] : memref<128x32xf32, #tpu.memory_space<vmem>>[vector<16xi32>, vector<16xi32>], vector<16xf32>,
        %sub3A_271 = arith.subf %gather3A_269, %gather3A_270 : vector<16xf32>
        %mul3A_272 = arith.mulf %sub3A_271, %sub3A_271 : vector<16xf32>
        %add3A_273 = arith.addf %add3A_266, %mul3A_272 : vector<16xf32>
        %broadcast_in_dim3A_274 = arith.constant 30 : i32
        %broadcast_in_dim3A_275 = vector.broadcast %broadcast_in_dim3A_274 : i32 to vector<16xi32>
        %gather3A_276 = tpu.vector_load_idx %arg12[%add3A_63, %broadcast_in_dim3A_275] : memref<128x32xf32, #tpu.memory_space<vmem>>[vector<16xi32>, vector<16xi32>], vector<16xf32>,
        %gather3A_277 = tpu.vector_load_idx %arg13[%add3A_63, %broadcast_in_dim3A_275] : memref<128x32xf32, #tpu.memory_space<vmem>>[vector<16xi32>, vector<16xi32>], vector<16xf32>,
        %sub3A_278 = arith.subf %gather3A_276, %gather3A_277 : vector<16xf32>
        %mul3A_279 = arith.mulf %sub3A_278, %sub3A_278 : vector<16xf32>
        %add3A_280 = arith.addf %add3A_273, %mul3A_279 : vector<16xf32>
        %broadcast_in_dim3A_281 = arith.constant 31 : i32
        %broadcast_in_dim3A_282 = vector.broadcast %broadcast_in_dim3A_281 : i32 to vector<16xi32>
        %gather3A_283 = tpu.vector_load_idx %arg12[%add3A_63, %broadcast_in_dim3A_282] : memref<128x32xf32, #tpu.memory_space<vmem>>[vector<16xi32>, vector<16xi32>], vector<16xf32>,
        %gather3A_284 = tpu.vector_load_idx %arg13[%add3A_63, %broadcast_in_dim3A_282] : memref<128x32xf32, #tpu.memory_space<vmem>>[vector<16xi32>, vector<16xi32>], vector<16xf32>,
        %sub3A_285 = arith.subf %gather3A_283, %gather3A_284 : vector<16xf32>
        %mul3A_286 = arith.mulf %sub3A_285, %sub3A_285 : vector<16xf32>
        %add3A_287 = arith.addf %add3A_280, %mul3A_286 : vector<16xf32>
        %add3A_288 = arith.constant 9.99999996E-13 : f32
        %add3A_289 = vector.broadcast %add3A_288 : f32 to vector<16xf32>
        %add3A_290 = arith.addf %add3A_287, %add3A_289 : vector<16xf32>
        %bitcast_convert_type3A = tpu.bitcast %add3A_290 : vector<16xf32> -> vector<16xi32>
        %shift_right_logical3A = arith.constant 1 : i32
        %shift_right_logical3A_291 = vector.broadcast %shift_right_logical3A : i32 to vector<16xi32>
        %shift_right_logical3A_292 = arith.shrui %bitcast_convert_type3A, %shift_right_logical3A_291 : vector<16xi32>
        %add3A_293 = arith.constant 532487669 : i32
        %add3A_294 = vector.broadcast %add3A_293 : i32 to vector<16xi32>
        %add3A_295 = arith.addi %shift_right_logical3A_292, %add3A_294 : vector<16xi32>
        %bitcast_convert_type3A_296 = tpu.bitcast %add3A_295 : vector<16xi32> -> vector<16xf32>
        %div3A = arith.divf %add3A_290, %bitcast_convert_type3A_296 : vector<16xf32>
        %add3A_297 = arith.addf %bitcast_convert_type3A_296, %div3A : vector<16xf32>
        %mul3A_298 = arith.constant 5.000000e-01 : f32
        %mul3A_299 = vector.broadcast %mul3A_298 : f32 to vector<16xf32>
        %mul3A_300 = arith.mulf %mul3A_299, %add3A_297 : vector<16xf32>
        %div3A_301 = arith.divf %add3A_290, %mul3A_300 : vector<16xf32>
        %add3A_302 = arith.addf %mul3A_300, %div3A_301 : vector<16xf32>
        %mul3A_303 = arith.constant 5.000000e-01 : f32
        %mul3A_304 = vector.broadcast %mul3A_303 : f32 to vector<16xf32>
        %mul3A_305 = arith.mulf %mul3A_304, %add3A_302 : vector<16xf32>
        %gather3A_306 = tpu.vector_load_idx %arg10[%add3A_63] : memref<128xi32, #tpu.memory_space<vmem>>[vector<16xi32>], vector<16xi32>,
        %gather3A_307 = tpu.vector_load_idx %arg11[%add3A_63] : memref<128xi32, #tpu.memory_space<vmem>>[vector<16xi32>], vector<16xi32>,
        %gather3A_308 = tpu.vector_load_idx %arg9[%gather3A_306] : memref<16384xi32, #tpu.memory_space<vmem>>[vector<16xi32>], vector<16xi32>,
        %gather3A_309 = tpu.vector_load_idx %arg9[%gather3A_307] : memref<16384xi32, #tpu.memory_space<vmem>>[vector<16xi32>], vector<16xi32>,
        %eq3A = arith.cmpi eq, %gather3A_308, %gather3A_309 : vector<16xi32>
        %sub3A_310 = arith.constant 1.000000e-01 : f32
        %sub3A_311 = vector.broadcast %sub3A_310 : f32 to vector<16xf32>
        %sub3A_312 = arith.subf %sub3A_311, %mul3A_305 : vector<16xf32>
        %max3A = arith.constant 0.000000e+00 : f32
        %max3A_313 = vector.broadcast %max3A : f32 to vector<16xf32>
        %max3A_314 = arith.maximumf %max3A_313, %sub3A_312 : vector<16xf32>
        %select_n3A = arith.select %eq3A, %mul3A_305, %max3A_314 : vector<16xi1>, vector<16xf32>
        %add3A_315 = arith.addf %while3A_59, %select_n3A : vector<16xf32>
        scf.yield %add3A_315 : vector<16xf32>
      }
      %while3A_56 = arith.constant 1 : i32
      %while3A_57 = scf.for %while3A_58 = %while3A_53 to %while3A_49 step %while3A_56 iter_args(%while3A_59 = %while3A_55) -> (vector<16xf32>)  : i32 {
        %mul3A_60 = arith.constant 16 : i32
        %mul3A_61 = arith.muli %while3A_58, %mul3A_60 : i32
        %add3A_62 = vector.broadcast %mul3A_61 : i32 to vector<16xi32>
        %add3A_63 = arith.addi %add3A_62, %iota3A : vector<16xi32>
        %broadcast_in_dim3A_64 = arith.constant 0.000000e+00 : f32
        %broadcast_in_dim3A_65 = vector.broadcast %broadcast_in_dim3A_64 : f32 to vector<16xf32>
        %broadcast_in_dim3A_66 = arith.constant 0 : i32
        %broadcast_in_dim3A_67 = vector.broadcast %broadcast_in_dim3A_66 : i32 to vector<16xi32>
        %gather3A = tpu.vector_load_idx %arg12[%add3A_63, %broadcast_in_dim3A_67] : memref<128x32xf32, #tpu.memory_space<vmem>>[vector<16xi32>, vector<16xi32>], vector<16xf32>,
        %gather3A_68 = tpu.vector_load_idx %arg13[%add3A_63, %broadcast_in_dim3A_67] : memref<128x32xf32, #tpu.memory_space<vmem>>[vector<16xi32>, vector<16xi32>], vector<16xf32>,
        %sub3A = arith.subf %gather3A, %gather3A_68 : vector<16xf32>
        %mul3A_69 = arith.mulf %sub3A, %sub3A : vector<16xf32>
        %add3A_70 = arith.addf %broadcast_in_dim3A_65, %mul3A_69 : vector<16xf32>
        %broadcast_in_dim3A_71 = arith.constant 1 : i32
        %broadcast_in_dim3A_72 = vector.broadcast %broadcast_in_dim3A_71 : i32 to vector<16xi32>
        %gather3A_73 = tpu.vector_load_idx %arg12[%add3A_63, %broadcast_in_dim3A_72] : memref<128x32xf32, #tpu.memory_space<vmem>>[vector<16xi32>, vector<16xi32>], vector<16xf32>,
        %gather3A_74 = tpu.vector_load_idx %arg13[%add3A_63, %broadcast_in_dim3A_72] : memref<128x32xf32, #tpu.memory_space<vmem>>[vector<16xi32>, vector<16xi32>], vector<16xf32>,
        %sub3A_75 = arith.subf %gather3A_73, %gather3A_74 : vector<16xf32>
        %mul3A_76 = arith.mulf %sub3A_75, %sub3A_75 : vector<16xf32>
        %add3A_77 = arith.addf %add3A_70, %mul3A_76 : vector<16xf32>
        %broadcast_in_dim3A_78 = arith.constant 2 : i32
        %broadcast_in_dim3A_79 = vector.broadcast %broadcast_in_dim3A_78 : i32 to vector<16xi32>
        %gather3A_80 = tpu.vector_load_idx %arg12[%add3A_63, %broadcast_in_dim3A_79] : memref<128x32xf32, #tpu.memory_space<vmem>>[vector<16xi32>, vector<16xi32>], vector<16xf32>,
        %gather3A_81 = tpu.vector_load_idx %arg13[%add3A_63, %broadcast_in_dim3A_79] : memref<128x32xf32, #tpu.memory_space<vmem>>[vector<16xi32>, vector<16xi32>], vector<16xf32>,
        %sub3A_82 = arith.subf %gather3A_80, %gather3A_81 : vector<16xf32>
        %mul3A_83 = arith.mulf %sub3A_82, %sub3A_82 : vector<16xf32>
        %add3A_84 = arith.addf %add3A_77, %mul3A_83 : vector<16xf32>
        %broadcast_in_dim3A_85 = arith.constant 3 : i32
        %broadcast_in_dim3A_86 = vector.broadcast %broadcast_in_dim3A_85 : i32 to vector<16xi32>
        %gather3A_87 = tpu.vector_load_idx %arg12[%add3A_63, %broadcast_in_dim3A_86] : memref<128x32xf32, #tpu.memory_space<vmem>>[vector<16xi32>, vector<16xi32>], vector<16xf32>,
        %gather3A_88 = tpu.vector_load_idx %arg13[%add3A_63, %broadcast_in_dim3A_86] : memref<128x32xf32, #tpu.memory_space<vmem>>[vector<16xi32>, vector<16xi32>], vector<16xf32>,
        %sub3A_89 = arith.subf %gather3A_87, %gather3A_88 : vector<16xf32>
        %mul3A_90 = arith.mulf %sub3A_89, %sub3A_89 : vector<16xf32>
        %add3A_91 = arith.addf %add3A_84, %mul3A_90 : vector<16xf32>
        %broadcast_in_dim3A_92 = arith.constant 4 : i32
        %broadcast_in_dim3A_93 = vector.broadcast %broadcast_in_dim3A_92 : i32 to vector<16xi32>
        %gather3A_94 = tpu.vector_load_idx %arg12[%add3A_63, %broadcast_in_dim3A_93] : memref<128x32xf32, #tpu.memory_space<vmem>>[vector<16xi32>, vector<16xi32>], vector<16xf32>,
        %gather3A_95 = tpu.vector_load_idx %arg13[%add3A_63, %broadcast_in_dim3A_93] : memref<128x32xf32, #tpu.memory_space<vmem>>[vector<16xi32>, vector<16xi32>], vector<16xf32>,
        %sub3A_96 = arith.subf %gather3A_94, %gather3A_95 : vector<16xf32>
        %mul3A_97 = arith.mulf %sub3A_96, %sub3A_96 : vector<16xf32>
        %add3A_98 = arith.addf %add3A_91, %mul3A_97 : vector<16xf32>
        %broadcast_in_dim3A_99 = arith.constant 5 : i32
        %broadcast_in_dim3A_100 = vector.broadcast %broadcast_in_dim3A_99 : i32 to vector<16xi32>
        %gather3A_101 = tpu.vector_load_idx %arg12[%add3A_63, %broadcast_in_dim3A_100] : memref<128x32xf32, #tpu.memory_space<vmem>>[vector<16xi32>, vector<16xi32>], vector<16xf32>,
        %gather3A_102 = tpu.vector_load_idx %arg13[%add3A_63, %broadcast_in_dim3A_100] : memref<128x32xf32, #tpu.memory_space<vmem>>[vector<16xi32>, vector<16xi32>], vector<16xf32>,
        %sub3A_103 = arith.subf %gather3A_101, %gather3A_102 : vector<16xf32>
        %mul3A_104 = arith.mulf %sub3A_103, %sub3A_103 : vector<16xf32>
        %add3A_105 = arith.addf %add3A_98, %mul3A_104 : vector<16xf32>
        %broadcast_in_dim3A_106 = arith.constant 6 : i32
        %broadcast_in_dim3A_107 = vector.broadcast %broadcast_in_dim3A_106 : i32 to vector<16xi32>
        %gather3A_108 = tpu.vector_load_idx %arg12[%add3A_63, %broadcast_in_dim3A_107] : memref<128x32xf32, #tpu.memory_space<vmem>>[vector<16xi32>, vector<16xi32>], vector<16xf32>,
        %gather3A_109 = tpu.vector_load_idx %arg13[%add3A_63, %broadcast_in_dim3A_107] : memref<128x32xf32, #tpu.memory_space<vmem>>[vector<16xi32>, vector<16xi32>], vector<16xf32>,
        %sub3A_110 = arith.subf %gather3A_108, %gather3A_109 : vector<16xf32>
        %mul3A_111 = arith.mulf %sub3A_110, %sub3A_110 : vector<16xf32>
        %add3A_112 = arith.addf %add3A_105, %mul3A_111 : vector<16xf32>
        %broadcast_in_dim3A_113 = arith.constant 7 : i32
        %broadcast_in_dim3A_114 = vector.broadcast %broadcast_in_dim3A_113 : i32 to vector<16xi32>
        %gather3A_115 = tpu.vector_load_idx %arg12[%add3A_63, %broadcast_in_dim3A_114] : memref<128x32xf32, #tpu.memory_space<vmem>>[vector<16xi32>, vector<16xi32>], vector<16xf32>,
        %gather3A_116 = tpu.vector_load_idx %arg13[%add3A_63, %broadcast_in_dim3A_114] : memref<128x32xf32, #tpu.memory_space<vmem>>[vector<16xi32>, vector<16xi32>], vector<16xf32>,
        %sub3A_117 = arith.subf %gather3A_115, %gather3A_116 : vector<16xf32>
        %mul3A_118 = arith.mulf %sub3A_117, %sub3A_117 : vector<16xf32>
        %add3A_119 = arith.addf %add3A_112, %mul3A_118 : vector<16xf32>
        %broadcast_in_dim3A_120 = arith.constant 8 : i32
        %broadcast_in_dim3A_121 = vector.broadcast %broadcast_in_dim3A_120 : i32 to vector<16xi32>
        %gather3A_122 = tpu.vector_load_idx %arg12[%add3A_63, %broadcast_in_dim3A_121] : memref<128x32xf32, #tpu.memory_space<vmem>>[vector<16xi32>, vector<16xi32>], vector<16xf32>,
        %gather3A_123 = tpu.vector_load_idx %arg13[%add3A_63, %broadcast_in_dim3A_121] : memref<128x32xf32, #tpu.memory_space<vmem>>[vector<16xi32>, vector<16xi32>], vector<16xf32>,
        %sub3A_124 = arith.subf %gather3A_122, %gather3A_123 : vector<16xf32>
        %mul3A_125 = arith.mulf %sub3A_124, %sub3A_124 : vector<16xf32>
        %add3A_126 = arith.addf %add3A_119, %mul3A_125 : vector<16xf32>
        %broadcast_in_dim3A_127 = arith.constant 9 : i32
        %broadcast_in_dim3A_128 = vector.broadcast %broadcast_in_dim3A_127 : i32 to vector<16xi32>
        %gather3A_129 = tpu.vector_load_idx %arg12[%add3A_63, %broadcast_in_dim3A_128] : memref<128x32xf32, #tpu.memory_space<vmem>>[vector<16xi32>, vector<16xi32>], vector<16xf32>,
        %gather3A_130 = tpu.vector_load_idx %arg13[%add3A_63, %broadcast_in_dim3A_128] : memref<128x32xf32, #tpu.memory_space<vmem>>[vector<16xi32>, vector<16xi32>], vector<16xf32>,
        %sub3A_131 = arith.subf %gather3A_129, %gather3A_130 : vector<16xf32>
        %mul3A_132 = arith.mulf %sub3A_131, %sub3A_131 : vector<16xf32>
        %add3A_133 = arith.addf %add3A_126, %mul3A_132 : vector<16xf32>
        %broadcast_in_dim3A_134 = arith.constant 10 : i32
        %broadcast_in_dim3A_135 = vector.broadcast %broadcast_in_dim3A_134 : i32 to vector<16xi32>
        %gather3A_136 = tpu.vector_load_idx %arg12[%add3A_63, %broadcast_in_dim3A_135] : memref<128x32xf32, #tpu.memory_space<vmem>>[vector<16xi32>, vector<16xi32>], vector<16xf32>,
        %gather3A_137 = tpu.vector_load_idx %arg13[%add3A_63, %broadcast_in_dim3A_135] : memref<128x32xf32, #tpu.memory_space<vmem>>[vector<16xi32>, vector<16xi32>], vector<16xf32>,
        %sub3A_138 = arith.subf %gather3A_136, %gather3A_137 : vector<16xf32>
        %mul3A_139 = arith.mulf %sub3A_138, %sub3A_138 : vector<16xf32>
        %add3A_140 = arith.addf %add3A_133, %mul3A_139 : vector<16xf32>
        %broadcast_in_dim3A_141 = arith.constant 11 : i32
        %broadcast_in_dim3A_142 = vector.broadcast %broadcast_in_dim3A_141 : i32 to vector<16xi32>
        %gather3A_143 = tpu.vector_load_idx %arg12[%add3A_63, %broadcast_in_dim3A_142] : memref<128x32xf32, #tpu.memory_space<vmem>>[vector<16xi32>, vector<16xi32>], vector<16xf32>,
        %gather3A_144 = tpu.vector_load_idx %arg13[%add3A_63, %broadcast_in_dim3A_142] : memref<128x32xf32, #tpu.memory_space<vmem>>[vector<16xi32>, vector<16xi32>], vector<16xf32>,
        %sub3A_145 = arith.subf %gather3A_143, %gather3A_144 : vector<16xf32>
        %mul3A_146 = arith.mulf %sub3A_145, %sub3A_145 : vector<16xf32>
        %add3A_147 = arith.addf %add3A_140, %mul3A_146 : vector<16xf32>
        %broadcast_in_dim3A_148 = arith.constant 12 : i32
        %broadcast_in_dim3A_149 = vector.broadcast %broadcast_in_dim3A_148 : i32 to vector<16xi32>
        %gather3A_150 = tpu.vector_load_idx %arg12[%add3A_63, %broadcast_in_dim3A_149] : memref<128x32xf32, #tpu.memory_space<vmem>>[vector<16xi32>, vector<16xi32>], vector<16xf32>,
        %gather3A_151 = tpu.vector_load_idx %arg13[%add3A_63, %broadcast_in_dim3A_149] : memref<128x32xf32, #tpu.memory_space<vmem>>[vector<16xi32>, vector<16xi32>], vector<16xf32>,
        %sub3A_152 = arith.subf %gather3A_150, %gather3A_151 : vector<16xf32>
        %mul3A_153 = arith.mulf %sub3A_152, %sub3A_152 : vector<16xf32>
        %add3A_154 = arith.addf %add3A_147, %mul3A_153 : vector<16xf32>
        %broadcast_in_dim3A_155 = arith.constant 13 : i32
        %broadcast_in_dim3A_156 = vector.broadcast %broadcast_in_dim3A_155 : i32 to vector<16xi32>
        %gather3A_157 = tpu.vector_load_idx %arg12[%add3A_63, %broadcast_in_dim3A_156] : memref<128x32xf32, #tpu.memory_space<vmem>>[vector<16xi32>, vector<16xi32>], vector<16xf32>,
        %gather3A_158 = tpu.vector_load_idx %arg13[%add3A_63, %broadcast_in_dim3A_156] : memref<128x32xf32, #tpu.memory_space<vmem>>[vector<16xi32>, vector<16xi32>], vector<16xf32>,
        %sub3A_159 = arith.subf %gather3A_157, %gather3A_158 : vector<16xf32>
        %mul3A_160 = arith.mulf %sub3A_159, %sub3A_159 : vector<16xf32>
        %add3A_161 = arith.addf %add3A_154, %mul3A_160 : vector<16xf32>
        %broadcast_in_dim3A_162 = arith.constant 14 : i32
        %broadcast_in_dim3A_163 = vector.broadcast %broadcast_in_dim3A_162 : i32 to vector<16xi32>
        %gather3A_164 = tpu.vector_load_idx %arg12[%add3A_63, %broadcast_in_dim3A_163] : memref<128x32xf32, #tpu.memory_space<vmem>>[vector<16xi32>, vector<16xi32>], vector<16xf32>,
        %gather3A_165 = tpu.vector_load_idx %arg13[%add3A_63, %broadcast_in_dim3A_163] : memref<128x32xf32, #tpu.memory_space<vmem>>[vector<16xi32>, vector<16xi32>], vector<16xf32>,
        %sub3A_166 = arith.subf %gather3A_164, %gather3A_165 : vector<16xf32>
        %mul3A_167 = arith.mulf %sub3A_166, %sub3A_166 : vector<16xf32>
        %add3A_168 = arith.addf %add3A_161, %mul3A_167 : vector<16xf32>
        %broadcast_in_dim3A_169 = arith.constant 15 : i32
        %broadcast_in_dim3A_170 = vector.broadcast %broadcast_in_dim3A_169 : i32 to vector<16xi32>
        %gather3A_171 = tpu.vector_load_idx %arg12[%add3A_63, %broadcast_in_dim3A_170] : memref<128x32xf32, #tpu.memory_space<vmem>>[vector<16xi32>, vector<16xi32>], vector<16xf32>,
        %gather3A_172 = tpu.vector_load_idx %arg13[%add3A_63, %broadcast_in_dim3A_170] : memref<128x32xf32, #tpu.memory_space<vmem>>[vector<16xi32>, vector<16xi32>], vector<16xf32>,
        %sub3A_173 = arith.subf %gather3A_171, %gather3A_172 : vector<16xf32>
        %mul3A_174 = arith.mulf %sub3A_173, %sub3A_173 : vector<16xf32>
        %add3A_175 = arith.addf %add3A_168, %mul3A_174 : vector<16xf32>
        %broadcast_in_dim3A_176 = arith.constant 16 : i32
        %broadcast_in_dim3A_177 = vector.broadcast %broadcast_in_dim3A_176 : i32 to vector<16xi32>
        %gather3A_178 = tpu.vector_load_idx %arg12[%add3A_63, %broadcast_in_dim3A_177] : memref<128x32xf32, #tpu.memory_space<vmem>>[vector<16xi32>, vector<16xi32>], vector<16xf32>,
        %gather3A_179 = tpu.vector_load_idx %arg13[%add3A_63, %broadcast_in_dim3A_177] : memref<128x32xf32, #tpu.memory_space<vmem>>[vector<16xi32>, vector<16xi32>], vector<16xf32>,
        %sub3A_180 = arith.subf %gather3A_178, %gather3A_179 : vector<16xf32>
        %mul3A_181 = arith.mulf %sub3A_180, %sub3A_180 : vector<16xf32>
        %add3A_182 = arith.addf %add3A_175, %mul3A_181 : vector<16xf32>
        %broadcast_in_dim3A_183 = arith.constant 17 : i32
        %broadcast_in_dim3A_184 = vector.broadcast %broadcast_in_dim3A_183 : i32 to vector<16xi32>
        %gather3A_185 = tpu.vector_load_idx %arg12[%add3A_63, %broadcast_in_dim3A_184] : memref<128x32xf32, #tpu.memory_space<vmem>>[vector<16xi32>, vector<16xi32>], vector<16xf32>,
        %gather3A_186 = tpu.vector_load_idx %arg13[%add3A_63, %broadcast_in_dim3A_184] : memref<128x32xf32, #tpu.memory_space<vmem>>[vector<16xi32>, vector<16xi32>], vector<16xf32>,
        %sub3A_187 = arith.subf %gather3A_185, %gather3A_186 : vector<16xf32>
        %mul3A_188 = arith.mulf %sub3A_187, %sub3A_187 : vector<16xf32>
        %add3A_189 = arith.addf %add3A_182, %mul3A_188 : vector<16xf32>
        %broadcast_in_dim3A_190 = arith.constant 18 : i32
        %broadcast_in_dim3A_191 = vector.broadcast %broadcast_in_dim3A_190 : i32 to vector<16xi32>
        %gather3A_192 = tpu.vector_load_idx %arg12[%add3A_63, %broadcast_in_dim3A_191] : memref<128x32xf32, #tpu.memory_space<vmem>>[vector<16xi32>, vector<16xi32>], vector<16xf32>,
        %gather3A_193 = tpu.vector_load_idx %arg13[%add3A_63, %broadcast_in_dim3A_191] : memref<128x32xf32, #tpu.memory_space<vmem>>[vector<16xi32>, vector<16xi32>], vector<16xf32>,
        %sub3A_194 = arith.subf %gather3A_192, %gather3A_193 : vector<16xf32>
        %mul3A_195 = arith.mulf %sub3A_194, %sub3A_194 : vector<16xf32>
        %add3A_196 = arith.addf %add3A_189, %mul3A_195 : vector<16xf32>
        %broadcast_in_dim3A_197 = arith.constant 19 : i32
        %broadcast_in_dim3A_198 = vector.broadcast %broadcast_in_dim3A_197 : i32 to vector<16xi32>
        %gather3A_199 = tpu.vector_load_idx %arg12[%add3A_63, %broadcast_in_dim3A_198] : memref<128x32xf32, #tpu.memory_space<vmem>>[vector<16xi32>, vector<16xi32>], vector<16xf32>,
        %gather3A_200 = tpu.vector_load_idx %arg13[%add3A_63, %broadcast_in_dim3A_198] : memref<128x32xf32, #tpu.memory_space<vmem>>[vector<16xi32>, vector<16xi32>], vector<16xf32>,
        %sub3A_201 = arith.subf %gather3A_199, %gather3A_200 : vector<16xf32>
        %mul3A_202 = arith.mulf %sub3A_201, %sub3A_201 : vector<16xf32>
        %add3A_203 = arith.addf %add3A_196, %mul3A_202 : vector<16xf32>
        %broadcast_in_dim3A_204 = arith.constant 20 : i32
        %broadcast_in_dim3A_205 = vector.broadcast %broadcast_in_dim3A_204 : i32 to vector<16xi32>
        %gather3A_206 = tpu.vector_load_idx %arg12[%add3A_63, %broadcast_in_dim3A_205] : memref<128x32xf32, #tpu.memory_space<vmem>>[vector<16xi32>, vector<16xi32>], vector<16xf32>,
        %gather3A_207 = tpu.vector_load_idx %arg13[%add3A_63, %broadcast_in_dim3A_205] : memref<128x32xf32, #tpu.memory_space<vmem>>[vector<16xi32>, vector<16xi32>], vector<16xf32>,
        %sub3A_208 = arith.subf %gather3A_206, %gather3A_207 : vector<16xf32>
        %mul3A_209 = arith.mulf %sub3A_208, %sub3A_208 : vector<16xf32>
        %add3A_210 = arith.addf %add3A_203, %mul3A_209 : vector<16xf32>
        %broadcast_in_dim3A_211 = arith.constant 21 : i32
        %broadcast_in_dim3A_212 = vector.broadcast %broadcast_in_dim3A_211 : i32 to vector<16xi32>
        %gather3A_213 = tpu.vector_load_idx %arg12[%add3A_63, %broadcast_in_dim3A_212] : memref<128x32xf32, #tpu.memory_space<vmem>>[vector<16xi32>, vector<16xi32>], vector<16xf32>,
        %gather3A_214 = tpu.vector_load_idx %arg13[%add3A_63, %broadcast_in_dim3A_212] : memref<128x32xf32, #tpu.memory_space<vmem>>[vector<16xi32>, vector<16xi32>], vector<16xf32>,
        %sub3A_215 = arith.subf %gather3A_213, %gather3A_214 : vector<16xf32>
        %mul3A_216 = arith.mulf %sub3A_215, %sub3A_215 : vector<16xf32>
        %add3A_217 = arith.addf %add3A_210, %mul3A_216 : vector<16xf32>
        %broadcast_in_dim3A_218 = arith.constant 22 : i32
        %broadcast_in_dim3A_219 = vector.broadcast %broadcast_in_dim3A_218 : i32 to vector<16xi32>
        %gather3A_220 = tpu.vector_load_idx %arg12[%add3A_63, %broadcast_in_dim3A_219] : memref<128x32xf32, #tpu.memory_space<vmem>>[vector<16xi32>, vector<16xi32>], vector<16xf32>,
        %gather3A_221 = tpu.vector_load_idx %arg13[%add3A_63, %broadcast_in_dim3A_219] : memref<128x32xf32, #tpu.memory_space<vmem>>[vector<16xi32>, vector<16xi32>], vector<16xf32>,
        %sub3A_222 = arith.subf %gather3A_220, %gather3A_221 : vector<16xf32>
        %mul3A_223 = arith.mulf %sub3A_222, %sub3A_222 : vector<16xf32>
        %add3A_224 = arith.addf %add3A_217, %mul3A_223 : vector<16xf32>
        %broadcast_in_dim3A_225 = arith.constant 23 : i32
        %broadcast_in_dim3A_226 = vector.broadcast %broadcast_in_dim3A_225 : i32 to vector<16xi32>
        %gather3A_227 = tpu.vector_load_idx %arg12[%add3A_63, %broadcast_in_dim3A_226] : memref<128x32xf32, #tpu.memory_space<vmem>>[vector<16xi32>, vector<16xi32>], vector<16xf32>,
        %gather3A_228 = tpu.vector_load_idx %arg13[%add3A_63, %broadcast_in_dim3A_226] : memref<128x32xf32, #tpu.memory_space<vmem>>[vector<16xi32>, vector<16xi32>], vector<16xf32>,
        %sub3A_229 = arith.subf %gather3A_227, %gather3A_228 : vector<16xf32>
        %mul3A_230 = arith.mulf %sub3A_229, %sub3A_229 : vector<16xf32>
        %add3A_231 = arith.addf %add3A_224, %mul3A_230 : vector<16xf32>
        %broadcast_in_dim3A_232 = arith.constant 24 : i32
        %broadcast_in_dim3A_233 = vector.broadcast %broadcast_in_dim3A_232 : i32 to vector<16xi32>
        %gather3A_234 = tpu.vector_load_idx %arg12[%add3A_63, %broadcast_in_dim3A_233] : memref<128x32xf32, #tpu.memory_space<vmem>>[vector<16xi32>, vector<16xi32>], vector<16xf32>,
        %gather3A_235 = tpu.vector_load_idx %arg13[%add3A_63, %broadcast_in_dim3A_233] : memref<128x32xf32, #tpu.memory_space<vmem>>[vector<16xi32>, vector<16xi32>], vector<16xf32>,
        %sub3A_236 = arith.subf %gather3A_234, %gather3A_235 : vector<16xf32>
        %mul3A_237 = arith.mulf %sub3A_236, %sub3A_236 : vector<16xf32>
        %add3A_238 = arith.addf %add3A_231, %mul3A_237 : vector<16xf32>
        %broadcast_in_dim3A_239 = arith.constant 25 : i32
        %broadcast_in_dim3A_240 = vector.broadcast %broadcast_in_dim3A_239 : i32 to vector<16xi32>
        %gather3A_241 = tpu.vector_load_idx %arg12[%add3A_63, %broadcast_in_dim3A_240] : memref<128x32xf32, #tpu.memory_space<vmem>>[vector<16xi32>, vector<16xi32>], vector<16xf32>,
        %gather3A_242 = tpu.vector_load_idx %arg13[%add3A_63, %broadcast_in_dim3A_240] : memref<128x32xf32, #tpu.memory_space<vmem>>[vector<16xi32>, vector<16xi32>], vector<16xf32>,
        %sub3A_243 = arith.subf %gather3A_241, %gather3A_242 : vector<16xf32>
        %mul3A_244 = arith.mulf %sub3A_243, %sub3A_243 : vector<16xf32>
        %add3A_245 = arith.addf %add3A_238, %mul3A_244 : vector<16xf32>
        %broadcast_in_dim3A_246 = arith.constant 26 : i32
        %broadcast_in_dim3A_247 = vector.broadcast %broadcast_in_dim3A_246 : i32 to vector<16xi32>
        %gather3A_248 = tpu.vector_load_idx %arg12[%add3A_63, %broadcast_in_dim3A_247] : memref<128x32xf32, #tpu.memory_space<vmem>>[vector<16xi32>, vector<16xi32>], vector<16xf32>,
        %gather3A_249 = tpu.vector_load_idx %arg13[%add3A_63, %broadcast_in_dim3A_247] : memref<128x32xf32, #tpu.memory_space<vmem>>[vector<16xi32>, vector<16xi32>], vector<16xf32>,
        %sub3A_250 = arith.subf %gather3A_248, %gather3A_249 : vector<16xf32>
        %mul3A_251 = arith.mulf %sub3A_250, %sub3A_250 : vector<16xf32>
        %add3A_252 = arith.addf %add3A_245, %mul3A_251 : vector<16xf32>
        %broadcast_in_dim3A_253 = arith.constant 27 : i32
        %broadcast_in_dim3A_254 = vector.broadcast %broadcast_in_dim3A_253 : i32 to vector<16xi32>
        %gather3A_255 = tpu.vector_load_idx %arg12[%add3A_63, %broadcast_in_dim3A_254] : memref<128x32xf32, #tpu.memory_space<vmem>>[vector<16xi32>, vector<16xi32>], vector<16xf32>,
        %gather3A_256 = tpu.vector_load_idx %arg13[%add3A_63, %broadcast_in_dim3A_254] : memref<128x32xf32, #tpu.memory_space<vmem>>[vector<16xi32>, vector<16xi32>], vector<16xf32>,
        %sub3A_257 = arith.subf %gather3A_255, %gather3A_256 : vector<16xf32>
        %mul3A_258 = arith.mulf %sub3A_257, %sub3A_257 : vector<16xf32>
        %add3A_259 = arith.addf %add3A_252, %mul3A_258 : vector<16xf32>
        %broadcast_in_dim3A_260 = arith.constant 28 : i32
        %broadcast_in_dim3A_261 = vector.broadcast %broadcast_in_dim3A_260 : i32 to vector<16xi32>
        %gather3A_262 = tpu.vector_load_idx %arg12[%add3A_63, %broadcast_in_dim3A_261] : memref<128x32xf32, #tpu.memory_space<vmem>>[vector<16xi32>, vector<16xi32>], vector<16xf32>,
        %gather3A_263 = tpu.vector_load_idx %arg13[%add3A_63, %broadcast_in_dim3A_261] : memref<128x32xf32, #tpu.memory_space<vmem>>[vector<16xi32>, vector<16xi32>], vector<16xf32>,
        %sub3A_264 = arith.subf %gather3A_262, %gather3A_263 : vector<16xf32>
        %mul3A_265 = arith.mulf %sub3A_264, %sub3A_264 : vector<16xf32>
        %add3A_266 = arith.addf %add3A_259, %mul3A_265 : vector<16xf32>
        %broadcast_in_dim3A_267 = arith.constant 29 : i32
        %broadcast_in_dim3A_268 = vector.broadcast %broadcast_in_dim3A_267 : i32 to vector<16xi32>
        %gather3A_269 = tpu.vector_load_idx %arg12[%add3A_63, %broadcast_in_dim3A_268] : memref<128x32xf32, #tpu.memory_space<vmem>>[vector<16xi32>, vector<16xi32>], vector<16xf32>,
        %gather3A_270 = tpu.vector_load_idx %arg13[%add3A_63, %broadcast_in_dim3A_268] : memref<128x32xf32, #tpu.memory_space<vmem>>[vector<16xi32>, vector<16xi32>], vector<16xf32>,
        %sub3A_271 = arith.subf %gather3A_269, %gather3A_270 : vector<16xf32>
        %mul3A_272 = arith.mulf %sub3A_271, %sub3A_271 : vector<16xf32>
        %add3A_273 = arith.addf %add3A_266, %mul3A_272 : vector<16xf32>
        %broadcast_in_dim3A_274 = arith.constant 30 : i32
        %broadcast_in_dim3A_275 = vector.broadcast %broadcast_in_dim3A_274 : i32 to vector<16xi32>
        %gather3A_276 = tpu.vector_load_idx %arg12[%add3A_63, %broadcast_in_dim3A_275] : memref<128x32xf32, #tpu.memory_space<vmem>>[vector<16xi32>, vector<16xi32>], vector<16xf32>,
        %gather3A_277 = tpu.vector_load_idx %arg13[%add3A_63, %broadcast_in_dim3A_275] : memref<128x32xf32, #tpu.memory_space<vmem>>[vector<16xi32>, vector<16xi32>], vector<16xf32>,
        %sub3A_278 = arith.subf %gather3A_276, %gather3A_277 : vector<16xf32>
        %mul3A_279 = arith.mulf %sub3A_278, %sub3A_278 : vector<16xf32>
        %add3A_280 = arith.addf %add3A_273, %mul3A_279 : vector<16xf32>
        %broadcast_in_dim3A_281 = arith.constant 31 : i32
        %broadcast_in_dim3A_282 = vector.broadcast %broadcast_in_dim3A_281 : i32 to vector<16xi32>
        %gather3A_283 = tpu.vector_load_idx %arg12[%add3A_63, %broadcast_in_dim3A_282] : memref<128x32xf32, #tpu.memory_space<vmem>>[vector<16xi32>, vector<16xi32>], vector<16xf32>,
        %gather3A_284 = tpu.vector_load_idx %arg13[%add3A_63, %broadcast_in_dim3A_282] : memref<128x32xf32, #tpu.memory_space<vmem>>[vector<16xi32>, vector<16xi32>], vector<16xf32>,
        %sub3A_285 = arith.subf %gather3A_283, %gather3A_284 : vector<16xf32>
        %mul3A_286 = arith.mulf %sub3A_285, %sub3A_285 : vector<16xf32>
        %add3A_287 = arith.addf %add3A_280, %mul3A_286 : vector<16xf32>
        %add3A_288 = arith.constant 9.99999996E-13 : f32
        %add3A_289 = vector.broadcast %add3A_288 : f32 to vector<16xf32>
        %add3A_290 = arith.addf %add3A_287, %add3A_289 : vector<16xf32>
        %bitcast_convert_type3A = tpu.bitcast %add3A_290 : vector<16xf32> -> vector<16xi32>
        %shift_right_logical3A = arith.constant 1 : i32
        %shift_right_logical3A_291 = vector.broadcast %shift_right_logical3A : i32 to vector<16xi32>
        %shift_right_logical3A_292 = arith.shrui %bitcast_convert_type3A, %shift_right_logical3A_291 : vector<16xi32>
        %add3A_293 = arith.constant 532487669 : i32
        %add3A_294 = vector.broadcast %add3A_293 : i32 to vector<16xi32>
        %add3A_295 = arith.addi %shift_right_logical3A_292, %add3A_294 : vector<16xi32>
        %bitcast_convert_type3A_296 = tpu.bitcast %add3A_295 : vector<16xi32> -> vector<16xf32>
        %div3A = arith.divf %add3A_290, %bitcast_convert_type3A_296 : vector<16xf32>
        %add3A_297 = arith.addf %bitcast_convert_type3A_296, %div3A : vector<16xf32>
        %mul3A_298 = arith.constant 5.000000e-01 : f32
        %mul3A_299 = vector.broadcast %mul3A_298 : f32 to vector<16xf32>
        %mul3A_300 = arith.mulf %mul3A_299, %add3A_297 : vector<16xf32>
        %div3A_301 = arith.divf %add3A_290, %mul3A_300 : vector<16xf32>
        %add3A_302 = arith.addf %mul3A_300, %div3A_301 : vector<16xf32>
        %mul3A_303 = arith.constant 5.000000e-01 : f32
        %mul3A_304 = vector.broadcast %mul3A_303 : f32 to vector<16xf32>
        %mul3A_305 = arith.mulf %mul3A_304, %add3A_302 : vector<16xf32>
        %gather3A_306 = tpu.vector_load_idx %arg10[%add3A_63] : memref<128xi32, #tpu.memory_space<vmem>>[vector<16xi32>], vector<16xi32>,
        %gather3A_307 = tpu.vector_load_idx %arg11[%add3A_63] : memref<128xi32, #tpu.memory_space<vmem>>[vector<16xi32>], vector<16xi32>,
        %gather3A_308 = tpu.vector_load_idx %arg9[%gather3A_306] : memref<16384xi32, #tpu.memory_space<vmem>>[vector<16xi32>], vector<16xi32>,
        %gather3A_309 = tpu.vector_load_idx %arg9[%gather3A_307] : memref<16384xi32, #tpu.memory_space<vmem>>[vector<16xi32>], vector<16xi32>,
        %eq3A = arith.cmpi eq, %gather3A_308, %gather3A_309 : vector<16xi32>
        %sub3A_310 = arith.constant 1.000000e-01 : f32
        %sub3A_311 = vector.broadcast %sub3A_310 : f32 to vector<16xf32>
        %sub3A_312 = arith.subf %sub3A_311, %mul3A_305 : vector<16xf32>
        %max3A = arith.constant 0.000000e+00 : f32
        %max3A_313 = vector.broadcast %max3A : f32 to vector<16xf32>
        %max3A_314 = arith.maximumf %max3A_313, %sub3A_312 : vector<16xf32>
        %select_n3A = arith.select %eq3A, %mul3A_305, %max3A_314 : vector<16xi1>, vector<16xf32>
        %add3A_315 = arith.addf %while3A_59, %select_n3A : vector<16xf32>
        scf.yield %add3A_315 : vector<16xf32>
      }
      scf.yield %while3A_57 : vector<16xf32>
    }
    %while3A_24 = arith.constant 1 : i32
    %while3A_25 = scf.for %while3A_29 = %while3A_21 to %while3A_17 step %while3A_24 iter_args(%while3A_30 = %while3A_23) -> (vector<16xf32>)  : i32 {
      %mul3A_31 = arith.constant 32 : i32
      %mul3A_32 = arith.muli %add3A, %mul3A_31 : i32
      %add3A_33 = arith.addi %mul3A_32, %while3A_29 : i32
      %mul3A_34 = arith.constant 128 : i32
      %mul3A_35 = arith.muli %add3A_33, %mul3A_34 : i32
      "tpu.region"() ({
        %run_scoped3A_58 = tpu.sem_alloc : memref<!tpu.dma_semaphore, #tpu.memory_space<semaphore_mem>>
        %dma_start3A_59 = tpu.memref_slice %arg5[%mul3A_35] : memref<131072xi32, #tpu.memory_space<hbm>> -> memref<128xi32, #tpu.memory_space<hbm>>
        %dma_start3A_60 = tpu.memref_slice %arg5[%mul3A_35] : memref<131072xi32, #tpu.memory_space<hbm>> -> memref<128xi32, #tpu.memory_space<hbm>>
        tpu.enqueue_dma source(%dma_start3A_60 : memref<128xi32, #tpu.memory_space<hbm>>) target(%arg10 : memref<128xi32, #tpu.memory_space<vmem>>) target_semaphore(%run_scoped3A_58 : memref<!tpu.dma_semaphore, #tpu.memory_space<semaphore_mem>>)
        %dma_wait3A_61 = tpu.memref_slice %arg5[%mul3A_35] : memref<131072xi32, #tpu.memory_space<hbm>> -> memref<128xi32, #tpu.memory_space<hbm>>
        %dma_wait3A_62 = tpu.memref_slice %arg5[%mul3A_35] : memref<131072xi32, #tpu.memory_space<hbm>> -> memref<128xi32, #tpu.memory_space<hbm>>
        tpu.wait_dma2 semaphore(%run_scoped3A_58 : memref<!tpu.dma_semaphore, #tpu.memory_space<semaphore_mem>>) src(%dma_wait3A_62 : memref<128xi32, #tpu.memory_space<hbm>>) dst(%arg10 : memref<128xi32, #tpu.memory_space<vmem>>)
        tpu.yield
      }) : () -> ()
      "tpu.region"() ({
        %run_scoped3A_58 = tpu.sem_alloc : memref<!tpu.dma_semaphore, #tpu.memory_space<semaphore_mem>>
        %dma_start3A_59 = tpu.memref_slice %arg6[%mul3A_35] : memref<131072xi32, #tpu.memory_space<hbm>> -> memref<128xi32, #tpu.memory_space<hbm>>
        %dma_start3A_60 = tpu.memref_slice %arg6[%mul3A_35] : memref<131072xi32, #tpu.memory_space<hbm>> -> memref<128xi32, #tpu.memory_space<hbm>>
        tpu.enqueue_dma source(%dma_start3A_60 : memref<128xi32, #tpu.memory_space<hbm>>) target(%arg11 : memref<128xi32, #tpu.memory_space<vmem>>) target_semaphore(%run_scoped3A_58 : memref<!tpu.dma_semaphore, #tpu.memory_space<semaphore_mem>>)
        %dma_wait3A_61 = tpu.memref_slice %arg6[%mul3A_35] : memref<131072xi32, #tpu.memory_space<hbm>> -> memref<128xi32, #tpu.memory_space<hbm>>
        %dma_wait3A_62 = tpu.memref_slice %arg6[%mul3A_35] : memref<131072xi32, #tpu.memory_space<hbm>> -> memref<128xi32, #tpu.memory_space<hbm>>
        tpu.wait_dma2 semaphore(%run_scoped3A_58 : memref<!tpu.dma_semaphore, #tpu.memory_space<semaphore_mem>>) src(%dma_wait3A_62 : memref<128xi32, #tpu.memory_space<hbm>>) dst(%arg11 : memref<128xi32, #tpu.memory_space<vmem>>)
        tpu.yield
      }) : () -> ()
      %dma_start3A = arith.constant 0 : i32
      %dma_start3A_36 = arith.constant 0 : i32
      %dma_start3A_37 = tpu.memref_slice %arg2[%dma_start3A, %dma_start3A_36] : memref<16384x32xf32, #tpu.memory_space<hbm>> -> memref<16384x32xf32, #tpu.memory_space<hbm>>
      tpu.enqueue_indirect_dma source(%dma_start3A_37 : memref<16384x32xf32, #tpu.memory_space<hbm>>) target(%arg12 : memref<128x32xf32, #tpu.memory_space<vmem>>) offsets(%arg10 : memref<128xi32, #tpu.memory_space<vmem>>) semaphore(%arg15 : memref<!tpu.dma_semaphore, #tpu.memory_space<semaphore_mem>>)
      %dma_wait3A = arith.constant 0 : i32
      %dma_wait3A_38 = arith.constant 0 : i32
      %dma_wait3A_39 = tpu.memref_slice %arg2[%dma_wait3A, %dma_wait3A_38] : memref<16384x32xf32, #tpu.memory_space<hbm>> -> memref<16384x32xf32, #tpu.memory_space<hbm>>
      tpu.wait_indirect_dma semaphore(%arg15 : memref<!tpu.dma_semaphore, #tpu.memory_space<semaphore_mem>>) src(%dma_wait3A_39 : memref<16384x32xf32, #tpu.memory_space<hbm>>) dst(%arg12 : memref<128x32xf32, #tpu.memory_space<vmem>>)
      %dma_start3A_40 = arith.constant 0 : i32
      %dma_start3A_41 = arith.constant 0 : i32
      %dma_start3A_42 = tpu.memref_slice %arg2[%dma_start3A_40, %dma_start3A_41] : memref<16384x32xf32, #tpu.memory_space<hbm>> -> memref<16384x32xf32, #tpu.memory_space<hbm>>
      tpu.enqueue_indirect_dma source(%dma_start3A_42 : memref<16384x32xf32, #tpu.memory_space<hbm>>) target(%arg13 : memref<128x32xf32, #tpu.memory_space<vmem>>) offsets(%arg11 : memref<128xi32, #tpu.memory_space<vmem>>) semaphore(%arg16 : memref<!tpu.dma_semaphore, #tpu.memory_space<semaphore_mem>>)
      %dma_wait3A_43 = arith.constant 0 : i32
      %dma_wait3A_44 = arith.constant 0 : i32
      %dma_wait3A_45 = tpu.memref_slice %arg2[%dma_wait3A_43, %dma_wait3A_44] : memref<16384x32xf32, #tpu.memory_space<hbm>> -> memref<16384x32xf32, #tpu.memory_space<hbm>>
      tpu.wait_indirect_dma semaphore(%arg16 : memref<!tpu.dma_semaphore, #tpu.memory_space<semaphore_mem>>) src(%dma_wait3A_45 : memref<16384x32xf32, #tpu.memory_space<hbm>>) dst(%arg13 : memref<128x32xf32, #tpu.memory_space<vmem>>)
      %while3A_46 = arith.constant 0 : i32
      %while3A_47 = arith.constant 8 : i32
      %while3A_48 = arith.subi %while3A_47, %while3A_46 : i32
      %while3A_49 = arith.addi %while3A_46, %while3A_48 : i32
      %while3A_50 = arith.constant 1 : i32
      %while3A_51 = arith.divsi %while3A_48, %while3A_50 : i32
      %while3A_52 = arith.muli %while3A_51, %while3A_50 : i32
      %while3A_53 = arith.addi %while3A_46, %while3A_52 : i32
      %while3A_54 = arith.constant 1 : i32
      %while3A_55 = scf.for %while3A_58 = %while3A_46 to %while3A_53 step %while3A_54 iter_args(%while3A_59 = %while3A_30) -> (vector<16xf32>)  : i32 {
        %mul3A_60 = arith.constant 16 : i32
        %mul3A_61 = arith.muli %while3A_58, %mul3A_60 : i32
        %add3A_62 = vector.broadcast %mul3A_61 : i32 to vector<16xi32>
        %add3A_63 = arith.addi %add3A_62, %iota3A : vector<16xi32>
        %broadcast_in_dim3A_64 = arith.constant 0.000000e+00 : f32
        %broadcast_in_dim3A_65 = vector.broadcast %broadcast_in_dim3A_64 : f32 to vector<16xf32>
        %broadcast_in_dim3A_66 = arith.constant 0 : i32
        %broadcast_in_dim3A_67 = vector.broadcast %broadcast_in_dim3A_66 : i32 to vector<16xi32>
        %gather3A = tpu.vector_load_idx %arg12[%add3A_63, %broadcast_in_dim3A_67] : memref<128x32xf32, #tpu.memory_space<vmem>>[vector<16xi32>, vector<16xi32>], vector<16xf32>,
        %gather3A_68 = tpu.vector_load_idx %arg13[%add3A_63, %broadcast_in_dim3A_67] : memref<128x32xf32, #tpu.memory_space<vmem>>[vector<16xi32>, vector<16xi32>], vector<16xf32>,
        %sub3A = arith.subf %gather3A, %gather3A_68 : vector<16xf32>
        %mul3A_69 = arith.mulf %sub3A, %sub3A : vector<16xf32>
        %add3A_70 = arith.addf %broadcast_in_dim3A_65, %mul3A_69 : vector<16xf32>
        %broadcast_in_dim3A_71 = arith.constant 1 : i32
        %broadcast_in_dim3A_72 = vector.broadcast %broadcast_in_dim3A_71 : i32 to vector<16xi32>
        %gather3A_73 = tpu.vector_load_idx %arg12[%add3A_63, %broadcast_in_dim3A_72] : memref<128x32xf32, #tpu.memory_space<vmem>>[vector<16xi32>, vector<16xi32>], vector<16xf32>,
        %gather3A_74 = tpu.vector_load_idx %arg13[%add3A_63, %broadcast_in_dim3A_72] : memref<128x32xf32, #tpu.memory_space<vmem>>[vector<16xi32>, vector<16xi32>], vector<16xf32>,
        %sub3A_75 = arith.subf %gather3A_73, %gather3A_74 : vector<16xf32>
        %mul3A_76 = arith.mulf %sub3A_75, %sub3A_75 : vector<16xf32>
        %add3A_77 = arith.addf %add3A_70, %mul3A_76 : vector<16xf32>
        %broadcast_in_dim3A_78 = arith.constant 2 : i32
        %broadcast_in_dim3A_79 = vector.broadcast %broadcast_in_dim3A_78 : i32 to vector<16xi32>
        %gather3A_80 = tpu.vector_load_idx %arg12[%add3A_63, %broadcast_in_dim3A_79] : memref<128x32xf32, #tpu.memory_space<vmem>>[vector<16xi32>, vector<16xi32>], vector<16xf32>,
        %gather3A_81 = tpu.vector_load_idx %arg13[%add3A_63, %broadcast_in_dim3A_79] : memref<128x32xf32, #tpu.memory_space<vmem>>[vector<16xi32>, vector<16xi32>], vector<16xf32>,
        %sub3A_82 = arith.subf %gather3A_80, %gather3A_81 : vector<16xf32>
        %mul3A_83 = arith.mulf %sub3A_82, %sub3A_82 : vector<16xf32>
        %add3A_84 = arith.addf %add3A_77, %mul3A_83 : vector<16xf32>
        %broadcast_in_dim3A_85 = arith.constant 3 : i32
        %broadcast_in_dim3A_86 = vector.broadcast %broadcast_in_dim3A_85 : i32 to vector<16xi32>
        %gather3A_87 = tpu.vector_load_idx %arg12[%add3A_63, %broadcast_in_dim3A_86] : memref<128x32xf32, #tpu.memory_space<vmem>>[vector<16xi32>, vector<16xi32>], vector<16xf32>,
        %gather3A_88 = tpu.vector_load_idx %arg13[%add3A_63, %broadcast_in_dim3A_86] : memref<128x32xf32, #tpu.memory_space<vmem>>[vector<16xi32>, vector<16xi32>], vector<16xf32>,
        %sub3A_89 = arith.subf %gather3A_87, %gather3A_88 : vector<16xf32>
        %mul3A_90 = arith.mulf %sub3A_89, %sub3A_89 : vector<16xf32>
        %add3A_91 = arith.addf %add3A_84, %mul3A_90 : vector<16xf32>
        %broadcast_in_dim3A_92 = arith.constant 4 : i32
        %broadcast_in_dim3A_93 = vector.broadcast %broadcast_in_dim3A_92 : i32 to vector<16xi32>
        %gather3A_94 = tpu.vector_load_idx %arg12[%add3A_63, %broadcast_in_dim3A_93] : memref<128x32xf32, #tpu.memory_space<vmem>>[vector<16xi32>, vector<16xi32>], vector<16xf32>,
        %gather3A_95 = tpu.vector_load_idx %arg13[%add3A_63, %broadcast_in_dim3A_93] : memref<128x32xf32, #tpu.memory_space<vmem>>[vector<16xi32>, vector<16xi32>], vector<16xf32>,
        %sub3A_96 = arith.subf %gather3A_94, %gather3A_95 : vector<16xf32>
        %mul3A_97 = arith.mulf %sub3A_96, %sub3A_96 : vector<16xf32>
        %add3A_98 = arith.addf %add3A_91, %mul3A_97 : vector<16xf32>
        %broadcast_in_dim3A_99 = arith.constant 5 : i32
        %broadcast_in_dim3A_100 = vector.broadcast %broadcast_in_dim3A_99 : i32 to vector<16xi32>
        %gather3A_101 = tpu.vector_load_idx %arg12[%add3A_63, %broadcast_in_dim3A_100] : memref<128x32xf32, #tpu.memory_space<vmem>>[vector<16xi32>, vector<16xi32>], vector<16xf32>,
        %gather3A_102 = tpu.vector_load_idx %arg13[%add3A_63, %broadcast_in_dim3A_100] : memref<128x32xf32, #tpu.memory_space<vmem>>[vector<16xi32>, vector<16xi32>], vector<16xf32>,
        %sub3A_103 = arith.subf %gather3A_101, %gather3A_102 : vector<16xf32>
        %mul3A_104 = arith.mulf %sub3A_103, %sub3A_103 : vector<16xf32>
        %add3A_105 = arith.addf %add3A_98, %mul3A_104 : vector<16xf32>
        %broadcast_in_dim3A_106 = arith.constant 6 : i32
        %broadcast_in_dim3A_107 = vector.broadcast %broadcast_in_dim3A_106 : i32 to vector<16xi32>
        %gather3A_108 = tpu.vector_load_idx %arg12[%add3A_63, %broadcast_in_dim3A_107] : memref<128x32xf32, #tpu.memory_space<vmem>>[vector<16xi32>, vector<16xi32>], vector<16xf32>,
        %gather3A_109 = tpu.vector_load_idx %arg13[%add3A_63, %broadcast_in_dim3A_107] : memref<128x32xf32, #tpu.memory_space<vmem>>[vector<16xi32>, vector<16xi32>], vector<16xf32>,
        %sub3A_110 = arith.subf %gather3A_108, %gather3A_109 : vector<16xf32>
        %mul3A_111 = arith.mulf %sub3A_110, %sub3A_110 : vector<16xf32>
        %add3A_112 = arith.addf %add3A_105, %mul3A_111 : vector<16xf32>
        %broadcast_in_dim3A_113 = arith.constant 7 : i32
        %broadcast_in_dim3A_114 = vector.broadcast %broadcast_in_dim3A_113 : i32 to vector<16xi32>
        %gather3A_115 = tpu.vector_load_idx %arg12[%add3A_63, %broadcast_in_dim3A_114] : memref<128x32xf32, #tpu.memory_space<vmem>>[vector<16xi32>, vector<16xi32>], vector<16xf32>,
        %gather3A_116 = tpu.vector_load_idx %arg13[%add3A_63, %broadcast_in_dim3A_114] : memref<128x32xf32, #tpu.memory_space<vmem>>[vector<16xi32>, vector<16xi32>], vector<16xf32>,
        %sub3A_117 = arith.subf %gather3A_115, %gather3A_116 : vector<16xf32>
        %mul3A_118 = arith.mulf %sub3A_117, %sub3A_117 : vector<16xf32>
        %add3A_119 = arith.addf %add3A_112, %mul3A_118 : vector<16xf32>
        %broadcast_in_dim3A_120 = arith.constant 8 : i32
        %broadcast_in_dim3A_121 = vector.broadcast %broadcast_in_dim3A_120 : i32 to vector<16xi32>
        %gather3A_122 = tpu.vector_load_idx %arg12[%add3A_63, %broadcast_in_dim3A_121] : memref<128x32xf32, #tpu.memory_space<vmem>>[vector<16xi32>, vector<16xi32>], vector<16xf32>,
        %gather3A_123 = tpu.vector_load_idx %arg13[%add3A_63, %broadcast_in_dim3A_121] : memref<128x32xf32, #tpu.memory_space<vmem>>[vector<16xi32>, vector<16xi32>], vector<16xf32>,
        %sub3A_124 = arith.subf %gather3A_122, %gather3A_123 : vector<16xf32>
        %mul3A_125 = arith.mulf %sub3A_124, %sub3A_124 : vector<16xf32>
        %add3A_126 = arith.addf %add3A_119, %mul3A_125 : vector<16xf32>
        %broadcast_in_dim3A_127 = arith.constant 9 : i32
        %broadcast_in_dim3A_128 = vector.broadcast %broadcast_in_dim3A_127 : i32 to vector<16xi32>
        %gather3A_129 = tpu.vector_load_idx %arg12[%add3A_63, %broadcast_in_dim3A_128] : memref<128x32xf32, #tpu.memory_space<vmem>>[vector<16xi32>, vector<16xi32>], vector<16xf32>,
        %gather3A_130 = tpu.vector_load_idx %arg13[%add3A_63, %broadcast_in_dim3A_128] : memref<128x32xf32, #tpu.memory_space<vmem>>[vector<16xi32>, vector<16xi32>], vector<16xf32>,
        %sub3A_131 = arith.subf %gather3A_129, %gather3A_130 : vector<16xf32>
        %mul3A_132 = arith.mulf %sub3A_131, %sub3A_131 : vector<16xf32>
        %add3A_133 = arith.addf %add3A_126, %mul3A_132 : vector<16xf32>
        %broadcast_in_dim3A_134 = arith.constant 10 : i32
        %broadcast_in_dim3A_135 = vector.broadcast %broadcast_in_dim3A_134 : i32 to vector<16xi32>
        %gather3A_136 = tpu.vector_load_idx %arg12[%add3A_63, %broadcast_in_dim3A_135] : memref<128x32xf32, #tpu.memory_space<vmem>>[vector<16xi32>, vector<16xi32>], vector<16xf32>,
        %gather3A_137 = tpu.vector_load_idx %arg13[%add3A_63, %broadcast_in_dim3A_135] : memref<128x32xf32, #tpu.memory_space<vmem>>[vector<16xi32>, vector<16xi32>], vector<16xf32>,
        %sub3A_138 = arith.subf %gather3A_136, %gather3A_137 : vector<16xf32>
        %mul3A_139 = arith.mulf %sub3A_138, %sub3A_138 : vector<16xf32>
        %add3A_140 = arith.addf %add3A_133, %mul3A_139 : vector<16xf32>
        %broadcast_in_dim3A_141 = arith.constant 11 : i32
        %broadcast_in_dim3A_142 = vector.broadcast %broadcast_in_dim3A_141 : i32 to vector<16xi32>
        %gather3A_143 = tpu.vector_load_idx %arg12[%add3A_63, %broadcast_in_dim3A_142] : memref<128x32xf32, #tpu.memory_space<vmem>>[vector<16xi32>, vector<16xi32>], vector<16xf32>,
        %gather3A_144 = tpu.vector_load_idx %arg13[%add3A_63, %broadcast_in_dim3A_142] : memref<128x32xf32, #tpu.memory_space<vmem>>[vector<16xi32>, vector<16xi32>], vector<16xf32>,
        %sub3A_145 = arith.subf %gather3A_143, %gather3A_144 : vector<16xf32>
        %mul3A_146 = arith.mulf %sub3A_145, %sub3A_145 : vector<16xf32>
        %add3A_147 = arith.addf %add3A_140, %mul3A_146 : vector<16xf32>
        %broadcast_in_dim3A_148 = arith.constant 12 : i32
        %broadcast_in_dim3A_149 = vector.broadcast %broadcast_in_dim3A_148 : i32 to vector<16xi32>
        %gather3A_150 = tpu.vector_load_idx %arg12[%add3A_63, %broadcast_in_dim3A_149] : memref<128x32xf32, #tpu.memory_space<vmem>>[vector<16xi32>, vector<16xi32>], vector<16xf32>,
        %gather3A_151 = tpu.vector_load_idx %arg13[%add3A_63, %broadcast_in_dim3A_149] : memref<128x32xf32, #tpu.memory_space<vmem>>[vector<16xi32>, vector<16xi32>], vector<16xf32>,
        %sub3A_152 = arith.subf %gather3A_150, %gather3A_151 : vector<16xf32>
        %mul3A_153 = arith.mulf %sub3A_152, %sub3A_152 : vector<16xf32>
        %add3A_154 = arith.addf %add3A_147, %mul3A_153 : vector<16xf32>
        %broadcast_in_dim3A_155 = arith.constant 13 : i32
        %broadcast_in_dim3A_156 = vector.broadcast %broadcast_in_dim3A_155 : i32 to vector<16xi32>
        %gather3A_157 = tpu.vector_load_idx %arg12[%add3A_63, %broadcast_in_dim3A_156] : memref<128x32xf32, #tpu.memory_space<vmem>>[vector<16xi32>, vector<16xi32>], vector<16xf32>,
        %gather3A_158 = tpu.vector_load_idx %arg13[%add3A_63, %broadcast_in_dim3A_156] : memref<128x32xf32, #tpu.memory_space<vmem>>[vector<16xi32>, vector<16xi32>], vector<16xf32>,
        %sub3A_159 = arith.subf %gather3A_157, %gather3A_158 : vector<16xf32>
        %mul3A_160 = arith.mulf %sub3A_159, %sub3A_159 : vector<16xf32>
        %add3A_161 = arith.addf %add3A_154, %mul3A_160 : vector<16xf32>
        %broadcast_in_dim3A_162 = arith.constant 14 : i32
        %broadcast_in_dim3A_163 = vector.broadcast %broadcast_in_dim3A_162 : i32 to vector<16xi32>
        %gather3A_164 = tpu.vector_load_idx %arg12[%add3A_63, %broadcast_in_dim3A_163] : memref<128x32xf32, #tpu.memory_space<vmem>>[vector<16xi32>, vector<16xi32>], vector<16xf32>,
        %gather3A_165 = tpu.vector_load_idx %arg13[%add3A_63, %broadcast_in_dim3A_163] : memref<128x32xf32, #tpu.memory_space<vmem>>[vector<16xi32>, vector<16xi32>], vector<16xf32>,
        %sub3A_166 = arith.subf %gather3A_164, %gather3A_165 : vector<16xf32>
        %mul3A_167 = arith.mulf %sub3A_166, %sub3A_166 : vector<16xf32>
        %add3A_168 = arith.addf %add3A_161, %mul3A_167 : vector<16xf32>
        %broadcast_in_dim3A_169 = arith.constant 15 : i32
        %broadcast_in_dim3A_170 = vector.broadcast %broadcast_in_dim3A_169 : i32 to vector<16xi32>
        %gather3A_171 = tpu.vector_load_idx %arg12[%add3A_63, %broadcast_in_dim3A_170] : memref<128x32xf32, #tpu.memory_space<vmem>>[vector<16xi32>, vector<16xi32>], vector<16xf32>,
        %gather3A_172 = tpu.vector_load_idx %arg13[%add3A_63, %broadcast_in_dim3A_170] : memref<128x32xf32, #tpu.memory_space<vmem>>[vector<16xi32>, vector<16xi32>], vector<16xf32>,
        %sub3A_173 = arith.subf %gather3A_171, %gather3A_172 : vector<16xf32>
        %mul3A_174 = arith.mulf %sub3A_173, %sub3A_173 : vector<16xf32>
        %add3A_175 = arith.addf %add3A_168, %mul3A_174 : vector<16xf32>
        %broadcast_in_dim3A_176 = arith.constant 16 : i32
        %broadcast_in_dim3A_177 = vector.broadcast %broadcast_in_dim3A_176 : i32 to vector<16xi32>
        %gather3A_178 = tpu.vector_load_idx %arg12[%add3A_63, %broadcast_in_dim3A_177] : memref<128x32xf32, #tpu.memory_space<vmem>>[vector<16xi32>, vector<16xi32>], vector<16xf32>,
        %gather3A_179 = tpu.vector_load_idx %arg13[%add3A_63, %broadcast_in_dim3A_177] : memref<128x32xf32, #tpu.memory_space<vmem>>[vector<16xi32>, vector<16xi32>], vector<16xf32>,
        %sub3A_180 = arith.subf %gather3A_178, %gather3A_179 : vector<16xf32>
        %mul3A_181 = arith.mulf %sub3A_180, %sub3A_180 : vector<16xf32>
        %add3A_182 = arith.addf %add3A_175, %mul3A_181 : vector<16xf32>
        %broadcast_in_dim3A_183 = arith.constant 17 : i32
        %broadcast_in_dim3A_184 = vector.broadcast %broadcast_in_dim3A_183 : i32 to vector<16xi32>
        %gather3A_185 = tpu.vector_load_idx %arg12[%add3A_63, %broadcast_in_dim3A_184] : memref<128x32xf32, #tpu.memory_space<vmem>>[vector<16xi32>, vector<16xi32>], vector<16xf32>,
        %gather3A_186 = tpu.vector_load_idx %arg13[%add3A_63, %broadcast_in_dim3A_184] : memref<128x32xf32, #tpu.memory_space<vmem>>[vector<16xi32>, vector<16xi32>], vector<16xf32>,
        %sub3A_187 = arith.subf %gather3A_185, %gather3A_186 : vector<16xf32>
        %mul3A_188 = arith.mulf %sub3A_187, %sub3A_187 : vector<16xf32>
        %add3A_189 = arith.addf %add3A_182, %mul3A_188 : vector<16xf32>
        %broadcast_in_dim3A_190 = arith.constant 18 : i32
        %broadcast_in_dim3A_191 = vector.broadcast %broadcast_in_dim3A_190 : i32 to vector<16xi32>
        %gather3A_192 = tpu.vector_load_idx %arg12[%add3A_63, %broadcast_in_dim3A_191] : memref<128x32xf32, #tpu.memory_space<vmem>>[vector<16xi32>, vector<16xi32>], vector<16xf32>,
        %gather3A_193 = tpu.vector_load_idx %arg13[%add3A_63, %broadcast_in_dim3A_191] : memref<128x32xf32, #tpu.memory_space<vmem>>[vector<16xi32>, vector<16xi32>], vector<16xf32>,
        %sub3A_194 = arith.subf %gather3A_192, %gather3A_193 : vector<16xf32>
        %mul3A_195 = arith.mulf %sub3A_194, %sub3A_194 : vector<16xf32>
        %add3A_196 = arith.addf %add3A_189, %mul3A_195 : vector<16xf32>
        %broadcast_in_dim3A_197 = arith.constant 19 : i32
        %broadcast_in_dim3A_198 = vector.broadcast %broadcast_in_dim3A_197 : i32 to vector<16xi32>
        %gather3A_199 = tpu.vector_load_idx %arg12[%add3A_63, %broadcast_in_dim3A_198] : memref<128x32xf32, #tpu.memory_space<vmem>>[vector<16xi32>, vector<16xi32>], vector<16xf32>,
        %gather3A_200 = tpu.vector_load_idx %arg13[%add3A_63, %broadcast_in_dim3A_198] : memref<128x32xf32, #tpu.memory_space<vmem>>[vector<16xi32>, vector<16xi32>], vector<16xf32>,
        %sub3A_201 = arith.subf %gather3A_199, %gather3A_200 : vector<16xf32>
        %mul3A_202 = arith.mulf %sub3A_201, %sub3A_201 : vector<16xf32>
        %add3A_203 = arith.addf %add3A_196, %mul3A_202 : vector<16xf32>
        %broadcast_in_dim3A_204 = arith.constant 20 : i32
        %broadcast_in_dim3A_205 = vector.broadcast %broadcast_in_dim3A_204 : i32 to vector<16xi32>
        %gather3A_206 = tpu.vector_load_idx %arg12[%add3A_63, %broadcast_in_dim3A_205] : memref<128x32xf32, #tpu.memory_space<vmem>>[vector<16xi32>, vector<16xi32>], vector<16xf32>,
        %gather3A_207 = tpu.vector_load_idx %arg13[%add3A_63, %broadcast_in_dim3A_205] : memref<128x32xf32, #tpu.memory_space<vmem>>[vector<16xi32>, vector<16xi32>], vector<16xf32>,
        %sub3A_208 = arith.subf %gather3A_206, %gather3A_207 : vector<16xf32>
        %mul3A_209 = arith.mulf %sub3A_208, %sub3A_208 : vector<16xf32>
        %add3A_210 = arith.addf %add3A_203, %mul3A_209 : vector<16xf32>
        %broadcast_in_dim3A_211 = arith.constant 21 : i32
        %broadcast_in_dim3A_212 = vector.broadcast %broadcast_in_dim3A_211 : i32 to vector<16xi32>
        %gather3A_213 = tpu.vector_load_idx %arg12[%add3A_63, %broadcast_in_dim3A_212] : memref<128x32xf32, #tpu.memory_space<vmem>>[vector<16xi32>, vector<16xi32>], vector<16xf32>,
        %gather3A_214 = tpu.vector_load_idx %arg13[%add3A_63, %broadcast_in_dim3A_212] : memref<128x32xf32, #tpu.memory_space<vmem>>[vector<16xi32>, vector<16xi32>], vector<16xf32>,
        %sub3A_215 = arith.subf %gather3A_213, %gather3A_214 : vector<16xf32>
        %mul3A_216 = arith.mulf %sub3A_215, %sub3A_215 : vector<16xf32>
        %add3A_217 = arith.addf %add3A_210, %mul3A_216 : vector<16xf32>
        %broadcast_in_dim3A_218 = arith.constant 22 : i32
        %broadcast_in_dim3A_219 = vector.broadcast %broadcast_in_dim3A_218 : i32 to vector<16xi32>
        %gather3A_220 = tpu.vector_load_idx %arg12[%add3A_63, %broadcast_in_dim3A_219] : memref<128x32xf32, #tpu.memory_space<vmem>>[vector<16xi32>, vector<16xi32>], vector<16xf32>,
        %gather3A_221 = tpu.vector_load_idx %arg13[%add3A_63, %broadcast_in_dim3A_219] : memref<128x32xf32, #tpu.memory_space<vmem>>[vector<16xi32>, vector<16xi32>], vector<16xf32>,
        %sub3A_222 = arith.subf %gather3A_220, %gather3A_221 : vector<16xf32>
        %mul3A_223 = arith.mulf %sub3A_222, %sub3A_222 : vector<16xf32>
        %add3A_224 = arith.addf %add3A_217, %mul3A_223 : vector<16xf32>
        %broadcast_in_dim3A_225 = arith.constant 23 : i32
        %broadcast_in_dim3A_226 = vector.broadcast %broadcast_in_dim3A_225 : i32 to vector<16xi32>
        %gather3A_227 = tpu.vector_load_idx %arg12[%add3A_63, %broadcast_in_dim3A_226] : memref<128x32xf32, #tpu.memory_space<vmem>>[vector<16xi32>, vector<16xi32>], vector<16xf32>,
        %gather3A_228 = tpu.vector_load_idx %arg13[%add3A_63, %broadcast_in_dim3A_226] : memref<128x32xf32, #tpu.memory_space<vmem>>[vector<16xi32>, vector<16xi32>], vector<16xf32>,
        %sub3A_229 = arith.subf %gather3A_227, %gather3A_228 : vector<16xf32>
        %mul3A_230 = arith.mulf %sub3A_229, %sub3A_229 : vector<16xf32>
        %add3A_231 = arith.addf %add3A_224, %mul3A_230 : vector<16xf32>
        %broadcast_in_dim3A_232 = arith.constant 24 : i32
        %broadcast_in_dim3A_233 = vector.broadcast %broadcast_in_dim3A_232 : i32 to vector<16xi32>
        %gather3A_234 = tpu.vector_load_idx %arg12[%add3A_63, %broadcast_in_dim3A_233] : memref<128x32xf32, #tpu.memory_space<vmem>>[vector<16xi32>, vector<16xi32>], vector<16xf32>,
        %gather3A_235 = tpu.vector_load_idx %arg13[%add3A_63, %broadcast_in_dim3A_233] : memref<128x32xf32, #tpu.memory_space<vmem>>[vector<16xi32>, vector<16xi32>], vector<16xf32>,
        %sub3A_236 = arith.subf %gather3A_234, %gather3A_235 : vector<16xf32>
        %mul3A_237 = arith.mulf %sub3A_236, %sub3A_236 : vector<16xf32>
        %add3A_238 = arith.addf %add3A_231, %mul3A_237 : vector<16xf32>
        %broadcast_in_dim3A_239 = arith.constant 25 : i32
        %broadcast_in_dim3A_240 = vector.broadcast %broadcast_in_dim3A_239 : i32 to vector<16xi32>
        %gather3A_241 = tpu.vector_load_idx %arg12[%add3A_63, %broadcast_in_dim3A_240] : memref<128x32xf32, #tpu.memory_space<vmem>>[vector<16xi32>, vector<16xi32>], vector<16xf32>,
        %gather3A_242 = tpu.vector_load_idx %arg13[%add3A_63, %broadcast_in_dim3A_240] : memref<128x32xf32, #tpu.memory_space<vmem>>[vector<16xi32>, vector<16xi32>], vector<16xf32>,
        %sub3A_243 = arith.subf %gather3A_241, %gather3A_242 : vector<16xf32>
        %mul3A_244 = arith.mulf %sub3A_243, %sub3A_243 : vector<16xf32>
        %add3A_245 = arith.addf %add3A_238, %mul3A_244 : vector<16xf32>
        %broadcast_in_dim3A_246 = arith.constant 26 : i32
        %broadcast_in_dim3A_247 = vector.broadcast %broadcast_in_dim3A_246 : i32 to vector<16xi32>
        %gather3A_248 = tpu.vector_load_idx %arg12[%add3A_63, %broadcast_in_dim3A_247] : memref<128x32xf32, #tpu.memory_space<vmem>>[vector<16xi32>, vector<16xi32>], vector<16xf32>,
        %gather3A_249 = tpu.vector_load_idx %arg13[%add3A_63, %broadcast_in_dim3A_247] : memref<128x32xf32, #tpu.memory_space<vmem>>[vector<16xi32>, vector<16xi32>], vector<16xf32>,
        %sub3A_250 = arith.subf %gather3A_248, %gather3A_249 : vector<16xf32>
        %mul3A_251 = arith.mulf %sub3A_250, %sub3A_250 : vector<16xf32>
        %add3A_252 = arith.addf %add3A_245, %mul3A_251 : vector<16xf32>
        %broadcast_in_dim3A_253 = arith.constant 27 : i32
        %broadcast_in_dim3A_254 = vector.broadcast %broadcast_in_dim3A_253 : i32 to vector<16xi32>
        %gather3A_255 = tpu.vector_load_idx %arg12[%add3A_63, %broadcast_in_dim3A_254] : memref<128x32xf32, #tpu.memory_space<vmem>>[vector<16xi32>, vector<16xi32>], vector<16xf32>,
        %gather3A_256 = tpu.vector_load_idx %arg13[%add3A_63, %broadcast_in_dim3A_254] : memref<128x32xf32, #tpu.memory_space<vmem>>[vector<16xi32>, vector<16xi32>], vector<16xf32>,
        %sub3A_257 = arith.subf %gather3A_255, %gather3A_256 : vector<16xf32>
        %mul3A_258 = arith.mulf %sub3A_257, %sub3A_257 : vector<16xf32>
        %add3A_259 = arith.addf %add3A_252, %mul3A_258 : vector<16xf32>
        %broadcast_in_dim3A_260 = arith.constant 28 : i32
        %broadcast_in_dim3A_261 = vector.broadcast %broadcast_in_dim3A_260 : i32 to vector<16xi32>
        %gather3A_262 = tpu.vector_load_idx %arg12[%add3A_63, %broadcast_in_dim3A_261] : memref<128x32xf32, #tpu.memory_space<vmem>>[vector<16xi32>, vector<16xi32>], vector<16xf32>,
        %gather3A_263 = tpu.vector_load_idx %arg13[%add3A_63, %broadcast_in_dim3A_261] : memref<128x32xf32, #tpu.memory_space<vmem>>[vector<16xi32>, vector<16xi32>], vector<16xf32>,
        %sub3A_264 = arith.subf %gather3A_262, %gather3A_263 : vector<16xf32>
        %mul3A_265 = arith.mulf %sub3A_264, %sub3A_264 : vector<16xf32>
        %add3A_266 = arith.addf %add3A_259, %mul3A_265 : vector<16xf32>
        %broadcast_in_dim3A_267 = arith.constant 29 : i32
        %broadcast_in_dim3A_268 = vector.broadcast %broadcast_in_dim3A_267 : i32 to vector<16xi32>
        %gather3A_269 = tpu.vector_load_idx %arg12[%add3A_63, %broadcast_in_dim3A_268] : memref<128x32xf32, #tpu.memory_space<vmem>>[vector<16xi32>, vector<16xi32>], vector<16xf32>,
        %gather3A_270 = tpu.vector_load_idx %arg13[%add3A_63, %broadcast_in_dim3A_268] : memref<128x32xf32, #tpu.memory_space<vmem>>[vector<16xi32>, vector<16xi32>], vector<16xf32>,
        %sub3A_271 = arith.subf %gather3A_269, %gather3A_270 : vector<16xf32>
        %mul3A_272 = arith.mulf %sub3A_271, %sub3A_271 : vector<16xf32>
        %add3A_273 = arith.addf %add3A_266, %mul3A_272 : vector<16xf32>
        %broadcast_in_dim3A_274 = arith.constant 30 : i32
        %broadcast_in_dim3A_275 = vector.broadcast %broadcast_in_dim3A_274 : i32 to vector<16xi32>
        %gather3A_276 = tpu.vector_load_idx %arg12[%add3A_63, %broadcast_in_dim3A_275] : memref<128x32xf32, #tpu.memory_space<vmem>>[vector<16xi32>, vector<16xi32>], vector<16xf32>,
        %gather3A_277 = tpu.vector_load_idx %arg13[%add3A_63, %broadcast_in_dim3A_275] : memref<128x32xf32, #tpu.memory_space<vmem>>[vector<16xi32>, vector<16xi32>], vector<16xf32>,
        %sub3A_278 = arith.subf %gather3A_276, %gather3A_277 : vector<16xf32>
        %mul3A_279 = arith.mulf %sub3A_278, %sub3A_278 : vector<16xf32>
        %add3A_280 = arith.addf %add3A_273, %mul3A_279 : vector<16xf32>
        %broadcast_in_dim3A_281 = arith.constant 31 : i32
        %broadcast_in_dim3A_282 = vector.broadcast %broadcast_in_dim3A_281 : i32 to vector<16xi32>
        %gather3A_283 = tpu.vector_load_idx %arg12[%add3A_63, %broadcast_in_dim3A_282] : memref<128x32xf32, #tpu.memory_space<vmem>>[vector<16xi32>, vector<16xi32>], vector<16xf32>,
        %gather3A_284 = tpu.vector_load_idx %arg13[%add3A_63, %broadcast_in_dim3A_282] : memref<128x32xf32, #tpu.memory_space<vmem>>[vector<16xi32>, vector<16xi32>], vector<16xf32>,
        %sub3A_285 = arith.subf %gather3A_283, %gather3A_284 : vector<16xf32>
        %mul3A_286 = arith.mulf %sub3A_285, %sub3A_285 : vector<16xf32>
        %add3A_287 = arith.addf %add3A_280, %mul3A_286 : vector<16xf32>
        %add3A_288 = arith.constant 9.99999996E-13 : f32
        %add3A_289 = vector.broadcast %add3A_288 : f32 to vector<16xf32>
        %add3A_290 = arith.addf %add3A_287, %add3A_289 : vector<16xf32>
        %bitcast_convert_type3A = tpu.bitcast %add3A_290 : vector<16xf32> -> vector<16xi32>
        %shift_right_logical3A = arith.constant 1 : i32
        %shift_right_logical3A_291 = vector.broadcast %shift_right_logical3A : i32 to vector<16xi32>
        %shift_right_logical3A_292 = arith.shrui %bitcast_convert_type3A, %shift_right_logical3A_291 : vector<16xi32>
        %add3A_293 = arith.constant 532487669 : i32
        %add3A_294 = vector.broadcast %add3A_293 : i32 to vector<16xi32>
        %add3A_295 = arith.addi %shift_right_logical3A_292, %add3A_294 : vector<16xi32>
        %bitcast_convert_type3A_296 = tpu.bitcast %add3A_295 : vector<16xi32> -> vector<16xf32>
        %div3A = arith.divf %add3A_290, %bitcast_convert_type3A_296 : vector<16xf32>
        %add3A_297 = arith.addf %bitcast_convert_type3A_296, %div3A : vector<16xf32>
        %mul3A_298 = arith.constant 5.000000e-01 : f32
        %mul3A_299 = vector.broadcast %mul3A_298 : f32 to vector<16xf32>
        %mul3A_300 = arith.mulf %mul3A_299, %add3A_297 : vector<16xf32>
        %div3A_301 = arith.divf %add3A_290, %mul3A_300 : vector<16xf32>
        %add3A_302 = arith.addf %mul3A_300, %div3A_301 : vector<16xf32>
        %mul3A_303 = arith.constant 5.000000e-01 : f32
        %mul3A_304 = vector.broadcast %mul3A_303 : f32 to vector<16xf32>
        %mul3A_305 = arith.mulf %mul3A_304, %add3A_302 : vector<16xf32>
        %gather3A_306 = tpu.vector_load_idx %arg10[%add3A_63] : memref<128xi32, #tpu.memory_space<vmem>>[vector<16xi32>], vector<16xi32>,
        %gather3A_307 = tpu.vector_load_idx %arg11[%add3A_63] : memref<128xi32, #tpu.memory_space<vmem>>[vector<16xi32>], vector<16xi32>,
        %gather3A_308 = tpu.vector_load_idx %arg9[%gather3A_306] : memref<16384xi32, #tpu.memory_space<vmem>>[vector<16xi32>], vector<16xi32>,
        %gather3A_309 = tpu.vector_load_idx %arg9[%gather3A_307] : memref<16384xi32, #tpu.memory_space<vmem>>[vector<16xi32>], vector<16xi32>,
        %eq3A = arith.cmpi eq, %gather3A_308, %gather3A_309 : vector<16xi32>
        %sub3A_310 = arith.constant 1.000000e-01 : f32
        %sub3A_311 = vector.broadcast %sub3A_310 : f32 to vector<16xf32>
        %sub3A_312 = arith.subf %sub3A_311, %mul3A_305 : vector<16xf32>
        %max3A = arith.constant 0.000000e+00 : f32
        %max3A_313 = vector.broadcast %max3A : f32 to vector<16xf32>
        %max3A_314 = arith.maximumf %max3A_313, %sub3A_312 : vector<16xf32>
        %select_n3A = arith.select %eq3A, %mul3A_305, %max3A_314 : vector<16xi1>, vector<16xf32>
        %add3A_315 = arith.addf %while3A_59, %select_n3A : vector<16xf32>
        scf.yield %add3A_315 : vector<16xf32>
      }
      %while3A_56 = arith.constant 1 : i32
      %while3A_57 = scf.for %while3A_58 = %while3A_53 to %while3A_49 step %while3A_56 iter_args(%while3A_59 = %while3A_55) -> (vector<16xf32>)  : i32 {
        %mul3A_60 = arith.constant 16 : i32
        %mul3A_61 = arith.muli %while3A_58, %mul3A_60 : i32
        %add3A_62 = vector.broadcast %mul3A_61 : i32 to vector<16xi32>
        %add3A_63 = arith.addi %add3A_62, %iota3A : vector<16xi32>
        %broadcast_in_dim3A_64 = arith.constant 0.000000e+00 : f32
        %broadcast_in_dim3A_65 = vector.broadcast %broadcast_in_dim3A_64 : f32 to vector<16xf32>
        %broadcast_in_dim3A_66 = arith.constant 0 : i32
        %broadcast_in_dim3A_67 = vector.broadcast %broadcast_in_dim3A_66 : i32 to vector<16xi32>
        %gather3A = tpu.vector_load_idx %arg12[%add3A_63, %broadcast_in_dim3A_67] : memref<128x32xf32, #tpu.memory_space<vmem>>[vector<16xi32>, vector<16xi32>], vector<16xf32>,
        %gather3A_68 = tpu.vector_load_idx %arg13[%add3A_63, %broadcast_in_dim3A_67] : memref<128x32xf32, #tpu.memory_space<vmem>>[vector<16xi32>, vector<16xi32>], vector<16xf32>,
        %sub3A = arith.subf %gather3A, %gather3A_68 : vector<16xf32>
        %mul3A_69 = arith.mulf %sub3A, %sub3A : vector<16xf32>
        %add3A_70 = arith.addf %broadcast_in_dim3A_65, %mul3A_69 : vector<16xf32>
        %broadcast_in_dim3A_71 = arith.constant 1 : i32
        %broadcast_in_dim3A_72 = vector.broadcast %broadcast_in_dim3A_71 : i32 to vector<16xi32>
        %gather3A_73 = tpu.vector_load_idx %arg12[%add3A_63, %broadcast_in_dim3A_72] : memref<128x32xf32, #tpu.memory_space<vmem>>[vector<16xi32>, vector<16xi32>], vector<16xf32>,
        %gather3A_74 = tpu.vector_load_idx %arg13[%add3A_63, %broadcast_in_dim3A_72] : memref<128x32xf32, #tpu.memory_space<vmem>>[vector<16xi32>, vector<16xi32>], vector<16xf32>,
        %sub3A_75 = arith.subf %gather3A_73, %gather3A_74 : vector<16xf32>
        %mul3A_76 = arith.mulf %sub3A_75, %sub3A_75 : vector<16xf32>
        %add3A_77 = arith.addf %add3A_70, %mul3A_76 : vector<16xf32>
        %broadcast_in_dim3A_78 = arith.constant 2 : i32
        %broadcast_in_dim3A_79 = vector.broadcast %broadcast_in_dim3A_78 : i32 to vector<16xi32>
        %gather3A_80 = tpu.vector_load_idx %arg12[%add3A_63, %broadcast_in_dim3A_79] : memref<128x32xf32, #tpu.memory_space<vmem>>[vector<16xi32>, vector<16xi32>], vector<16xf32>,
        %gather3A_81 = tpu.vector_load_idx %arg13[%add3A_63, %broadcast_in_dim3A_79] : memref<128x32xf32, #tpu.memory_space<vmem>>[vector<16xi32>, vector<16xi32>], vector<16xf32>,
        %sub3A_82 = arith.subf %gather3A_80, %gather3A_81 : vector<16xf32>
        %mul3A_83 = arith.mulf %sub3A_82, %sub3A_82 : vector<16xf32>
        %add3A_84 = arith.addf %add3A_77, %mul3A_83 : vector<16xf32>
        %broadcast_in_dim3A_85 = arith.constant 3 : i32
        %broadcast_in_dim3A_86 = vector.broadcast %broadcast_in_dim3A_85 : i32 to vector<16xi32>
        %gather3A_87 = tpu.vector_load_idx %arg12[%add3A_63, %broadcast_in_dim3A_86] : memref<128x32xf32, #tpu.memory_space<vmem>>[vector<16xi32>, vector<16xi32>], vector<16xf32>,
        %gather3A_88 = tpu.vector_load_idx %arg13[%add3A_63, %broadcast_in_dim3A_86] : memref<128x32xf32, #tpu.memory_space<vmem>>[vector<16xi32>, vector<16xi32>], vector<16xf32>,
        %sub3A_89 = arith.subf %gather3A_87, %gather3A_88 : vector<16xf32>
        %mul3A_90 = arith.mulf %sub3A_89, %sub3A_89 : vector<16xf32>
        %add3A_91 = arith.addf %add3A_84, %mul3A_90 : vector<16xf32>
        %broadcast_in_dim3A_92 = arith.constant 4 : i32
        %broadcast_in_dim3A_93 = vector.broadcast %broadcast_in_dim3A_92 : i32 to vector<16xi32>
        %gather3A_94 = tpu.vector_load_idx %arg12[%add3A_63, %broadcast_in_dim3A_93] : memref<128x32xf32, #tpu.memory_space<vmem>>[vector<16xi32>, vector<16xi32>], vector<16xf32>,
        %gather3A_95 = tpu.vector_load_idx %arg13[%add3A_63, %broadcast_in_dim3A_93] : memref<128x32xf32, #tpu.memory_space<vmem>>[vector<16xi32>, vector<16xi32>], vector<16xf32>,
        %sub3A_96 = arith.subf %gather3A_94, %gather3A_95 : vector<16xf32>
        %mul3A_97 = arith.mulf %sub3A_96, %sub3A_96 : vector<16xf32>
        %add3A_98 = arith.addf %add3A_91, %mul3A_97 : vector<16xf32>
        %broadcast_in_dim3A_99 = arith.constant 5 : i32
        %broadcast_in_dim3A_100 = vector.broadcast %broadcast_in_dim3A_99 : i32 to vector<16xi32>
        %gather3A_101 = tpu.vector_load_idx %arg12[%add3A_63, %broadcast_in_dim3A_100] : memref<128x32xf32, #tpu.memory_space<vmem>>[vector<16xi32>, vector<16xi32>], vector<16xf32>,
        %gather3A_102 = tpu.vector_load_idx %arg13[%add3A_63, %broadcast_in_dim3A_100] : memref<128x32xf32, #tpu.memory_space<vmem>>[vector<16xi32>, vector<16xi32>], vector<16xf32>,
        %sub3A_103 = arith.subf %gather3A_101, %gather3A_102 : vector<16xf32>
        %mul3A_104 = arith.mulf %sub3A_103, %sub3A_103 : vector<16xf32>
        %add3A_105 = arith.addf %add3A_98, %mul3A_104 : vector<16xf32>
        %broadcast_in_dim3A_106 = arith.constant 6 : i32
        %broadcast_in_dim3A_107 = vector.broadcast %broadcast_in_dim3A_106 : i32 to vector<16xi32>
        %gather3A_108 = tpu.vector_load_idx %arg12[%add3A_63, %broadcast_in_dim3A_107] : memref<128x32xf32, #tpu.memory_space<vmem>>[vector<16xi32>, vector<16xi32>], vector<16xf32>,
        %gather3A_109 = tpu.vector_load_idx %arg13[%add3A_63, %broadcast_in_dim3A_107] : memref<128x32xf32, #tpu.memory_space<vmem>>[vector<16xi32>, vector<16xi32>], vector<16xf32>,
        %sub3A_110 = arith.subf %gather3A_108, %gather3A_109 : vector<16xf32>
        %mul3A_111 = arith.mulf %sub3A_110, %sub3A_110 : vector<16xf32>
        %add3A_112 = arith.addf %add3A_105, %mul3A_111 : vector<16xf32>
        %broadcast_in_dim3A_113 = arith.constant 7 : i32
        %broadcast_in_dim3A_114 = vector.broadcast %broadcast_in_dim3A_113 : i32 to vector<16xi32>
        %gather3A_115 = tpu.vector_load_idx %arg12[%add3A_63, %broadcast_in_dim3A_114] : memref<128x32xf32, #tpu.memory_space<vmem>>[vector<16xi32>, vector<16xi32>], vector<16xf32>,
        %gather3A_116 = tpu.vector_load_idx %arg13[%add3A_63, %broadcast_in_dim3A_114] : memref<128x32xf32, #tpu.memory_space<vmem>>[vector<16xi32>, vector<16xi32>], vector<16xf32>,
        %sub3A_117 = arith.subf %gather3A_115, %gather3A_116 : vector<16xf32>
        %mul3A_118 = arith.mulf %sub3A_117, %sub3A_117 : vector<16xf32>
        %add3A_119 = arith.addf %add3A_112, %mul3A_118 : vector<16xf32>
        %broadcast_in_dim3A_120 = arith.constant 8 : i32
        %broadcast_in_dim3A_121 = vector.broadcast %broadcast_in_dim3A_120 : i32 to vector<16xi32>
        %gather3A_122 = tpu.vector_load_idx %arg12[%add3A_63, %broadcast_in_dim3A_121] : memref<128x32xf32, #tpu.memory_space<vmem>>[vector<16xi32>, vector<16xi32>], vector<16xf32>,
        %gather3A_123 = tpu.vector_load_idx %arg13[%add3A_63, %broadcast_in_dim3A_121] : memref<128x32xf32, #tpu.memory_space<vmem>>[vector<16xi32>, vector<16xi32>], vector<16xf32>,
        %sub3A_124 = arith.subf %gather3A_122, %gather3A_123 : vector<16xf32>
        %mul3A_125 = arith.mulf %sub3A_124, %sub3A_124 : vector<16xf32>
        %add3A_126 = arith.addf %add3A_119, %mul3A_125 : vector<16xf32>
        %broadcast_in_dim3A_127 = arith.constant 9 : i32
        %broadcast_in_dim3A_128 = vector.broadcast %broadcast_in_dim3A_127 : i32 to vector<16xi32>
        %gather3A_129 = tpu.vector_load_idx %arg12[%add3A_63, %broadcast_in_dim3A_128] : memref<128x32xf32, #tpu.memory_space<vmem>>[vector<16xi32>, vector<16xi32>], vector<16xf32>,
        %gather3A_130 = tpu.vector_load_idx %arg13[%add3A_63, %broadcast_in_dim3A_128] : memref<128x32xf32, #tpu.memory_space<vmem>>[vector<16xi32>, vector<16xi32>], vector<16xf32>,
        %sub3A_131 = arith.subf %gather3A_129, %gather3A_130 : vector<16xf32>
        %mul3A_132 = arith.mulf %sub3A_131, %sub3A_131 : vector<16xf32>
        %add3A_133 = arith.addf %add3A_126, %mul3A_132 : vector<16xf32>
        %broadcast_in_dim3A_134 = arith.constant 10 : i32
        %broadcast_in_dim3A_135 = vector.broadcast %broadcast_in_dim3A_134 : i32 to vector<16xi32>
        %gather3A_136 = tpu.vector_load_idx %arg12[%add3A_63, %broadcast_in_dim3A_135] : memref<128x32xf32, #tpu.memory_space<vmem>>[vector<16xi32>, vector<16xi32>], vector<16xf32>,
        %gather3A_137 = tpu.vector_load_idx %arg13[%add3A_63, %broadcast_in_dim3A_135] : memref<128x32xf32, #tpu.memory_space<vmem>>[vector<16xi32>, vector<16xi32>], vector<16xf32>,
        %sub3A_138 = arith.subf %gather3A_136, %gather3A_137 : vector<16xf32>
        %mul3A_139 = arith.mulf %sub3A_138, %sub3A_138 : vector<16xf32>
        %add3A_140 = arith.addf %add3A_133, %mul3A_139 : vector<16xf32>
        %broadcast_in_dim3A_141 = arith.constant 11 : i32
        %broadcast_in_dim3A_142 = vector.broadcast %broadcast_in_dim3A_141 : i32 to vector<16xi32>
        %gather3A_143 = tpu.vector_load_idx %arg12[%add3A_63, %broadcast_in_dim3A_142] : memref<128x32xf32, #tpu.memory_space<vmem>>[vector<16xi32>, vector<16xi32>], vector<16xf32>,
        %gather3A_144 = tpu.vector_load_idx %arg13[%add3A_63, %broadcast_in_dim3A_142] : memref<128x32xf32, #tpu.memory_space<vmem>>[vector<16xi32>, vector<16xi32>], vector<16xf32>,
        %sub3A_145 = arith.subf %gather3A_143, %gather3A_144 : vector<16xf32>
        %mul3A_146 = arith.mulf %sub3A_145, %sub3A_145 : vector<16xf32>
        %add3A_147 = arith.addf %add3A_140, %mul3A_146 : vector<16xf32>
        %broadcast_in_dim3A_148 = arith.constant 12 : i32
        %broadcast_in_dim3A_149 = vector.broadcast %broadcast_in_dim3A_148 : i32 to vector<16xi32>
        %gather3A_150 = tpu.vector_load_idx %arg12[%add3A_63, %broadcast_in_dim3A_149] : memref<128x32xf32, #tpu.memory_space<vmem>>[vector<16xi32>, vector<16xi32>], vector<16xf32>,
        %gather3A_151 = tpu.vector_load_idx %arg13[%add3A_63, %broadcast_in_dim3A_149] : memref<128x32xf32, #tpu.memory_space<vmem>>[vector<16xi32>, vector<16xi32>], vector<16xf32>,
        %sub3A_152 = arith.subf %gather3A_150, %gather3A_151 : vector<16xf32>
        %mul3A_153 = arith.mulf %sub3A_152, %sub3A_152 : vector<16xf32>
        %add3A_154 = arith.addf %add3A_147, %mul3A_153 : vector<16xf32>
        %broadcast_in_dim3A_155 = arith.constant 13 : i32
        %broadcast_in_dim3A_156 = vector.broadcast %broadcast_in_dim3A_155 : i32 to vector<16xi32>
        %gather3A_157 = tpu.vector_load_idx %arg12[%add3A_63, %broadcast_in_dim3A_156] : memref<128x32xf32, #tpu.memory_space<vmem>>[vector<16xi32>, vector<16xi32>], vector<16xf32>,
        %gather3A_158 = tpu.vector_load_idx %arg13[%add3A_63, %broadcast_in_dim3A_156] : memref<128x32xf32, #tpu.memory_space<vmem>>[vector<16xi32>, vector<16xi32>], vector<16xf32>,
        %sub3A_159 = arith.subf %gather3A_157, %gather3A_158 : vector<16xf32>
        %mul3A_160 = arith.mulf %sub3A_159, %sub3A_159 : vector<16xf32>
        %add3A_161 = arith.addf %add3A_154, %mul3A_160 : vector<16xf32>
        %broadcast_in_dim3A_162 = arith.constant 14 : i32
        %broadcast_in_dim3A_163 = vector.broadcast %broadcast_in_dim3A_162 : i32 to vector<16xi32>
        %gather3A_164 = tpu.vector_load_idx %arg12[%add3A_63, %broadcast_in_dim3A_163] : memref<128x32xf32, #tpu.memory_space<vmem>>[vector<16xi32>, vector<16xi32>], vector<16xf32>,
        %gather3A_165 = tpu.vector_load_idx %arg13[%add3A_63, %broadcast_in_dim3A_163] : memref<128x32xf32, #tpu.memory_space<vmem>>[vector<16xi32>, vector<16xi32>], vector<16xf32>,
        %sub3A_166 = arith.subf %gather3A_164, %gather3A_165 : vector<16xf32>
        %mul3A_167 = arith.mulf %sub3A_166, %sub3A_166 : vector<16xf32>
        %add3A_168 = arith.addf %add3A_161, %mul3A_167 : vector<16xf32>
        %broadcast_in_dim3A_169 = arith.constant 15 : i32
        %broadcast_in_dim3A_170 = vector.broadcast %broadcast_in_dim3A_169 : i32 to vector<16xi32>
        %gather3A_171 = tpu.vector_load_idx %arg12[%add3A_63, %broadcast_in_dim3A_170] : memref<128x32xf32, #tpu.memory_space<vmem>>[vector<16xi32>, vector<16xi32>], vector<16xf32>,
        %gather3A_172 = tpu.vector_load_idx %arg13[%add3A_63, %broadcast_in_dim3A_170] : memref<128x32xf32, #tpu.memory_space<vmem>>[vector<16xi32>, vector<16xi32>], vector<16xf32>,
        %sub3A_173 = arith.subf %gather3A_171, %gather3A_172 : vector<16xf32>
        %mul3A_174 = arith.mulf %sub3A_173, %sub3A_173 : vector<16xf32>
        %add3A_175 = arith.addf %add3A_168, %mul3A_174 : vector<16xf32>
        %broadcast_in_dim3A_176 = arith.constant 16 : i32
        %broadcast_in_dim3A_177 = vector.broadcast %broadcast_in_dim3A_176 : i32 to vector<16xi32>
        %gather3A_178 = tpu.vector_load_idx %arg12[%add3A_63, %broadcast_in_dim3A_177] : memref<128x32xf32, #tpu.memory_space<vmem>>[vector<16xi32>, vector<16xi32>], vector<16xf32>,
        %gather3A_179 = tpu.vector_load_idx %arg13[%add3A_63, %broadcast_in_dim3A_177] : memref<128x32xf32, #tpu.memory_space<vmem>>[vector<16xi32>, vector<16xi32>], vector<16xf32>,
        %sub3A_180 = arith.subf %gather3A_178, %gather3A_179 : vector<16xf32>
        %mul3A_181 = arith.mulf %sub3A_180, %sub3A_180 : vector<16xf32>
        %add3A_182 = arith.addf %add3A_175, %mul3A_181 : vector<16xf32>
        %broadcast_in_dim3A_183 = arith.constant 17 : i32
        %broadcast_in_dim3A_184 = vector.broadcast %broadcast_in_dim3A_183 : i32 to vector<16xi32>
        %gather3A_185 = tpu.vector_load_idx %arg12[%add3A_63, %broadcast_in_dim3A_184] : memref<128x32xf32, #tpu.memory_space<vmem>>[vector<16xi32>, vector<16xi32>], vector<16xf32>,
        %gather3A_186 = tpu.vector_load_idx %arg13[%add3A_63, %broadcast_in_dim3A_184] : memref<128x32xf32, #tpu.memory_space<vmem>>[vector<16xi32>, vector<16xi32>], vector<16xf32>,
        %sub3A_187 = arith.subf %gather3A_185, %gather3A_186 : vector<16xf32>
        %mul3A_188 = arith.mulf %sub3A_187, %sub3A_187 : vector<16xf32>
        %add3A_189 = arith.addf %add3A_182, %mul3A_188 : vector<16xf32>
        %broadcast_in_dim3A_190 = arith.constant 18 : i32
        %broadcast_in_dim3A_191 = vector.broadcast %broadcast_in_dim3A_190 : i32 to vector<16xi32>
        %gather3A_192 = tpu.vector_load_idx %arg12[%add3A_63, %broadcast_in_dim3A_191] : memref<128x32xf32, #tpu.memory_space<vmem>>[vector<16xi32>, vector<16xi32>], vector<16xf32>,
        %gather3A_193 = tpu.vector_load_idx %arg13[%add3A_63, %broadcast_in_dim3A_191] : memref<128x32xf32, #tpu.memory_space<vmem>>[vector<16xi32>, vector<16xi32>], vector<16xf32>,
        %sub3A_194 = arith.subf %gather3A_192, %gather3A_193 : vector<16xf32>
        %mul3A_195 = arith.mulf %sub3A_194, %sub3A_194 : vector<16xf32>
        %add3A_196 = arith.addf %add3A_189, %mul3A_195 : vector<16xf32>
        %broadcast_in_dim3A_197 = arith.constant 19 : i32
        %broadcast_in_dim3A_198 = vector.broadcast %broadcast_in_dim3A_197 : i32 to vector<16xi32>
        %gather3A_199 = tpu.vector_load_idx %arg12[%add3A_63, %broadcast_in_dim3A_198] : memref<128x32xf32, #tpu.memory_space<vmem>>[vector<16xi32>, vector<16xi32>], vector<16xf32>,
        %gather3A_200 = tpu.vector_load_idx %arg13[%add3A_63, %broadcast_in_dim3A_198] : memref<128x32xf32, #tpu.memory_space<vmem>>[vector<16xi32>, vector<16xi32>], vector<16xf32>,
        %sub3A_201 = arith.subf %gather3A_199, %gather3A_200 : vector<16xf32>
        %mul3A_202 = arith.mulf %sub3A_201, %sub3A_201 : vector<16xf32>
        %add3A_203 = arith.addf %add3A_196, %mul3A_202 : vector<16xf32>
        %broadcast_in_dim3A_204 = arith.constant 20 : i32
        %broadcast_in_dim3A_205 = vector.broadcast %broadcast_in_dim3A_204 : i32 to vector<16xi32>
        %gather3A_206 = tpu.vector_load_idx %arg12[%add3A_63, %broadcast_in_dim3A_205] : memref<128x32xf32, #tpu.memory_space<vmem>>[vector<16xi32>, vector<16xi32>], vector<16xf32>,
        %gather3A_207 = tpu.vector_load_idx %arg13[%add3A_63, %broadcast_in_dim3A_205] : memref<128x32xf32, #tpu.memory_space<vmem>>[vector<16xi32>, vector<16xi32>], vector<16xf32>,
        %sub3A_208 = arith.subf %gather3A_206, %gather3A_207 : vector<16xf32>
        %mul3A_209 = arith.mulf %sub3A_208, %sub3A_208 : vector<16xf32>
        %add3A_210 = arith.addf %add3A_203, %mul3A_209 : vector<16xf32>
        %broadcast_in_dim3A_211 = arith.constant 21 : i32
        %broadcast_in_dim3A_212 = vector.broadcast %broadcast_in_dim3A_211 : i32 to vector<16xi32>
        %gather3A_213 = tpu.vector_load_idx %arg12[%add3A_63, %broadcast_in_dim3A_212] : memref<128x32xf32, #tpu.memory_space<vmem>>[vector<16xi32>, vector<16xi32>], vector<16xf32>,
        %gather3A_214 = tpu.vector_load_idx %arg13[%add3A_63, %broadcast_in_dim3A_212] : memref<128x32xf32, #tpu.memory_space<vmem>>[vector<16xi32>, vector<16xi32>], vector<16xf32>,
        %sub3A_215 = arith.subf %gather3A_213, %gather3A_214 : vector<16xf32>
        %mul3A_216 = arith.mulf %sub3A_215, %sub3A_215 : vector<16xf32>
        %add3A_217 = arith.addf %add3A_210, %mul3A_216 : vector<16xf32>
        %broadcast_in_dim3A_218 = arith.constant 22 : i32
        %broadcast_in_dim3A_219 = vector.broadcast %broadcast_in_dim3A_218 : i32 to vector<16xi32>
        %gather3A_220 = tpu.vector_load_idx %arg12[%add3A_63, %broadcast_in_dim3A_219] : memref<128x32xf32, #tpu.memory_space<vmem>>[vector<16xi32>, vector<16xi32>], vector<16xf32>,
        %gather3A_221 = tpu.vector_load_idx %arg13[%add3A_63, %broadcast_in_dim3A_219] : memref<128x32xf32, #tpu.memory_space<vmem>>[vector<16xi32>, vector<16xi32>], vector<16xf32>,
        %sub3A_222 = arith.subf %gather3A_220, %gather3A_221 : vector<16xf32>
        %mul3A_223 = arith.mulf %sub3A_222, %sub3A_222 : vector<16xf32>
        %add3A_224 = arith.addf %add3A_217, %mul3A_223 : vector<16xf32>
        %broadcast_in_dim3A_225 = arith.constant 23 : i32
        %broadcast_in_dim3A_226 = vector.broadcast %broadcast_in_dim3A_225 : i32 to vector<16xi32>
        %gather3A_227 = tpu.vector_load_idx %arg12[%add3A_63, %broadcast_in_dim3A_226] : memref<128x32xf32, #tpu.memory_space<vmem>>[vector<16xi32>, vector<16xi32>], vector<16xf32>,
        %gather3A_228 = tpu.vector_load_idx %arg13[%add3A_63, %broadcast_in_dim3A_226] : memref<128x32xf32, #tpu.memory_space<vmem>>[vector<16xi32>, vector<16xi32>], vector<16xf32>,
        %sub3A_229 = arith.subf %gather3A_227, %gather3A_228 : vector<16xf32>
        %mul3A_230 = arith.mulf %sub3A_229, %sub3A_229 : vector<16xf32>
        %add3A_231 = arith.addf %add3A_224, %mul3A_230 : vector<16xf32>
        %broadcast_in_dim3A_232 = arith.constant 24 : i32
        %broadcast_in_dim3A_233 = vector.broadcast %broadcast_in_dim3A_232 : i32 to vector<16xi32>
        %gather3A_234 = tpu.vector_load_idx %arg12[%add3A_63, %broadcast_in_dim3A_233] : memref<128x32xf32, #tpu.memory_space<vmem>>[vector<16xi32>, vector<16xi32>], vector<16xf32>,
        %gather3A_235 = tpu.vector_load_idx %arg13[%add3A_63, %broadcast_in_dim3A_233] : memref<128x32xf32, #tpu.memory_space<vmem>>[vector<16xi32>, vector<16xi32>], vector<16xf32>,
        %sub3A_236 = arith.subf %gather3A_234, %gather3A_235 : vector<16xf32>
        %mul3A_237 = arith.mulf %sub3A_236, %sub3A_236 : vector<16xf32>
        %add3A_238 = arith.addf %add3A_231, %mul3A_237 : vector<16xf32>
        %broadcast_in_dim3A_239 = arith.constant 25 : i32
        %broadcast_in_dim3A_240 = vector.broadcast %broadcast_in_dim3A_239 : i32 to vector<16xi32>
        %gather3A_241 = tpu.vector_load_idx %arg12[%add3A_63, %broadcast_in_dim3A_240] : memref<128x32xf32, #tpu.memory_space<vmem>>[vector<16xi32>, vector<16xi32>], vector<16xf32>,
        %gather3A_242 = tpu.vector_load_idx %arg13[%add3A_63, %broadcast_in_dim3A_240] : memref<128x32xf32, #tpu.memory_space<vmem>>[vector<16xi32>, vector<16xi32>], vector<16xf32>,
        %sub3A_243 = arith.subf %gather3A_241, %gather3A_242 : vector<16xf32>
        %mul3A_244 = arith.mulf %sub3A_243, %sub3A_243 : vector<16xf32>
        %add3A_245 = arith.addf %add3A_238, %mul3A_244 : vector<16xf32>
        %broadcast_in_dim3A_246 = arith.constant 26 : i32
        %broadcast_in_dim3A_247 = vector.broadcast %broadcast_in_dim3A_246 : i32 to vector<16xi32>
        %gather3A_248 = tpu.vector_load_idx %arg12[%add3A_63, %broadcast_in_dim3A_247] : memref<128x32xf32, #tpu.memory_space<vmem>>[vector<16xi32>, vector<16xi32>], vector<16xf32>,
        %gather3A_249 = tpu.vector_load_idx %arg13[%add3A_63, %broadcast_in_dim3A_247] : memref<128x32xf32, #tpu.memory_space<vmem>>[vector<16xi32>, vector<16xi32>], vector<16xf32>,
        %sub3A_250 = arith.subf %gather3A_248, %gather3A_249 : vector<16xf32>
        %mul3A_251 = arith.mulf %sub3A_250, %sub3A_250 : vector<16xf32>
        %add3A_252 = arith.addf %add3A_245, %mul3A_251 : vector<16xf32>
        %broadcast_in_dim3A_253 = arith.constant 27 : i32
        %broadcast_in_dim3A_254 = vector.broadcast %broadcast_in_dim3A_253 : i32 to vector<16xi32>
        %gather3A_255 = tpu.vector_load_idx %arg12[%add3A_63, %broadcast_in_dim3A_254] : memref<128x32xf32, #tpu.memory_space<vmem>>[vector<16xi32>, vector<16xi32>], vector<16xf32>,
        %gather3A_256 = tpu.vector_load_idx %arg13[%add3A_63, %broadcast_in_dim3A_254] : memref<128x32xf32, #tpu.memory_space<vmem>>[vector<16xi32>, vector<16xi32>], vector<16xf32>,
        %sub3A_257 = arith.subf %gather3A_255, %gather3A_256 : vector<16xf32>
        %mul3A_258 = arith.mulf %sub3A_257, %sub3A_257 : vector<16xf32>
        %add3A_259 = arith.addf %add3A_252, %mul3A_258 : vector<16xf32>
        %broadcast_in_dim3A_260 = arith.constant 28 : i32
        %broadcast_in_dim3A_261 = vector.broadcast %broadcast_in_dim3A_260 : i32 to vector<16xi32>
        %gather3A_262 = tpu.vector_load_idx %arg12[%add3A_63, %broadcast_in_dim3A_261] : memref<128x32xf32, #tpu.memory_space<vmem>>[vector<16xi32>, vector<16xi32>], vector<16xf32>,
        %gather3A_263 = tpu.vector_load_idx %arg13[%add3A_63, %broadcast_in_dim3A_261] : memref<128x32xf32, #tpu.memory_space<vmem>>[vector<16xi32>, vector<16xi32>], vector<16xf32>,
        %sub3A_264 = arith.subf %gather3A_262, %gather3A_263 : vector<16xf32>
        %mul3A_265 = arith.mulf %sub3A_264, %sub3A_264 : vector<16xf32>
        %add3A_266 = arith.addf %add3A_259, %mul3A_265 : vector<16xf32>
        %broadcast_in_dim3A_267 = arith.constant 29 : i32
        %broadcast_in_dim3A_268 = vector.broadcast %broadcast_in_dim3A_267 : i32 to vector<16xi32>
        %gather3A_269 = tpu.vector_load_idx %arg12[%add3A_63, %broadcast_in_dim3A_268] : memref<128x32xf32, #tpu.memory_space<vmem>>[vector<16xi32>, vector<16xi32>], vector<16xf32>,
        %gather3A_270 = tpu.vector_load_idx %arg13[%add3A_63, %broadcast_in_dim3A_268] : memref<128x32xf32, #tpu.memory_space<vmem>>[vector<16xi32>, vector<16xi32>], vector<16xf32>,
        %sub3A_271 = arith.subf %gather3A_269, %gather3A_270 : vector<16xf32>
        %mul3A_272 = arith.mulf %sub3A_271, %sub3A_271 : vector<16xf32>
        %add3A_273 = arith.addf %add3A_266, %mul3A_272 : vector<16xf32>
        %broadcast_in_dim3A_274 = arith.constant 30 : i32
        %broadcast_in_dim3A_275 = vector.broadcast %broadcast_in_dim3A_274 : i32 to vector<16xi32>
        %gather3A_276 = tpu.vector_load_idx %arg12[%add3A_63, %broadcast_in_dim3A_275] : memref<128x32xf32, #tpu.memory_space<vmem>>[vector<16xi32>, vector<16xi32>], vector<16xf32>,
        %gather3A_277 = tpu.vector_load_idx %arg13[%add3A_63, %broadcast_in_dim3A_275] : memref<128x32xf32, #tpu.memory_space<vmem>>[vector<16xi32>, vector<16xi32>], vector<16xf32>,
        %sub3A_278 = arith.subf %gather3A_276, %gather3A_277 : vector<16xf32>
        %mul3A_279 = arith.mulf %sub3A_278, %sub3A_278 : vector<16xf32>
        %add3A_280 = arith.addf %add3A_273, %mul3A_279 : vector<16xf32>
        %broadcast_in_dim3A_281 = arith.constant 31 : i32
        %broadcast_in_dim3A_282 = vector.broadcast %broadcast_in_dim3A_281 : i32 to vector<16xi32>
        %gather3A_283 = tpu.vector_load_idx %arg12[%add3A_63, %broadcast_in_dim3A_282] : memref<128x32xf32, #tpu.memory_space<vmem>>[vector<16xi32>, vector<16xi32>], vector<16xf32>,
        %gather3A_284 = tpu.vector_load_idx %arg13[%add3A_63, %broadcast_in_dim3A_282] : memref<128x32xf32, #tpu.memory_space<vmem>>[vector<16xi32>, vector<16xi32>], vector<16xf32>,
        %sub3A_285 = arith.subf %gather3A_283, %gather3A_284 : vector<16xf32>
        %mul3A_286 = arith.mulf %sub3A_285, %sub3A_285 : vector<16xf32>
        %add3A_287 = arith.addf %add3A_280, %mul3A_286 : vector<16xf32>
        %add3A_288 = arith.constant 9.99999996E-13 : f32
        %add3A_289 = vector.broadcast %add3A_288 : f32 to vector<16xf32>
        %add3A_290 = arith.addf %add3A_287, %add3A_289 : vector<16xf32>
        %bitcast_convert_type3A = tpu.bitcast %add3A_290 : vector<16xf32> -> vector<16xi32>
        %shift_right_logical3A = arith.constant 1 : i32
        %shift_right_logical3A_291 = vector.broadcast %shift_right_logical3A : i32 to vector<16xi32>
        %shift_right_logical3A_292 = arith.shrui %bitcast_convert_type3A, %shift_right_logical3A_291 : vector<16xi32>
        %add3A_293 = arith.constant 532487669 : i32
        %add3A_294 = vector.broadcast %add3A_293 : i32 to vector<16xi32>
        %add3A_295 = arith.addi %shift_right_logical3A_292, %add3A_294 : vector<16xi32>
        %bitcast_convert_type3A_296 = tpu.bitcast %add3A_295 : vector<16xi32> -> vector<16xf32>
        %div3A = arith.divf %add3A_290, %bitcast_convert_type3A_296 : vector<16xf32>
        %add3A_297 = arith.addf %bitcast_convert_type3A_296, %div3A : vector<16xf32>
        %mul3A_298 = arith.constant 5.000000e-01 : f32
        %mul3A_299 = vector.broadcast %mul3A_298 : f32 to vector<16xf32>
        %mul3A_300 = arith.mulf %mul3A_299, %add3A_297 : vector<16xf32>
        %div3A_301 = arith.divf %add3A_290, %mul3A_300 : vector<16xf32>
        %add3A_302 = arith.addf %mul3A_300, %div3A_301 : vector<16xf32>
        %mul3A_303 = arith.constant 5.000000e-01 : f32
        %mul3A_304 = vector.broadcast %mul3A_303 : f32 to vector<16xf32>
        %mul3A_305 = arith.mulf %mul3A_304, %add3A_302 : vector<16xf32>
        %gather3A_306 = tpu.vector_load_idx %arg10[%add3A_63] : memref<128xi32, #tpu.memory_space<vmem>>[vector<16xi32>], vector<16xi32>,
        %gather3A_307 = tpu.vector_load_idx %arg11[%add3A_63] : memref<128xi32, #tpu.memory_space<vmem>>[vector<16xi32>], vector<16xi32>,
        %gather3A_308 = tpu.vector_load_idx %arg9[%gather3A_306] : memref<16384xi32, #tpu.memory_space<vmem>>[vector<16xi32>], vector<16xi32>,
        %gather3A_309 = tpu.vector_load_idx %arg9[%gather3A_307] : memref<16384xi32, #tpu.memory_space<vmem>>[vector<16xi32>], vector<16xi32>,
        %eq3A = arith.cmpi eq, %gather3A_308, %gather3A_309 : vector<16xi32>
        %sub3A_310 = arith.constant 1.000000e-01 : f32
        %sub3A_311 = vector.broadcast %sub3A_310 : f32 to vector<16xf32>
        %sub3A_312 = arith.subf %sub3A_311, %mul3A_305 : vector<16xf32>
        %max3A = arith.constant 0.000000e+00 : f32
        %max3A_313 = vector.broadcast %max3A : f32 to vector<16xf32>
        %max3A_314 = arith.maximumf %max3A_313, %sub3A_312 : vector<16xf32>
        %select_n3A = arith.select %eq3A, %mul3A_305, %max3A_314 : vector<16xi1>, vector<16xf32>
        %add3A_315 = arith.addf %while3A_59, %select_n3A : vector<16xf32>
        scf.yield %add3A_315 : vector<16xf32>
      }
      scf.yield %while3A_57 : vector<16xf32>
    }
    %swap3A_26 = arith.constant 0 : index
    %swap3A_27 = tpu.vector_load %arg14[%swap3A_26] {strides = array<i32>} : memref<16xf32, #tpu.memory_space<vmem>>, vector<16xf32>,
    tpu.vector_store %arg14[%swap3A_26], %while3A_25 {strides = array<i32>} : memref<16xf32, #tpu.memory_space<vmem>>, vector<16xf32>,
    %run_scoped3A_28 = arith.constant 1 : i32
    "tpu.region"() ({
      %run_scoped3A_29 = tpu.sem_alloc : memref<!tpu.dma_semaphore, #tpu.memory_space<semaphore_mem>>
      %dma_start3A = arith.constant 0 : i32
      %dma_start3A_30 = tpu.memref_slice %arg8[%run_scoped3A_28, %add3A, %dma_start3A] : memref<2x32x16xf32, #tpu.memory_space<hbm>> -> memref<1x1x16xf32, #tpu.memory_space<hbm>>
      %dma_start3A_31 = tpu.memref_squeeze %dma_start3A_30 : memref<1x1x16xf32, #tpu.memory_space<hbm>> -> memref<16xf32, #tpu.memory_space<hbm>>
      %dma_start3A_32 = arith.constant 0 : i32
      %dma_start3A_33 = tpu.memref_slice %arg8[%run_scoped3A_28, %add3A, %dma_start3A_32] : memref<2x32x16xf32, #tpu.memory_space<hbm>> -> memref<1x1x16xf32, #tpu.memory_space<hbm>>
      %dma_start3A_34 = tpu.memref_squeeze %dma_start3A_33 : memref<1x1x16xf32, #tpu.memory_space<hbm>> -> memref<16xf32, #tpu.memory_space<hbm>>
      tpu.enqueue_dma source(%arg14 : memref<16xf32, #tpu.memory_space<vmem>>) target(%dma_start3A_34 : memref<16xf32, #tpu.memory_space<hbm>>) target_semaphore(%run_scoped3A_29 : memref<!tpu.dma_semaphore, #tpu.memory_space<semaphore_mem>>)
      %dma_wait3A = arith.constant 0 : i32
      %dma_wait3A_35 = tpu.memref_slice %arg8[%run_scoped3A_28, %add3A, %dma_wait3A] : memref<2x32x16xf32, #tpu.memory_space<hbm>> -> memref<1x1x16xf32, #tpu.memory_space<hbm>>
      %dma_wait3A_36 = tpu.memref_squeeze %dma_wait3A_35 : memref<1x1x16xf32, #tpu.memory_space<hbm>> -> memref<16xf32, #tpu.memory_space<hbm>>
      %dma_wait3A_37 = arith.constant 0 : i32
      %dma_wait3A_38 = tpu.memref_slice %arg8[%run_scoped3A_28, %add3A, %dma_wait3A_37] : memref<2x32x16xf32, #tpu.memory_space<hbm>> -> memref<1x1x16xf32, #tpu.memory_space<hbm>>
      %dma_wait3A_39 = tpu.memref_squeeze %dma_wait3A_38 : memref<1x1x16xf32, #tpu.memory_space<hbm>> -> memref<16xf32, #tpu.memory_space<hbm>>
      tpu.wait_dma2 semaphore(%run_scoped3A_29 : memref<!tpu.dma_semaphore, #tpu.memory_space<semaphore_mem>>) src(%arg14 : memref<16xf32, #tpu.memory_space<vmem>>) dst(%dma_wait3A_39 : memref<16xf32, #tpu.memory_space<hbm>>)
      tpu.yield
    }) : () -> ()
    return
  }
}

module attributes {stable_mosaic.version = 14 : i64} {
  func.func @_knn_block_kernel(%arg0: i32, %arg1: memref<16384x32xf32, #tpu.memory_space<vmem>>, %arg2: memref<16384x1xf32, #tpu.memory_space<vmem>>, %arg3: memref<1x1x256xf32, #tpu.memory_space<vmem>>, %arg4: memref<1x1x256xf32, #tpu.memory_space<vmem>>, %arg5: memref<128x256xf32, #tpu.memory_space<vmem>>, %arg6: memref<128x256xf32, #tpu.memory_space<vmem>>, %arg7: memref<128x256xf32, #tpu.memory_space<vmem>>, %arg8: memref<128x256xf32, #tpu.memory_space<vmem>>) attributes {dimension_semantics = [#tpu.dimension_semantics<parallel>], iteration_bounds = array<i64: 64>, scalar_prefetch = 0 : i64, scratch_operands = 4 : i64, tpu.core_type = #tpu.core_type<tc>, window_params = [{transform_indices = @transform_0, window_bounds = array<i64: 16384, 32>}, {transform_indices = @transform_1, window_bounds = array<i64: 16384, 1>}, {transform_indices = @transform_2, window_bounds = array<i64: 1, 1, 256>}, {transform_indices = @transform_3, window_bounds = array<i64: 1, 1, 256>}]} {
    %mul3A = arith.constant 256 : i32
    %mul3A_0 = arith.muli %arg0, %mul3A : i32
    %get3A = arith.index_cast %mul3A_0 : i32 to index
    %get3A_1 = arith.constant 0 : index
    %get3A_2 = vector.load %arg1[%get3A, %get3A_1] : memref<16384x32xf32, #tpu.memory_space<vmem>>, vector<256x32xf32>
    %broadcast_in_dim3A = arith.constant 1.000000e+00 : f32
    %broadcast_in_dim3A_3 = vector.broadcast %broadcast_in_dim3A : f32 to vector<1x32xf32>
    %mul3A_4 = arith.mulf %get3A_2, %get3A_2 : vector<256x32xf32>
    %dot_general3A = arith.constant dense<0.000000e+00> : vector<1x256xf32>
    %dot_general3A_5 = tpu.matmul %broadcast_in_dim3A_3, %mul3A_4, %dot_general3A {dimension_numbers = #tpu.dot_dimension_numbers<[1], [1], [0], [0], [0, 0, 1, 0], [], []>, transpose_lhs_hint = false} : vector<1x32xf32>, vector<256x32xf32>, vector<1x256xf32> -> vector<1x256xf32>
    %convert_element_type3A = arith.truncf %get3A_2 : vector<256x32xf32> to vector<256x32xbf16>
    %get3A_6 = arith.constant 0 : index
    %get3A_7 = arith.constant 0 : index
    %get3A_8 = vector.load %arg1[%get3A_6, %get3A_7] : memref<16384x32xf32, #tpu.memory_space<vmem>>, vector<2048x32xf32>
    %mul3A_9 = arith.mulf %get3A_8, %get3A_8 : vector<2048x32xf32>
    %dot_general3A_10 = arith.constant dense<0.000000e+00> : vector<2048x1xf32>
    %dot_general3A_11 = tpu.matmul %mul3A_9, %broadcast_in_dim3A_3, %dot_general3A_10 {dimension_numbers = #tpu.dot_dimension_numbers<[1], [1], [0], [0], [0, 0, 1, 0], [], []>, transpose_lhs_hint = false} : vector<2048x32xf32>, vector<1x32xf32>, vector<2048x1xf32> -> vector<2048x1xf32>
    %convert_element_type3A_12 = arith.truncf %get3A_8 : vector<2048x32xf32> to vector<2048x32xbf16>
    %dot_general3A_13 = arith.constant dense<0.000000e+00> : vector<2048x256xf32>
    %dot_general3A_14 = tpu.matmul %convert_element_type3A_12, %convert_element_type3A, %dot_general3A_13 {dimension_numbers = #tpu.dot_dimension_numbers<[1], [1], [0], [0], [0, 0, 1, 0], [], []>, transpose_lhs_hint = false} : vector<2048x32xbf16>, vector<256x32xbf16>, vector<2048x256xf32> -> vector<2048x256xf32>
    %add3A = vector.broadcast %dot_general3A_11 : vector<2048x1xf32> to vector<2048x256xf32>
    %add3A_15 = vector.broadcast %dot_general3A_5 : vector<1x256xf32> to vector<2048x256xf32>
    %add3A_16 = arith.addf %add3A, %add3A_15 : vector<2048x256xf32>
    %mul3A_17 = arith.constant 2.000000e+00 : f32
    %mul3A_18 = vector.broadcast %mul3A_17 : f32 to vector<2048x256xf32>
    %mul3A_19 = arith.mulf %mul3A_18, %dot_general3A_14 : vector<2048x256xf32>
    %sub3A = arith.subf %add3A_16, %mul3A_19 : vector<2048x256xf32>
    %iota3A = tpu.iota {dimensions = array<i32: 0>} : vector<2048x256xi32>
    %add3A_20 = arith.constant 0 : i32
    %add3A_21 = vector.broadcast %add3A_20 : i32 to vector<2048x256xi32>
    %add3A_22 = arith.addi %iota3A, %add3A_21 : vector<2048x256xi32>
    %iota3A_23 = tpu.iota {dimensions = array<i32: 1>} : vector<2048x256xi32>
    %mul3A_24 = arith.constant 256 : i32
    %mul3A_25 = arith.muli %arg0, %mul3A_24 : i32
    %add3A_26 = vector.broadcast %mul3A_25 : i32 to vector<2048x256xi32>
    %add3A_27 = arith.addi %iota3A_23, %add3A_26 : vector<2048x256xi32>
    %eq3A = arith.cmpi eq, %add3A_22, %add3A_27 : vector<2048x256xi32>
    %jit3A = arith.constant 0x7FF0000000000000 : f64
    %convert_element_type3A_28 = arith.truncf %jit3A : f64 to f32
    %broadcast_in_dim3A_29 = vector.broadcast %convert_element_type3A_28 : f32 to vector<2048x256xf32>
    %select_n3A = arith.select %eq3A, %broadcast_in_dim3A_29, %sub3A : vector<2048x256xi1>, vector<2048x256xf32>
    %reshape3A = vector.shape_cast %select_n3A : vector<2048x256xf32> to vector<16x128x256xf32>
    %get3A_30 = arith.constant 0 : index
    %get3A_31 = arith.constant 0 : index
    %get3A_32 = vector.load %arg2[%get3A_30, %get3A_31] : memref<16384x1xf32, #tpu.memory_space<vmem>>, vector<2048x1xf32>
    %reshape3A_33 = vector.shape_cast %get3A_32 : vector<2048x1xf32> to vector<16x128x1xf32>
    %reduce_min3A = arith.constant dense<0x7F800000> : vector<16x256xf32>
    %reduce_min3A_34 = vector.multi_reduction <minimumf>, %reshape3A, %reduce_min3A [1] : vector<16x128x256xf32> to vector<16x256xf32>
    %broadcast_in_dim3A_35 = vector.shape_cast %reduce_min3A_34 : vector<16x256xf32> to vector<16x1x256xf32>
    %eq3A_36 = vector.broadcast %broadcast_in_dim3A_35 : vector<16x1x256xf32> to vector<16x128x256xf32>
    %eq3A_37 = arith.cmpf oeq, %reshape3A, %eq3A_36 : vector<16x128x256xf32>
    %jit3A_38 = arith.constant 1.000000e+09 : f64
    %convert_element_type3A_39 = arith.truncf %jit3A_38 : f64 to f32
    %broadcast_in_dim3A_40 = vector.shape_cast %reshape3A_33 : vector<16x128x1xf32> to vector<16x128x1xf32>
    %broadcast_in_dim3A_41 = vector.broadcast %broadcast_in_dim3A_40 : vector<16x128x1xf32> to vector<16x128x256xf32>
    %broadcast_in_dim3A_42 = vector.broadcast %convert_element_type3A_39 : f32 to vector<16x128x256xf32>
    %select_n3A_43 = arith.select %eq3A_37, %broadcast_in_dim3A_41, %broadcast_in_dim3A_42 : vector<16x128x256xi1>, vector<16x128x256xf32>
    %reduce_min3A_44 = arith.constant dense<0x7F800000> : vector<16x256xf32>
    %reduce_min3A_45 = vector.multi_reduction <minimumf>, %select_n3A_43, %reduce_min3A_44 [1] : vector<16x128x256xf32> to vector<16x256xf32>
    %jit3A_46 = arith.constant 0x7FF0000000000000 : f64
    %convert_element_type3A_47 = arith.truncf %jit3A_46 : f64 to f32
    %broadcast_in_dim3A_48 = vector.broadcast %convert_element_type3A_47 : f32 to vector<16x128x256xf32>
    %select_n3A_49 = arith.select %eq3A_37, %broadcast_in_dim3A_48, %reshape3A : vector<16x128x256xi1>, vector<16x128x256xf32>
    %reduce_min3A_50 = arith.constant dense<0x7F800000> : vector<16x256xf32>
    %reduce_min3A_51 = vector.multi_reduction <minimumf>, %select_n3A_49, %reduce_min3A_50 [1] : vector<16x128x256xf32> to vector<16x256xf32>
    %broadcast_in_dim3A_52 = vector.shape_cast %reduce_min3A_51 : vector<16x256xf32> to vector<16x1x256xf32>
    %eq3A_53 = vector.broadcast %broadcast_in_dim3A_52 : vector<16x1x256xf32> to vector<16x128x256xf32>
    %eq3A_54 = arith.cmpf oeq, %select_n3A_49, %eq3A_53 : vector<16x128x256xf32>
    %jit3A_55 = arith.constant 1.000000e+09 : f64
    %convert_element_type3A_56 = arith.truncf %jit3A_55 : f64 to f32
    %broadcast_in_dim3A_57 = vector.shape_cast %reshape3A_33 : vector<16x128x1xf32> to vector<16x128x1xf32>
    %broadcast_in_dim3A_58 = vector.broadcast %broadcast_in_dim3A_57 : vector<16x128x1xf32> to vector<16x128x256xf32>
    %broadcast_in_dim3A_59 = vector.broadcast %convert_element_type3A_56 : f32 to vector<16x128x256xf32>
    %select_n3A_60 = arith.select %eq3A_54, %broadcast_in_dim3A_58, %broadcast_in_dim3A_59 : vector<16x128x256xi1>, vector<16x128x256xf32>
    %reduce_min3A_61 = arith.constant dense<0x7F800000> : vector<16x256xf32>
    %reduce_min3A_62 = vector.multi_reduction <minimumf>, %select_n3A_60, %reduce_min3A_61 [1] : vector<16x128x256xf32> to vector<16x256xf32>
    %swap3A = arith.constant 0 : index
    %swap3A_63 = arith.constant 0 : index
    %swap3A_64 = vector.load %arg5[%swap3A, %swap3A_63] : memref<128x256xf32, #tpu.memory_space<vmem>>, vector<16x256xf32>
    tpu.vector_store %arg5[%swap3A, %swap3A_63], %reduce_min3A_34 {strides = array<i32>} : memref<128x256xf32, #tpu.memory_space<vmem>>, vector<16x256xf32>,
    %swap3A_65 = arith.constant 0 : index
    %swap3A_66 = arith.constant 0 : index
    %swap3A_67 = vector.load %arg6[%swap3A_65, %swap3A_66] : memref<128x256xf32, #tpu.memory_space<vmem>>, vector<16x256xf32>
    tpu.vector_store %arg6[%swap3A_65, %swap3A_66], %reduce_min3A_45 {strides = array<i32>} : memref<128x256xf32, #tpu.memory_space<vmem>>, vector<16x256xf32>,
    %swap3A_68 = arith.constant 0 : index
    %swap3A_69 = arith.constant 0 : index
    %swap3A_70 = vector.load %arg7[%swap3A_68, %swap3A_69] : memref<128x256xf32, #tpu.memory_space<vmem>>, vector<16x256xf32>
    tpu.vector_store %arg7[%swap3A_68, %swap3A_69], %reduce_min3A_51 {strides = array<i32>} : memref<128x256xf32, #tpu.memory_space<vmem>>, vector<16x256xf32>,
    %swap3A_71 = arith.constant 0 : index
    %swap3A_72 = arith.constant 0 : index
    %swap3A_73 = vector.load %arg8[%swap3A_71, %swap3A_72] : memref<128x256xf32, #tpu.memory_space<vmem>>, vector<16x256xf32>
    tpu.vector_store %arg8[%swap3A_71, %swap3A_72], %reduce_min3A_62 {strides = array<i32>} : memref<128x256xf32, #tpu.memory_space<vmem>>, vector<16x256xf32>,
    %get3A_74 = arith.constant 2048 : index
    %get3A_75 = arith.constant 0 : index
    %get3A_76 = vector.load %arg1[%get3A_74, %get3A_75] : memref<16384x32xf32, #tpu.memory_space<vmem>>, vector<2048x32xf32>
    %mul3A_77 = arith.mulf %get3A_76, %get3A_76 : vector<2048x32xf32>
    %dot_general3A_78 = arith.constant dense<0.000000e+00> : vector<2048x1xf32>
    %dot_general3A_79 = tpu.matmul %mul3A_77, %broadcast_in_dim3A_3, %dot_general3A_78 {dimension_numbers = #tpu.dot_dimension_numbers<[1], [1], [0], [0], [0, 0, 1, 0], [], []>, transpose_lhs_hint = false} : vector<2048x32xf32>, vector<1x32xf32>, vector<2048x1xf32> -> vector<2048x1xf32>
    %convert_element_type3A_80 = arith.truncf %get3A_76 : vector<2048x32xf32> to vector<2048x32xbf16>
    %dot_general3A_81 = arith.constant dense<0.000000e+00> : vector<2048x256xf32>
    %dot_general3A_82 = tpu.matmul %convert_element_type3A_80, %convert_element_type3A, %dot_general3A_81 {dimension_numbers = #tpu.dot_dimension_numbers<[1], [1], [0], [0], [0, 0, 1, 0], [], []>, transpose_lhs_hint = false} : vector<2048x32xbf16>, vector<256x32xbf16>, vector<2048x256xf32> -> vector<2048x256xf32>
    %add3A_83 = vector.broadcast %dot_general3A_79 : vector<2048x1xf32> to vector<2048x256xf32>
    %add3A_84 = vector.broadcast %dot_general3A_5 : vector<1x256xf32> to vector<2048x256xf32>
    %add3A_85 = arith.addf %add3A_83, %add3A_84 : vector<2048x256xf32>
    %mul3A_86 = arith.constant 2.000000e+00 : f32
    %mul3A_87 = vector.broadcast %mul3A_86 : f32 to vector<2048x256xf32>
    %mul3A_88 = arith.mulf %mul3A_87, %dot_general3A_82 : vector<2048x256xf32>
    %sub3A_89 = arith.subf %add3A_85, %mul3A_88 : vector<2048x256xf32>
    %iota3A_90 = tpu.iota {dimensions = array<i32: 0>} : vector<2048x256xi32>
    %add3A_91 = arith.constant 2048 : i32
    %add3A_92 = vector.broadcast %add3A_91 : i32 to vector<2048x256xi32>
    %add3A_93 = arith.addi %iota3A_90, %add3A_92 : vector<2048x256xi32>
    %iota3A_94 = tpu.iota {dimensions = array<i32: 1>} : vector<2048x256xi32>
    %mul3A_95 = arith.constant 256 : i32
    %mul3A_96 = arith.muli %arg0, %mul3A_95 : i32
    %add3A_97 = vector.broadcast %mul3A_96 : i32 to vector<2048x256xi32>
    %add3A_98 = arith.addi %iota3A_94, %add3A_97 : vector<2048x256xi32>
    %eq3A_99 = arith.cmpi eq, %add3A_93, %add3A_98 : vector<2048x256xi32>
    %jit3A_100 = arith.constant 0x7FF0000000000000 : f64
    %convert_element_type3A_101 = arith.truncf %jit3A_100 : f64 to f32
    %broadcast_in_dim3A_102 = vector.broadcast %convert_element_type3A_101 : f32 to vector<2048x256xf32>
    %select_n3A_103 = arith.select %eq3A_99, %broadcast_in_dim3A_102, %sub3A_89 : vector<2048x256xi1>, vector<2048x256xf32>
    %reshape3A_104 = vector.shape_cast %select_n3A_103 : vector<2048x256xf32> to vector<16x128x256xf32>
    %get3A_105 = arith.constant 2048 : index
    %get3A_106 = arith.constant 0 : index
    %get3A_107 = vector.load %arg2[%get3A_105, %get3A_106] : memref<16384x1xf32, #tpu.memory_space<vmem>>, vector<2048x1xf32>
    %reshape3A_108 = vector.shape_cast %get3A_107 : vector<2048x1xf32> to vector<16x128x1xf32>
    %reduce_min3A_109 = arith.constant dense<0x7F800000> : vector<16x256xf32>
    %reduce_min3A_110 = vector.multi_reduction <minimumf>, %reshape3A_104, %reduce_min3A_109 [1] : vector<16x128x256xf32> to vector<16x256xf32>
    %broadcast_in_dim3A_111 = vector.shape_cast %reduce_min3A_110 : vector<16x256xf32> to vector<16x1x256xf32>
    %eq3A_112 = vector.broadcast %broadcast_in_dim3A_111 : vector<16x1x256xf32> to vector<16x128x256xf32>
    %eq3A_113 = arith.cmpf oeq, %reshape3A_104, %eq3A_112 : vector<16x128x256xf32>
    %jit3A_114 = arith.constant 1.000000e+09 : f64
    %convert_element_type3A_115 = arith.truncf %jit3A_114 : f64 to f32
    %broadcast_in_dim3A_116 = vector.shape_cast %reshape3A_108 : vector<16x128x1xf32> to vector<16x128x1xf32>
    %broadcast_in_dim3A_117 = vector.broadcast %broadcast_in_dim3A_116 : vector<16x128x1xf32> to vector<16x128x256xf32>
    %broadcast_in_dim3A_118 = vector.broadcast %convert_element_type3A_115 : f32 to vector<16x128x256xf32>
    %select_n3A_119 = arith.select %eq3A_113, %broadcast_in_dim3A_117, %broadcast_in_dim3A_118 : vector<16x128x256xi1>, vector<16x128x256xf32>
    %reduce_min3A_120 = arith.constant dense<0x7F800000> : vector<16x256xf32>
    %reduce_min3A_121 = vector.multi_reduction <minimumf>, %select_n3A_119, %reduce_min3A_120 [1] : vector<16x128x256xf32> to vector<16x256xf32>
    %jit3A_122 = arith.constant 0x7FF0000000000000 : f64
    %convert_element_type3A_123 = arith.truncf %jit3A_122 : f64 to f32
    %broadcast_in_dim3A_124 = vector.broadcast %convert_element_type3A_123 : f32 to vector<16x128x256xf32>
    %select_n3A_125 = arith.select %eq3A_113, %broadcast_in_dim3A_124, %reshape3A_104 : vector<16x128x256xi1>, vector<16x128x256xf32>
    %reduce_min3A_126 = arith.constant dense<0x7F800000> : vector<16x256xf32>
    %reduce_min3A_127 = vector.multi_reduction <minimumf>, %select_n3A_125, %reduce_min3A_126 [1] : vector<16x128x256xf32> to vector<16x256xf32>
    %broadcast_in_dim3A_128 = vector.shape_cast %reduce_min3A_127 : vector<16x256xf32> to vector<16x1x256xf32>
    %eq3A_129 = vector.broadcast %broadcast_in_dim3A_128 : vector<16x1x256xf32> to vector<16x128x256xf32>
    %eq3A_130 = arith.cmpf oeq, %select_n3A_125, %eq3A_129 : vector<16x128x256xf32>
    %jit3A_131 = arith.constant 1.000000e+09 : f64
    %convert_element_type3A_132 = arith.truncf %jit3A_131 : f64 to f32
    %broadcast_in_dim3A_133 = vector.shape_cast %reshape3A_108 : vector<16x128x1xf32> to vector<16x128x1xf32>
    %broadcast_in_dim3A_134 = vector.broadcast %broadcast_in_dim3A_133 : vector<16x128x1xf32> to vector<16x128x256xf32>
    %broadcast_in_dim3A_135 = vector.broadcast %convert_element_type3A_132 : f32 to vector<16x128x256xf32>
    %select_n3A_136 = arith.select %eq3A_130, %broadcast_in_dim3A_134, %broadcast_in_dim3A_135 : vector<16x128x256xi1>, vector<16x128x256xf32>
    %reduce_min3A_137 = arith.constant dense<0x7F800000> : vector<16x256xf32>
    %reduce_min3A_138 = vector.multi_reduction <minimumf>, %select_n3A_136, %reduce_min3A_137 [1] : vector<16x128x256xf32> to vector<16x256xf32>
    %swap3A_139 = arith.constant 16 : index
    %swap3A_140 = arith.constant 0 : index
    %swap3A_141 = vector.load %arg5[%swap3A_139, %swap3A_140] : memref<128x256xf32, #tpu.memory_space<vmem>>, vector<16x256xf32>
    tpu.vector_store %arg5[%swap3A_139, %swap3A_140], %reduce_min3A_110 {strides = array<i32>} : memref<128x256xf32, #tpu.memory_space<vmem>>, vector<16x256xf32>,
    %swap3A_142 = arith.constant 16 : index
    %swap3A_143 = arith.constant 0 : index
    %swap3A_144 = vector.load %arg6[%swap3A_142, %swap3A_143] : memref<128x256xf32, #tpu.memory_space<vmem>>, vector<16x256xf32>
    tpu.vector_store %arg6[%swap3A_142, %swap3A_143], %reduce_min3A_121 {strides = array<i32>} : memref<128x256xf32, #tpu.memory_space<vmem>>, vector<16x256xf32>,
    %swap3A_145 = arith.constant 16 : index
    %swap3A_146 = arith.constant 0 : index
    %swap3A_147 = vector.load %arg7[%swap3A_145, %swap3A_146] : memref<128x256xf32, #tpu.memory_space<vmem>>, vector<16x256xf32>
    tpu.vector_store %arg7[%swap3A_145, %swap3A_146], %reduce_min3A_127 {strides = array<i32>} : memref<128x256xf32, #tpu.memory_space<vmem>>, vector<16x256xf32>,
    %swap3A_148 = arith.constant 16 : index
    %swap3A_149 = arith.constant 0 : index
    %swap3A_150 = vector.load %arg8[%swap3A_148, %swap3A_149] : memref<128x256xf32, #tpu.memory_space<vmem>>, vector<16x256xf32>
    tpu.vector_store %arg8[%swap3A_148, %swap3A_149], %reduce_min3A_138 {strides = array<i32>} : memref<128x256xf32, #tpu.memory_space<vmem>>, vector<16x256xf32>,
    %get3A_151 = arith.constant 4096 : index
    %get3A_152 = arith.constant 0 : index
    %get3A_153 = vector.load %arg1[%get3A_151, %get3A_152] : memref<16384x32xf32, #tpu.memory_space<vmem>>, vector<2048x32xf32>
    %mul3A_154 = arith.mulf %get3A_153, %get3A_153 : vector<2048x32xf32>
    %dot_general3A_155 = arith.constant dense<0.000000e+00> : vector<2048x1xf32>
    %dot_general3A_156 = tpu.matmul %mul3A_154, %broadcast_in_dim3A_3, %dot_general3A_155 {dimension_numbers = #tpu.dot_dimension_numbers<[1], [1], [0], [0], [0, 0, 1, 0], [], []>, transpose_lhs_hint = false} : vector<2048x32xf32>, vector<1x32xf32>, vector<2048x1xf32> -> vector<2048x1xf32>
    %convert_element_type3A_157 = arith.truncf %get3A_153 : vector<2048x32xf32> to vector<2048x32xbf16>
    %dot_general3A_158 = arith.constant dense<0.000000e+00> : vector<2048x256xf32>
    %dot_general3A_159 = tpu.matmul %convert_element_type3A_157, %convert_element_type3A, %dot_general3A_158 {dimension_numbers = #tpu.dot_dimension_numbers<[1], [1], [0], [0], [0, 0, 1, 0], [], []>, transpose_lhs_hint = false} : vector<2048x32xbf16>, vector<256x32xbf16>, vector<2048x256xf32> -> vector<2048x256xf32>
    %add3A_160 = vector.broadcast %dot_general3A_156 : vector<2048x1xf32> to vector<2048x256xf32>
    %add3A_161 = vector.broadcast %dot_general3A_5 : vector<1x256xf32> to vector<2048x256xf32>
    %add3A_162 = arith.addf %add3A_160, %add3A_161 : vector<2048x256xf32>
    %mul3A_163 = arith.constant 2.000000e+00 : f32
    %mul3A_164 = vector.broadcast %mul3A_163 : f32 to vector<2048x256xf32>
    %mul3A_165 = arith.mulf %mul3A_164, %dot_general3A_159 : vector<2048x256xf32>
    %sub3A_166 = arith.subf %add3A_162, %mul3A_165 : vector<2048x256xf32>
    %iota3A_167 = tpu.iota {dimensions = array<i32: 0>} : vector<2048x256xi32>
    %add3A_168 = arith.constant 4096 : i32
    %add3A_169 = vector.broadcast %add3A_168 : i32 to vector<2048x256xi32>
    %add3A_170 = arith.addi %iota3A_167, %add3A_169 : vector<2048x256xi32>
    %iota3A_171 = tpu.iota {dimensions = array<i32: 1>} : vector<2048x256xi32>
    %mul3A_172 = arith.constant 256 : i32
    %mul3A_173 = arith.muli %arg0, %mul3A_172 : i32
    %add3A_174 = vector.broadcast %mul3A_173 : i32 to vector<2048x256xi32>
    %add3A_175 = arith.addi %iota3A_171, %add3A_174 : vector<2048x256xi32>
    %eq3A_176 = arith.cmpi eq, %add3A_170, %add3A_175 : vector<2048x256xi32>
    %jit3A_177 = arith.constant 0x7FF0000000000000 : f64
    %convert_element_type3A_178 = arith.truncf %jit3A_177 : f64 to f32
    %broadcast_in_dim3A_179 = vector.broadcast %convert_element_type3A_178 : f32 to vector<2048x256xf32>
    %select_n3A_180 = arith.select %eq3A_176, %broadcast_in_dim3A_179, %sub3A_166 : vector<2048x256xi1>, vector<2048x256xf32>
    %reshape3A_181 = vector.shape_cast %select_n3A_180 : vector<2048x256xf32> to vector<16x128x256xf32>
    %get3A_182 = arith.constant 4096 : index
    %get3A_183 = arith.constant 0 : index
    %get3A_184 = vector.load %arg2[%get3A_182, %get3A_183] : memref<16384x1xf32, #tpu.memory_space<vmem>>, vector<2048x1xf32>
    %reshape3A_185 = vector.shape_cast %get3A_184 : vector<2048x1xf32> to vector<16x128x1xf32>
    %reduce_min3A_186 = arith.constant dense<0x7F800000> : vector<16x256xf32>
    %reduce_min3A_187 = vector.multi_reduction <minimumf>, %reshape3A_181, %reduce_min3A_186 [1] : vector<16x128x256xf32> to vector<16x256xf32>
    %broadcast_in_dim3A_188 = vector.shape_cast %reduce_min3A_187 : vector<16x256xf32> to vector<16x1x256xf32>
    %eq3A_189 = vector.broadcast %broadcast_in_dim3A_188 : vector<16x1x256xf32> to vector<16x128x256xf32>
    %eq3A_190 = arith.cmpf oeq, %reshape3A_181, %eq3A_189 : vector<16x128x256xf32>
    %jit3A_191 = arith.constant 1.000000e+09 : f64
    %convert_element_type3A_192 = arith.truncf %jit3A_191 : f64 to f32
    %broadcast_in_dim3A_193 = vector.shape_cast %reshape3A_185 : vector<16x128x1xf32> to vector<16x128x1xf32>
    %broadcast_in_dim3A_194 = vector.broadcast %broadcast_in_dim3A_193 : vector<16x128x1xf32> to vector<16x128x256xf32>
    %broadcast_in_dim3A_195 = vector.broadcast %convert_element_type3A_192 : f32 to vector<16x128x256xf32>
    %select_n3A_196 = arith.select %eq3A_190, %broadcast_in_dim3A_194, %broadcast_in_dim3A_195 : vector<16x128x256xi1>, vector<16x128x256xf32>
    %reduce_min3A_197 = arith.constant dense<0x7F800000> : vector<16x256xf32>
    %reduce_min3A_198 = vector.multi_reduction <minimumf>, %select_n3A_196, %reduce_min3A_197 [1] : vector<16x128x256xf32> to vector<16x256xf32>
    %jit3A_199 = arith.constant 0x7FF0000000000000 : f64
    %convert_element_type3A_200 = arith.truncf %jit3A_199 : f64 to f32
    %broadcast_in_dim3A_201 = vector.broadcast %convert_element_type3A_200 : f32 to vector<16x128x256xf32>
    %select_n3A_202 = arith.select %eq3A_190, %broadcast_in_dim3A_201, %reshape3A_181 : vector<16x128x256xi1>, vector<16x128x256xf32>
    %reduce_min3A_203 = arith.constant dense<0x7F800000> : vector<16x256xf32>
    %reduce_min3A_204 = vector.multi_reduction <minimumf>, %select_n3A_202, %reduce_min3A_203 [1] : vector<16x128x256xf32> to vector<16x256xf32>
    %broadcast_in_dim3A_205 = vector.shape_cast %reduce_min3A_204 : vector<16x256xf32> to vector<16x1x256xf32>
    %eq3A_206 = vector.broadcast %broadcast_in_dim3A_205 : vector<16x1x256xf32> to vector<16x128x256xf32>
    %eq3A_207 = arith.cmpf oeq, %select_n3A_202, %eq3A_206 : vector<16x128x256xf32>
    %jit3A_208 = arith.constant 1.000000e+09 : f64
    %convert_element_type3A_209 = arith.truncf %jit3A_208 : f64 to f32
    %broadcast_in_dim3A_210 = vector.shape_cast %reshape3A_185 : vector<16x128x1xf32> to vector<16x128x1xf32>
    %broadcast_in_dim3A_211 = vector.broadcast %broadcast_in_dim3A_210 : vector<16x128x1xf32> to vector<16x128x256xf32>
    %broadcast_in_dim3A_212 = vector.broadcast %convert_element_type3A_209 : f32 to vector<16x128x256xf32>
    %select_n3A_213 = arith.select %eq3A_207, %broadcast_in_dim3A_211, %broadcast_in_dim3A_212 : vector<16x128x256xi1>, vector<16x128x256xf32>
    %reduce_min3A_214 = arith.constant dense<0x7F800000> : vector<16x256xf32>
    %reduce_min3A_215 = vector.multi_reduction <minimumf>, %select_n3A_213, %reduce_min3A_214 [1] : vector<16x128x256xf32> to vector<16x256xf32>
    %swap3A_216 = arith.constant 32 : index
    %swap3A_217 = arith.constant 0 : index
    %swap3A_218 = vector.load %arg5[%swap3A_216, %swap3A_217] : memref<128x256xf32, #tpu.memory_space<vmem>>, vector<16x256xf32>
    tpu.vector_store %arg5[%swap3A_216, %swap3A_217], %reduce_min3A_187 {strides = array<i32>} : memref<128x256xf32, #tpu.memory_space<vmem>>, vector<16x256xf32>,
    %swap3A_219 = arith.constant 32 : index
    %swap3A_220 = arith.constant 0 : index
    %swap3A_221 = vector.load %arg6[%swap3A_219, %swap3A_220] : memref<128x256xf32, #tpu.memory_space<vmem>>, vector<16x256xf32>
    tpu.vector_store %arg6[%swap3A_219, %swap3A_220], %reduce_min3A_198 {strides = array<i32>} : memref<128x256xf32, #tpu.memory_space<vmem>>, vector<16x256xf32>,
    %swap3A_222 = arith.constant 32 : index
    %swap3A_223 = arith.constant 0 : index
    %swap3A_224 = vector.load %arg7[%swap3A_222, %swap3A_223] : memref<128x256xf32, #tpu.memory_space<vmem>>, vector<16x256xf32>
    tpu.vector_store %arg7[%swap3A_222, %swap3A_223], %reduce_min3A_204 {strides = array<i32>} : memref<128x256xf32, #tpu.memory_space<vmem>>, vector<16x256xf32>,
    %swap3A_225 = arith.constant 32 : index
    %swap3A_226 = arith.constant 0 : index
    %swap3A_227 = vector.load %arg8[%swap3A_225, %swap3A_226] : memref<128x256xf32, #tpu.memory_space<vmem>>, vector<16x256xf32>
    tpu.vector_store %arg8[%swap3A_225, %swap3A_226], %reduce_min3A_215 {strides = array<i32>} : memref<128x256xf32, #tpu.memory_space<vmem>>, vector<16x256xf32>,
    %get3A_228 = arith.constant 6144 : index
    %get3A_229 = arith.constant 0 : index
    %get3A_230 = vector.load %arg1[%get3A_228, %get3A_229] : memref<16384x32xf32, #tpu.memory_space<vmem>>, vector<2048x32xf32>
    %mul3A_231 = arith.mulf %get3A_230, %get3A_230 : vector<2048x32xf32>
    %dot_general3A_232 = arith.constant dense<0.000000e+00> : vector<2048x1xf32>
    %dot_general3A_233 = tpu.matmul %mul3A_231, %broadcast_in_dim3A_3, %dot_general3A_232 {dimension_numbers = #tpu.dot_dimension_numbers<[1], [1], [0], [0], [0, 0, 1, 0], [], []>, transpose_lhs_hint = false} : vector<2048x32xf32>, vector<1x32xf32>, vector<2048x1xf32> -> vector<2048x1xf32>
    %convert_element_type3A_234 = arith.truncf %get3A_230 : vector<2048x32xf32> to vector<2048x32xbf16>
    %dot_general3A_235 = arith.constant dense<0.000000e+00> : vector<2048x256xf32>
    %dot_general3A_236 = tpu.matmul %convert_element_type3A_234, %convert_element_type3A, %dot_general3A_235 {dimension_numbers = #tpu.dot_dimension_numbers<[1], [1], [0], [0], [0, 0, 1, 0], [], []>, transpose_lhs_hint = false} : vector<2048x32xbf16>, vector<256x32xbf16>, vector<2048x256xf32> -> vector<2048x256xf32>
    %add3A_237 = vector.broadcast %dot_general3A_233 : vector<2048x1xf32> to vector<2048x256xf32>
    %add3A_238 = vector.broadcast %dot_general3A_5 : vector<1x256xf32> to vector<2048x256xf32>
    %add3A_239 = arith.addf %add3A_237, %add3A_238 : vector<2048x256xf32>
    %mul3A_240 = arith.constant 2.000000e+00 : f32
    %mul3A_241 = vector.broadcast %mul3A_240 : f32 to vector<2048x256xf32>
    %mul3A_242 = arith.mulf %mul3A_241, %dot_general3A_236 : vector<2048x256xf32>
    %sub3A_243 = arith.subf %add3A_239, %mul3A_242 : vector<2048x256xf32>
    %iota3A_244 = tpu.iota {dimensions = array<i32: 0>} : vector<2048x256xi32>
    %add3A_245 = arith.constant 6144 : i32
    %add3A_246 = vector.broadcast %add3A_245 : i32 to vector<2048x256xi32>
    %add3A_247 = arith.addi %iota3A_244, %add3A_246 : vector<2048x256xi32>
    %iota3A_248 = tpu.iota {dimensions = array<i32: 1>} : vector<2048x256xi32>
    %mul3A_249 = arith.constant 256 : i32
    %mul3A_250 = arith.muli %arg0, %mul3A_249 : i32
    %add3A_251 = vector.broadcast %mul3A_250 : i32 to vector<2048x256xi32>
    %add3A_252 = arith.addi %iota3A_248, %add3A_251 : vector<2048x256xi32>
    %eq3A_253 = arith.cmpi eq, %add3A_247, %add3A_252 : vector<2048x256xi32>
    %jit3A_254 = arith.constant 0x7FF0000000000000 : f64
    %convert_element_type3A_255 = arith.truncf %jit3A_254 : f64 to f32
    %broadcast_in_dim3A_256 = vector.broadcast %convert_element_type3A_255 : f32 to vector<2048x256xf32>
    %select_n3A_257 = arith.select %eq3A_253, %broadcast_in_dim3A_256, %sub3A_243 : vector<2048x256xi1>, vector<2048x256xf32>
    %reshape3A_258 = vector.shape_cast %select_n3A_257 : vector<2048x256xf32> to vector<16x128x256xf32>
    %get3A_259 = arith.constant 6144 : index
    %get3A_260 = arith.constant 0 : index
    %get3A_261 = vector.load %arg2[%get3A_259, %get3A_260] : memref<16384x1xf32, #tpu.memory_space<vmem>>, vector<2048x1xf32>
    %reshape3A_262 = vector.shape_cast %get3A_261 : vector<2048x1xf32> to vector<16x128x1xf32>
    %reduce_min3A_263 = arith.constant dense<0x7F800000> : vector<16x256xf32>
    %reduce_min3A_264 = vector.multi_reduction <minimumf>, %reshape3A_258, %reduce_min3A_263 [1] : vector<16x128x256xf32> to vector<16x256xf32>
    %broadcast_in_dim3A_265 = vector.shape_cast %reduce_min3A_264 : vector<16x256xf32> to vector<16x1x256xf32>
    %eq3A_266 = vector.broadcast %broadcast_in_dim3A_265 : vector<16x1x256xf32> to vector<16x128x256xf32>
    %eq3A_267 = arith.cmpf oeq, %reshape3A_258, %eq3A_266 : vector<16x128x256xf32>
    %jit3A_268 = arith.constant 1.000000e+09 : f64
    %convert_element_type3A_269 = arith.truncf %jit3A_268 : f64 to f32
    %broadcast_in_dim3A_270 = vector.shape_cast %reshape3A_262 : vector<16x128x1xf32> to vector<16x128x1xf32>
    %broadcast_in_dim3A_271 = vector.broadcast %broadcast_in_dim3A_270 : vector<16x128x1xf32> to vector<16x128x256xf32>
    %broadcast_in_dim3A_272 = vector.broadcast %convert_element_type3A_269 : f32 to vector<16x128x256xf32>
    %select_n3A_273 = arith.select %eq3A_267, %broadcast_in_dim3A_271, %broadcast_in_dim3A_272 : vector<16x128x256xi1>, vector<16x128x256xf32>
    %reduce_min3A_274 = arith.constant dense<0x7F800000> : vector<16x256xf32>
    %reduce_min3A_275 = vector.multi_reduction <minimumf>, %select_n3A_273, %reduce_min3A_274 [1] : vector<16x128x256xf32> to vector<16x256xf32>
    %jit3A_276 = arith.constant 0x7FF0000000000000 : f64
    %convert_element_type3A_277 = arith.truncf %jit3A_276 : f64 to f32
    %broadcast_in_dim3A_278 = vector.broadcast %convert_element_type3A_277 : f32 to vector<16x128x256xf32>
    %select_n3A_279 = arith.select %eq3A_267, %broadcast_in_dim3A_278, %reshape3A_258 : vector<16x128x256xi1>, vector<16x128x256xf32>
    %reduce_min3A_280 = arith.constant dense<0x7F800000> : vector<16x256xf32>
    %reduce_min3A_281 = vector.multi_reduction <minimumf>, %select_n3A_279, %reduce_min3A_280 [1] : vector<16x128x256xf32> to vector<16x256xf32>
    %broadcast_in_dim3A_282 = vector.shape_cast %reduce_min3A_281 : vector<16x256xf32> to vector<16x1x256xf32>
    %eq3A_283 = vector.broadcast %broadcast_in_dim3A_282 : vector<16x1x256xf32> to vector<16x128x256xf32>
    %eq3A_284 = arith.cmpf oeq, %select_n3A_279, %eq3A_283 : vector<16x128x256xf32>
    %jit3A_285 = arith.constant 1.000000e+09 : f64
    %convert_element_type3A_286 = arith.truncf %jit3A_285 : f64 to f32
    %broadcast_in_dim3A_287 = vector.shape_cast %reshape3A_262 : vector<16x128x1xf32> to vector<16x128x1xf32>
    %broadcast_in_dim3A_288 = vector.broadcast %broadcast_in_dim3A_287 : vector<16x128x1xf32> to vector<16x128x256xf32>
    %broadcast_in_dim3A_289 = vector.broadcast %convert_element_type3A_286 : f32 to vector<16x128x256xf32>
    %select_n3A_290 = arith.select %eq3A_284, %broadcast_in_dim3A_288, %broadcast_in_dim3A_289 : vector<16x128x256xi1>, vector<16x128x256xf32>
    %reduce_min3A_291 = arith.constant dense<0x7F800000> : vector<16x256xf32>
    %reduce_min3A_292 = vector.multi_reduction <minimumf>, %select_n3A_290, %reduce_min3A_291 [1] : vector<16x128x256xf32> to vector<16x256xf32>
    %swap3A_293 = arith.constant 48 : index
    %swap3A_294 = arith.constant 0 : index
    %swap3A_295 = vector.load %arg5[%swap3A_293, %swap3A_294] : memref<128x256xf32, #tpu.memory_space<vmem>>, vector<16x256xf32>
    tpu.vector_store %arg5[%swap3A_293, %swap3A_294], %reduce_min3A_264 {strides = array<i32>} : memref<128x256xf32, #tpu.memory_space<vmem>>, vector<16x256xf32>,
    %swap3A_296 = arith.constant 48 : index
    %swap3A_297 = arith.constant 0 : index
    %swap3A_298 = vector.load %arg6[%swap3A_296, %swap3A_297] : memref<128x256xf32, #tpu.memory_space<vmem>>, vector<16x256xf32>
    tpu.vector_store %arg6[%swap3A_296, %swap3A_297], %reduce_min3A_275 {strides = array<i32>} : memref<128x256xf32, #tpu.memory_space<vmem>>, vector<16x256xf32>,
    %swap3A_299 = arith.constant 48 : index
    %swap3A_300 = arith.constant 0 : index
    %swap3A_301 = vector.load %arg7[%swap3A_299, %swap3A_300] : memref<128x256xf32, #tpu.memory_space<vmem>>, vector<16x256xf32>
    tpu.vector_store %arg7[%swap3A_299, %swap3A_300], %reduce_min3A_281 {strides = array<i32>} : memref<128x256xf32, #tpu.memory_space<vmem>>, vector<16x256xf32>,
    %swap3A_302 = arith.constant 48 : index
    %swap3A_303 = arith.constant 0 : index
    %swap3A_304 = vector.load %arg8[%swap3A_302, %swap3A_303] : memref<128x256xf32, #tpu.memory_space<vmem>>, vector<16x256xf32>
    tpu.vector_store %arg8[%swap3A_302, %swap3A_303], %reduce_min3A_292 {strides = array<i32>} : memref<128x256xf32, #tpu.memory_space<vmem>>, vector<16x256xf32>,
    %get3A_305 = arith.constant 8192 : index
    %get3A_306 = arith.constant 0 : index
    %get3A_307 = vector.load %arg1[%get3A_305, %get3A_306] : memref<16384x32xf32, #tpu.memory_space<vmem>>, vector<2048x32xf32>
    %mul3A_308 = arith.mulf %get3A_307, %get3A_307 : vector<2048x32xf32>
    %dot_general3A_309 = arith.constant dense<0.000000e+00> : vector<2048x1xf32>
    %dot_general3A_310 = tpu.matmul %mul3A_308, %broadcast_in_dim3A_3, %dot_general3A_309 {dimension_numbers = #tpu.dot_dimension_numbers<[1], [1], [0], [0], [0, 0, 1, 0], [], []>, transpose_lhs_hint = false} : vector<2048x32xf32>, vector<1x32xf32>, vector<2048x1xf32> -> vector<2048x1xf32>
    %convert_element_type3A_311 = arith.truncf %get3A_307 : vector<2048x32xf32> to vector<2048x32xbf16>
    %dot_general3A_312 = arith.constant dense<0.000000e+00> : vector<2048x256xf32>
    %dot_general3A_313 = tpu.matmul %convert_element_type3A_311, %convert_element_type3A, %dot_general3A_312 {dimension_numbers = #tpu.dot_dimension_numbers<[1], [1], [0], [0], [0, 0, 1, 0], [], []>, transpose_lhs_hint = false} : vector<2048x32xbf16>, vector<256x32xbf16>, vector<2048x256xf32> -> vector<2048x256xf32>
    %add3A_314 = vector.broadcast %dot_general3A_310 : vector<2048x1xf32> to vector<2048x256xf32>
    %add3A_315 = vector.broadcast %dot_general3A_5 : vector<1x256xf32> to vector<2048x256xf32>
    %add3A_316 = arith.addf %add3A_314, %add3A_315 : vector<2048x256xf32>
    %mul3A_317 = arith.constant 2.000000e+00 : f32
    %mul3A_318 = vector.broadcast %mul3A_317 : f32 to vector<2048x256xf32>
    %mul3A_319 = arith.mulf %mul3A_318, %dot_general3A_313 : vector<2048x256xf32>
    %sub3A_320 = arith.subf %add3A_316, %mul3A_319 : vector<2048x256xf32>
    %iota3A_321 = tpu.iota {dimensions = array<i32: 0>} : vector<2048x256xi32>
    %add3A_322 = arith.constant 8192 : i32
    %add3A_323 = vector.broadcast %add3A_322 : i32 to vector<2048x256xi32>
    %add3A_324 = arith.addi %iota3A_321, %add3A_323 : vector<2048x256xi32>
    %iota3A_325 = tpu.iota {dimensions = array<i32: 1>} : vector<2048x256xi32>
    %mul3A_326 = arith.constant 256 : i32
    %mul3A_327 = arith.muli %arg0, %mul3A_326 : i32
    %add3A_328 = vector.broadcast %mul3A_327 : i32 to vector<2048x256xi32>
    %add3A_329 = arith.addi %iota3A_325, %add3A_328 : vector<2048x256xi32>
    %eq3A_330 = arith.cmpi eq, %add3A_324, %add3A_329 : vector<2048x256xi32>
    %jit3A_331 = arith.constant 0x7FF0000000000000 : f64
    %convert_element_type3A_332 = arith.truncf %jit3A_331 : f64 to f32
    %broadcast_in_dim3A_333 = vector.broadcast %convert_element_type3A_332 : f32 to vector<2048x256xf32>
    %select_n3A_334 = arith.select %eq3A_330, %broadcast_in_dim3A_333, %sub3A_320 : vector<2048x256xi1>, vector<2048x256xf32>
    %reshape3A_335 = vector.shape_cast %select_n3A_334 : vector<2048x256xf32> to vector<16x128x256xf32>
    %get3A_336 = arith.constant 8192 : index
    %get3A_337 = arith.constant 0 : index
    %get3A_338 = vector.load %arg2[%get3A_336, %get3A_337] : memref<16384x1xf32, #tpu.memory_space<vmem>>, vector<2048x1xf32>
    %reshape3A_339 = vector.shape_cast %get3A_338 : vector<2048x1xf32> to vector<16x128x1xf32>
    %reduce_min3A_340 = arith.constant dense<0x7F800000> : vector<16x256xf32>
    %reduce_min3A_341 = vector.multi_reduction <minimumf>, %reshape3A_335, %reduce_min3A_340 [1] : vector<16x128x256xf32> to vector<16x256xf32>
    %broadcast_in_dim3A_342 = vector.shape_cast %reduce_min3A_341 : vector<16x256xf32> to vector<16x1x256xf32>
    %eq3A_343 = vector.broadcast %broadcast_in_dim3A_342 : vector<16x1x256xf32> to vector<16x128x256xf32>
    %eq3A_344 = arith.cmpf oeq, %reshape3A_335, %eq3A_343 : vector<16x128x256xf32>
    %jit3A_345 = arith.constant 1.000000e+09 : f64
    %convert_element_type3A_346 = arith.truncf %jit3A_345 : f64 to f32
    %broadcast_in_dim3A_347 = vector.shape_cast %reshape3A_339 : vector<16x128x1xf32> to vector<16x128x1xf32>
    %broadcast_in_dim3A_348 = vector.broadcast %broadcast_in_dim3A_347 : vector<16x128x1xf32> to vector<16x128x256xf32>
    %broadcast_in_dim3A_349 = vector.broadcast %convert_element_type3A_346 : f32 to vector<16x128x256xf32>
    %select_n3A_350 = arith.select %eq3A_344, %broadcast_in_dim3A_348, %broadcast_in_dim3A_349 : vector<16x128x256xi1>, vector<16x128x256xf32>
    %reduce_min3A_351 = arith.constant dense<0x7F800000> : vector<16x256xf32>
    %reduce_min3A_352 = vector.multi_reduction <minimumf>, %select_n3A_350, %reduce_min3A_351 [1] : vector<16x128x256xf32> to vector<16x256xf32>
    %jit3A_353 = arith.constant 0x7FF0000000000000 : f64
    %convert_element_type3A_354 = arith.truncf %jit3A_353 : f64 to f32
    %broadcast_in_dim3A_355 = vector.broadcast %convert_element_type3A_354 : f32 to vector<16x128x256xf32>
    %select_n3A_356 = arith.select %eq3A_344, %broadcast_in_dim3A_355, %reshape3A_335 : vector<16x128x256xi1>, vector<16x128x256xf32>
    %reduce_min3A_357 = arith.constant dense<0x7F800000> : vector<16x256xf32>
    %reduce_min3A_358 = vector.multi_reduction <minimumf>, %select_n3A_356, %reduce_min3A_357 [1] : vector<16x128x256xf32> to vector<16x256xf32>
    %broadcast_in_dim3A_359 = vector.shape_cast %reduce_min3A_358 : vector<16x256xf32> to vector<16x1x256xf32>
    %eq3A_360 = vector.broadcast %broadcast_in_dim3A_359 : vector<16x1x256xf32> to vector<16x128x256xf32>
    %eq3A_361 = arith.cmpf oeq, %select_n3A_356, %eq3A_360 : vector<16x128x256xf32>
    %jit3A_362 = arith.constant 1.000000e+09 : f64
    %convert_element_type3A_363 = arith.truncf %jit3A_362 : f64 to f32
    %broadcast_in_dim3A_364 = vector.shape_cast %reshape3A_339 : vector<16x128x1xf32> to vector<16x128x1xf32>
    %broadcast_in_dim3A_365 = vector.broadcast %broadcast_in_dim3A_364 : vector<16x128x1xf32> to vector<16x128x256xf32>
    %broadcast_in_dim3A_366 = vector.broadcast %convert_element_type3A_363 : f32 to vector<16x128x256xf32>
    %select_n3A_367 = arith.select %eq3A_361, %broadcast_in_dim3A_365, %broadcast_in_dim3A_366 : vector<16x128x256xi1>, vector<16x128x256xf32>
    %reduce_min3A_368 = arith.constant dense<0x7F800000> : vector<16x256xf32>
    %reduce_min3A_369 = vector.multi_reduction <minimumf>, %select_n3A_367, %reduce_min3A_368 [1] : vector<16x128x256xf32> to vector<16x256xf32>
    %swap3A_370 = arith.constant 64 : index
    %swap3A_371 = arith.constant 0 : index
    %swap3A_372 = vector.load %arg5[%swap3A_370, %swap3A_371] : memref<128x256xf32, #tpu.memory_space<vmem>>, vector<16x256xf32>
    tpu.vector_store %arg5[%swap3A_370, %swap3A_371], %reduce_min3A_341 {strides = array<i32>} : memref<128x256xf32, #tpu.memory_space<vmem>>, vector<16x256xf32>,
    %swap3A_373 = arith.constant 64 : index
    %swap3A_374 = arith.constant 0 : index
    %swap3A_375 = vector.load %arg6[%swap3A_373, %swap3A_374] : memref<128x256xf32, #tpu.memory_space<vmem>>, vector<16x256xf32>
    tpu.vector_store %arg6[%swap3A_373, %swap3A_374], %reduce_min3A_352 {strides = array<i32>} : memref<128x256xf32, #tpu.memory_space<vmem>>, vector<16x256xf32>,
    %swap3A_376 = arith.constant 64 : index
    %swap3A_377 = arith.constant 0 : index
    %swap3A_378 = vector.load %arg7[%swap3A_376, %swap3A_377] : memref<128x256xf32, #tpu.memory_space<vmem>>, vector<16x256xf32>
    tpu.vector_store %arg7[%swap3A_376, %swap3A_377], %reduce_min3A_358 {strides = array<i32>} : memref<128x256xf32, #tpu.memory_space<vmem>>, vector<16x256xf32>,
    %swap3A_379 = arith.constant 64 : index
    %swap3A_380 = arith.constant 0 : index
    %swap3A_381 = vector.load %arg8[%swap3A_379, %swap3A_380] : memref<128x256xf32, #tpu.memory_space<vmem>>, vector<16x256xf32>
    tpu.vector_store %arg8[%swap3A_379, %swap3A_380], %reduce_min3A_369 {strides = array<i32>} : memref<128x256xf32, #tpu.memory_space<vmem>>, vector<16x256xf32>,
    %get3A_382 = arith.constant 10240 : index
    %get3A_383 = arith.constant 0 : index
    %get3A_384 = vector.load %arg1[%get3A_382, %get3A_383] : memref<16384x32xf32, #tpu.memory_space<vmem>>, vector<2048x32xf32>
    %mul3A_385 = arith.mulf %get3A_384, %get3A_384 : vector<2048x32xf32>
    %dot_general3A_386 = arith.constant dense<0.000000e+00> : vector<2048x1xf32>
    %dot_general3A_387 = tpu.matmul %mul3A_385, %broadcast_in_dim3A_3, %dot_general3A_386 {dimension_numbers = #tpu.dot_dimension_numbers<[1], [1], [0], [0], [0, 0, 1, 0], [], []>, transpose_lhs_hint = false} : vector<2048x32xf32>, vector<1x32xf32>, vector<2048x1xf32> -> vector<2048x1xf32>
    %convert_element_type3A_388 = arith.truncf %get3A_384 : vector<2048x32xf32> to vector<2048x32xbf16>
    %dot_general3A_389 = arith.constant dense<0.000000e+00> : vector<2048x256xf32>
    %dot_general3A_390 = tpu.matmul %convert_element_type3A_388, %convert_element_type3A, %dot_general3A_389 {dimension_numbers = #tpu.dot_dimension_numbers<[1], [1], [0], [0], [0, 0, 1, 0], [], []>, transpose_lhs_hint = false} : vector<2048x32xbf16>, vector<256x32xbf16>, vector<2048x256xf32> -> vector<2048x256xf32>
    %add3A_391 = vector.broadcast %dot_general3A_387 : vector<2048x1xf32> to vector<2048x256xf32>
    %add3A_392 = vector.broadcast %dot_general3A_5 : vector<1x256xf32> to vector<2048x256xf32>
    %add3A_393 = arith.addf %add3A_391, %add3A_392 : vector<2048x256xf32>
    %mul3A_394 = arith.constant 2.000000e+00 : f32
    %mul3A_395 = vector.broadcast %mul3A_394 : f32 to vector<2048x256xf32>
    %mul3A_396 = arith.mulf %mul3A_395, %dot_general3A_390 : vector<2048x256xf32>
    %sub3A_397 = arith.subf %add3A_393, %mul3A_396 : vector<2048x256xf32>
    %iota3A_398 = tpu.iota {dimensions = array<i32: 0>} : vector<2048x256xi32>
    %add3A_399 = arith.constant 10240 : i32
    %add3A_400 = vector.broadcast %add3A_399 : i32 to vector<2048x256xi32>
    %add3A_401 = arith.addi %iota3A_398, %add3A_400 : vector<2048x256xi32>
    %iota3A_402 = tpu.iota {dimensions = array<i32: 1>} : vector<2048x256xi32>
    %mul3A_403 = arith.constant 256 : i32
    %mul3A_404 = arith.muli %arg0, %mul3A_403 : i32
    %add3A_405 = vector.broadcast %mul3A_404 : i32 to vector<2048x256xi32>
    %add3A_406 = arith.addi %iota3A_402, %add3A_405 : vector<2048x256xi32>
    %eq3A_407 = arith.cmpi eq, %add3A_401, %add3A_406 : vector<2048x256xi32>
    %jit3A_408 = arith.constant 0x7FF0000000000000 : f64
    %convert_element_type3A_409 = arith.truncf %jit3A_408 : f64 to f32
    %broadcast_in_dim3A_410 = vector.broadcast %convert_element_type3A_409 : f32 to vector<2048x256xf32>
    %select_n3A_411 = arith.select %eq3A_407, %broadcast_in_dim3A_410, %sub3A_397 : vector<2048x256xi1>, vector<2048x256xf32>
    %reshape3A_412 = vector.shape_cast %select_n3A_411 : vector<2048x256xf32> to vector<16x128x256xf32>
    %get3A_413 = arith.constant 10240 : index
    %get3A_414 = arith.constant 0 : index
    %get3A_415 = vector.load %arg2[%get3A_413, %get3A_414] : memref<16384x1xf32, #tpu.memory_space<vmem>>, vector<2048x1xf32>
    %reshape3A_416 = vector.shape_cast %get3A_415 : vector<2048x1xf32> to vector<16x128x1xf32>
    %reduce_min3A_417 = arith.constant dense<0x7F800000> : vector<16x256xf32>
    %reduce_min3A_418 = vector.multi_reduction <minimumf>, %reshape3A_412, %reduce_min3A_417 [1] : vector<16x128x256xf32> to vector<16x256xf32>
    %broadcast_in_dim3A_419 = vector.shape_cast %reduce_min3A_418 : vector<16x256xf32> to vector<16x1x256xf32>
    %eq3A_420 = vector.broadcast %broadcast_in_dim3A_419 : vector<16x1x256xf32> to vector<16x128x256xf32>
    %eq3A_421 = arith.cmpf oeq, %reshape3A_412, %eq3A_420 : vector<16x128x256xf32>
    %jit3A_422 = arith.constant 1.000000e+09 : f64
    %convert_element_type3A_423 = arith.truncf %jit3A_422 : f64 to f32
    %broadcast_in_dim3A_424 = vector.shape_cast %reshape3A_416 : vector<16x128x1xf32> to vector<16x128x1xf32>
    %broadcast_in_dim3A_425 = vector.broadcast %broadcast_in_dim3A_424 : vector<16x128x1xf32> to vector<16x128x256xf32>
    %broadcast_in_dim3A_426 = vector.broadcast %convert_element_type3A_423 : f32 to vector<16x128x256xf32>
    %select_n3A_427 = arith.select %eq3A_421, %broadcast_in_dim3A_425, %broadcast_in_dim3A_426 : vector<16x128x256xi1>, vector<16x128x256xf32>
    %reduce_min3A_428 = arith.constant dense<0x7F800000> : vector<16x256xf32>
    %reduce_min3A_429 = vector.multi_reduction <minimumf>, %select_n3A_427, %reduce_min3A_428 [1] : vector<16x128x256xf32> to vector<16x256xf32>
    %jit3A_430 = arith.constant 0x7FF0000000000000 : f64
    %convert_element_type3A_431 = arith.truncf %jit3A_430 : f64 to f32
    %broadcast_in_dim3A_432 = vector.broadcast %convert_element_type3A_431 : f32 to vector<16x128x256xf32>
    %select_n3A_433 = arith.select %eq3A_421, %broadcast_in_dim3A_432, %reshape3A_412 : vector<16x128x256xi1>, vector<16x128x256xf32>
    %reduce_min3A_434 = arith.constant dense<0x7F800000> : vector<16x256xf32>
    %reduce_min3A_435 = vector.multi_reduction <minimumf>, %select_n3A_433, %reduce_min3A_434 [1] : vector<16x128x256xf32> to vector<16x256xf32>
    %broadcast_in_dim3A_436 = vector.shape_cast %reduce_min3A_435 : vector<16x256xf32> to vector<16x1x256xf32>
    %eq3A_437 = vector.broadcast %broadcast_in_dim3A_436 : vector<16x1x256xf32> to vector<16x128x256xf32>
    %eq3A_438 = arith.cmpf oeq, %select_n3A_433, %eq3A_437 : vector<16x128x256xf32>
    %jit3A_439 = arith.constant 1.000000e+09 : f64
    %convert_element_type3A_440 = arith.truncf %jit3A_439 : f64 to f32
    %broadcast_in_dim3A_441 = vector.shape_cast %reshape3A_416 : vector<16x128x1xf32> to vector<16x128x1xf32>
    %broadcast_in_dim3A_442 = vector.broadcast %broadcast_in_dim3A_441 : vector<16x128x1xf32> to vector<16x128x256xf32>
    %broadcast_in_dim3A_443 = vector.broadcast %convert_element_type3A_440 : f32 to vector<16x128x256xf32>
    %select_n3A_444 = arith.select %eq3A_438, %broadcast_in_dim3A_442, %broadcast_in_dim3A_443 : vector<16x128x256xi1>, vector<16x128x256xf32>
    %reduce_min3A_445 = arith.constant dense<0x7F800000> : vector<16x256xf32>
    %reduce_min3A_446 = vector.multi_reduction <minimumf>, %select_n3A_444, %reduce_min3A_445 [1] : vector<16x128x256xf32> to vector<16x256xf32>
    %swap3A_447 = arith.constant 80 : index
    %swap3A_448 = arith.constant 0 : index
    %swap3A_449 = vector.load %arg5[%swap3A_447, %swap3A_448] : memref<128x256xf32, #tpu.memory_space<vmem>>, vector<16x256xf32>
    tpu.vector_store %arg5[%swap3A_447, %swap3A_448], %reduce_min3A_418 {strides = array<i32>} : memref<128x256xf32, #tpu.memory_space<vmem>>, vector<16x256xf32>,
    %swap3A_450 = arith.constant 80 : index
    %swap3A_451 = arith.constant 0 : index
    %swap3A_452 = vector.load %arg6[%swap3A_450, %swap3A_451] : memref<128x256xf32, #tpu.memory_space<vmem>>, vector<16x256xf32>
    tpu.vector_store %arg6[%swap3A_450, %swap3A_451], %reduce_min3A_429 {strides = array<i32>} : memref<128x256xf32, #tpu.memory_space<vmem>>, vector<16x256xf32>,
    %swap3A_453 = arith.constant 80 : index
    %swap3A_454 = arith.constant 0 : index
    %swap3A_455 = vector.load %arg7[%swap3A_453, %swap3A_454] : memref<128x256xf32, #tpu.memory_space<vmem>>, vector<16x256xf32>
    tpu.vector_store %arg7[%swap3A_453, %swap3A_454], %reduce_min3A_435 {strides = array<i32>} : memref<128x256xf32, #tpu.memory_space<vmem>>, vector<16x256xf32>,
    %swap3A_456 = arith.constant 80 : index
    %swap3A_457 = arith.constant 0 : index
    %swap3A_458 = vector.load %arg8[%swap3A_456, %swap3A_457] : memref<128x256xf32, #tpu.memory_space<vmem>>, vector<16x256xf32>
    tpu.vector_store %arg8[%swap3A_456, %swap3A_457], %reduce_min3A_446 {strides = array<i32>} : memref<128x256xf32, #tpu.memory_space<vmem>>, vector<16x256xf32>,
    %get3A_459 = arith.constant 12288 : index
    %get3A_460 = arith.constant 0 : index
    %get3A_461 = vector.load %arg1[%get3A_459, %get3A_460] : memref<16384x32xf32, #tpu.memory_space<vmem>>, vector<2048x32xf32>
    %mul3A_462 = arith.mulf %get3A_461, %get3A_461 : vector<2048x32xf32>
    %dot_general3A_463 = arith.constant dense<0.000000e+00> : vector<2048x1xf32>
    %dot_general3A_464 = tpu.matmul %mul3A_462, %broadcast_in_dim3A_3, %dot_general3A_463 {dimension_numbers = #tpu.dot_dimension_numbers<[1], [1], [0], [0], [0, 0, 1, 0], [], []>, transpose_lhs_hint = false} : vector<2048x32xf32>, vector<1x32xf32>, vector<2048x1xf32> -> vector<2048x1xf32>
    %convert_element_type3A_465 = arith.truncf %get3A_461 : vector<2048x32xf32> to vector<2048x32xbf16>
    %dot_general3A_466 = arith.constant dense<0.000000e+00> : vector<2048x256xf32>
    %dot_general3A_467 = tpu.matmul %convert_element_type3A_465, %convert_element_type3A, %dot_general3A_466 {dimension_numbers = #tpu.dot_dimension_numbers<[1], [1], [0], [0], [0, 0, 1, 0], [], []>, transpose_lhs_hint = false} : vector<2048x32xbf16>, vector<256x32xbf16>, vector<2048x256xf32> -> vector<2048x256xf32>
    %add3A_468 = vector.broadcast %dot_general3A_464 : vector<2048x1xf32> to vector<2048x256xf32>
    %add3A_469 = vector.broadcast %dot_general3A_5 : vector<1x256xf32> to vector<2048x256xf32>
    %add3A_470 = arith.addf %add3A_468, %add3A_469 : vector<2048x256xf32>
    %mul3A_471 = arith.constant 2.000000e+00 : f32
    %mul3A_472 = vector.broadcast %mul3A_471 : f32 to vector<2048x256xf32>
    %mul3A_473 = arith.mulf %mul3A_472, %dot_general3A_467 : vector<2048x256xf32>
    %sub3A_474 = arith.subf %add3A_470, %mul3A_473 : vector<2048x256xf32>
    %iota3A_475 = tpu.iota {dimensions = array<i32: 0>} : vector<2048x256xi32>
    %add3A_476 = arith.constant 12288 : i32
    %add3A_477 = vector.broadcast %add3A_476 : i32 to vector<2048x256xi32>
    %add3A_478 = arith.addi %iota3A_475, %add3A_477 : vector<2048x256xi32>
    %iota3A_479 = tpu.iota {dimensions = array<i32: 1>} : vector<2048x256xi32>
    %mul3A_480 = arith.constant 256 : i32
    %mul3A_481 = arith.muli %arg0, %mul3A_480 : i32
    %add3A_482 = vector.broadcast %mul3A_481 : i32 to vector<2048x256xi32>
    %add3A_483 = arith.addi %iota3A_479, %add3A_482 : vector<2048x256xi32>
    %eq3A_484 = arith.cmpi eq, %add3A_478, %add3A_483 : vector<2048x256xi32>
    %jit3A_485 = arith.constant 0x7FF0000000000000 : f64
    %convert_element_type3A_486 = arith.truncf %jit3A_485 : f64 to f32
    %broadcast_in_dim3A_487 = vector.broadcast %convert_element_type3A_486 : f32 to vector<2048x256xf32>
    %select_n3A_488 = arith.select %eq3A_484, %broadcast_in_dim3A_487, %sub3A_474 : vector<2048x256xi1>, vector<2048x256xf32>
    %reshape3A_489 = vector.shape_cast %select_n3A_488 : vector<2048x256xf32> to vector<16x128x256xf32>
    %get3A_490 = arith.constant 12288 : index
    %get3A_491 = arith.constant 0 : index
    %get3A_492 = vector.load %arg2[%get3A_490, %get3A_491] : memref<16384x1xf32, #tpu.memory_space<vmem>>, vector<2048x1xf32>
    %reshape3A_493 = vector.shape_cast %get3A_492 : vector<2048x1xf32> to vector<16x128x1xf32>
    %reduce_min3A_494 = arith.constant dense<0x7F800000> : vector<16x256xf32>
    %reduce_min3A_495 = vector.multi_reduction <minimumf>, %reshape3A_489, %reduce_min3A_494 [1] : vector<16x128x256xf32> to vector<16x256xf32>
    %broadcast_in_dim3A_496 = vector.shape_cast %reduce_min3A_495 : vector<16x256xf32> to vector<16x1x256xf32>
    %eq3A_497 = vector.broadcast %broadcast_in_dim3A_496 : vector<16x1x256xf32> to vector<16x128x256xf32>
    %eq3A_498 = arith.cmpf oeq, %reshape3A_489, %eq3A_497 : vector<16x128x256xf32>
    %jit3A_499 = arith.constant 1.000000e+09 : f64
    %convert_element_type3A_500 = arith.truncf %jit3A_499 : f64 to f32
    %broadcast_in_dim3A_501 = vector.shape_cast %reshape3A_493 : vector<16x128x1xf32> to vector<16x128x1xf32>
    %broadcast_in_dim3A_502 = vector.broadcast %broadcast_in_dim3A_501 : vector<16x128x1xf32> to vector<16x128x256xf32>
    %broadcast_in_dim3A_503 = vector.broadcast %convert_element_type3A_500 : f32 to vector<16x128x256xf32>
    %select_n3A_504 = arith.select %eq3A_498, %broadcast_in_dim3A_502, %broadcast_in_dim3A_503 : vector<16x128x256xi1>, vector<16x128x256xf32>
    %reduce_min3A_505 = arith.constant dense<0x7F800000> : vector<16x256xf32>
    %reduce_min3A_506 = vector.multi_reduction <minimumf>, %select_n3A_504, %reduce_min3A_505 [1] : vector<16x128x256xf32> to vector<16x256xf32>
    %jit3A_507 = arith.constant 0x7FF0000000000000 : f64
    %convert_element_type3A_508 = arith.truncf %jit3A_507 : f64 to f32
    %broadcast_in_dim3A_509 = vector.broadcast %convert_element_type3A_508 : f32 to vector<16x128x256xf32>
    %select_n3A_510 = arith.select %eq3A_498, %broadcast_in_dim3A_509, %reshape3A_489 : vector<16x128x256xi1>, vector<16x128x256xf32>
    %reduce_min3A_511 = arith.constant dense<0x7F800000> : vector<16x256xf32>
    %reduce_min3A_512 = vector.multi_reduction <minimumf>, %select_n3A_510, %reduce_min3A_511 [1] : vector<16x128x256xf32> to vector<16x256xf32>
    %broadcast_in_dim3A_513 = vector.shape_cast %reduce_min3A_512 : vector<16x256xf32> to vector<16x1x256xf32>
    %eq3A_514 = vector.broadcast %broadcast_in_dim3A_513 : vector<16x1x256xf32> to vector<16x128x256xf32>
    %eq3A_515 = arith.cmpf oeq, %select_n3A_510, %eq3A_514 : vector<16x128x256xf32>
    %jit3A_516 = arith.constant 1.000000e+09 : f64
    %convert_element_type3A_517 = arith.truncf %jit3A_516 : f64 to f32
    %broadcast_in_dim3A_518 = vector.shape_cast %reshape3A_493 : vector<16x128x1xf32> to vector<16x128x1xf32>
    %broadcast_in_dim3A_519 = vector.broadcast %broadcast_in_dim3A_518 : vector<16x128x1xf32> to vector<16x128x256xf32>
    %broadcast_in_dim3A_520 = vector.broadcast %convert_element_type3A_517 : f32 to vector<16x128x256xf32>
    %select_n3A_521 = arith.select %eq3A_515, %broadcast_in_dim3A_519, %broadcast_in_dim3A_520 : vector<16x128x256xi1>, vector<16x128x256xf32>
    %reduce_min3A_522 = arith.constant dense<0x7F800000> : vector<16x256xf32>
    %reduce_min3A_523 = vector.multi_reduction <minimumf>, %select_n3A_521, %reduce_min3A_522 [1] : vector<16x128x256xf32> to vector<16x256xf32>
    %swap3A_524 = arith.constant 96 : index
    %swap3A_525 = arith.constant 0 : index
    %swap3A_526 = vector.load %arg5[%swap3A_524, %swap3A_525] : memref<128x256xf32, #tpu.memory_space<vmem>>, vector<16x256xf32>
    tpu.vector_store %arg5[%swap3A_524, %swap3A_525], %reduce_min3A_495 {strides = array<i32>} : memref<128x256xf32, #tpu.memory_space<vmem>>, vector<16x256xf32>,
    %swap3A_527 = arith.constant 96 : index
    %swap3A_528 = arith.constant 0 : index
    %swap3A_529 = vector.load %arg6[%swap3A_527, %swap3A_528] : memref<128x256xf32, #tpu.memory_space<vmem>>, vector<16x256xf32>
    tpu.vector_store %arg6[%swap3A_527, %swap3A_528], %reduce_min3A_506 {strides = array<i32>} : memref<128x256xf32, #tpu.memory_space<vmem>>, vector<16x256xf32>,
    %swap3A_530 = arith.constant 96 : index
    %swap3A_531 = arith.constant 0 : index
    %swap3A_532 = vector.load %arg7[%swap3A_530, %swap3A_531] : memref<128x256xf32, #tpu.memory_space<vmem>>, vector<16x256xf32>
    tpu.vector_store %arg7[%swap3A_530, %swap3A_531], %reduce_min3A_512 {strides = array<i32>} : memref<128x256xf32, #tpu.memory_space<vmem>>, vector<16x256xf32>,
    %swap3A_533 = arith.constant 96 : index
    %swap3A_534 = arith.constant 0 : index
    %swap3A_535 = vector.load %arg8[%swap3A_533, %swap3A_534] : memref<128x256xf32, #tpu.memory_space<vmem>>, vector<16x256xf32>
    tpu.vector_store %arg8[%swap3A_533, %swap3A_534], %reduce_min3A_523 {strides = array<i32>} : memref<128x256xf32, #tpu.memory_space<vmem>>, vector<16x256xf32>,
    %get3A_536 = arith.constant 14336 : index
    %get3A_537 = arith.constant 0 : index
    %get3A_538 = vector.load %arg1[%get3A_536, %get3A_537] : memref<16384x32xf32, #tpu.memory_space<vmem>>, vector<2048x32xf32>
    %mul3A_539 = arith.mulf %get3A_538, %get3A_538 : vector<2048x32xf32>
    %dot_general3A_540 = arith.constant dense<0.000000e+00> : vector<2048x1xf32>
    %dot_general3A_541 = tpu.matmul %mul3A_539, %broadcast_in_dim3A_3, %dot_general3A_540 {dimension_numbers = #tpu.dot_dimension_numbers<[1], [1], [0], [0], [0, 0, 1, 0], [], []>, transpose_lhs_hint = false} : vector<2048x32xf32>, vector<1x32xf32>, vector<2048x1xf32> -> vector<2048x1xf32>
    %convert_element_type3A_542 = arith.truncf %get3A_538 : vector<2048x32xf32> to vector<2048x32xbf16>
    %dot_general3A_543 = arith.constant dense<0.000000e+00> : vector<2048x256xf32>
    %dot_general3A_544 = tpu.matmul %convert_element_type3A_542, %convert_element_type3A, %dot_general3A_543 {dimension_numbers = #tpu.dot_dimension_numbers<[1], [1], [0], [0], [0, 0, 1, 0], [], []>, transpose_lhs_hint = false} : vector<2048x32xbf16>, vector<256x32xbf16>, vector<2048x256xf32> -> vector<2048x256xf32>
    %add3A_545 = vector.broadcast %dot_general3A_541 : vector<2048x1xf32> to vector<2048x256xf32>
    %add3A_546 = vector.broadcast %dot_general3A_5 : vector<1x256xf32> to vector<2048x256xf32>
    %add3A_547 = arith.addf %add3A_545, %add3A_546 : vector<2048x256xf32>
    %mul3A_548 = arith.constant 2.000000e+00 : f32
    %mul3A_549 = vector.broadcast %mul3A_548 : f32 to vector<2048x256xf32>
    %mul3A_550 = arith.mulf %mul3A_549, %dot_general3A_544 : vector<2048x256xf32>
    %sub3A_551 = arith.subf %add3A_547, %mul3A_550 : vector<2048x256xf32>
    %iota3A_552 = tpu.iota {dimensions = array<i32: 0>} : vector<2048x256xi32>
    %add3A_553 = arith.constant 14336 : i32
    %add3A_554 = vector.broadcast %add3A_553 : i32 to vector<2048x256xi32>
    %add3A_555 = arith.addi %iota3A_552, %add3A_554 : vector<2048x256xi32>
    %iota3A_556 = tpu.iota {dimensions = array<i32: 1>} : vector<2048x256xi32>
    %mul3A_557 = arith.constant 256 : i32
    %mul3A_558 = arith.muli %arg0, %mul3A_557 : i32
    %add3A_559 = vector.broadcast %mul3A_558 : i32 to vector<2048x256xi32>
    %add3A_560 = arith.addi %iota3A_556, %add3A_559 : vector<2048x256xi32>
    %eq3A_561 = arith.cmpi eq, %add3A_555, %add3A_560 : vector<2048x256xi32>
    %jit3A_562 = arith.constant 0x7FF0000000000000 : f64
    %convert_element_type3A_563 = arith.truncf %jit3A_562 : f64 to f32
    %broadcast_in_dim3A_564 = vector.broadcast %convert_element_type3A_563 : f32 to vector<2048x256xf32>
    %select_n3A_565 = arith.select %eq3A_561, %broadcast_in_dim3A_564, %sub3A_551 : vector<2048x256xi1>, vector<2048x256xf32>
    %reshape3A_566 = vector.shape_cast %select_n3A_565 : vector<2048x256xf32> to vector<16x128x256xf32>
    %get3A_567 = arith.constant 14336 : index
    %get3A_568 = arith.constant 0 : index
    %get3A_569 = vector.load %arg2[%get3A_567, %get3A_568] : memref<16384x1xf32, #tpu.memory_space<vmem>>, vector<2048x1xf32>
    %reshape3A_570 = vector.shape_cast %get3A_569 : vector<2048x1xf32> to vector<16x128x1xf32>
    %reduce_min3A_571 = arith.constant dense<0x7F800000> : vector<16x256xf32>
    %reduce_min3A_572 = vector.multi_reduction <minimumf>, %reshape3A_566, %reduce_min3A_571 [1] : vector<16x128x256xf32> to vector<16x256xf32>
    %broadcast_in_dim3A_573 = vector.shape_cast %reduce_min3A_572 : vector<16x256xf32> to vector<16x1x256xf32>
    %eq3A_574 = vector.broadcast %broadcast_in_dim3A_573 : vector<16x1x256xf32> to vector<16x128x256xf32>
    %eq3A_575 = arith.cmpf oeq, %reshape3A_566, %eq3A_574 : vector<16x128x256xf32>
    %jit3A_576 = arith.constant 1.000000e+09 : f64
    %convert_element_type3A_577 = arith.truncf %jit3A_576 : f64 to f32
    %broadcast_in_dim3A_578 = vector.shape_cast %reshape3A_570 : vector<16x128x1xf32> to vector<16x128x1xf32>
    %broadcast_in_dim3A_579 = vector.broadcast %broadcast_in_dim3A_578 : vector<16x128x1xf32> to vector<16x128x256xf32>
    %broadcast_in_dim3A_580 = vector.broadcast %convert_element_type3A_577 : f32 to vector<16x128x256xf32>
    %select_n3A_581 = arith.select %eq3A_575, %broadcast_in_dim3A_579, %broadcast_in_dim3A_580 : vector<16x128x256xi1>, vector<16x128x256xf32>
    %reduce_min3A_582 = arith.constant dense<0x7F800000> : vector<16x256xf32>
    %reduce_min3A_583 = vector.multi_reduction <minimumf>, %select_n3A_581, %reduce_min3A_582 [1] : vector<16x128x256xf32> to vector<16x256xf32>
    %jit3A_584 = arith.constant 0x7FF0000000000000 : f64
    %convert_element_type3A_585 = arith.truncf %jit3A_584 : f64 to f32
    %broadcast_in_dim3A_586 = vector.broadcast %convert_element_type3A_585 : f32 to vector<16x128x256xf32>
    %select_n3A_587 = arith.select %eq3A_575, %broadcast_in_dim3A_586, %reshape3A_566 : vector<16x128x256xi1>, vector<16x128x256xf32>
    %reduce_min3A_588 = arith.constant dense<0x7F800000> : vector<16x256xf32>
    %reduce_min3A_589 = vector.multi_reduction <minimumf>, %select_n3A_587, %reduce_min3A_588 [1] : vector<16x128x256xf32> to vector<16x256xf32>
    %broadcast_in_dim3A_590 = vector.shape_cast %reduce_min3A_589 : vector<16x256xf32> to vector<16x1x256xf32>
    %eq3A_591 = vector.broadcast %broadcast_in_dim3A_590 : vector<16x1x256xf32> to vector<16x128x256xf32>
    %eq3A_592 = arith.cmpf oeq, %select_n3A_587, %eq3A_591 : vector<16x128x256xf32>
    %jit3A_593 = arith.constant 1.000000e+09 : f64
    %convert_element_type3A_594 = arith.truncf %jit3A_593 : f64 to f32
    %broadcast_in_dim3A_595 = vector.shape_cast %reshape3A_570 : vector<16x128x1xf32> to vector<16x128x1xf32>
    %broadcast_in_dim3A_596 = vector.broadcast %broadcast_in_dim3A_595 : vector<16x128x1xf32> to vector<16x128x256xf32>
    %broadcast_in_dim3A_597 = vector.broadcast %convert_element_type3A_594 : f32 to vector<16x128x256xf32>
    %select_n3A_598 = arith.select %eq3A_592, %broadcast_in_dim3A_596, %broadcast_in_dim3A_597 : vector<16x128x256xi1>, vector<16x128x256xf32>
    %reduce_min3A_599 = arith.constant dense<0x7F800000> : vector<16x256xf32>
    %reduce_min3A_600 = vector.multi_reduction <minimumf>, %select_n3A_598, %reduce_min3A_599 [1] : vector<16x128x256xf32> to vector<16x256xf32>
    %swap3A_601 = arith.constant 112 : index
    %swap3A_602 = arith.constant 0 : index
    %swap3A_603 = vector.load %arg5[%swap3A_601, %swap3A_602] : memref<128x256xf32, #tpu.memory_space<vmem>>, vector<16x256xf32>
    tpu.vector_store %arg5[%swap3A_601, %swap3A_602], %reduce_min3A_572 {strides = array<i32>} : memref<128x256xf32, #tpu.memory_space<vmem>>, vector<16x256xf32>,
    %swap3A_604 = arith.constant 112 : index
    %swap3A_605 = arith.constant 0 : index
    %swap3A_606 = vector.load %arg6[%swap3A_604, %swap3A_605] : memref<128x256xf32, #tpu.memory_space<vmem>>, vector<16x256xf32>
    tpu.vector_store %arg6[%swap3A_604, %swap3A_605], %reduce_min3A_583 {strides = array<i32>} : memref<128x256xf32, #tpu.memory_space<vmem>>, vector<16x256xf32>,
    %swap3A_607 = arith.constant 112 : index
    %swap3A_608 = arith.constant 0 : index
    %swap3A_609 = vector.load %arg7[%swap3A_607, %swap3A_608] : memref<128x256xf32, #tpu.memory_space<vmem>>, vector<16x256xf32>
    tpu.vector_store %arg7[%swap3A_607, %swap3A_608], %reduce_min3A_589 {strides = array<i32>} : memref<128x256xf32, #tpu.memory_space<vmem>>, vector<16x256xf32>,
    %swap3A_610 = arith.constant 112 : index
    %swap3A_611 = arith.constant 0 : index
    %swap3A_612 = vector.load %arg8[%swap3A_610, %swap3A_611] : memref<128x256xf32, #tpu.memory_space<vmem>>, vector<16x256xf32>
    tpu.vector_store %arg8[%swap3A_610, %swap3A_611], %reduce_min3A_600 {strides = array<i32>} : memref<128x256xf32, #tpu.memory_space<vmem>>, vector<16x256xf32>,
    %get3A_613 = arith.constant 0 : index
    %get3A_614 = arith.constant 0 : index
    %get3A_615 = arith.constant 0 : index
    %get3A_616 = vector.load %arg3[%get3A_613, %get3A_614, %get3A_615] : memref<1x1x256xf32, #tpu.memory_space<vmem>>, vector<1x1x256xf32>
    %get3A_617 = vector.shape_cast %get3A_616 : vector<1x1x256xf32> to vector<1x256xf32>
    %iota3A_618 = tpu.iota {dimensions = array<i32: 0>} : vector<128x256xi32>
    %get3A_619 = arith.constant 0 : index
    %get3A_620 = arith.constant 0 : index
    %get3A_621 = vector.load %arg5[%get3A_619, %get3A_620] : memref<128x256xf32, #tpu.memory_space<vmem>>, vector<128x256xf32>
    %get3A_622 = arith.constant 0 : index
    %get3A_623 = arith.constant 0 : index
    %get3A_624 = vector.load %arg6[%get3A_622, %get3A_623] : memref<128x256xf32, #tpu.memory_space<vmem>>, vector<128x256xf32>
    %get3A_625 = arith.constant 0 : index
    %get3A_626 = arith.constant 0 : index
    %get3A_627 = vector.load %arg7[%get3A_625, %get3A_626] : memref<128x256xf32, #tpu.memory_space<vmem>>, vector<128x256xf32>
    %broadcast_in_dim3A_628 = arith.constant 0.000000e+00 : f32
    %broadcast_in_dim3A_629 = vector.broadcast %broadcast_in_dim3A_628 : f32 to vector<1x256xf32>
    %reduce_min3A_630 = arith.constant dense<0x7F800000> : vector<256xf32>
    %reduce_min3A_631 = vector.multi_reduction <minimumf>, %get3A_621, %reduce_min3A_630 [0] : vector<128x256xf32> to vector<256xf32>
    %broadcast_in_dim3A_632 = vector.shape_cast %reduce_min3A_631 : vector<256xf32> to vector<1x256xf32>
    %eq3A_633 = vector.broadcast %broadcast_in_dim3A_632 : vector<1x256xf32> to vector<128x256xf32>
    %eq3A_634 = arith.cmpf oeq, %get3A_621, %eq3A_633 : vector<128x256xf32>
    %jit3A_635 = arith.constant 1073741824 : i32
    %broadcast_in_dim3A_636 = vector.broadcast %jit3A_635 : i32 to vector<128x256xi32>
    %select_n3A_637 = arith.select %eq3A_634, %iota3A_618, %broadcast_in_dim3A_636 : vector<128x256xi1>, vector<128x256xi32>
    %reduce_min3A_638 = arith.constant dense<2147483647> : vector<256xi32>
    %reduce_min3A_639 = vector.multi_reduction <minsi>, %select_n3A_637, %reduce_min3A_638 [0] : vector<128x256xi32> to vector<256xi32>
    %broadcast_in_dim3A_640 = vector.shape_cast %reduce_min3A_639 : vector<256xi32> to vector<1x256xi32>
    %eq3A_641 = vector.broadcast %broadcast_in_dim3A_640 : vector<1x256xi32> to vector<128x256xi32>
    %eq3A_642 = arith.cmpi eq, %iota3A_618, %eq3A_641 : vector<128x256xi32>
    %jit3A_643 = arith.constant 1.000000e+09 : f64
    %convert_element_type3A_644 = arith.truncf %jit3A_643 : f64 to f32
    %broadcast_in_dim3A_645 = vector.broadcast %convert_element_type3A_644 : f32 to vector<128x256xf32>
    %select_n3A_646 = arith.select %eq3A_642, %get3A_624, %broadcast_in_dim3A_645 : vector<128x256xi1>, vector<128x256xf32>
    %reduce_min3A_647 = arith.constant dense<0x7F800000> : vector<256xf32>
    %reduce_min3A_648 = vector.multi_reduction <minimumf>, %select_n3A_646, %reduce_min3A_647 [0] : vector<128x256xf32> to vector<256xf32>
    %broadcast_in_dim3A_649 = vector.shape_cast %reduce_min3A_648 : vector<256xf32> to vector<1x256xf32>
    %max3A = arith.constant 0.000000e+00 : f32
    %max3A_650 = vector.broadcast %max3A : f32 to vector<1x256xf32>
    %max3A_651 = arith.maximumf %broadcast_in_dim3A_632, %max3A_650 : vector<1x256xf32>
    %add3A_652 = arith.constant 9.99999996E-13 : f32
    %add3A_653 = vector.broadcast %add3A_652 : f32 to vector<1x256xf32>
    %add3A_654 = arith.addf %max3A_651, %add3A_653 : vector<1x256xf32>
    %sqrt3A = math.sqrt %add3A_654 : vector<1x256xf32>
    %eq3A_655 = arith.cmpf oeq, %broadcast_in_dim3A_649, %get3A_617 : vector<1x256xf32>
    %sub3A_656 = arith.constant 1.000000e-01 : f32
    %sub3A_657 = vector.broadcast %sub3A_656 : f32 to vector<1x256xf32>
    %sub3A_658 = arith.subf %sub3A_657, %sqrt3A : vector<1x256xf32>
    %max3A_659 = arith.constant 0.000000e+00 : f32
    %max3A_660 = vector.broadcast %max3A_659 : f32 to vector<1x256xf32>
    %max3A_661 = arith.maximumf %max3A_660, %sub3A_658 : vector<1x256xf32>
    %select_n3A_662 = arith.select %eq3A_655, %sqrt3A, %max3A_661 : vector<1x256xi1>, vector<1x256xf32>
    %add3A_663 = arith.addf %broadcast_in_dim3A_629, %select_n3A_662 : vector<1x256xf32>
    %select_n3A_664 = arith.select %eq3A_642, %get3A_627, %get3A_621 : vector<128x256xi1>, vector<128x256xf32>
    %get3A_665 = arith.constant 0 : index
    %get3A_666 = arith.constant 0 : index
    %get3A_667 = vector.load %arg8[%get3A_665, %get3A_666] : memref<128x256xf32, #tpu.memory_space<vmem>>, vector<128x256xf32>
    %select_n3A_668 = arith.select %eq3A_642, %get3A_667, %get3A_624 : vector<128x256xi1>, vector<128x256xf32>
    %jit3A_669 = arith.constant 0x7FF0000000000000 : f64
    %convert_element_type3A_670 = arith.truncf %jit3A_669 : f64 to f32
    %broadcast_in_dim3A_671 = vector.broadcast %convert_element_type3A_670 : f32 to vector<128x256xf32>
    %select_n3A_672 = arith.select %eq3A_642, %broadcast_in_dim3A_671, %get3A_627 : vector<128x256xi1>, vector<128x256xf32>
    %reduce_min3A_673 = arith.constant dense<0x7F800000> : vector<256xf32>
    %reduce_min3A_674 = vector.multi_reduction <minimumf>, %select_n3A_664, %reduce_min3A_673 [0] : vector<128x256xf32> to vector<256xf32>
    %broadcast_in_dim3A_675 = vector.shape_cast %reduce_min3A_674 : vector<256xf32> to vector<1x256xf32>
    %eq3A_676 = vector.broadcast %broadcast_in_dim3A_675 : vector<1x256xf32> to vector<128x256xf32>
    %eq3A_677 = arith.cmpf oeq, %select_n3A_664, %eq3A_676 : vector<128x256xf32>
    %jit3A_678 = arith.constant 1073741824 : i32
    %broadcast_in_dim3A_679 = vector.broadcast %jit3A_678 : i32 to vector<128x256xi32>
    %select_n3A_680 = arith.select %eq3A_677, %iota3A_618, %broadcast_in_dim3A_679 : vector<128x256xi1>, vector<128x256xi32>
    %reduce_min3A_681 = arith.constant dense<2147483647> : vector<256xi32>
    %reduce_min3A_682 = vector.multi_reduction <minsi>, %select_n3A_680, %reduce_min3A_681 [0] : vector<128x256xi32> to vector<256xi32>
    %broadcast_in_dim3A_683 = vector.shape_cast %reduce_min3A_682 : vector<256xi32> to vector<1x256xi32>
    %eq3A_684 = vector.broadcast %broadcast_in_dim3A_683 : vector<1x256xi32> to vector<128x256xi32>
    %eq3A_685 = arith.cmpi eq, %iota3A_618, %eq3A_684 : vector<128x256xi32>
    %jit3A_686 = arith.constant 1.000000e+09 : f64
    %convert_element_type3A_687 = arith.truncf %jit3A_686 : f64 to f32
    %broadcast_in_dim3A_688 = vector.broadcast %convert_element_type3A_687 : f32 to vector<128x256xf32>
    %select_n3A_689 = arith.select %eq3A_685, %select_n3A_668, %broadcast_in_dim3A_688 : vector<128x256xi1>, vector<128x256xf32>
    %reduce_min3A_690 = arith.constant dense<0x7F800000> : vector<256xf32>
    %reduce_min3A_691 = vector.multi_reduction <minimumf>, %select_n3A_689, %reduce_min3A_690 [0] : vector<128x256xf32> to vector<256xf32>
    %broadcast_in_dim3A_692 = vector.shape_cast %reduce_min3A_691 : vector<256xf32> to vector<1x256xf32>
    %max3A_693 = arith.constant 0.000000e+00 : f32
    %max3A_694 = vector.broadcast %max3A_693 : f32 to vector<1x256xf32>
    %max3A_695 = arith.maximumf %broadcast_in_dim3A_675, %max3A_694 : vector<1x256xf32>
    %add3A_696 = arith.constant 9.99999996E-13 : f32
    %add3A_697 = vector.broadcast %add3A_696 : f32 to vector<1x256xf32>
    %add3A_698 = arith.addf %max3A_695, %add3A_697 : vector<1x256xf32>
    %sqrt3A_699 = math.sqrt %add3A_698 : vector<1x256xf32>
    %eq3A_700 = arith.cmpf oeq, %broadcast_in_dim3A_692, %get3A_617 : vector<1x256xf32>
    %sub3A_701 = arith.constant 1.000000e-01 : f32
    %sub3A_702 = vector.broadcast %sub3A_701 : f32 to vector<1x256xf32>
    %sub3A_703 = arith.subf %sub3A_702, %sqrt3A_699 : vector<1x256xf32>
    %max3A_704 = arith.constant 0.000000e+00 : f32
    %max3A_705 = vector.broadcast %max3A_704 : f32 to vector<1x256xf32>
    %max3A_706 = arith.maximumf %max3A_705, %sub3A_703 : vector<1x256xf32>
    %select_n3A_707 = arith.select %eq3A_700, %sqrt3A_699, %max3A_706 : vector<1x256xi1>, vector<1x256xf32>
    %add3A_708 = arith.addf %add3A_663, %select_n3A_707 : vector<1x256xf32>
    %select_n3A_709 = arith.select %eq3A_685, %select_n3A_672, %select_n3A_664 : vector<128x256xi1>, vector<128x256xf32>
    %get3A_710 = arith.constant 0 : index
    %get3A_711 = arith.constant 0 : index
    %get3A_712 = vector.load %arg8[%get3A_710, %get3A_711] : memref<128x256xf32, #tpu.memory_space<vmem>>, vector<128x256xf32>
    %select_n3A_713 = arith.select %eq3A_685, %get3A_712, %select_n3A_668 : vector<128x256xi1>, vector<128x256xf32>
    %jit3A_714 = arith.constant 0x7FF0000000000000 : f64
    %convert_element_type3A_715 = arith.truncf %jit3A_714 : f64 to f32
    %broadcast_in_dim3A_716 = vector.broadcast %convert_element_type3A_715 : f32 to vector<128x256xf32>
    %select_n3A_717 = arith.select %eq3A_685, %broadcast_in_dim3A_716, %select_n3A_672 : vector<128x256xi1>, vector<128x256xf32>
    %reduce_min3A_718 = arith.constant dense<0x7F800000> : vector<256xf32>
    %reduce_min3A_719 = vector.multi_reduction <minimumf>, %select_n3A_709, %reduce_min3A_718 [0] : vector<128x256xf32> to vector<256xf32>
    %broadcast_in_dim3A_720 = vector.shape_cast %reduce_min3A_719 : vector<256xf32> to vector<1x256xf32>
    %eq3A_721 = vector.broadcast %broadcast_in_dim3A_720 : vector<1x256xf32> to vector<128x256xf32>
    %eq3A_722 = arith.cmpf oeq, %select_n3A_709, %eq3A_721 : vector<128x256xf32>
    %jit3A_723 = arith.constant 1073741824 : i32
    %broadcast_in_dim3A_724 = vector.broadcast %jit3A_723 : i32 to vector<128x256xi32>
    %select_n3A_725 = arith.select %eq3A_722, %iota3A_618, %broadcast_in_dim3A_724 : vector<128x256xi1>, vector<128x256xi32>
    %reduce_min3A_726 = arith.constant dense<2147483647> : vector<256xi32>
    %reduce_min3A_727 = vector.multi_reduction <minsi>, %select_n3A_725, %reduce_min3A_726 [0] : vector<128x256xi32> to vector<256xi32>
    %broadcast_in_dim3A_728 = vector.shape_cast %reduce_min3A_727 : vector<256xi32> to vector<1x256xi32>
    %eq3A_729 = vector.broadcast %broadcast_in_dim3A_728 : vector<1x256xi32> to vector<128x256xi32>
    %eq3A_730 = arith.cmpi eq, %iota3A_618, %eq3A_729 : vector<128x256xi32>
    %jit3A_731 = arith.constant 1.000000e+09 : f64
    %convert_element_type3A_732 = arith.truncf %jit3A_731 : f64 to f32
    %broadcast_in_dim3A_733 = vector.broadcast %convert_element_type3A_732 : f32 to vector<128x256xf32>
    %select_n3A_734 = arith.select %eq3A_730, %select_n3A_713, %broadcast_in_dim3A_733 : vector<128x256xi1>, vector<128x256xf32>
    %reduce_min3A_735 = arith.constant dense<0x7F800000> : vector<256xf32>
    %reduce_min3A_736 = vector.multi_reduction <minimumf>, %select_n3A_734, %reduce_min3A_735 [0] : vector<128x256xf32> to vector<256xf32>
    %broadcast_in_dim3A_737 = vector.shape_cast %reduce_min3A_736 : vector<256xf32> to vector<1x256xf32>
    %max3A_738 = arith.constant 0.000000e+00 : f32
    %max3A_739 = vector.broadcast %max3A_738 : f32 to vector<1x256xf32>
    %max3A_740 = arith.maximumf %broadcast_in_dim3A_720, %max3A_739 : vector<1x256xf32>
    %add3A_741 = arith.constant 9.99999996E-13 : f32
    %add3A_742 = vector.broadcast %add3A_741 : f32 to vector<1x256xf32>
    %add3A_743 = arith.addf %max3A_740, %add3A_742 : vector<1x256xf32>
    %sqrt3A_744 = math.sqrt %add3A_743 : vector<1x256xf32>
    %eq3A_745 = arith.cmpf oeq, %broadcast_in_dim3A_737, %get3A_617 : vector<1x256xf32>
    %sub3A_746 = arith.constant 1.000000e-01 : f32
    %sub3A_747 = vector.broadcast %sub3A_746 : f32 to vector<1x256xf32>
    %sub3A_748 = arith.subf %sub3A_747, %sqrt3A_744 : vector<1x256xf32>
    %max3A_749 = arith.constant 0.000000e+00 : f32
    %max3A_750 = vector.broadcast %max3A_749 : f32 to vector<1x256xf32>
    %max3A_751 = arith.maximumf %max3A_750, %sub3A_748 : vector<1x256xf32>
    %select_n3A_752 = arith.select %eq3A_745, %sqrt3A_744, %max3A_751 : vector<1x256xi1>, vector<1x256xf32>
    %add3A_753 = arith.addf %add3A_708, %select_n3A_752 : vector<1x256xf32>
    %select_n3A_754 = arith.select %eq3A_730, %select_n3A_717, %select_n3A_709 : vector<128x256xi1>, vector<128x256xf32>
    %get3A_755 = arith.constant 0 : index
    %get3A_756 = arith.constant 0 : index
    %get3A_757 = vector.load %arg8[%get3A_755, %get3A_756] : memref<128x256xf32, #tpu.memory_space<vmem>>, vector<128x256xf32>
    %select_n3A_758 = arith.select %eq3A_730, %get3A_757, %select_n3A_713 : vector<128x256xi1>, vector<128x256xf32>
    %jit3A_759 = arith.constant 0x7FF0000000000000 : f64
    %convert_element_type3A_760 = arith.truncf %jit3A_759 : f64 to f32
    %broadcast_in_dim3A_761 = vector.broadcast %convert_element_type3A_760 : f32 to vector<128x256xf32>
    %select_n3A_762 = arith.select %eq3A_730, %broadcast_in_dim3A_761, %select_n3A_717 : vector<128x256xi1>, vector<128x256xf32>
    %reduce_min3A_763 = arith.constant dense<0x7F800000> : vector<256xf32>
    %reduce_min3A_764 = vector.multi_reduction <minimumf>, %select_n3A_754, %reduce_min3A_763 [0] : vector<128x256xf32> to vector<256xf32>
    %broadcast_in_dim3A_765 = vector.shape_cast %reduce_min3A_764 : vector<256xf32> to vector<1x256xf32>
    %eq3A_766 = vector.broadcast %broadcast_in_dim3A_765 : vector<1x256xf32> to vector<128x256xf32>
    %eq3A_767 = arith.cmpf oeq, %select_n3A_754, %eq3A_766 : vector<128x256xf32>
    %jit3A_768 = arith.constant 1073741824 : i32
    %broadcast_in_dim3A_769 = vector.broadcast %jit3A_768 : i32 to vector<128x256xi32>
    %select_n3A_770 = arith.select %eq3A_767, %iota3A_618, %broadcast_in_dim3A_769 : vector<128x256xi1>, vector<128x256xi32>
    %reduce_min3A_771 = arith.constant dense<2147483647> : vector<256xi32>
    %reduce_min3A_772 = vector.multi_reduction <minsi>, %select_n3A_770, %reduce_min3A_771 [0] : vector<128x256xi32> to vector<256xi32>
    %broadcast_in_dim3A_773 = vector.shape_cast %reduce_min3A_772 : vector<256xi32> to vector<1x256xi32>
    %eq3A_774 = vector.broadcast %broadcast_in_dim3A_773 : vector<1x256xi32> to vector<128x256xi32>
    %eq3A_775 = arith.cmpi eq, %iota3A_618, %eq3A_774 : vector<128x256xi32>
    %jit3A_776 = arith.constant 1.000000e+09 : f64
    %convert_element_type3A_777 = arith.truncf %jit3A_776 : f64 to f32
    %broadcast_in_dim3A_778 = vector.broadcast %convert_element_type3A_777 : f32 to vector<128x256xf32>
    %select_n3A_779 = arith.select %eq3A_775, %select_n3A_758, %broadcast_in_dim3A_778 : vector<128x256xi1>, vector<128x256xf32>
    %reduce_min3A_780 = arith.constant dense<0x7F800000> : vector<256xf32>
    %reduce_min3A_781 = vector.multi_reduction <minimumf>, %select_n3A_779, %reduce_min3A_780 [0] : vector<128x256xf32> to vector<256xf32>
    %broadcast_in_dim3A_782 = vector.shape_cast %reduce_min3A_781 : vector<256xf32> to vector<1x256xf32>
    %max3A_783 = arith.constant 0.000000e+00 : f32
    %max3A_784 = vector.broadcast %max3A_783 : f32 to vector<1x256xf32>
    %max3A_785 = arith.maximumf %broadcast_in_dim3A_765, %max3A_784 : vector<1x256xf32>
    %add3A_786 = arith.constant 9.99999996E-13 : f32
    %add3A_787 = vector.broadcast %add3A_786 : f32 to vector<1x256xf32>
    %add3A_788 = arith.addf %max3A_785, %add3A_787 : vector<1x256xf32>
    %sqrt3A_789 = math.sqrt %add3A_788 : vector<1x256xf32>
    %eq3A_790 = arith.cmpf oeq, %broadcast_in_dim3A_782, %get3A_617 : vector<1x256xf32>
    %sub3A_791 = arith.constant 1.000000e-01 : f32
    %sub3A_792 = vector.broadcast %sub3A_791 : f32 to vector<1x256xf32>
    %sub3A_793 = arith.subf %sub3A_792, %sqrt3A_789 : vector<1x256xf32>
    %max3A_794 = arith.constant 0.000000e+00 : f32
    %max3A_795 = vector.broadcast %max3A_794 : f32 to vector<1x256xf32>
    %max3A_796 = arith.maximumf %max3A_795, %sub3A_793 : vector<1x256xf32>
    %select_n3A_797 = arith.select %eq3A_790, %sqrt3A_789, %max3A_796 : vector<1x256xi1>, vector<1x256xf32>
    %add3A_798 = arith.addf %add3A_753, %select_n3A_797 : vector<1x256xf32>
    %select_n3A_799 = arith.select %eq3A_775, %select_n3A_762, %select_n3A_754 : vector<128x256xi1>, vector<128x256xf32>
    %get3A_800 = arith.constant 0 : index
    %get3A_801 = arith.constant 0 : index
    %get3A_802 = vector.load %arg8[%get3A_800, %get3A_801] : memref<128x256xf32, #tpu.memory_space<vmem>>, vector<128x256xf32>
    %select_n3A_803 = arith.select %eq3A_775, %get3A_802, %select_n3A_758 : vector<128x256xi1>, vector<128x256xf32>
    %jit3A_804 = arith.constant 0x7FF0000000000000 : f64
    %convert_element_type3A_805 = arith.truncf %jit3A_804 : f64 to f32
    %broadcast_in_dim3A_806 = vector.broadcast %convert_element_type3A_805 : f32 to vector<128x256xf32>
    %select_n3A_807 = arith.select %eq3A_775, %broadcast_in_dim3A_806, %select_n3A_762 : vector<128x256xi1>, vector<128x256xf32>
    %reduce_min3A_808 = arith.constant dense<0x7F800000> : vector<256xf32>
    %reduce_min3A_809 = vector.multi_reduction <minimumf>, %select_n3A_799, %reduce_min3A_808 [0] : vector<128x256xf32> to vector<256xf32>
    %broadcast_in_dim3A_810 = vector.shape_cast %reduce_min3A_809 : vector<256xf32> to vector<1x256xf32>
    %eq3A_811 = vector.broadcast %broadcast_in_dim3A_810 : vector<1x256xf32> to vector<128x256xf32>
    %eq3A_812 = arith.cmpf oeq, %select_n3A_799, %eq3A_811 : vector<128x256xf32>
    %jit3A_813 = arith.constant 1073741824 : i32
    %broadcast_in_dim3A_814 = vector.broadcast %jit3A_813 : i32 to vector<128x256xi32>
    %select_n3A_815 = arith.select %eq3A_812, %iota3A_618, %broadcast_in_dim3A_814 : vector<128x256xi1>, vector<128x256xi32>
    %reduce_min3A_816 = arith.constant dense<2147483647> : vector<256xi32>
    %reduce_min3A_817 = vector.multi_reduction <minsi>, %select_n3A_815, %reduce_min3A_816 [0] : vector<128x256xi32> to vector<256xi32>
    %broadcast_in_dim3A_818 = vector.shape_cast %reduce_min3A_817 : vector<256xi32> to vector<1x256xi32>
    %eq3A_819 = vector.broadcast %broadcast_in_dim3A_818 : vector<1x256xi32> to vector<128x256xi32>
    %eq3A_820 = arith.cmpi eq, %iota3A_618, %eq3A_819 : vector<128x256xi32>
    %jit3A_821 = arith.constant 1.000000e+09 : f64
    %convert_element_type3A_822 = arith.truncf %jit3A_821 : f64 to f32
    %broadcast_in_dim3A_823 = vector.broadcast %convert_element_type3A_822 : f32 to vector<128x256xf32>
    %select_n3A_824 = arith.select %eq3A_820, %select_n3A_803, %broadcast_in_dim3A_823 : vector<128x256xi1>, vector<128x256xf32>
    %reduce_min3A_825 = arith.constant dense<0x7F800000> : vector<256xf32>
    %reduce_min3A_826 = vector.multi_reduction <minimumf>, %select_n3A_824, %reduce_min3A_825 [0] : vector<128x256xf32> to vector<256xf32>
    %broadcast_in_dim3A_827 = vector.shape_cast %reduce_min3A_826 : vector<256xf32> to vector<1x256xf32>
    %max3A_828 = arith.constant 0.000000e+00 : f32
    %max3A_829 = vector.broadcast %max3A_828 : f32 to vector<1x256xf32>
    %max3A_830 = arith.maximumf %broadcast_in_dim3A_810, %max3A_829 : vector<1x256xf32>
    %add3A_831 = arith.constant 9.99999996E-13 : f32
    %add3A_832 = vector.broadcast %add3A_831 : f32 to vector<1x256xf32>
    %add3A_833 = arith.addf %max3A_830, %add3A_832 : vector<1x256xf32>
    %sqrt3A_834 = math.sqrt %add3A_833 : vector<1x256xf32>
    %eq3A_835 = arith.cmpf oeq, %broadcast_in_dim3A_827, %get3A_617 : vector<1x256xf32>
    %sub3A_836 = arith.constant 1.000000e-01 : f32
    %sub3A_837 = vector.broadcast %sub3A_836 : f32 to vector<1x256xf32>
    %sub3A_838 = arith.subf %sub3A_837, %sqrt3A_834 : vector<1x256xf32>
    %max3A_839 = arith.constant 0.000000e+00 : f32
    %max3A_840 = vector.broadcast %max3A_839 : f32 to vector<1x256xf32>
    %max3A_841 = arith.maximumf %max3A_840, %sub3A_838 : vector<1x256xf32>
    %select_n3A_842 = arith.select %eq3A_835, %sqrt3A_834, %max3A_841 : vector<1x256xi1>, vector<1x256xf32>
    %add3A_843 = arith.addf %add3A_798, %select_n3A_842 : vector<1x256xf32>
    %select_n3A_844 = arith.select %eq3A_820, %select_n3A_807, %select_n3A_799 : vector<128x256xi1>, vector<128x256xf32>
    %get3A_845 = arith.constant 0 : index
    %get3A_846 = arith.constant 0 : index
    %get3A_847 = vector.load %arg8[%get3A_845, %get3A_846] : memref<128x256xf32, #tpu.memory_space<vmem>>, vector<128x256xf32>
    %select_n3A_848 = arith.select %eq3A_820, %get3A_847, %select_n3A_803 : vector<128x256xi1>, vector<128x256xf32>
    %jit3A_849 = arith.constant 0x7FF0000000000000 : f64
    %convert_element_type3A_850 = arith.truncf %jit3A_849 : f64 to f32
    %broadcast_in_dim3A_851 = vector.broadcast %convert_element_type3A_850 : f32 to vector<128x256xf32>
    %select_n3A_852 = arith.select %eq3A_820, %broadcast_in_dim3A_851, %select_n3A_807 : vector<128x256xi1>, vector<128x256xf32>
    %reduce_min3A_853 = arith.constant dense<0x7F800000> : vector<256xf32>
    %reduce_min3A_854 = vector.multi_reduction <minimumf>, %select_n3A_844, %reduce_min3A_853 [0] : vector<128x256xf32> to vector<256xf32>
    %broadcast_in_dim3A_855 = vector.shape_cast %reduce_min3A_854 : vector<256xf32> to vector<1x256xf32>
    %eq3A_856 = vector.broadcast %broadcast_in_dim3A_855 : vector<1x256xf32> to vector<128x256xf32>
    %eq3A_857 = arith.cmpf oeq, %select_n3A_844, %eq3A_856 : vector<128x256xf32>
    %jit3A_858 = arith.constant 1073741824 : i32
    %broadcast_in_dim3A_859 = vector.broadcast %jit3A_858 : i32 to vector<128x256xi32>
    %select_n3A_860 = arith.select %eq3A_857, %iota3A_618, %broadcast_in_dim3A_859 : vector<128x256xi1>, vector<128x256xi32>
    %reduce_min3A_861 = arith.constant dense<2147483647> : vector<256xi32>
    %reduce_min3A_862 = vector.multi_reduction <minsi>, %select_n3A_860, %reduce_min3A_861 [0] : vector<128x256xi32> to vector<256xi32>
    %broadcast_in_dim3A_863 = vector.shape_cast %reduce_min3A_862 : vector<256xi32> to vector<1x256xi32>
    %eq3A_864 = vector.broadcast %broadcast_in_dim3A_863 : vector<1x256xi32> to vector<128x256xi32>
    %eq3A_865 = arith.cmpi eq, %iota3A_618, %eq3A_864 : vector<128x256xi32>
    %jit3A_866 = arith.constant 1.000000e+09 : f64
    %convert_element_type3A_867 = arith.truncf %jit3A_866 : f64 to f32
    %broadcast_in_dim3A_868 = vector.broadcast %convert_element_type3A_867 : f32 to vector<128x256xf32>
    %select_n3A_869 = arith.select %eq3A_865, %select_n3A_848, %broadcast_in_dim3A_868 : vector<128x256xi1>, vector<128x256xf32>
    %reduce_min3A_870 = arith.constant dense<0x7F800000> : vector<256xf32>
    %reduce_min3A_871 = vector.multi_reduction <minimumf>, %select_n3A_869, %reduce_min3A_870 [0] : vector<128x256xf32> to vector<256xf32>
    %broadcast_in_dim3A_872 = vector.shape_cast %reduce_min3A_871 : vector<256xf32> to vector<1x256xf32>
    %max3A_873 = arith.constant 0.000000e+00 : f32
    %max3A_874 = vector.broadcast %max3A_873 : f32 to vector<1x256xf32>
    %max3A_875 = arith.maximumf %broadcast_in_dim3A_855, %max3A_874 : vector<1x256xf32>
    %add3A_876 = arith.constant 9.99999996E-13 : f32
    %add3A_877 = vector.broadcast %add3A_876 : f32 to vector<1x256xf32>
    %add3A_878 = arith.addf %max3A_875, %add3A_877 : vector<1x256xf32>
    %sqrt3A_879 = math.sqrt %add3A_878 : vector<1x256xf32>
    %eq3A_880 = arith.cmpf oeq, %broadcast_in_dim3A_872, %get3A_617 : vector<1x256xf32>
    %sub3A_881 = arith.constant 1.000000e-01 : f32
    %sub3A_882 = vector.broadcast %sub3A_881 : f32 to vector<1x256xf32>
    %sub3A_883 = arith.subf %sub3A_882, %sqrt3A_879 : vector<1x256xf32>
    %max3A_884 = arith.constant 0.000000e+00 : f32
    %max3A_885 = vector.broadcast %max3A_884 : f32 to vector<1x256xf32>
    %max3A_886 = arith.maximumf %max3A_885, %sub3A_883 : vector<1x256xf32>
    %select_n3A_887 = arith.select %eq3A_880, %sqrt3A_879, %max3A_886 : vector<1x256xi1>, vector<1x256xf32>
    %add3A_888 = arith.addf %add3A_843, %select_n3A_887 : vector<1x256xf32>
    %select_n3A_889 = arith.select %eq3A_865, %select_n3A_852, %select_n3A_844 : vector<128x256xi1>, vector<128x256xf32>
    %get3A_890 = arith.constant 0 : index
    %get3A_891 = arith.constant 0 : index
    %get3A_892 = vector.load %arg8[%get3A_890, %get3A_891] : memref<128x256xf32, #tpu.memory_space<vmem>>, vector<128x256xf32>
    %select_n3A_893 = arith.select %eq3A_865, %get3A_892, %select_n3A_848 : vector<128x256xi1>, vector<128x256xf32>
    %jit3A_894 = arith.constant 0x7FF0000000000000 : f64
    %convert_element_type3A_895 = arith.truncf %jit3A_894 : f64 to f32
    %broadcast_in_dim3A_896 = vector.broadcast %convert_element_type3A_895 : f32 to vector<128x256xf32>
    %select_n3A_897 = arith.select %eq3A_865, %broadcast_in_dim3A_896, %select_n3A_852 : vector<128x256xi1>, vector<128x256xf32>
    %reduce_min3A_898 = arith.constant dense<0x7F800000> : vector<256xf32>
    %reduce_min3A_899 = vector.multi_reduction <minimumf>, %select_n3A_889, %reduce_min3A_898 [0] : vector<128x256xf32> to vector<256xf32>
    %broadcast_in_dim3A_900 = vector.shape_cast %reduce_min3A_899 : vector<256xf32> to vector<1x256xf32>
    %eq3A_901 = vector.broadcast %broadcast_in_dim3A_900 : vector<1x256xf32> to vector<128x256xf32>
    %eq3A_902 = arith.cmpf oeq, %select_n3A_889, %eq3A_901 : vector<128x256xf32>
    %jit3A_903 = arith.constant 1073741824 : i32
    %broadcast_in_dim3A_904 = vector.broadcast %jit3A_903 : i32 to vector<128x256xi32>
    %select_n3A_905 = arith.select %eq3A_902, %iota3A_618, %broadcast_in_dim3A_904 : vector<128x256xi1>, vector<128x256xi32>
    %reduce_min3A_906 = arith.constant dense<2147483647> : vector<256xi32>
    %reduce_min3A_907 = vector.multi_reduction <minsi>, %select_n3A_905, %reduce_min3A_906 [0] : vector<128x256xi32> to vector<256xi32>
    %broadcast_in_dim3A_908 = vector.shape_cast %reduce_min3A_907 : vector<256xi32> to vector<1x256xi32>
    %eq3A_909 = vector.broadcast %broadcast_in_dim3A_908 : vector<1x256xi32> to vector<128x256xi32>
    %eq3A_910 = arith.cmpi eq, %iota3A_618, %eq3A_909 : vector<128x256xi32>
    %jit3A_911 = arith.constant 1.000000e+09 : f64
    %convert_element_type3A_912 = arith.truncf %jit3A_911 : f64 to f32
    %broadcast_in_dim3A_913 = vector.broadcast %convert_element_type3A_912 : f32 to vector<128x256xf32>
    %select_n3A_914 = arith.select %eq3A_910, %select_n3A_893, %broadcast_in_dim3A_913 : vector<128x256xi1>, vector<128x256xf32>
    %reduce_min3A_915 = arith.constant dense<0x7F800000> : vector<256xf32>
    %reduce_min3A_916 = vector.multi_reduction <minimumf>, %select_n3A_914, %reduce_min3A_915 [0] : vector<128x256xf32> to vector<256xf32>
    %broadcast_in_dim3A_917 = vector.shape_cast %reduce_min3A_916 : vector<256xf32> to vector<1x256xf32>
    %max3A_918 = arith.constant 0.000000e+00 : f32
    %max3A_919 = vector.broadcast %max3A_918 : f32 to vector<1x256xf32>
    %max3A_920 = arith.maximumf %broadcast_in_dim3A_900, %max3A_919 : vector<1x256xf32>
    %add3A_921 = arith.constant 9.99999996E-13 : f32
    %add3A_922 = vector.broadcast %add3A_921 : f32 to vector<1x256xf32>
    %add3A_923 = arith.addf %max3A_920, %add3A_922 : vector<1x256xf32>
    %sqrt3A_924 = math.sqrt %add3A_923 : vector<1x256xf32>
    %eq3A_925 = arith.cmpf oeq, %broadcast_in_dim3A_917, %get3A_617 : vector<1x256xf32>
    %sub3A_926 = arith.constant 1.000000e-01 : f32
    %sub3A_927 = vector.broadcast %sub3A_926 : f32 to vector<1x256xf32>
    %sub3A_928 = arith.subf %sub3A_927, %sqrt3A_924 : vector<1x256xf32>
    %max3A_929 = arith.constant 0.000000e+00 : f32
    %max3A_930 = vector.broadcast %max3A_929 : f32 to vector<1x256xf32>
    %max3A_931 = arith.maximumf %max3A_930, %sub3A_928 : vector<1x256xf32>
    %select_n3A_932 = arith.select %eq3A_925, %sqrt3A_924, %max3A_931 : vector<1x256xi1>, vector<1x256xf32>
    %add3A_933 = arith.addf %add3A_888, %select_n3A_932 : vector<1x256xf32>
    %select_n3A_934 = arith.select %eq3A_910, %select_n3A_897, %select_n3A_889 : vector<128x256xi1>, vector<128x256xf32>
    %get3A_935 = arith.constant 0 : index
    %get3A_936 = arith.constant 0 : index
    %get3A_937 = vector.load %arg8[%get3A_935, %get3A_936] : memref<128x256xf32, #tpu.memory_space<vmem>>, vector<128x256xf32>
    %select_n3A_938 = arith.select %eq3A_910, %get3A_937, %select_n3A_893 : vector<128x256xi1>, vector<128x256xf32>
    %jit3A_939 = arith.constant 0x7FF0000000000000 : f64
    %convert_element_type3A_940 = arith.truncf %jit3A_939 : f64 to f32
    %broadcast_in_dim3A_941 = vector.broadcast %convert_element_type3A_940 : f32 to vector<128x256xf32>
    %select_n3A_942 = arith.select %eq3A_910, %broadcast_in_dim3A_941, %select_n3A_897 : vector<128x256xi1>, vector<128x256xf32>
    %reduce_min3A_943 = arith.constant dense<0x7F800000> : vector<256xf32>
    %reduce_min3A_944 = vector.multi_reduction <minimumf>, %select_n3A_934, %reduce_min3A_943 [0] : vector<128x256xf32> to vector<256xf32>
    %broadcast_in_dim3A_945 = vector.shape_cast %reduce_min3A_944 : vector<256xf32> to vector<1x256xf32>
    %eq3A_946 = vector.broadcast %broadcast_in_dim3A_945 : vector<1x256xf32> to vector<128x256xf32>
    %eq3A_947 = arith.cmpf oeq, %select_n3A_934, %eq3A_946 : vector<128x256xf32>
    %jit3A_948 = arith.constant 1073741824 : i32
    %broadcast_in_dim3A_949 = vector.broadcast %jit3A_948 : i32 to vector<128x256xi32>
    %select_n3A_950 = arith.select %eq3A_947, %iota3A_618, %broadcast_in_dim3A_949 : vector<128x256xi1>, vector<128x256xi32>
    %reduce_min3A_951 = arith.constant dense<2147483647> : vector<256xi32>
    %reduce_min3A_952 = vector.multi_reduction <minsi>, %select_n3A_950, %reduce_min3A_951 [0] : vector<128x256xi32> to vector<256xi32>
    %broadcast_in_dim3A_953 = vector.shape_cast %reduce_min3A_952 : vector<256xi32> to vector<1x256xi32>
    %eq3A_954 = vector.broadcast %broadcast_in_dim3A_953 : vector<1x256xi32> to vector<128x256xi32>
    %eq3A_955 = arith.cmpi eq, %iota3A_618, %eq3A_954 : vector<128x256xi32>
    %jit3A_956 = arith.constant 1.000000e+09 : f64
    %convert_element_type3A_957 = arith.truncf %jit3A_956 : f64 to f32
    %broadcast_in_dim3A_958 = vector.broadcast %convert_element_type3A_957 : f32 to vector<128x256xf32>
    %select_n3A_959 = arith.select %eq3A_955, %select_n3A_938, %broadcast_in_dim3A_958 : vector<128x256xi1>, vector<128x256xf32>
    %reduce_min3A_960 = arith.constant dense<0x7F800000> : vector<256xf32>
    %reduce_min3A_961 = vector.multi_reduction <minimumf>, %select_n3A_959, %reduce_min3A_960 [0] : vector<128x256xf32> to vector<256xf32>
    %broadcast_in_dim3A_962 = vector.shape_cast %reduce_min3A_961 : vector<256xf32> to vector<1x256xf32>
    %max3A_963 = arith.constant 0.000000e+00 : f32
    %max3A_964 = vector.broadcast %max3A_963 : f32 to vector<1x256xf32>
    %max3A_965 = arith.maximumf %broadcast_in_dim3A_945, %max3A_964 : vector<1x256xf32>
    %add3A_966 = arith.constant 9.99999996E-13 : f32
    %add3A_967 = vector.broadcast %add3A_966 : f32 to vector<1x256xf32>
    %add3A_968 = arith.addf %max3A_965, %add3A_967 : vector<1x256xf32>
    %sqrt3A_969 = math.sqrt %add3A_968 : vector<1x256xf32>
    %eq3A_970 = arith.cmpf oeq, %broadcast_in_dim3A_962, %get3A_617 : vector<1x256xf32>
    %sub3A_971 = arith.constant 1.000000e-01 : f32
    %sub3A_972 = vector.broadcast %sub3A_971 : f32 to vector<1x256xf32>
    %sub3A_973 = arith.subf %sub3A_972, %sqrt3A_969 : vector<1x256xf32>
    %max3A_974 = arith.constant 0.000000e+00 : f32
    %max3A_975 = vector.broadcast %max3A_974 : f32 to vector<1x256xf32>
    %max3A_976 = arith.maximumf %max3A_975, %sub3A_973 : vector<1x256xf32>
    %select_n3A_977 = arith.select %eq3A_970, %sqrt3A_969, %max3A_976 : vector<1x256xi1>, vector<1x256xf32>
    %add3A_978 = arith.addf %add3A_933, %select_n3A_977 : vector<1x256xf32>
    %select_n3A_979 = arith.select %eq3A_955, %select_n3A_942, %select_n3A_934 : vector<128x256xi1>, vector<128x256xf32>
    %get3A_980 = arith.constant 0 : index
    %get3A_981 = arith.constant 0 : index
    %get3A_982 = vector.load %arg8[%get3A_980, %get3A_981] : memref<128x256xf32, #tpu.memory_space<vmem>>, vector<128x256xf32>
    %select_n3A_983 = arith.select %eq3A_955, %get3A_982, %select_n3A_938 : vector<128x256xi1>, vector<128x256xf32>
    %jit3A_984 = arith.constant 0x7FF0000000000000 : f64
    %convert_element_type3A_985 = arith.truncf %jit3A_984 : f64 to f32
    %broadcast_in_dim3A_986 = vector.broadcast %convert_element_type3A_985 : f32 to vector<128x256xf32>
    %select_n3A_987 = arith.select %eq3A_955, %broadcast_in_dim3A_986, %select_n3A_942 : vector<128x256xi1>, vector<128x256xf32>
    %reduce_min3A_988 = arith.constant dense<0x7F800000> : vector<256xf32>
    %reduce_min3A_989 = vector.multi_reduction <minimumf>, %select_n3A_979, %reduce_min3A_988 [0] : vector<128x256xf32> to vector<256xf32>
    %broadcast_in_dim3A_990 = vector.shape_cast %reduce_min3A_989 : vector<256xf32> to vector<1x256xf32>
    %eq3A_991 = vector.broadcast %broadcast_in_dim3A_990 : vector<1x256xf32> to vector<128x256xf32>
    %eq3A_992 = arith.cmpf oeq, %select_n3A_979, %eq3A_991 : vector<128x256xf32>
    %jit3A_993 = arith.constant 1073741824 : i32
    %broadcast_in_dim3A_994 = vector.broadcast %jit3A_993 : i32 to vector<128x256xi32>
    %select_n3A_995 = arith.select %eq3A_992, %iota3A_618, %broadcast_in_dim3A_994 : vector<128x256xi1>, vector<128x256xi32>
    %reduce_min3A_996 = arith.constant dense<2147483647> : vector<256xi32>
    %reduce_min3A_997 = vector.multi_reduction <minsi>, %select_n3A_995, %reduce_min3A_996 [0] : vector<128x256xi32> to vector<256xi32>
    %broadcast_in_dim3A_998 = vector.shape_cast %reduce_min3A_997 : vector<256xi32> to vector<1x256xi32>
    %eq3A_999 = vector.broadcast %broadcast_in_dim3A_998 : vector<1x256xi32> to vector<128x256xi32>
    %eq3A_1000 = arith.cmpi eq, %iota3A_618, %eq3A_999 : vector<128x256xi32>
    %jit3A_1001 = arith.constant 1.000000e+09 : f64
    %convert_element_type3A_1002 = arith.truncf %jit3A_1001 : f64 to f32
    %broadcast_in_dim3A_1003 = vector.broadcast %convert_element_type3A_1002 : f32 to vector<128x256xf32>
    %select_n3A_1004 = arith.select %eq3A_1000, %select_n3A_983, %broadcast_in_dim3A_1003 : vector<128x256xi1>, vector<128x256xf32>
    %reduce_min3A_1005 = arith.constant dense<0x7F800000> : vector<256xf32>
    %reduce_min3A_1006 = vector.multi_reduction <minimumf>, %select_n3A_1004, %reduce_min3A_1005 [0] : vector<128x256xf32> to vector<256xf32>
    %broadcast_in_dim3A_1007 = vector.shape_cast %reduce_min3A_1006 : vector<256xf32> to vector<1x256xf32>
    %max3A_1008 = arith.constant 0.000000e+00 : f32
    %max3A_1009 = vector.broadcast %max3A_1008 : f32 to vector<1x256xf32>
    %max3A_1010 = arith.maximumf %broadcast_in_dim3A_990, %max3A_1009 : vector<1x256xf32>
    %add3A_1011 = arith.constant 9.99999996E-13 : f32
    %add3A_1012 = vector.broadcast %add3A_1011 : f32 to vector<1x256xf32>
    %add3A_1013 = arith.addf %max3A_1010, %add3A_1012 : vector<1x256xf32>
    %sqrt3A_1014 = math.sqrt %add3A_1013 : vector<1x256xf32>
    %eq3A_1015 = arith.cmpf oeq, %broadcast_in_dim3A_1007, %get3A_617 : vector<1x256xf32>
    %sub3A_1016 = arith.constant 1.000000e-01 : f32
    %sub3A_1017 = vector.broadcast %sub3A_1016 : f32 to vector<1x256xf32>
    %sub3A_1018 = arith.subf %sub3A_1017, %sqrt3A_1014 : vector<1x256xf32>
    %max3A_1019 = arith.constant 0.000000e+00 : f32
    %max3A_1020 = vector.broadcast %max3A_1019 : f32 to vector<1x256xf32>
    %max3A_1021 = arith.maximumf %max3A_1020, %sub3A_1018 : vector<1x256xf32>
    %select_n3A_1022 = arith.select %eq3A_1015, %sqrt3A_1014, %max3A_1021 : vector<1x256xi1>, vector<1x256xf32>
    %add3A_1023 = arith.addf %add3A_978, %select_n3A_1022 : vector<1x256xf32>
    %select_n3A_1024 = arith.select %eq3A_1000, %select_n3A_987, %select_n3A_979 : vector<128x256xi1>, vector<128x256xf32>
    %get3A_1025 = arith.constant 0 : index
    %get3A_1026 = arith.constant 0 : index
    %get3A_1027 = vector.load %arg8[%get3A_1025, %get3A_1026] : memref<128x256xf32, #tpu.memory_space<vmem>>, vector<128x256xf32>
    %select_n3A_1028 = arith.select %eq3A_1000, %get3A_1027, %select_n3A_983 : vector<128x256xi1>, vector<128x256xf32>
    %reduce_min3A_1029 = arith.constant dense<0x7F800000> : vector<256xf32>
    %reduce_min3A_1030 = vector.multi_reduction <minimumf>, %select_n3A_1024, %reduce_min3A_1029 [0] : vector<128x256xf32> to vector<256xf32>
    %broadcast_in_dim3A_1031 = vector.shape_cast %reduce_min3A_1030 : vector<256xf32> to vector<1x256xf32>
    %eq3A_1032 = vector.broadcast %broadcast_in_dim3A_1031 : vector<1x256xf32> to vector<128x256xf32>
    %eq3A_1033 = arith.cmpf oeq, %select_n3A_1024, %eq3A_1032 : vector<128x256xf32>
    %jit3A_1034 = arith.constant 1073741824 : i32
    %broadcast_in_dim3A_1035 = vector.broadcast %jit3A_1034 : i32 to vector<128x256xi32>
    %select_n3A_1036 = arith.select %eq3A_1033, %iota3A_618, %broadcast_in_dim3A_1035 : vector<128x256xi1>, vector<128x256xi32>
    %reduce_min3A_1037 = arith.constant dense<2147483647> : vector<256xi32>
    %reduce_min3A_1038 = vector.multi_reduction <minsi>, %select_n3A_1036, %reduce_min3A_1037 [0] : vector<128x256xi32> to vector<256xi32>
    %broadcast_in_dim3A_1039 = vector.shape_cast %reduce_min3A_1038 : vector<256xi32> to vector<1x256xi32>
    %eq3A_1040 = vector.broadcast %broadcast_in_dim3A_1039 : vector<1x256xi32> to vector<128x256xi32>
    %eq3A_1041 = arith.cmpi eq, %iota3A_618, %eq3A_1040 : vector<128x256xi32>
    %jit3A_1042 = arith.constant 1.000000e+09 : f64
    %convert_element_type3A_1043 = arith.truncf %jit3A_1042 : f64 to f32
    %broadcast_in_dim3A_1044 = vector.broadcast %convert_element_type3A_1043 : f32 to vector<128x256xf32>
    %select_n3A_1045 = arith.select %eq3A_1041, %select_n3A_1028, %broadcast_in_dim3A_1044 : vector<128x256xi1>, vector<128x256xf32>
    %reduce_min3A_1046 = arith.constant dense<0x7F800000> : vector<256xf32>
    %reduce_min3A_1047 = vector.multi_reduction <minimumf>, %select_n3A_1045, %reduce_min3A_1046 [0] : vector<128x256xf32> to vector<256xf32>
    %broadcast_in_dim3A_1048 = vector.shape_cast %reduce_min3A_1047 : vector<256xf32> to vector<1x256xf32>
    %max3A_1049 = arith.constant 0.000000e+00 : f32
    %max3A_1050 = vector.broadcast %max3A_1049 : f32 to vector<1x256xf32>
    %max3A_1051 = arith.maximumf %broadcast_in_dim3A_1031, %max3A_1050 : vector<1x256xf32>
    %add3A_1052 = arith.constant 9.99999996E-13 : f32
    %add3A_1053 = vector.broadcast %add3A_1052 : f32 to vector<1x256xf32>
    %add3A_1054 = arith.addf %max3A_1051, %add3A_1053 : vector<1x256xf32>
    %sqrt3A_1055 = math.sqrt %add3A_1054 : vector<1x256xf32>
    %eq3A_1056 = arith.cmpf oeq, %broadcast_in_dim3A_1048, %get3A_617 : vector<1x256xf32>
    %sub3A_1057 = arith.constant 1.000000e-01 : f32
    %sub3A_1058 = vector.broadcast %sub3A_1057 : f32 to vector<1x256xf32>
    %sub3A_1059 = arith.subf %sub3A_1058, %sqrt3A_1055 : vector<1x256xf32>
    %max3A_1060 = arith.constant 0.000000e+00 : f32
    %max3A_1061 = vector.broadcast %max3A_1060 : f32 to vector<1x256xf32>
    %max3A_1062 = arith.maximumf %max3A_1061, %sub3A_1059 : vector<1x256xf32>
    %select_n3A_1063 = arith.select %eq3A_1056, %sqrt3A_1055, %max3A_1062 : vector<1x256xi1>, vector<1x256xf32>
    %add3A_1064 = arith.addf %add3A_1023, %select_n3A_1063 : vector<1x256xf32>
    %reshape3A_1065 = vector.shape_cast %add3A_1064 : vector<1x256xf32> to vector<1x1x256xf32>
    %swap3A_1066 = arith.constant 0 : index
    %swap3A_1067 = arith.constant 0 : index
    %swap3A_1068 = arith.constant 0 : index
    %swap3A_1069 = vector.load %arg4[%swap3A_1066, %swap3A_1067, %swap3A_1068] : memref<1x1x256xf32, #tpu.memory_space<vmem>>, vector<1x1x256xf32>
    tpu.vector_store %arg4[%swap3A_1066, %swap3A_1067, %swap3A_1068], %reshape3A_1065 {strides = array<i32>} : memref<1x1x256xf32, #tpu.memory_space<vmem>>, vector<1x1x256xf32>,
    return
  }
  func.func @transform_0(%arg0: i32) -> (i32, i32) {
    %sub3A = arith.subi %arg0, %arg0 : i32
    %sub3A_0 = arith.subi %arg0, %arg0 : i32
    %c0_i32 = arith.constant 0 : i32
    return %sub3A, %sub3A_0 : i32, i32
  }
  func.func @transform_1(%arg0: i32) -> (i32, i32) {
    %sub3A = arith.subi %arg0, %arg0 : i32
    %sub3A_0 = arith.subi %arg0, %arg0 : i32
    %c0_i32 = arith.constant 0 : i32
    return %sub3A, %sub3A_0 : i32, i32
  }
  func.func @transform_2(%arg0: i32) -> (i32, i32, i32) {
    %sub3A = arith.subi %arg0, %arg0 : i32
    %sub3A_0 = arith.subi %arg0, %arg0 : i32
    %c0_i32 = arith.constant 0 : i32
    return %arg0, %sub3A, %sub3A_0 : i32, i32, i32
  }
  func.func @transform_3(%arg0: i32) -> (i32, i32, i32) {
    %sub3A = arith.subi %arg0, %arg0 : i32
    %sub3A_0 = arith.subi %arg0, %arg0 : i32
    %c0_i32 = arith.constant 0 : i32
    return %arg0, %sub3A, %sub3A_0 : i32, i32, i32
  }
}

module attributes {stable_mosaic.version = 14 : i64} {
  func.func @_combine_kernel(%arg0: memref<64x1x256xf32, #tpu.memory_space<vmem>>, %arg1: memref<2x32x16xf32, #tpu.memory_space<vmem>>, %arg2: memref<1x1xf32, #tpu.memory_space<vmem>>) attributes {dimension_semantics = [], scalar_prefetch = 0 : i64, scratch_operands = 0 : i64, tpu.core_type = #tpu.core_type<tc>} {
    %get3A = arith.constant 0 : index
    %get3A_0 = arith.constant 0 : index
    %get3A_1 = arith.constant 0 : index
    %get3A_2 = vector.load %arg0[%get3A, %get3A_0, %get3A_1] : memref<64x1x256xf32, #tpu.memory_space<vmem>>, vector<64x1x256xf32>
    %reduce_sum3A = vector.shape_cast %get3A_2 : vector<64x1x256xf32> to vector<1x64x1x256xf32>
    %reduce_sum3A_3 = arith.constant dense<0.000000e+00> : vector<1xf32>
    %reduce_sum3A_4 = vector.multi_reduction <add>, %reduce_sum3A, %reduce_sum3A_3 [1, 2, 3] : vector<1x64x1x256xf32> to vector<1xf32>
    %reduce_sum3A_5 = vector.shape_cast %reduce_sum3A_4 : vector<1xf32> to vector<1x1x1x1xf32>
    %reduce_sum3A_6 = vector.extract %reduce_sum3A_5[0, 0, 0, 0] : f32 from vector<1x1x1x1xf32>
    %div3A = arith.constant 1.638400e+05 : f32
    %div3A_7 = arith.divf %reduce_sum3A_6, %div3A : f32
    %get3A_8 = arith.constant 0 : index
    %get3A_9 = arith.constant 0 : index
    %get3A_10 = arith.constant 0 : index
    %get3A_11 = vector.load %arg1[%get3A_8, %get3A_9, %get3A_10] : memref<2x32x16xf32, #tpu.memory_space<vmem>>, vector<1x32x16xf32>
    %get3A_12 = vector.shape_cast %get3A_11 : vector<1x32x16xf32> to vector<32x16xf32>
    %reduce_sum3A_13 = vector.shape_cast %get3A_12 : vector<32x16xf32> to vector<1x32x16xf32>
    %reduce_sum3A_14 = arith.constant dense<0.000000e+00> : vector<1xf32>
    %reduce_sum3A_15 = vector.multi_reduction <add>, %reduce_sum3A_13, %reduce_sum3A_14 [1, 2] : vector<1x32x16xf32> to vector<1xf32>
    %reduce_sum3A_16 = vector.shape_cast %reduce_sum3A_15 : vector<1xf32> to vector<1x1x1xf32>
    %reduce_sum3A_17 = vector.extract %reduce_sum3A_16[0, 0, 0] : f32 from vector<1x1x1xf32>
    %div3A_18 = arith.constant 6.553600e+04 : f32
    %div3A_19 = arith.divf %reduce_sum3A_17, %div3A_18 : f32
    %get3A_20 = arith.constant 1 : index
    %get3A_21 = arith.constant 0 : index
    %get3A_22 = arith.constant 0 : index
    %get3A_23 = vector.load %arg1[%get3A_20, %get3A_21, %get3A_22] : memref<2x32x16xf32, #tpu.memory_space<vmem>>, vector<1x32x16xf32>
    %get3A_24 = vector.shape_cast %get3A_23 : vector<1x32x16xf32> to vector<32x16xf32>
    %reduce_sum3A_25 = vector.shape_cast %get3A_24 : vector<32x16xf32> to vector<1x32x16xf32>
    %reduce_sum3A_26 = arith.constant dense<0.000000e+00> : vector<1xf32>
    %reduce_sum3A_27 = vector.multi_reduction <add>, %reduce_sum3A_25, %reduce_sum3A_26 [1, 2] : vector<1x32x16xf32> to vector<1xf32>
    %reduce_sum3A_28 = vector.shape_cast %reduce_sum3A_27 : vector<1xf32> to vector<1x1x1xf32>
    %reduce_sum3A_29 = vector.extract %reduce_sum3A_28[0, 0, 0] : f32 from vector<1x1x1xf32>
    %div3A_30 = arith.constant 1.310720e+05 : f32
    %div3A_31 = arith.divf %reduce_sum3A_29, %div3A_30 : f32
    %add3A = arith.addf %div3A_7, %div3A_19 : f32
    %add3A_32 = arith.addf %add3A, %div3A_31 : f32
    %reshape3A = vector.broadcast %add3A_32 : f32 to vector<1x1xf32>
    %swap3A = arith.constant 0 : index
    %swap3A_33 = arith.constant 0 : index
    %swap3A_34 = vector.load %arg2[%swap3A, %swap3A_33] : memref<1x1xf32, #tpu.memory_space<vmem>>, vector<1x1xf32>
    tpu.vector_store %arg2[%swap3A, %swap3A_33], %reshape3A {strides = array<i32>} : memref<1x1xf32, #tpu.memory_space<vmem>>, vector<1x1xf32>,
    return
  }
}

</mosaic_0001>

<sc_bundles>
// kernel: kernel.5.cloned.1.call-start
scs
__scs_entry_jumppad:
0x0: {  	(pc) =	sbr.rel $0x88, $3  }
0x1: {  	(tag) =	ssettag $0x0;
	lr =	simm.s32 $0x1  }
0x2: {  	[smem:$0x3F9E] =	sst lr;
	_ =	strace $0xD0000000  }
0x3: {  	_ = 	snop  }
0x4: {  	_ = 	snop  }
0x5: {  	_ = 	snop  }
0x6: {  	_ = 	snop  }
0x7: {  	_ = 	snop  }
__scs_overlays_trampoline_lowered:
0x8: {  	[smem:$0x3FAD] =	sst s0  }
0x9: {  	[smem:$0x3FAE] =	sst s1  }
0xa: {  	[smem:$0x3FAF] =	sst s2  }
0xb: {  	[smem:$0x3FB0] =	sst s3  }
0xc: {  	[smem:$0x3FB1] =	sst s4  }
0xd: {  	[smem:$0x3FB2] =	sst s5  }
0xe: {  	[smem:$0x3FB3] =	sst s6  }
0xf: {  	[smem:$0x3FB4] =	sst s7  }
0x10: {  	[smem:$0x3FB5] =	sst s8  }
0x11: {  	[smem:$0x3FB6] =	sst s9;
	s0 =	simm.s32 @!p0 $0x0  }
0x12: {  	s1 =	sld [smem:$0x3F9C];
	s0 =	simm.s32 @p0 $0x1  }
0x13: {  	[smem:$0x3FB7] =	sst s0;
	s0 =	simm.s32 @!p1 $0x0  }
0x14: {  	s2 =	sld [smem:$0x3F9B];
	s0 =	simm.s32 @p1 $0x1  }
0x15: {  	[smem:$0x3FB8] =	sst s0;
	s0 =	simm.s32 @!p2 $0x0  }
0x16: {  	s3 =	sld [smem:$0x3FDB];
	s0 =	simm.s32 @p2 $0x1  }
0x17: {  	s4 =	simm.s32 $0x1BF5;
	[smem:$0x3FBA] =	sst s0  }
0x18: {  	s0 =	sld [smem:$0x3F9D];
	_ =	swait.ge [sflag:s4], $0x0  }
0x19: {  	s7 =	sld [smem:$0x3F9E]  }
0x1a: {  	s8 =	sadd.s32 $0xFFFFE003, lr  }
0x1b: {  	s9 =	sadd.s32 $0xFFFFFEF7, lr;
	s5 =	simm.s32 $0xFFFFFFFF;
	p2 =	slt.u32 s8, $0xFFFFF086  }
0x1c: {  	p1 =	slt.u32 s9, $0xF7A;
	s5 =	simm.s32 @!p2 $0x0  }
0x1d: {  	s5 =	simm.s32 @p1 $0x1;
	p0 =	seq.s32 s7, s2  }
0x1e: {  	s7 =	smul.u32 @!p0 $0xF7A, s2;
	p2 =	seq.s32 @!p0 s5, $0x0  }
0x1f: {  	s9 =	smul.u32 $0xF7A, s1;
	s8 =	simm.s32 @!p0 $0x1BF5;
	p2 =	por !p2, p0  }
0x20: {  	[sflag:s8] =	ssyncset.s32 @!p0 $0xFFFFF086;
	s6 =	sadd.s32 @!p0 s3, s7;
	s7 =	simm.s32 @!p0 $0x108  }
0x21: {  	s3 =	sadd.s32 s3, s9;
	s6 =	sadd.s32 @!p0 $0x88, s6;
	s7 =	simm.s32 @p2 $0x1082  }
0x22: {  	[simem:s7], [sflag:s8] =	dma.local @!p0 [hbm:s6], $0xF7A  }
0x23: {  	s9 =	sor.u32 $0xD0000000, s2;
	s6 =	simm.s32 $0x108;
	_ =	swait.ge @!p0 [sflag:s8], $0x0  }
0x24: {  	s3 =	sadd.s32 $0x88, s3;
	s6 =	simm.s32 @!p1 $0x1082;
	[sflag:s4] =	ssyncset.s32 $0xFFFFF086  }
0x25: {  	[simem:s6], [sflag:s4] =	dma.local [hbm:s3], $0xF7A  }
0x26: {  	[smem:$0x3F9E] =	sst s1;
	(tag) =	ssettag s2;
	_ =	strace s9  }
0x27: {  	s1 =	sld [smem:$0x3FAE]  }
0x28: {  	s2 =	sld [smem:$0x3FAF]  }
0x29: {  	s4 =	sld [smem:$0x3FB1]  }
0x2a: {  	p0 =	seq.s32 s5, $0x0;
	s5 =	sld [smem:$0x3FB2]  }
0x2b: {  	s6 =	sld [smem:$0x3FB3]  }
0x2c: {  	s7 =	sld [smem:$0x3FB4]  }
0x2d: {  	s3 =	simm.s32 $0x108;
	s8 =	sld [smem:$0x3FB5]  }
0x2e: {  	s3 =	simm.s32 @!p0 $0x1082;
	s9 =	sld [smem:$0x3FB6]  }
0x2f: {  	lr =	sadd.s32 s0, s3;
	s0 =	sld [smem:$0x3FAD]  }
0x30: {  	s3 =	sld [smem:$0x3FB0]  }
0x31: {  	[smem:$0x3FB9] =	sst s10  }
0x32: {  	s10 =	sld [smem:$0x3FB7];
	_ =	sdelay $0x3  }
0x33: {  	p0 =	seq.s32 s10, $0x1;
	s10 =	sld [smem:$0x3FB9];
	_ =	sdelay $0x3  }
0x34: {  	[smem:$0x3FB9] =	sst s10  }
0x35: {  	s10 =	sld [smem:$0x3FB8];
	_ =	sdelay $0x3  }
0x36: {  	p1 =	seq.s32 s10, $0x1;
	s10 =	sld [smem:$0x3FB9];
	_ =	sdelay $0x3  }
0x37: {  	[smem:$0x3FB9] =	sst s10  }
0x38: {  	s10 =	sld [smem:$0x3FBA]  }
0x39: {  	_ = 	snop;
	(pc) =	sbr.ind lr, $3  }
0x3a: {  	_ = 	snop  }
0x3b: {  	_ = 	snop  }
0x3c: {  	p2 =	seq.s32 s10, $0x1;
	s10 =	sld [smem:$0x3FB9]  }
0x3d: {  	_ =	shalt  }
0x3e: {  	_ =	shalt  }
0x3f: {  	_ =	shalt  }
0x40: {  	_ =	shalt  }
0x41: {  	_ =	shalt  }
0x42: {  	_ =	shalt  }
0x43: {  	_ =	shalt  }
0x44: {  	_ =	shalt  }
0x45: {  	_ =	shalt  }
0x46: {  	_ =	shalt  }
0x47: {  	_ =	shalt  }
0x48: {  	_ =	shalt  }
0x49: {  	_ =	shalt  }
0x4a: {  	_ =	shalt  }
0x4b: {  	_ =	shalt  }
0x4c: {  	_ =	shalt  }
0x4d: {  	_ =	shalt  }
0x4e: {  	_ =	shalt  }
0x4f: {  	_ =	shalt  }
0x50: {  	_ =	shalt  }
0x51: {  	_ =	shalt  }
0x52: {  	_ =	shalt  }
0x53: {  	_ =	shalt  }
0x54: {  	_ =	shalt  }
0x55: {  	_ =	shalt  }
0x56: {  	_ =	shalt  }
0x57: {  	_ =	shalt  }
0x58: {  	_ =	shalt  }
0x59: {  	_ =	shalt  }
0x5a: {  	_ =	shalt  }
0x5b: {  	_ =	shalt  }
0x5c: {  	_ =	shalt  }
0x5d: {  	_ =	shalt  }
0x5e: {  	_ =	shalt  }
0x5f: {  	_ =	shalt  }
0x60: {  	_ =	shalt  }
0x61: {  	_ =	shalt  }
0x62: {  	_ =	shalt  }
0x63: {  	_ =	shalt  }
0x64: {  	_ =	shalt  }
0x65: {  	_ =	shalt  }
0x66: {  	_ =	shalt  }
0x67: {  	_ =	shalt  }
0x68: {  	_ =	shalt  }
0x69: {  	_ =	shalt  }
0x6a: {  	_ =	shalt  }
0x6b: {  	_ =	shalt  }
0x6c: {  	_ =	shalt  }
0x6d: {  	_ =	shalt  }
0x6e: {  	_ =	shalt  }
0x6f: {  	_ =	shalt  }
0x70: {  	_ =	shalt  }
0x71: {  	_ =	shalt  }
0x72: {  	_ =	shalt  }
0x73: {  	_ =	shalt  }
0x74: {  	_ =	shalt  }
0x75: {  	_ =	shalt  }
0x76: {  	_ =	shalt  }
0x77: {  	_ =	shalt  }
0x78: {  	_ =	shalt  }
0x79: {  	_ =	shalt  }
0x7a: {  	_ =	shalt  }
0x7b: {  	_ =	shalt  }
0x7c: {  	_ =	shalt  }
0x7d: {  	_ =	shalt  }
0x7e: {  	_ =	shalt  }
0x7f: {  	_ =	shalt  }
0x80: {  	_ =	shalt  }
0x81: {  	_ =	shalt  }
0x82: {  	_ =	shalt  }
0x83: {  	_ =	shalt  }
0x84: {  	_ =	shalt  }
0x85: {  	_ =	shalt  }
0x86: {  	_ =	shalt  }
0x87: {  	_ =	shalt  }
.Lfunc_end0:
.L_simem_size_0:
called_computation_lowered:
.L_overlay_start_0:
0x88: {  	s2 =	sld [smem:$0x3FD9]  }
0x89: {  	s3 =	sld [smem:$0x3FFE];
	_ =	sdelay $0x1  }
0x8a: {  	s1 =	srdreg.scid  }
0x8b: {  	s0 =	sand.u32 $0x1, s1  }
0x8c: {  	s16 =	sshll.u32 s0, $0xA;
	s2 =	sadd.s32 s3, s2  }
0x8d: {  	s2 =	sadd.s32 s2, s16  }
0x8e: {  	[smem:$0x3FC5] =	sst s2  }
0x8f: {  	_ = 	snop  }
0x90: {  	(tm) =	ssettm $0x1  }
0x91: {  	s17 =	sld [smem:$0x3FFB];
	_ =	sdelay $0x3  }
0x92: {  	_ =	strace s17  }
0x93: {  	s2 =	sld [smem:$0x3FFC];
	_ =	sdelay $0x3  }
0x94: {  	_ =	strace s2  }
0x95: {  	s2 =	sld [smem:$0x3FFD];
	_ =	sdelay $0x3  }
0x96: {  	_ =	strace s2  }
0x97: {  	_ =	strace $0x8FFFFFFF  }
0x98: {  	s18 =	sld [smem:$0x3FDB];
	_ =	sdelay $0x1  }
0x99: {  	s19 =	simm.s32 $_scs_section_size  }
0x9a: {  	s4 =	simm.s32 $_size__tile_overlayer_lowered;
	s5 =	simm.s32 $_tile_overlayer_lowered  }
0x9b: {  	s22 =	simm.s32 $0x1BFF;
	s21 =	sshll.u32 s5, $0x1;
	s2 =	sadd.s32 s19, s18  }
0x9c: {  	s6 =	simm.s32 $0x0;
	s20 =	sshll.u32 s4, $0x1;
	s4 =	sadd.s32 s21, s2  }
0x9d: {  	[timem:s6], [sflag:s22] =	dma.local [hbm:s4], s20  }
0x9e: {  	_ =	swait.ge [sflag:s22], s20  }
0x9f: {  	s3 =	ssub.s32 $0x0, s20;
	[sflag:s22] =	ssyncset.done $0x0  }
0xa0: {  	[sflag:s22] =	ssyncadd.s32 s3;
	_ =	sdelay $0x1  }
0xa1: {  	s23 =	simm.s32 $0x1B8B  }
0xa2: {  	_ =	swait.ge [sflag:s23], $0x1  }
0xa3: {  	[sflag:s23] =	ssyncset.done $0x0  }
0xa4: {  	s25 =	simm.s32 $0x1B8E;
	s24 =	sld [smem:$0x3FFE];
	[sflag:s23] =	ssyncadd.s32 $0xFFFFFFFF  }
0xa5: {  	s26 =	simm.s32 $execute0_lowered;
	[smem:$0x3FD2] =	sst s25  }
0xa6: {  	s4 =	sshll.u32 s26, $0x1;
	_ =	strace $0x80000046;
	[dreg:$0x1] =	wrdreg $0xFFFFFFFF  }
0xa7: {  	s28 =	simm.s32 $_size_execute0_lowered;
	s2 =	sadd.s32 s2, s4;
	[dreg:$0x0] =	wrdreg $0x0  }
0xa8: {  	s4 =	sshll.u32 s28, $0x1;
	[dreg:$0x2] =	wrdreg s2  }
0xa9: {  	[dreg:$0x3] =	wrdreg s4  }
0xaa: {  	[dreg:$0x4] =	wrdreg $0xC0  }
0xab: {  	_ =	task [dreg:s6], $0x5FFFF  }
0xac: {  	[dreg:$0x1] =	wrdreg $0xFFFFFFFF  }
0xad: {  	[dreg:$0x0] =	wrdreg $0x60  }
0xae: {  	[dreg:$0x2] =	wrdreg s24  }
0xaf: {  	[dreg:$0x3] =	wrdreg $0x9  }
0xb0: {  	_ =	task.clear_ibuf [dreg:s6], $0x4FFFF;
	_ =	strace $0x90000046  }
0xb1: {  	s29 =	simm.s32 $0x9;
	_ =	strace $0x80000048  }
0xb2: {  	_ =	swait.ge [sflag:s29], $0x1  }
0xb3: {  	[sflag:s29] =	ssyncadd.s32 $0xFFFFFFFF  }
0xb4: {  	_ =	strace $0x90000048  }
0xb5: {  	_ =	sfence  }
0xb6: {  	s30 =	sld [smem:$0x0];
	_ =	sdelay $0x2  }
0xb7: {  	s31 =	sshll.u32 s1, $0xD;
	s1 =	sshrl.u32 s1, $0x2  }
0xb8: {  	s3 =	sand.u32 $0x4000, s31;
	s1 =	sadd.s32 s1, s30  }
0xb9: {  	s0 =	sor.u32 s3, s0;
	s1 =	sshll.u32 s1, $0x11  }
0xba: {  	s0 =	sor.u32 s1, s0  }
0xbb: {  	s0 =	sadd.s32 $0x8F2B, s0  }
0xbc: {  	[sflag:s0] =	ssyncadd.remote.s32 $0x1  }
0xbd: {  	_ =	sfence.sel $0xFFFF  }
0xbe: {  	[dreg:$0x0] =	wrdreg $0xFFFFFFFF;
	(pc) =	sbr.abs _section_cstart, $3  }
0xbf: {  	[dreg:$0x1] =	wrdreg $0xFFFFFFFF  }
0xc0: {  	_ =	task.clear_ibuf [dreg:s6], $0x2FFFF;
	_ =	strace $0x9FFFFFFF  }
0xc1: {  	(tm) =	ssettm $0x7FFFFFFF  }
tec
execute0_lowered:
.L_overlay_start_1:
0x0: {  	(tag) =	ssettag $0x1  }
0x1: {  	s9 =	rddreg [dreg:$0x0]  }
0x2: {  	s0 =	rddreg [dreg:$0x1];
	s1 =	simm.s32 $0x0  }
0x3: {  	s6 =	srdreg.scid;
	s2 =	stileid.u32;
	s14 =	simm.s32 $0x3  }
0x4: {  	s15 =	simm.s32 $0x4000;
	s16 =	simm.s32 $0x4080;
	s17 =	simm.s32 $0x80  }
0x5: {  	s18 =	simm.s32 $0x4100;
	s19 =	simm.s32 $0x1;
	s20 =	simm.s32 $0x5100  }
0x6: {  	s21 =	simm.s32 $0x2;
	s22 =	simm.s32 $0x6100;
	s23 =	simm.s32 $0x0  }
0x7: {  	[smem:$0x7FF] =	sst s1;
	s3 =	sadd.s32 $0xD800, s9;
	s4 =	sadd.s32 $0x3800, s9  }
0x8: {  	s5 =	sadd.s32 $0x1800, s9;
	s7 =	sand.u32 $0x1, s6;
	s8 =	sshll.u32 s2, $0x1  }
0x9: {  	s6 =	sadd.s32 $0x9800, s9;
	_ =	strace $0x80000047;
	s11 =	sor.u32 s7, s8  }
0xa: {  	s10 =	ssub.s32 $0x2, s7;
	s7 =	sadd.s32 $0x5800, s9;
	s12 =	sshll.u32 s11, $0x1  }
0xb: {  	s8 =	sadd.s32 $0x1000, s9;
	s13 =	sshrl.u32 s10, $0x1;
	s12 =	sadd.s32 s12, s9  }
0xc: {  	v0 =	vlaneseq.u32;
	s13 =	ssub.s32 s10, s13;
	s9 =	sshll.u32 s11, $0x8;
	s11 =	sshll.u32 s11, $0x9  }
0xd: {  	v1 =	vmul.u32 $0x20, v0;
	s10 =	sadd.s32 $0x1D800, s12;
	s12 =	sadd.s32 $0x1D840, s12;
	s13 =	smax.u32 s13, $0x1  }
.LBB2_1:
0xe: {  	[tilespmem:s1], [sflag:$0x3] =	stream.linear.gather [hbm4b:s8+s1], $0x4000, $0x38;
	[tilespmem:$0x6110] =	vst v63  }
0xf: {  	_ =	swait.ge [sflag:s14], $0x4000  }
0x10: {  	[sflag:s14] =	ssyncset.done $0x0  }
0x11: {  	v2 =	vimm.f32 $0.0e+00;
	s24 =	simm.s32 $0x0;
	[sflag:s14] =	ssyncadd.s32 $0xFFFFC000  }
.LBB2_2:
0x12: {  	s25 =	sshll.u32 s24, $0x4  }
0x13: {  	s25 =	sadd.s32 s9, s25  }
0x14: {  	s28 =	simm.s32 $0x0;
	s26 =	sadd.s32 s4, s25  }
0x15: {  	[tilespmem:s15], [sflag:$0x3] =	stream.linear.gather [hbm4b:s26+s28], $0x80, $0x38;
	[tilespmem:$0x6110] =	vst v63  }
0x16: {  	_ =	swait.ge [sflag:s14], $0x80  }
0x17: {  	[sflag:s14] =	ssyncset.done $0x0  }
0x18: {  	s25 =	sadd.s32 s5, s25;
	[sflag:s14] =	ssyncadd.s32 $0xFFFFFF80  }
0x19: {  	[tilespmem:s16], [sflag:$0x3] =	stream.linear.gather [hbm4b:s25+s28], $0x80, $0x38;
	[tilespmem:$0x6110] =	vst v63  }
0x1a: {  	_ =	swait.ge [sflag:s14], $0x80  }
0x1b: {  	[sflag:s14] =	ssyncset.done $0x0  }
0x1c: {  	[sflag:s14] =	ssyncadd.s32 $0xFFFFFF80  }
0x1d: {  	[tilespmem:s18], [sflag:$0x1] =	stream.indirect.gather [hbm4b:s3+s17], $0x20, s15, s17, $0xb8;
	[tilespmem:$0x6110] =	vst v63  }
0x1e: {  	v3 =	vmov s28;
	_ =	swait.ge [sflag:s19], $0x1000  }
0x1f: {  	v3 =	vshll.u32 v3, $0x5;
	[sflag:s19] =	ssyncset.done $0x0  }
0x20: {  	v5 =	vor.u32 v1, v3;
	[sflag:s19] =	ssyncadd.s32 $0xFFFFF000  }
0x21: {  	[tilespmem:s20], [sflag:$0x2] =	stream.indirect.gather [hbm4b:s3+s17], $0x20, s16, s17, $0xb8;
	[tilespmem:$0x6110] =	vst v63  }
0x22: {  	v3 =	vor.u32 $0x2, v5;
	_ =	swait.ge [sflag:s21], $0x1000  }
0x23: {  	v4 =	vor.u32 $0x1, v5;
	[sflag:s21] =	ssyncset.done $0x0  }
0x24: {  	[sflag:s21] =	ssyncadd.s32 $0xFFFFF000  }
0x25: {  	v6 =	vld.idx.msk [tilespmem:v5+s18+$0x0], $0xffff  }
0x26: {  	v8 =	vor.u32 $0x3, v5;
	v7 =	vld.idx.msk [tilespmem:v5+s20+$0x0], $0xffff  }
0x27: {  	v9 =	vld.idx.msk [tilespmem:v3+s18+$0x0], $0xffff  }
0x28: {  	v11 =	vor.u32 $0x4, v5;
	v10 =	vld.idx.msk [tilespmem:v4+s18+$0x0], $0xffff  }
0x29: {  	v4 =	vld.idx.msk [tilespmem:v4+s20+$0x0], $0xffff  }
0x2a: {  	v16 =	vor.u32 $0x6, v5;
	v3 =	vld.idx.msk [tilespmem:v3+s20+$0x0], $0xffff  }
0x2b: {  	v12 =	vor.u32 $0x9, v5;
	v14 =	vld.idx.msk [tilespmem:v8+s18+$0x0], $0xffff  }
0x2c: {  	v13 =	vor.u32 $0x5, v5;
	v8 =	vld.idx.msk [tilespmem:v8+s20+$0x0], $0xffff  }
0x2d: {  	v15 =	vld.idx.msk [tilespmem:v11+s18+$0x0], $0xffff  }
0x2e: {  	v11 =	vld.idx.msk [tilespmem:v11+s20+$0x0], $0xffff  }
0x2f: {  	v18 =	vld.idx.msk [tilespmem:v16+s18+$0x0], $0xffff;
	v6 =	vsub.f32 v6, v7;
	v4 =	vsub.f32 v10, v4  }
0x30: {  	v7 =	vor.u32 $0x7, v5;
	v10 =	vld.idx.msk [tilespmem:v12+s18+$0x0], $0xffff  }
0x31: {  	v3 =	vsub.f32 v9, v3;
	v9 =	vld.idx.msk [tilespmem:v13+s18+$0x0], $0xffff;
	v6 =	vmul.f32 v6, v6;
	v4 =	vmul.f32 v4, v4  }
0x32: {  	v17 =	vor.u32 $0x8, v5;
	v13 =	vld.idx.msk [tilespmem:v13+s20+$0x0], $0xffff  }
0x33: {  	v8 =	vsub.f32 v14, v8;
	v12 =	vld.idx.msk [tilespmem:v12+s20+$0x0], $0xffff;
	v3 =	vmul.f32 v3, v3;
	v4 =	vadd.f32 v4, v6  }
0x34: {  	v6 =	vld.idx.msk [tilespmem:v16+s20+$0x0], $0xffff;
	v16 =	vor.u32 $0xA, v5  }
0x35: {  	v11 =	vsub.f32 v15, v11;
	v14 =	vld.idx.msk [tilespmem:v7+s18+$0x0], $0xffff;
	v3 =	vadd.f32 v3, v4;
	v4 =	vmul.f32 v8, v8  }
0x36: {  	v15 =	vor.u32 $0xB, v5;
	v7 =	vld.idx.msk [tilespmem:v7+s20+$0x0], $0xffff  }
0x37: {  	v9 =	vsub.f32 v9, v13;
	v8 =	vld.idx.msk [tilespmem:v17+s18+$0x0], $0xffff;
	v3 =	vadd.f32 v4, v3;
	v4 =	vmul.f32 v11, v11  }
0x38: {  	v13 =	vor.u32 $0xC, v5;
	v11 =	vld.idx.msk [tilespmem:v17+s20+$0x0], $0xffff  }
0x39: {  	v6 =	vsub.f32 v18, v6;
	v3 =	vadd.f32 v4, v3;
	v4 =	vmul.f32 v9, v9;
	v9 =	vld.idx.msk [tilespmem:v16+s18+$0x0], $0xffff  }
0x3a: {  	v17 =	vor.u32 $0xD, v5;
	v18 =	vor.u32 $0x11, v5;
	v16 =	vld.idx.msk [tilespmem:v16+s20+$0x0], $0xffff  }
0x3b: {  	v3 =	vadd.f32 v4, v3;
	v4 =	vmul.f32 v6, v6;
	v6 =	vsub.f32 v14, v7;
	v7 =	vld.idx.msk [tilespmem:v15+s18+$0x0], $0xffff  }
0x3c: {  	v10 =	vsub.f32 v10, v12;
	v12 =	vor.u32 $0xF, v5;
	v14 =	vld.idx.msk [tilespmem:v15+s20+$0x0], $0xffff  }
0x3d: {  	v3 =	vadd.f32 v4, v3;
	v4 =	vmul.f32 v6, v6;
	v6 =	vsub.f32 v8, v11;
	v8 =	vld.idx.msk [tilespmem:v13+s18+$0x0], $0xffff  }
0x3e: {  	v15 =	vor.u32 $0xE, v5;
	v11 =	vld.idx.msk [tilespmem:v13+s20+$0x0], $0xffff  }
0x3f: {  	v13 =	vld.idx.msk [tilespmem:v17+s18+$0x0], $0xffff;
	v3 =	vadd.f32 v4, v3;
	v4 =	vmul.f32 v6, v6  }
0x40: {  	v9 =	vsub.f32 v9, v16;
	v16 =	vor.u32 $0x10, v5;
	v6 =	vld.idx.msk [tilespmem:v18+s18+$0x0], $0xffff  }
0x41: {  	v7 =	vsub.f32 v7, v14;
	v14 =	vld.idx.msk [tilespmem:v12+s18+$0x0], $0xffff;
	v3 =	vadd.f32 v4, v3;
	v4 =	vmul.f32 v10, v10  }
0x42: {  	v10 =	vld.idx.msk [tilespmem:v17+s20+$0x0], $0xffff  }
0x43: {  	v17 =	vld.idx.msk [tilespmem:v15+s18+$0x0], $0xffff;
	v3 =	vadd.f32 v4, v3;
	v4 =	vmul.f32 v9, v9  }
0x44: {  	v9 =	vld.idx.msk [tilespmem:v15+s20+$0x0], $0xffff;
	v15 =	vor.u32 $0x12, v5  }
0x45: {  	s31 =	simm.s32 $0x10;
	v8 =	vsub.f32 v8, v11;
	v3 =	vadd.f32 v4, v3;
	v4 =	vmul.f32 v7, v7;
	v7 =	vld.idx.msk [tilespmem:v12+s20+$0x0], $0xffff  }
0x46: {  	v19 =	vor.u32 $0x13, v5;
	v11 =	vmov s31;
	v12 =	vld.idx.msk [tilespmem:v16+s18+$0x0], $0xffff  }
0x47: {  	v3 =	vadd.f32 v4, v3;
	v4 =	vmul.f32 v8, v8;
	v8 =	vsub.f32 v13, v10;
	v10 =	vld.idx.msk [tilespmem:v16+s20+$0x0], $0xffff  }
0x48: {  	v11 =	vshll.u32 v11, $0x5;
	v13 =	vld.idx.msk [tilespmem:v18+s20+$0x0], $0xffff;
	v16 =	vor.u32 $0x14, v5  }
0x49: {  	v9 =	vsub.f32 v17, v9;
	v17 =	vld.idx.msk [tilespmem:v15+s18+$0x0], $0xffff;
	v4 =	vadd.f32 v4, v3;
	v8 =	vmul.f32 v8, v8  }
0x4a: {  	v3 =	vor.u32 v1, v11;
	v11 =	vld.idx.msk [tilespmem:v15+s20+$0x0], $0xffff;
	v15 =	vor.u32 $0x15, v5  }
0x4b: {  	v7 =	vsub.f32 v14, v7;
	v14 =	vld.idx.msk [tilespmem:v19+s20+$0x0], $0xffff;
	v4 =	vadd.f32 v8, v4;
	v8 =	vmul.f32 v9, v9  }
0x4c: {  	v18 =	vor.u32 $0x16, v5;
	v9 =	vld.idx.msk [tilespmem:v19+s18+$0x0], $0xffff  }
0x4d: {  	v7 =	vmul.f32 v7, v7;
	v10 =	vsub.f32 v12, v10;
	v12 =	vld.idx.msk [tilespmem:v16+s18+$0x0], $0xffff;
	v8 =	vadd.f32 v8, v4  }
0x4e: {  	v6 =	vsub.f32 v6, v13;
	v13 =	vld.idx.msk [tilespmem:v16+s20+$0x0], $0xffff;
	v16 =	vor.u32 $0x17, v5  }
0x4f: {  	v7 =	vadd.f32 v7, v8;
	v8 =	vmul.f32 v10, v10  }
0x50: {  	v6 =	vmul.f32 v6, v6;
	v10 =	vsub.f32 v17, v11;
	v11 =	vld.idx.msk [tilespmem:v15+s18+$0x0], $0xffff  }
0x51: {  	v17 =	vor.u32 $0x18, v5;
	v9 =	vsub.f32 v9, v14;
	v14 =	vld.idx.msk [tilespmem:v18+s18+$0x0], $0xffff;
	v7 =	vadd.f32 v8, v7  }
0x52: {  	v8 =	vld.idx.msk [tilespmem:v15+s20+$0x0], $0xffff;
	v15 =	vor.u32 $0x19, v5  }
0x53: {  	v12 =	vsub.f32 v12, v13;
	v13 =	vld.idx.msk [tilespmem:v16+s18+$0x0], $0xffff;
	v6 =	vadd.f32 v6, v7;
	v7 =	vmul.f32 v10, v10  }
0x54: {  	v10 =	vld.idx.msk [tilespmem:v18+s20+$0x0], $0xffff  }
0x55: {  	v6 =	vadd.f32 v7, v6;
	v7 =	vmul.f32 v9, v9;
	v9 =	vld.idx.msk [tilespmem:v16+s20+$0x0], $0xffff  }
0x56: {  	v18 =	vor.u32 $0x1A, v5;
	v16 =	vld.idx.msk [tilespmem:v17+s18+$0x0], $0xffff  }
0x57: {  	v8 =	vsub.f32 v11, v8;
	v11 =	vld.idx.msk [tilespmem:v17+s20+$0x0], $0xffff;
	v6 =	vadd.f32 v7, v6;
	v7 =	vmul.f32 v12, v12  }
0x58: {  	v19 =	vor.u32 $0x1B, v5;
	v12 =	vld.idx.msk [tilespmem:v15+s18+$0x0], $0xffff  }
0x59: {  	v6 =	vadd.f32 v7, v6;
	v7 =	vmul.f32 v8, v8;
	v8 =	vsub.f32 v14, v10;
	v10 =	vld.idx.msk [tilespmem:v15+s20+$0x0], $0xffff  }
0x5a: {  	v4 =	vld.idx.msk [tilespmem:v3+s18+$0x0], $0xffff;
	v17 =	vor.u32 $0x1C, v5  }
0x5b: {  	v20 =	vor.u32 $0x1D, v5;
	v14 =	vld.idx.msk [tilespmem:v18+s18+$0x0], $0xffff;
	v9 =	vsub.f32 v13, v9  }
0x5c: {  	v13 =	vld.idx.msk [tilespmem:v18+s20+$0x0], $0xffff;
	v6 =	vadd.f32 v7, v6;
	v8 =	vmul.f32 v8, v8  }
0x5d: {  	v7 =	vld.idx.msk [tilespmem:v19+s18+$0x0], $0xffff;
	v15 =	vsub.f32 v16, v11;
	v9 =	vmul.f32 v9, v9  }
0x5e: {  	v11 =	vld.idx.msk [tilespmem:v19+s20+$0x0], $0xffff;
	v8 =	vadd.f32 v8, v6;
	v18 =	vsub.f32 v12, v10;
	v10 =	vor.u32 $0x1E, v5  }
0x5f: {  	v6 =	vld.idx.msk [tilespmem:v17+s18+$0x0], $0xffff  }
0x60: {  	v15 =	vmul.f32 v15, v15;
	v12 =	vor.u32 $0x1F, v5;
	v5 =	vld.idx.msk [tilespmem:v20+s18+$0x0], $0xffff;
	v8 =	vadd.f32 v9, v8  }
0x61: {  	v9 =	vld.idx.msk [tilespmem:v17+s20+$0x0], $0xffff  }
0x62: {  	s25 =	simm.s32 $0x20;
	v17 =	vmul.f32 v18, v18;
	v16 =	vadd.f32 v15, v8;
	v15 =	vsub.f32 v14, v13;
	v8 =	vld.idx.msk [tilespmem:v20+s20+$0x0], $0xffff  }
.LBB2_3:
0x63: {  	p0 =	sne.s32 s25, $0x70;
	v13 =	vor.u32 $0x1, v3;
	v14 =	vor.u32 $0x2, v3;
	v18 =	vld.idx.msk [tilespmem:v10+s18+$0x0], $0xffff  }
0x64: {  	v7 =	vsub.f32 v7, v11;
	v16 =	vadd.f32 v17, v16;
	v15 =	vmul.f32 v15, v15;
	v10 =	vld.idx.msk [tilespmem:v10+s20+$0x0], $0xffff  }
0x65: {  	v11 =	vld.idx.msk [tilespmem:v12+s18+$0x0], $0xffff  }
0x66: {  	v7 =	vmul.f32 v7, v7;
	v6 =	vsub.f32 v6, v9;
	v15 =	vadd.f32 v15, v16;
	v9 =	vld.idx.msk [tilespmem:v12+s20+$0x0], $0xffff  }
0x67: {  	v16 =	vor.u32 $0x3, v3;
	v12 =	vld.idx.msk [tilespmem:v3+s20+$0x0], $0xffff  }
0x68: {  	v6 =	vmul.f32 v6, v6;
	v5 =	vsub.f32 v5, v8;
	v17 =	vld.idx.msk [tilespmem:v14+s18+$0x0], $0xffff;
	v7 =	vadd.f32 v7, v15  }
0x69: {  	v15 =	vor.u32 $0x4, v3;
	v8 =	vld.idx.msk [tilespmem:v13+s18+$0x0], $0xffff  }
0x6a: {  	v5 =	vmul.f32 v5, v5;
	v13 =	vld.idx.msk [tilespmem:v13+s20+$0x0], $0xffff;
	v6 =	vadd.f32 v6, v7;
	v7 =	vsub.f32 v18, v10  }
0x6b: {  	v18 =	vor.u32 $0x9, v3;
	v10 =	vld.idx.msk [tilespmem:v14+s20+$0x0], $0xffff;
	v14 =	vor.u32 $0x5, v3  }
0x6c: {  	v19 =	vld.idx.msk [tilespmem:v16+s18+$0x0], $0xffff;
	v5 =	vadd.f32 v5, v6;
	v6 =	vmul.f32 v7, v7;
	v7 =	vsub.f32 v11, v9  }
0x6d: {  	v9 =	vld.idx.msk [tilespmem:v16+s20+$0x0], $0xffff  }
0x6e: {  	v16 =	vor.u32 $0x6, v3;
	v11 =	vld.idx.msk [tilespmem:v15+s18+$0x0], $0xffff;
	v5 =	vadd.f32 v6, v5;
	v6 =	vmul.f32 v7, v7  }
0x6f: {  	v4 =	vsub.f32 v4, v12;
	v7 =	vld.idx.msk [tilespmem:v15+s20+$0x0], $0xffff  }
0x70: {  	v12 =	vor.u32 $0x7, v3;
	v8 =	vsub.f32 v8, v13;
	v13 =	vld.idx.msk [tilespmem:v18+s18+$0x0], $0xffff;
	v5 =	vadd.f32 v6, v5  }
0x71: {  	v15 =	vor.u32 $0x8, v3;
	v6 =	vsub.f32 v17, v10;
	v10 =	vld.idx.msk [tilespmem:v14+s18+$0x0], $0xffff  }
0x72: {  	v4 =	vmul.f32 v4, v4;
	v8 =	vmul.f32 v8, v8;
	v14 =	vld.idx.msk [tilespmem:v14+s20+$0x0], $0xffff;
	v5 =	vadd.f32 $9.999999960e-13, v5  }
0x73: {  	v9 =	vsub.f32 v19, v9;
	v17 =	vld.idx.msk [tilespmem:v16+s18+$0x0], $0xffff  }
0x74: {  	v6 =	vmul.f32 v6, v6;
	v4 =	vadd.f32 v8, v4;
	v8 =	vld.idx.msk [tilespmem:v16+s20+$0x0], $0xffff;
	v16 =	vshrl.u32 v5, $0x1  }
0x75: {  	v19 =	vor.u32 $0xA, v3;
	v7 =	vsub.f32 v11, v7;
	v11 =	vld.idx.msk [tilespmem:v12+s18+$0x0], $0xffff;
	v16 =	vadd.s32 $0x1FBD1DF5, v16  }
0x76: {  	v4 =	vadd.f32 v6, v4;
	v6 =	vmul.f32 v9, v9;
	v9 =	vld.idx.msk [tilespmem:v12+s20+$0x0], $0xffff;
	(erf) = vrcp.f32 v16  }
0x77: {  	v20 =	vor.u32 $0xB, v3;
	v12 =	vld.idx.msk [tilespmem:v15+s18+$0x0], $0xffff  }
0x78: {  	v4 =	vadd.f32 v6, v4;
	v6 =	vmul.f32 v7, v7;
	v7 =	vsub.f32 v10, v14;
	v10 =	vld.idx.msk [tilespmem:v15+s20+$0x0], $0xffff  }
0x79: {  	v15 =	vor.u32 $0xC, v3;
	v14 =	vld.idx.msk [tilespmem:v18+s20+$0x0], $0xffff  }
0x7a: {  	v4 =	vadd.f32 v6, v4;
	v6 =	vmul.f32 v7, v7;
	v7 =	vsub.f32 v17, v8;
	v8 =	vld.idx.msk [tilespmem:v19+s18+$0x0], $0xffff  }
0x7b: {  	v18 =	vor.u32 $0xD, v3;
	v17 =	vld.idx.msk [tilespmem:v19+s20+$0x0], $0xffff;
	v19 =	vor.u32 $0x11, v3  }
0x7c: {  	v4 =	vadd.f32 v6, v4;
	v6 =	vmul.f32 v7, v7;
	v7 =	vsub.f32 v11, v9;
	v9 =	vld.idx.msk [tilespmem:v20+s18+$0x0], $0xffff  }
0x7d: {  	v11 =	vld.idx.msk [tilespmem:v20+s20+$0x0], $0xffff;
	v20 =	vor.u32 $0xE, v3  }
0x7e: {  	v4 =	vadd.f32 v6, v4;
	v6 =	vmul.f32 v7, v7;
	v7 =	vsub.f32 v12, v10;
	v10 =	vld.idx.msk [tilespmem:v15+s18+$0x0], $0xffff  }
0x7f: {  	v12 =	vsub.f32 v13, v14;
	v14 =	vor.u32 $0xF, v3;
	v13 =	vld.idx.msk [tilespmem:v15+s20+$0x0], $0xffff;
	v15 =	vpop (erf)  }
0x80: {  	v4 =	vadd.f32 v6, v4;
	v6 =	vmul.f32 v7, v7;
	v7 =	vld.idx.msk [tilespmem:v19+s18+$0x0], $0xffff;
	v15 =	vmul.f32 v15, v5  }
0x81: {  	v21 =	vor.u32 $0x10, v3;
	v8 =	vsub.f32 v8, v17;
	v17 =	vld.idx.msk [tilespmem:v18+s18+$0x0], $0xffff  }
0x82: {  	v4 =	vadd.f32 v6, v4;
	v6 =	vmul.f32 v12, v12;
	v12 =	vld.idx.msk [tilespmem:v18+s20+$0x0], $0xffff;
	v15 =	vadd.f32 v16, v15  }
0x83: {  	v9 =	vsub.f32 v9, v11;
	v11 =	vld.idx.msk [tilespmem:v20+s18+$0x0], $0xffff  }
0x84: {  	v4 =	vadd.f32 v6, v4;
	v6 =	vmul.f32 v8, v8;
	v8 =	vld.idx.msk [tilespmem:v20+s20+$0x0], $0xffff;
	v15 =	vmul.f32 $5.000000000e-01, v15  }
0x85: {  	v16 =	vor.u32 $0x12, v3;
	v10 =	vsub.f32 v10, v13;
	v13 =	vld.idx.msk [tilespmem:v14+s18+$0x0], $0xffff  }
0x86: {  	v4 =	vadd.f32 v6, v4;
	v6 =	vmul.f32 v9, v9;
	v9 =	vld.idx.msk [tilespmem:v14+s20+$0x0], $0xffff;
	(erf) = vrcp.f32 v15  }
0x87: {  	v20 =	vor.u32 $0x13, v3;
	v14 =	vmov s25;
	v18 =	vld.idx.msk [tilespmem:v21+s18+$0x0], $0xffff  }
0x88: {  	v4 =	vadd.f32 v6, v4;
	v6 =	vmul.f32 v10, v10;
	v10 =	vsub.f32 v17, v12;
	v12 =	vld.idx.msk [tilespmem:v21+s20+$0x0], $0xffff  }
0x89: {  	v14 =	vshll.u32 v14, $0x5;
	v17 =	vld.idx.msk [tilespmem:v19+s20+$0x0], $0xffff;
	v19 =	vor.u32 $0x14, v3  }
0x8a: {  	v4 =	vadd.f32 v6, v4;
	v6 =	vmul.f32 v10, v10;
	v8 =	vsub.f32 v11, v8;
	v10 =	vld.idx.msk [tilespmem:v16+s18+$0x0], $0xffff  }
0x8b: {  	v14 =	vor.u32 v1, v14;
	v11 =	vld.idx.msk [tilespmem:v16+s20+$0x0], $0xffff;
	v16 =	vor.u32 $0x15, v3  }
0x8c: {  	v4 =	vadd.f32 v6, v4;
	v6 =	vmul.f32 v8, v8;
	v8 =	vsub.f32 v13, v9;
	v9 =	vld.idx.msk [tilespmem:v20+s18+$0x0], $0xffff  }
0x8d: {  	v13 =	vld.idx.msk [tilespmem:v20+s20+$0x0], $0xffff;
	v20 =	vor.u32 $0x16, v3  }
0x8e: {  	v6 =	vadd.f32 v6, v4;
	v8 =	vmul.f32 v8, v8;
	v12 =	vsub.f32 v18, v12;
	v18 =	vld.idx.msk [tilespmem:v19+s18+$0x0], $0xffff  }
0x8f: {  	v7 =	vsub.f32 v7, v17;
	v17 =	vld.idx.msk [tilespmem:v19+s20+$0x0], $0xffff;
	v19 =	vor.u32 $0x17, v3;
	v21 =	vpop (erf)  }
0x90: {  	v6 =	vadd.f32 v8, v6;
	v8 =	vmul.f32 v12, v12;
	v4 =	vld.idx.msk [tilespmem:v14+s18+$0x0], $0xffff;
	v5 =	vmul.f32 v21, v5  }
0x91: {  	v12 =	vor.u32 $0x18, v3;
	v10 =	vsub.f32 v10, v11;
	v11 =	vld.idx.msk [tilespmem:v16+s18+$0x0], $0xffff  }
0x92: {  	v7 =	vmul.f32 v7, v7;
	v6 =	vadd.f32 v8, v6;
	v8 =	vld.idx.msk [tilespmem:v16+s20+$0x0], $0xffff;
	v5 =	vadd.f32 v5, v15  }
0x93: {  	v9 =	vsub.f32 v9, v13;
	v15 =	vor.u32 $0x19, v3;
	v13 =	vld.idx.msk [tilespmem:v20+s18+$0x0], $0xffff  }
0x94: {  	v6 =	vadd.f32 v7, v6;
	v7 =	vmul.f32 v10, v10;
	v10 =	vld.idx.msk [tilespmem:v20+s20+$0x0], $0xffff;
	v5 =	vmul.f32 $5.000000000e-01, v5  }
0x95: {  	v16 =	vsub.f32 v18, v17;
	v18 =	vor.u32 $0x1A, v3;
	v17 =	vld.idx.msk [tilespmem:v19+s18+$0x0], $0xffff  }
0x96: {  	v6 =	vadd.f32 v7, v6;
	v7 =	vmul.f32 v9, v9;
	v9 =	vld.idx.msk [tilespmem:v19+s20+$0x0], $0xffff;
	v2 =	vadd.f32 v5, v2  }
0x97: {  	v19 =	vor.u32 $0x1B, v3;
	v5 =	vld.idx.msk [tilespmem:v12+s18+$0x0], $0xffff  }
0x98: {  	v6 =	vadd.f32 v7, v6;
	v7 =	vmul.f32 v16, v16;
	v8 =	vsub.f32 v11, v8;
	v11 =	vld.idx.msk [tilespmem:v12+s20+$0x0], $0xffff  }
0x99: {  	v20 =	vor.u32 $0x1C, v3;
	v16 =	vld.idx.msk [tilespmem:v15+s18+$0x0], $0xffff  }
0x9a: {  	v6 =	vadd.f32 v7, v6;
	v7 =	vmul.f32 v8, v8;
	v8 =	vsub.f32 v13, v10;
	v13 =	vld.idx.msk [tilespmem:v15+s20+$0x0], $0xffff  }
0x9b: {  	v21 =	vor.u32 $0x1D, v3;
	v15 =	vld.idx.msk [tilespmem:v18+s18+$0x0], $0xffff  }
0x9c: {  	v6 =	vadd.f32 v7, v6;
	v8 =	vmul.f32 v8, v8;
	v9 =	vsub.f32 v17, v9;
	v18 =	vld.idx.msk [tilespmem:v18+s20+$0x0], $0xffff  }
0x9d: {  	v10 =	vor.u32 $0x1E, v3;
	v7 =	vld.idx.msk [tilespmem:v19+s18+$0x0], $0xffff  }
.Ltmp0:
0x9e: {  	v8 =	vadd.f32 v8, v6;
	v9 =	vmul.f32 v9, v9;
	v5 =	vsub.f32 v5, v11;
	v11 =	vld.idx.msk [tilespmem:v19+s20+$0x0], $0xffff;
	(pc) =	sbr.rel @p0 .LBB2_3-.Ltmp0, $4  }
0x9f: {  	v12 =	vor.u32 $0x1F, v3;
	v3 =	vmov v14;
	v6 =	vld.idx.msk [tilespmem:v20+s18+$0x0], $0xffff  }
0xa0: {  	v8 =	vadd.f32 v9, v8;
	v14 =	vmul.f32 v5, v5;
	v13 =	vsub.f32 v16, v13;
	v9 =	vld.idx.msk [tilespmem:v20+s20+$0x0], $0xffff  }
0xa1: {  	v5 =	vld.idx.msk [tilespmem:v21+s18+$0x0], $0xffff  }
0xa2: {  	s25 =	sadd.s32 $0x10, s25;
	v16 =	vadd.f32 v14, v8;
	v17 =	vmul.f32 v13, v13;
	v15 =	vsub.f32 v15, v18;
	v8 =	vld.idx.msk [tilespmem:v21+s20+$0x0], $0xffff  }
0xa3: {  	_ =	sdelay $0x3  }
0xa4: {  	v18 =	vor.u32 $0x1, v3;
	v13 =	vld.idx.msk [tilespmem:v10+s18+$0x0], $0xffff  }
0xa5: {  	v14 =	vld.idx.msk [tilespmem:v10+s20+$0x0], $0xffff  }
0xa6: {  	v19 =	vor.u32 $0x2, v3;
	v10 =	vld.idx.msk [tilespmem:v12+s18+$0x0], $0xffff  }
0xa7: {  	v12 =	vld.idx.msk [tilespmem:v12+s20+$0x0], $0xffff  }
0xa8: {  	v20 =	vld.idx.msk [tilespmem:v3+s20+$0x0], $0xffff;
	v21 =	vor.u32 $0x3, v3  }
0xa9: {  	v22 =	vld.idx.msk [tilespmem:v18+s18+$0x0], $0xffff  }
0xaa: {  	v23 =	vor.u32 $0x4, v3;
	v18 =	vld.idx.msk [tilespmem:v18+s20+$0x0], $0xffff  }
0xab: {  	v24 =	vld.idx.msk [tilespmem:v19+s18+$0x0], $0xffff  }
0xac: {  	v25 =	vor.u32 $0x5, v3;
	v19 =	vld.idx.msk [tilespmem:v19+s20+$0x0], $0xffff  }
0xad: {  	v26 =	vld.idx.msk [tilespmem:v21+s18+$0x0], $0xffff  }
0xae: {  	v27 =	vor.u32 $0x6, v3;
	v21 =	vld.idx.msk [tilespmem:v21+s20+$0x0], $0xffff  }
0xaf: {  	v28 =	vld.idx.msk [tilespmem:v23+s18+$0x0], $0xffff;
	v4 =	vsub.f32 v4, v20;
	v18 =	vsub.f32 v22, v18  }
0xb0: {  	v44 =	vor.u32 $0x7, v3;
	v43 =	vld.idx.msk [tilespmem:v23+s20+$0x0], $0xffff  }
0xb1: {  	v45 =	vld.idx.msk [tilespmem:v25+s18+$0x0], $0xffff;
	v4 =	vmul.f32 v4, v4;
	v19 =	vsub.f32 v24, v19;
	v18 =	vmul.f32 v18, v18  }
0xb2: {  	v46 =	vor.u32 $0x8, v3;
	v25 =	vld.idx.msk [tilespmem:v25+s20+$0x0], $0xffff  }
0xb3: {  	v47 =	vld.idx.msk [tilespmem:v27+s18+$0x0], $0xffff;
	v21 =	vsub.f32 v26, v21;
	v48 =	vmul.f32 v19, v19;
	v4 =	vadd.f32 v18, v4  }
0xb4: {  	v49 =	vor.u32 $0x9, v3;
	v27 =	vld.idx.msk [tilespmem:v27+s20+$0x0], $0xffff  }
0xb5: {  	v50 =	vld.idx.msk [tilespmem:v44+s18+$0x0], $0xffff;
	v20 =	vsub.f32 v28, v43;
	v51 =	vmul.f32 v21, v21;
	v4 =	vadd.f32 v48, v4  }
0xb6: {  	v52 =	vor.u32 $0xA, v3;
	v22 =	vld.idx.msk [tilespmem:v44+s20+$0x0], $0xffff  }
0xb7: {  	v53 =	vld.idx.msk [tilespmem:v46+s18+$0x0], $0xffff;
	v23 =	vsub.f32 v45, v25;
	v20 =	vmul.f32 v20, v20;
	v4 =	vadd.f32 v51, v4  }
0xb8: {  	v54 =	vor.u32 $0xB, v3;
	v24 =	vld.idx.msk [tilespmem:v46+s20+$0x0], $0xffff  }
0xb9: {  	v55 =	vld.idx.msk [tilespmem:v49+s18+$0x0], $0xffff;
	v26 =	vsub.f32 v47, v27;
	v23 =	vmul.f32 v23, v23;
	v4 =	vadd.f32 v20, v4  }
0xba: {  	v56 =	vor.u32 $0xC, v3;
	v19 =	vld.idx.msk [tilespmem:v49+s20+$0x0], $0xffff  }
0xbb: {  	v57 =	vld.idx.msk [tilespmem:v52+s18+$0x0], $0xffff;
	v26 =	vmul.f32 v26, v26;
	v22 =	vsub.f32 v50, v22;
	v4 =	vadd.f32 v23, v4  }
0xbc: {  	v58 =	vor.u32 $0xD, v3;
	v21 =	vld.idx.msk [tilespmem:v52+s20+$0x0], $0xffff  }
0xbd: {  	v59 =	vld.idx.msk [tilespmem:v54+s18+$0x0], $0xffff;
	v18 =	vsub.f32 v53, v24;
	v22 =	vmul.f32 v22, v22;
	v4 =	vadd.f32 v26, v4  }
0xbe: {  	v61 =	vor.u32 $0xE, v3;
	v60 =	vld.idx.msk [tilespmem:v54+s20+$0x0], $0xffff  }
0xbf: {  	v62 =	vld.idx.msk [tilespmem:v56+s18+$0x0], $0xffff;
	v19 =	vsub.f32 v55, v19;
	v18 =	vmul.f32 v18, v18;
	v4 =	vadd.f32 v22, v4  }
0xc0: {  	v32 =	vor.u32 $0xF, v3;
	v63 =	vld.idx.msk [tilespmem:v56+s20+$0x0], $0xffff  }
0xc1: {  	v33 =	vld.idx.msk [tilespmem:v58+s18+$0x0], $0xffff;
	v21 =	vsub.f32 v57, v21;
	v34 =	vmul.f32 v19, v19;
	v4 =	vadd.f32 v18, v4  }
0xc2: {  	v35 =	vor.u32 $0x10, v3;
	v28 =	vld.idx.msk [tilespmem:v58+s20+$0x0], $0xffff  }
0xc3: {  	v36 =	vld.idx.msk [tilespmem:v61+s18+$0x0], $0xffff;
	v24 =	vsub.f32 v59, v60;
	v37 =	vmul.f32 v21, v21;
	v4 =	vadd.f32 v34, v4  }
0xc4: {  	v38 =	vor.u32 $0x11, v3;
	v25 =	vld.idx.msk [tilespmem:v61+s20+$0x0], $0xffff  }
0xc5: {  	v39 =	vld.idx.msk [tilespmem:v32+s18+$0x0], $0xffff;
	v40 =	vmul.f32 v24, v24;
	v20 =	vsub.f32 v62, v63;
	v4 =	vadd.f32 v37, v4  }
0xc6: {  	v41 =	vor.u32 $0x12, v3;
	v27 =	vld.idx.msk [tilespmem:v32+s20+$0x0], $0xffff  }
0xc7: {  	v42 =	vld.idx.msk [tilespmem:v35+s18+$0x0], $0xffff;
	v20 =	vmul.f32 v20, v20;
	v23 =	vsub.f32 v33, v28;
	v4 =	vadd.f32 v40, v4  }
0xc8: {  	v43 =	vor.u32 $0x13, v3;
	v19 =	vld.idx.msk [tilespmem:v35+s20+$0x0], $0xffff  }
0xc9: {  	v45 =	vld.idx.msk [tilespmem:v38+s18+$0x0], $0xffff;
	v44 =	vsub.f32 v36, v25;
	v23 =	vmul.f32 v23, v23;
	v4 =	vadd.f32 v20, v4  }
0xca: {  	v7 =	vsub.f32 v7, v11;
	v46 =	vld.idx.msk [tilespmem:v38+s20+$0x0], $0xffff;
	v47 =	vor.u32 $0x14, v3  }
0xcb: {  	v49 =	vld.idx.msk [tilespmem:v41+s20+$0x0], $0xffff;
	v22 =	vsub.f32 v39, v27;
	v20 =	vmul.f32 v44, v44;
	v4 =	vadd.f32 v23, v4  }
0xcc: {  	v30 =	vor.u32 $0x1B, v3;
	v16 =	vadd.f32 v17, v16;
	v50 =	vor.u32 $0x15, v3;
	v48 =	vld.idx.msk [tilespmem:v41+s18+$0x0], $0xffff  }
0xcd: {  	v53 =	vld.idx.msk [tilespmem:v43+s20+$0x0], $0xffff;
	v18 =	vsub.f32 v42, v19;
	v52 =	vmul.f32 v22, v22;
	v4 =	vadd.f32 v20, v4  }
0xce: {  	v15 =	vmul.f32 v15, v15;
	v7 =	vmul.f32 v7, v7;
	v54 =	vor.u32 $0x16, v3;
	v51 =	vld.idx.msk [tilespmem:v43+s18+$0x0], $0xffff  }
0xcf: {  	v17 =	vsub.f32 v45, v46;
	v56 =	vld.idx.msk [tilespmem:v47+s20+$0x0], $0xffff;
	v18 =	vmul.f32 v18, v18;
	v4 =	vadd.f32 v52, v4  }
0xd0: {  	v6 =	vsub.f32 v6, v9;
	v15 =	vadd.f32 v15, v16;
	v55 =	vld.idx.msk [tilespmem:v47+s18+$0x0], $0xffff;
	v57 =	vor.u32 $0x17, v3  }
0xd1: {  	v17 =	vmul.f32 v17, v17;
	v58 =	vld.idx.msk [tilespmem:v50+s18+$0x0], $0xffff;
	v11 =	vsub.f32 v48, v49;
	v4 =	vadd.f32 v18, v4  }
0xd2: {  	v6 =	vmul.f32 v6, v6;
	v5 =	vsub.f32 v5, v8;
	v59 =	vor.u32 $0x18, v3;
	v60 =	vld.idx.msk [tilespmem:v50+s20+$0x0], $0xffff  }
0xd3: {  	v61 =	vld.idx.msk [tilespmem:v54+s18+$0x0], $0xffff;
	v16 =	vsub.f32 v51, v53;
	v11 =	vmul.f32 v11, v11;
	v4 =	vadd.f32 v17, v4  }
0xd4: {  	v7 =	vadd.f32 v7, v15;
	v13 =	vsub.f32 v13, v14;
	v62 =	vor.u32 $0x19, v3;
	v63 =	vld.idx.msk [tilespmem:v54+s20+$0x0], $0xffff  }
0xd5: {  	v9 =	vsub.f32 v55, v56;
	v24 =	vld.idx.msk [tilespmem:v57+s18+$0x0], $0xffff;
	v25 =	vmul.f32 v16, v16;
	v4 =	vadd.f32 v11, v4  }
0xd6: {  	v5 =	vmul.f32 v5, v5;
	v6 =	vadd.f32 v6, v7;
	v26 =	vor.u32 $0x1A, v3;
	v27 =	vld.idx.msk [tilespmem:v57+s20+$0x0], $0xffff  }
0xd7: {  	v8 =	vld.idx.msk [tilespmem:v59+s20+$0x0], $0xffff;
	v9 =	vmul.f32 v9, v9;
	v29 =	vsub.f32 v58, v60;
	v4 =	vadd.f32 v25, v4  }
0xd8: {  	v10 =	vsub.f32 v10, v12;
	v13 =	vmul.f32 v13, v13;
	v5 =	vadd.f32 v5, v6;
	v28 =	vld.idx.msk [tilespmem:v59+s18+$0x0], $0xffff  }
0xd9: {  	v31 =	vld.idx.msk [tilespmem:v62+s18+$0x0], $0xffff;
	v33 =	vsub.f32 v61, v63;
	v32 =	vmul.f32 v29, v29;
	v4 =	vadd.f32 v9, v4  }
0xda: {  	v10 =	vmul.f32 v10, v10;
	v5 =	vadd.f32 v13, v5;
	v7 =	vld.idx.msk [tilespmem:v62+s20+$0x0], $0xffff;
	v34 =	vor.u32 $0x1C, v3  }
0xdb: {  	v36 =	vmul.f32 v33, v33;
	v35 =	vld.idx.msk [tilespmem:v26+s18+$0x0], $0xffff;
	v37 =	vsub.f32 v24, v27;
	v4 =	vadd.f32 v32, v4  }
0xdc: {  	v38 =	vor.u32 $0x1D, v3;
	v5 =	vadd.f32 v10, v5;
	v6 =	vld.idx.msk [tilespmem:v26+s20+$0x0], $0xffff  }
0xdd: {  	v12 =	vld.idx.msk [tilespmem:v30+s20+$0x0], $0xffff;
	v8 =	vsub.f32 v28, v8;
	v40 =	vmul.f32 v37, v37;
	v4 =	vadd.f32 v36, v4  }
0xde: {  	v5 =	vadd.f32 $9.999999960e-13, v5;
	v41 =	vor.u32 $0x1E, v3;
	v39 =	vld.idx.msk [tilespmem:v30+s18+$0x0], $0xffff  }
0xdf: {  	v8 =	vmul.f32 v8, v8;
	v7 =	vsub.f32 v31, v7;
	v42 =	vld.idx.msk [tilespmem:v34+s18+$0x0], $0xffff;
	v4 =	vadd.f32 v40, v4  }
0xe0: {  	v43 =	vshrl.u32 v5, $0x1;
	v3 =	vor.u32 $0x1F, v3;
	v13 =	vld.idx.msk [tilespmem:v34+s20+$0x0], $0xffff  }
0xe1: {  	v46 =	vld.idx.msk [tilespmem:v38+s20+$0x0], $0xffff;
	v7 =	vmul.f32 v7, v7;
	v6 =	vsub.f32 v35, v6;
	v4 =	vadd.f32 v8, v4  }
0xe2: {  	v45 =	vadd.s32 $0x1FBD1DF5, v43;
	v44 =	vld.idx.msk [tilespmem:v38+s18+$0x0], $0xffff  }
0xe3: {  	v47 =	vld.idx.msk [tilespmem:v41+s18+$0x0], $0xffff;
	v48 =	vsub.f32 v39, v12;
	v6 =	vmul.f32 v6, v6;
	v4 =	vadd.f32 v7, v4  }
0xe4: {  	(erf) = vrcp.f32 v45;
	v11 =	vld.idx.msk [tilespmem:v41+s20+$0x0], $0xffff  }
0xe5: {  	v50 =	vmul.f32 v48, v48;
	v49 =	vld.idx.msk [tilespmem:v3+s18+$0x0], $0xffff;
	v51 =	vsub.f32 v42, v13;
	v4 =	vadd.f32 v6, v4  }
0xe6: {  	v3 =	vld.idx.msk [tilespmem:v3+s20+$0x0], $0xffff  }
0xe7: {  	v53 =	vsub.f32 v44, v46;
	v52 =	vmul.f32 v51, v51;
	v4 =	vadd.f32 v50, v4;
	_ =	sdelay $0x1  }
0xe8: {  	v54 =	vmul.f32 v53, v53;
	v55 =	vsub.f32 v47, v11;
	v4 =	vadd.f32 v52, v4;
	_ =	sdelay $0x1  }
0xe9: {  	v3 =	vsub.f32 v49, v3;
	v56 =	vmul.f32 v55, v55;
	v4 =	vadd.f32 v54, v4;
	_ =	sdelay $0x1  }
0xea: {  	v57 =	vpop (erf);
	v3 =	vmul.f32 v3, v3;
	v4 =	vadd.f32 v56, v4  }
0xeb: {  	v58 =	vmul.f32 v57, v5  }
0xec: {  	v3 =	vadd.f32 v3, v4  }
0xed: {  	v59 =	vadd.f32 v45, v58  }
0xee: {  	v3 =	vadd.f32 $9.999999960e-13, v3  }
0xef: {  	v4 =	vmul.f32 $5.000000000e-01, v59  }
0xf0: {  	v60 =	vshrl.u32 v3, $0x1  }
0xf1: {  	(erf) = vrcp.f32 v4;
	v6 =	vadd.s32 $0x1FBD1DF5, v60  }
0xf2: {  	(erf) = vrcp.f32 v6;
	_ =	sdelay $0x7  }
0xf3: {  	v61 =	vpop (erf)  }
0xf4: {  	v62 =	vpop (erf)  }
0xf5: {  	v8 =	vmul.f32 v62, v3;
	_ =	sdelay $0x1  }
0xf6: {  	v6 =	vadd.f32 v6, v8;
	_ =	sdelay $0x1  }
0xf7: {  	v6 =	vmul.f32 $5.000000000e-01, v6;
	_ =	sdelay $0x1  }
0xf8: {  	(erf) = vrcp.f32 v6;
	_ =	sdelay $0x7  }
0xf9: {  	v5 =	vmul.f32 v61, v5  }
0xfa: {  	v63 =	vpop (erf)  }
0xfb: {  	s24 =	sadd.s32 $0x1, s24;
	v4 =	vadd.f32 v5, v4;
	v3 =	vmul.f32 v63, v3  }
0xfc: {  	p0 =	sne.s32 s24, $0x10  }
.Ltmp1:
0xfd: {  	v4 =	vmul.f32 $5.000000000e-01, v4;
	v3 =	vadd.f32 v3, v6;
	(pc) =	sbr.rel @p0 .LBB2_2-.Ltmp1, $3  }
0xfe: {  	_ = 	snop  }
0xff: {  	v2 =	vadd.f32 v4, v2;
	v3 =	vmul.f32 $5.000000000e-01, v3;
	_ =	sdelay $0x1  }
0x100: {  	v2 =	vadd.f32 v3, v2  }
0x101: {  	_ = 	snop  }
0x102: {  	s24 =	simm.s32 $0x0;
	[tilespmem:$0x6100] =	vst v2  }
0x103: {  	[hbm4b:s10+s24] =	stream.linear.scatter [tilespmem:s22], [sflag:$0x3], $0x10, $0x38;
	[tilespmem:$0x6110] =	vst v63  }
0x104: {  	_ =	swait.ge [sflag:s14], $0x10  }
0x105: {  	[sflag:s14] =	ssyncset.done $0x0  }
0x106: {  	s25 =	simm.s32 $0x0;
	v2 =	vimm.f32 $0.0e+00;
	[sflag:s14] =	ssyncadd.s32 $0xFFFFFFF0  }
.LBB2_6:
0x107: {  	s26 =	sshll.u32 s25, $0x4  }
0x108: {  	s26 =	sadd.s32 s11, s26  }
0x109: {  	s28 =	sadd.s32 s6, s26  }
0x10a: {  	[tilespmem:s15], [sflag:$0x3] =	stream.linear.gather [hbm4b:s28+s24], $0x80, $0x38;
	[tilespmem:$0x6110] =	vst v63  }
0x10b: {  	_ =	swait.ge [sflag:s14], $0x80  }
0x10c: {  	[sflag:s14] =	ssyncset.done $0x0  }
0x10d: {  	s26 =	sadd.s32 s7, s26;
	[sflag:s14] =	ssyncadd.s32 $0xFFFFFF80  }
0x10e: {  	[tilespmem:s16], [sflag:$0x3] =	stream.linear.gather [hbm4b:s26+s24], $0x80, $0x38;
	[tilespmem:$0x6110] =	vst v63  }
0x10f: {  	_ =	swait.ge [sflag:s14], $0x80  }
0x110: {  	[sflag:s14] =	ssyncset.done $0x0  }
0x111: {  	[sflag:s14] =	ssyncadd.s32 $0xFFFFFF80  }
0x112: {  	[tilespmem:s18], [sflag:$0x1] =	stream.indirect.gather [hbm4b:s3+s17], $0x20, s15, s17, $0xb8;
	[tilespmem:$0x6110] =	vst v63  }
0x113: {  	_ =	swait.ge [sflag:s19], $0x1000  }
0x114: {  	v4 =	vor.u32 s24, v0;
	[sflag:s19] =	ssyncset.done $0x0  }
0x115: {  	v5 =	vshll.u32 v4, $0x5;
	[sflag:s19] =	ssyncadd.s32 $0xFFFFF000  }
0x116: {  	[tilespmem:s20], [sflag:$0x2] =	stream.indirect.gather [hbm4b:s3+s17], $0x20, s16, s17, $0xb8;
	[tilespmem:$0x6110] =	vst v63  }
0x117: {  	v3 =	vor.u32 $0x7, v5;
	_ =	swait.ge [sflag:s21], $0x1000  }
0x118: {  	v7 =	vor.u32 $0x1, v5;
	[sflag:s21] =	ssyncset.done $0x0  }
0x119: {  	[sflag:s21] =	ssyncadd.s32 $0xFFFFF000  }
0x11a: {  	v10 =	vor.u32 $0x2, v5;
	v8 =	vld.idx.msk [tilespmem:v5+s18+$0x0], $0xffff  }
0x11b: {  	v9 =	vld.idx.msk [tilespmem:v5+s20+$0x0], $0xffff  }
0x11c: {  	v12 =	vor.u32 $0x3, v5;
	v13 =	vld.idx.msk [tilespmem:v3+s18+$0x0], $0xffff  }
0x11d: {  	v14 =	vld.idx.msk [tilespmem:v7+s18+$0x0], $0xffff  }
0x11e: {  	v19 =	vor.u32 $0x6, v5;
	v7 =	vld.idx.msk [tilespmem:v7+s20+$0x0], $0xffff  }
0x11f: {  	v15 =	vor.u32 $0x4, v5;
	v16 =	vld.idx.msk [tilespmem:v10+s18+$0x0], $0xffff  }
0x120: {  	v10 =	vld.idx.msk [tilespmem:v10+s20+$0x0], $0xffff  }
0x121: {  	v17 =	vor.u32 $0x5, v5;
	v18 =	vld.idx.msk [tilespmem:v12+s18+$0x0], $0xffff  }
0x122: {  	v12 =	vld.idx.msk [tilespmem:v12+s20+$0x0], $0xffff  }
0x123: {  	v21 =	vld.idx.msk [tilespmem:v19+s18+$0x0], $0xffff  }
0x124: {  	v8 =	vsub.f32 v8, v9;
	v9 =	vld.idx.msk [tilespmem:v15+s18+$0x0], $0xffff;
	v7 =	vsub.f32 v14, v7  }
0x125: {  	v20 =	vor.u32 $0x8, v5;
	v14 =	vld.idx.msk [tilespmem:v15+s20+$0x0], $0xffff  }
0x126: {  	v15 =	vld.idx.msk [tilespmem:v17+s18+$0x0], $0xffff;
	v10 =	vsub.f32 v16, v10;
	v8 =	vmul.f32 v8, v8;
	v7 =	vmul.f32 v7, v7  }
0x127: {  	v16 =	vld.idx.msk [tilespmem:v17+s20+$0x0], $0xffff;
	v17 =	vor.u32 $0x9, v5  }
0x128: {  	v3 =	vld.idx.msk [tilespmem:v3+s20+$0x0], $0xffff;
	v7 =	vadd.f32 v7, v8;
	v8 =	vmul.f32 v10, v10;
	v10 =	vsub.f32 v18, v12  }
0x129: {  	v12 =	vld.idx.msk [tilespmem:v19+s20+$0x0], $0xffff;
	v18 =	vor.u32 $0xA, v5  }
0x12a: {  	v19 =	vld.idx.msk [tilespmem:v20+s20+$0x0], $0xffff;
	v9 =	vsub.f32 v9, v14;
	v7 =	vadd.f32 v8, v7;
	v8 =	vmul.f32 v10, v10  }
0x12b: {  	v14 =	vor.u32 $0xF, v5;
	v10 =	vld.idx.msk [tilespmem:v20+s18+$0x0], $0xffff  }
0x12c: {  	v7 =	vadd.f32 v8, v7;
	v8 =	vmul.f32 v9, v9;
	v9 =	vsub.f32 v15, v16;
	v16 =	vld.idx.msk [tilespmem:v17+s18+$0x0], $0xffff  }
0x12d: {  	v15 =	vor.u32 $0xB, v5;
	v17 =	vld.idx.msk [tilespmem:v17+s20+$0x0], $0xffff  }
0x12e: {  	v20 =	vld.idx.msk [tilespmem:v18+s18+$0x0], $0xffff;
	v7 =	vadd.f32 v8, v7;
	v8 =	vmul.f32 v9, v9;
	v9 =	vsub.f32 v21, v12  }
0x12f: {  	v3 =	vsub.f32 v13, v3;
	v13 =	vld.idx.msk [tilespmem:v18+s20+$0x0], $0xffff;
	v12 =	vor.u32 $0xC, v5  }
0x130: {  	v18 =	vld.idx.msk [tilespmem:v14+s18+$0x0], $0xffff;
	v7 =	vadd.f32 v8, v7;
	v8 =	vmul.f32 v9, v9  }
0x131: {  	v14 =	vld.idx.msk [tilespmem:v14+s20+$0x0], $0xffff;
	v9 =	vor.u32 $0xD, v5  }
0x132: {  	v3 =	vmul.f32 v3, v3;
	v10 =	vsub.f32 v10, v19;
	v19 =	vld.idx.msk [tilespmem:v15+s18+$0x0], $0xffff;
	v7 =	vadd.f32 v8, v7  }
0x133: {  	v15 =	vld.idx.msk [tilespmem:v15+s20+$0x0], $0xffff;
	v8 =	vor.u32 $0xE, v5  }
0x134: {  	v16 =	vsub.f32 v16, v17;
	v17 =	vld.idx.msk [tilespmem:v12+s18+$0x0], $0xffff;
	v3 =	vadd.f32 v3, v7;
	v7 =	vmul.f32 v10, v10  }
0x135: {  	v10 =	vld.idx.msk [tilespmem:v12+s20+$0x0], $0xffff;
	v12 =	vsub.f32 v20, v13;
	v20 =	vor.u32 $0x10, v5  }
0x136: {  	v13 =	vld.idx.msk [tilespmem:v9+s18+$0x0], $0xffff;
	v3 =	vadd.f32 v7, v3;
	v7 =	vmul.f32 v16, v16  }
0x137: {  	v9 =	vld.idx.msk [tilespmem:v9+s20+$0x0], $0xffff;
	v16 =	vor.u32 $0x11, v5  }
0x138: {  	v21 =	vld.idx.msk [tilespmem:v8+s18+$0x0], $0xffff;
	v3 =	vadd.f32 v7, v3;
	v7 =	vmul.f32 v12, v12;
	v12 =	vsub.f32 v19, v15  }
0x139: {  	v8 =	vld.idx.msk [tilespmem:v8+s20+$0x0], $0xffff;
	v15 =	vor.u32 $0x12, v5  }
0x13a: {  	v10 =	vsub.f32 v17, v10;
	v17 =	vld.idx.msk [tilespmem:v20+s18+$0x0], $0xffff;
	v3 =	vadd.f32 v7, v3;
	v7 =	vmul.f32 v12, v12  }
0x13b: {  	v6 =	vor.u32 $0x14, v5;
	v19 =	vld.idx.msk [tilespmem:v20+s20+$0x0], $0xffff  }
0x13c: {  	v9 =	vsub.f32 v13, v9;
	v10 =	vmul.f32 v10, v10;
	v13 =	vld.idx.msk [tilespmem:v16+s18+$0x0], $0xffff;
	v7 =	vadd.f32 v7, v3  }
0x13d: {  	v12 =	vor.u32 $0x13, v5;
	v16 =	vld.idx.msk [tilespmem:v16+s20+$0x0], $0xffff  }
0x13e: {  	v9 =	vmul.f32 v9, v9;
	v8 =	vsub.f32 v21, v8;
	v7 =	vadd.f32 v10, v7;
	v10 =	vld.idx.msk [tilespmem:v15+s18+$0x0], $0xffff  }
0x13f: {  	v14 =	vsub.f32 v18, v14;
	v18 =	vor.u32 $0x15, v5;
	v3 =	vor.u32 $0xFFFFFFF8, v0;
	v15 =	vld.idx.msk [tilespmem:v15+s20+$0x0], $0xffff  }
0x140: {  	v11 =	vld.idx.msk [tilespmem:v6+s18+$0x0], $0xffff;
	v21 =	vand.u32 v3, v4;
	v4 =	vadd.f32 v9, v7;
	v7 =	vmul.f32 v8, v8  }
0x141: {  	v6 =	vld.idx.msk [tilespmem:v6+s20+$0x0], $0xffff;
	v9 =	vsub.f32 v17, v19  }
0x142: {  	v8 =	vld.idx.msk [tilespmem:v12+s18+$0x0], $0xffff;
	v17 =	vor.u32 $0x16, v5;
	v4 =	vadd.f32 v7, v4;
	v7 =	vmul.f32 v14, v14  }
0x143: {  	v12 =	vld.idx.msk [tilespmem:v12+s20+$0x0], $0xffff;
	v13 =	vsub.f32 v13, v16;
	v14 =	vor.u32 $0x17, v5  }
0x144: {  	v9 =	vmul.f32 v9, v9;
	v10 =	vsub.f32 v10, v15;
	v15 =	vld.idx.msk [tilespmem:v18+s18+$0x0], $0xffff;
	v7 =	vadd.f32 v7, v4  }
0x145: {  	v4 =	vld.idx.msk [tilespmem:v21+s15+$0x0], $0xffff  }
0x146: {  	v16 =	vor.u32 $0x18, v5;
	v7 =	vadd.f32 v9, v7;
	v9 =	vmul.f32 v13, v13;
	v13 =	vld.idx.msk [tilespmem:v18+s20+$0x0], $0xffff  }
0x147: {  	v6 =	vsub.f32 v11, v6;
	v10 =	vmul.f32 v10, v10;
	v18 =	vld.idx.msk [tilespmem:v17+s18+$0x0], $0xffff  }
0x148: {  	v8 =	vsub.f32 v8, v12;
	v12 =	vor.u32 $0x19, v5;
	v11 =	vld.idx.msk [tilespmem:v14+s18+$0x0], $0xffff;
	v7 =	vadd.f32 v9, v7  }
0x149: {  	v9 =	vld.idx.msk [tilespmem:v17+s20+$0x0], $0xffff  }
0x14a: {  	v8 =	vmul.f32 v8, v8;
	v17 =	vor.u32 $0x1A, v5;
	v7 =	vadd.f32 v10, v7;
	v10 =	vld.idx.msk [tilespmem:v14+s20+$0x0], $0xffff  }
0x14b: {  	v6 =	vmul.f32 v6, v6;
	v14 =	vld.idx.msk [tilespmem:v16+s18+$0x0], $0xffff  }
0x14c: {  	v19 =	vor.u32 $0x1B, v5;
	v7 =	vadd.f32 v8, v7;
	v8 =	vsub.f32 v15, v13;
	v13 =	vld.idx.msk [tilespmem:v16+s20+$0x0], $0xffff  }
0x14d: {  	v15 =	vld.idx.msk [tilespmem:v12+s18+$0x0], $0xffff;
	v16 =	vor.u32 $0x1C, v5  }
0x14e: {  	v6 =	vadd.f32 v6, v7;
	v7 =	vmul.f32 v8, v8;
	v8 =	vsub.f32 v18, v9;
	v9 =	vld.idx.msk [tilespmem:v12+s20+$0x0], $0xffff  }
0x14f: {  	v20 =	vor.u32 $0x1E, v5;
	v12 =	vld.idx.msk [tilespmem:v17+s18+$0x0], $0xffff  }
0x150: {  	v6 =	vadd.f32 v7, v6;
	v7 =	vmul.f32 v8, v8;
	v8 =	vsub.f32 v11, v10;
	v11 =	vld.idx.msk [tilespmem:v17+s20+$0x0], $0xffff  }
0x151: {  	v18 =	vor.u32 $0x1D, v5;
	v17 =	vld.idx.msk [tilespmem:v19+s18+$0x0], $0xffff  }
0x152: {  	v6 =	vadd.f32 v7, v6;
	v7 =	vmul.f32 v8, v8;
	v8 =	vsub.f32 v14, v13;
	v13 =	vld.idx.msk [tilespmem:v19+s20+$0x0], $0xffff  }
0x153: {  	v22 =	vor.u32 $0x1F, v5;
	v19 =	vld.idx.msk [tilespmem:v16+s18+$0x0], $0xffff  }
0x154: {  	s31 =	simm.s32 $0x10;
	v16 =	vld.idx.msk [tilespmem:v16+s20+$0x0], $0xffff;
	v5 =	vadd.f32 v7, v6;
	v7 =	vmul.f32 v8, v8;
	v8 =	vsub.f32 v15, v9  }
0x155: {  	v14 =	vld.idx.msk [tilespmem:v20+s20+$0x0], $0xffff;
	v6 =	vor.u32 s31, v0  }
0x156: {  	v10 =	vld.idx.msk [tilespmem:v18+s18+$0x0], $0xffff;
	v9 =	vsub.f32 v12, v11;
	v7 =	vadd.f32 v7, v5;
	v8 =	vmul.f32 v8, v8  }
0x157: {  	v15 =	vld.idx.msk [tilespmem:v18+s20+$0x0], $0xffff;
	v5 =	vshll.u32 v6, $0x5  }
0x158: {  	v12 =	vld.idx.msk [tilespmem:v20+s18+$0x0], $0xffff;
	v18 =	vmul.f32 v9, v9;
	v13 =	vsub.f32 v17, v13;
	v7 =	vadd.f32 v8, v7  }
0x159: {  	v11 =	vld.idx.msk [tilespmem:v22+s18+$0x0], $0xffff;
	v9 =	vor.u32 $0x13, v5;
	v8 =	vor.u32 $0x14, v5  }
0x15a: {  	v16 =	vsub.f32 v19, v16;
	v17 =	vadd.f32 v18, v7;
	v18 =	vmul.f32 v13, v13;
	v13 =	vld.idx.msk [tilespmem:v22+s20+$0x0], $0xffff  }
0x15b: {  	s26 =	simm.s32 $0x20;
	v20 =	vor.u32 $0x1, v5;
	v19 =	vor.u32 $0x7, v5;
	v7 =	vld.idx.msk [tilespmem:v21+s16+$0x0], $0xffff  }
.LBB2_7:
0x15c: {  	p0 =	sne.s32 s26, $0x70;
	v21 =	vld.idx.msk [tilespmem:v5+s18+$0x0], $0xffff;
	v17 =	vadd.f32 v18, v17;
	v16 =	vmul.f32 v16, v16;
	v15 =	vsub.f32 v10, v15  }
0x15d: {  	v22 =	vor.u32 $0x2, v5;
	v18 =	vld.idx.msk [tilespmem:v5+s20+$0x0], $0xffff  }
0x15e: {  	v14 =	vsub.f32 v12, v14;
	v10 =	vld.idx.msk [tilespmem:v8+s18+$0x0], $0xffff;
	v16 =	vadd.f32 v16, v17;
	v15 =	vmul.f32 v15, v15  }
0x15f: {  	v17 =	vor.u32 $0x3, v5;
	v12 =	vld.idx.msk [tilespmem:v9+s18+$0x0], $0xffff  }
0x160: {  	v14 =	vmul.f32 v14, v14;
	v11 =	vsub.f32 v11, v13;
	v23 =	vld.idx.msk [tilespmem:v19+s18+$0x0], $0xffff;
	v15 =	vadd.f32 v15, v16  }
0x161: {  	v13 =	vld.idx.msk [tilespmem:v20+s18+$0x0], $0xffff  }
0x162: {  	v11 =	vmul.f32 v11, v11;
	v16 =	vld.idx.msk [tilespmem:v20+s20+$0x0], $0xffff;
	v20 =	vor.u32 $0x4, v5;
	v14 =	vadd.f32 v14, v15  }
0x163: {  	v15 =	vld.idx.msk [tilespmem:v22+s18+$0x0], $0xffff  }
0x164: {  	v24 =	vor.u32 $0x5, v5;
	v22 =	vld.idx.msk [tilespmem:v22+s20+$0x0], $0xffff;
	v11 =	vadd.f32 v11, v14  }
0x165: {  	v14 =	vld.idx.msk [tilespmem:v17+s18+$0x0], $0xffff  }
0x166: {  	v25 =	vor.u32 $0x6, v5;
	v17 =	vld.idx.msk [tilespmem:v17+s20+$0x0], $0xffff;
	v11 =	vadd.f32 $9.999999960e-13, v11  }
0x167: {  	v18 =	vsub.f32 v21, v18;
	v21 =	vld.idx.msk [tilespmem:v20+s18+$0x0], $0xffff  }
0x168: {  	v13 =	vsub.f32 v13, v16;
	v16 =	vld.idx.msk [tilespmem:v20+s20+$0x0], $0xffff;
	v20 =	vshrl.u32 v11, $0x1  }
0x169: {  	v27 =	vor.u32 $0x8, v5;
	v18 =	vmul.f32 v18, v18;
	v26 =	vld.idx.msk [tilespmem:v24+s18+$0x0], $0xffff;
	v20 =	vadd.s32 $0x1FBD1DF5, v20  }
0x16a: {  	v13 =	vmul.f32 v13, v13;
	v15 =	vsub.f32 v15, v22;
	v22 =	vld.idx.msk [tilespmem:v24+s20+$0x0], $0xffff;
	(erf) = vrcp.f32 v20  }
0x16b: {  	v28 =	vor.u32 $0x9, v5;
	v24 =	vld.idx.msk [tilespmem:v25+s18+$0x0], $0xffff  }
0x16c: {  	v13 =	vadd.f32 v13, v18;
	v15 =	vmul.f32 v15, v15;
	v14 =	vsub.f32 v14, v17;
	v17 =	vld.idx.msk [tilespmem:v25+s20+$0x0], $0xffff  }
0x16d: {  	v18 =	vld.idx.msk [tilespmem:v19+s20+$0x0], $0xffff;
	v19 =	vor.u32 $0xA, v5  }
0x16e: {  	v13 =	vadd.f32 v15, v13;
	v14 =	vmul.f32 v14, v14;
	v15 =	vsub.f32 v21, v16;
	v16 =	vld.idx.msk [tilespmem:v27+s18+$0x0], $0xffff  }
0x16f: {  	v25 =	vor.u32 $0xB, v5;
	v21 =	vld.idx.msk [tilespmem:v27+s20+$0x0], $0xffff;
	v27 =	vor.u32 $0xF, v5  }
0x170: {  	v13 =	vadd.f32 v14, v13;
	v14 =	vmul.f32 v15, v15;
	v15 =	vsub.f32 v26, v22;
	v22 =	vld.idx.msk [tilespmem:v28+s18+$0x0], $0xffff  }
0x171: {  	v26 =	vld.idx.msk [tilespmem:v28+s20+$0x0], $0xffff;
	v28 =	vor.u32 $0xC, v5  }
0x172: {  	v13 =	vadd.f32 v14, v13;
	v14 =	vmul.f32 v15, v15;
	v15 =	vsub.f32 v24, v17;
	v17 =	vld.idx.msk [tilespmem:v19+s18+$0x0], $0xffff  }
0x173: {  	v18 =	vsub.f32 v23, v18;
	v23 =	vor.u32 $0xD, v5;
	v19 =	vld.idx.msk [tilespmem:v19+s20+$0x0], $0xffff;
	v24 =	vpop (erf)  }
0x174: {  	v13 =	vadd.f32 v14, v13;
	v14 =	vmul.f32 v15, v15;
	v15 =	vld.idx.msk [tilespmem:v27+s18+$0x0], $0xffff;
	v24 =	vmul.f32 v24, v11  }
0x175: {  	v29 =	vor.u32 $0xE, v5;
	v16 =	vsub.f32 v16, v21;
	v21 =	vld.idx.msk [tilespmem:v25+s18+$0x0], $0xffff  }
0x176: {  	v13 =	vadd.f32 v14, v13;
	v14 =	vmul.f32 v18, v18;
	v18 =	vld.idx.msk [tilespmem:v25+s20+$0x0], $0xffff;
	v20 =	vadd.f32 v20, v24  }
0x177: {  	v22 =	vsub.f32 v22, v26;
	v24 =	vld.idx.msk [tilespmem:v28+s18+$0x0], $0xffff  }
0x178: {  	v13 =	vadd.f32 v14, v13;
	v14 =	vmul.f32 v16, v16;
	v16 =	vld.idx.msk [tilespmem:v28+s20+$0x0], $0xffff;
	v20 =	vmul.f32 $5.000000000e-01, v20  }
0x179: {  	v25 =	vor.u32 $0x10, v5;
	v17 =	vsub.f32 v17, v19;
	v19 =	vld.idx.msk [tilespmem:v23+s18+$0x0], $0xffff  }
0x17a: {  	v13 =	vadd.f32 v14, v13;
	v14 =	vmul.f32 v22, v22;
	v22 =	vld.idx.msk [tilespmem:v23+s20+$0x0], $0xffff;
	(erf) = vrcp.f32 v20  }
0x17b: {  	v26 =	vor.u32 $0x11, v5;
	v23 =	vld.idx.msk [tilespmem:v29+s18+$0x0], $0xffff  }
0x17c: {  	v13 =	vadd.f32 v14, v13;
	v14 =	vmul.f32 v17, v17;
	v17 =	vsub.f32 v21, v18;
	v18 =	vld.idx.msk [tilespmem:v29+s20+$0x0], $0xffff  }
0x17d: {  	v21 =	vld.idx.msk [tilespmem:v27+s20+$0x0], $0xffff;
	v27 =	vor.u32 $0x12, v5  }
0x17e: {  	v13 =	vadd.f32 v14, v13;
	v14 =	vmul.f32 v17, v17;
	v16 =	vsub.f32 v24, v16;
	v17 =	vld.idx.msk [tilespmem:v25+s18+$0x0], $0xffff  }
0x17f: {  	v24 =	vld.idx.msk [tilespmem:v25+s20+$0x0], $0xffff  }
0x180: {  	v13 =	vadd.f32 v14, v13;
	v14 =	vmul.f32 v16, v16;
	v16 =	vsub.f32 v19, v22;
	v19 =	vld.idx.msk [tilespmem:v26+s18+$0x0], $0xffff  }
0x181: {  	v22 =	vld.idx.msk [tilespmem:v26+s20+$0x0], $0xffff  }
0x182: {  	v13 =	vadd.f32 v14, v13;
	v14 =	vmul.f32 v16, v16;
	v16 =	vsub.f32 v23, v18;
	v18 =	vld.idx.msk [tilespmem:v27+s18+$0x0], $0xffff  }
0x183: {  	v25 =	vand.u32 v3, v6;
	v23 =	vor.u32 $0x15, v5;
	v15 =	vsub.f32 v15, v21;
	v21 =	vld.idx.msk [tilespmem:v27+s20+$0x0], $0xffff;
	v6 =	vpop (erf)  }
0x184: {  	v13 =	vadd.f32 v14, v13;
	v14 =	vmul.f32 v16, v16;
	v9 =	vld.idx.msk [tilespmem:v9+s20+$0x0], $0xffff;
	v6 =	vmul.f32 v6, v11  }
0x185: {  	v16 =	vor.u32 $0x16, v5;
	v11 =	vsub.f32 v17, v24;
	v17 =	vld.idx.msk [tilespmem:v4+s1+$0x0], $0xffff  }
0x186: {  	v4 =	vadd.f32 v14, v13;
	v13 =	vmul.f32 v15, v15;
	v6 =	vadd.f32 v6, v20;
	v7 =	vld.idx.msk [tilespmem:v7+s1+$0x0], $0xffff  }
0x187: {  	v15 =	vor.u32 $0x17, v5;
	v14 =	vsub.f32 v19, v22;
	v8 =	vld.idx.msk [tilespmem:v8+s20+$0x0], $0xffff  }
0x188: {  	v11 =	vmul.f32 v11, v11;
	v13 =	vadd.f32 v13, v4;
	v4 =	vld.idx.msk [tilespmem:v25+s15+$0x0], $0xffff;
	v6 =	vmul.f32 $5.000000000e-01, v6  }
0x189: {  	v20 =	vor.u32 $0x18, v5;
	v18 =	vsub.f32 v18, v21;
	v19 =	vld.idx.msk [tilespmem:v23+s18+$0x0], $0xffff  }
0x18a: {  	v11 =	vadd.f32 v11, v13;
	v13 =	vmul.f32 v14, v14;
	v14 =	vld.idx.msk [tilespmem:v23+s20+$0x0], $0xffff;
	v21 =	vsub.f32 $1.000000010e-01, v6  }
0x18b: {  	v22 =	vor.u32 $0x19, v5;
	v9 =	vsub.f32 v12, v9;
	v18 =	vmul.f32 v18, v18;
	v12 =	vld.idx.msk [tilespmem:v16+s18+$0x0], $0xffff  }
0x18c: {  	v11 =	vadd.f32 v13, v11;
	vm0 =	veq.s32 v17, v7;
	v13 =	vld.idx.msk [tilespmem:v16+s20+$0x0], $0xffff;
	v7 =	vmax.f32 v21, $0.0e+00  }
0x18d: {  	v8 =	vsub.f32 v10, v8;
	v16 =	vor.u32 $0x1A, v5;
	v10 =	vld.idx.msk [tilespmem:v15+s18+$0x0], $0xffff;
	v6 =	vsel vm0, v6, v7  }
0x18e: {  	v9 =	vmul.f32 v9, v9;
	v7 =	vadd.f32 v18, v11;
	v11 =	vld.idx.msk [tilespmem:v15+s20+$0x0], $0xffff;
	v2 =	vadd.f32 v6, v2  }
0x18f: {  	v15 =	vor.u32 $0x1B, v5;
	v6 =	vld.idx.msk [tilespmem:v20+s18+$0x0], $0xffff  }
0x190: {  	v8 =	vmul.f32 v8, v8;
	v7 =	vadd.f32 v9, v7;
	v9 =	vsub.f32 v19, v14;
	v14 =	vld.idx.msk [tilespmem:v20+s20+$0x0], $0xffff  }
0x191: {  	v18 =	vor.u32 $0x1C, v5;
	v17 =	vld.idx.msk [tilespmem:v22+s18+$0x0], $0xffff  }
0x192: {  	v7 =	vadd.f32 v8, v7;
	v8 =	vmul.f32 v9, v9;
	v9 =	vsub.f32 v12, v13;
	v12 =	vld.idx.msk [tilespmem:v22+s20+$0x0], $0xffff  }
0x193: {  	v19 =	vor.u32 $0x1D, v5;
	v13 =	vld.idx.msk [tilespmem:v16+s18+$0x0], $0xffff  }
0x194: {  	v7 =	vadd.f32 v8, v7;
	v8 =	vmul.f32 v9, v9;
	v9 =	vsub.f32 v10, v11;
	v11 =	vld.idx.msk [tilespmem:v16+s20+$0x0], $0xffff  }
0x195: {  	v20 =	vor.u32 $0x1E, v5;
	v16 =	vld.idx.msk [tilespmem:v15+s18+$0x0], $0xffff  }
0x196: {  	v7 =	vadd.f32 v8, v7;
	v8 =	vmul.f32 v9, v9;
	v6 =	vsub.f32 v6, v14;
	v9 =	vld.idx.msk [tilespmem:v15+s20+$0x0], $0xffff  }
0x197: {  	v22 =	vor.u32 $0x1F, v5;
	v21 =	vld.idx.msk [tilespmem:v18+s18+$0x0], $0xffff  }
0x198: {  	v5 =	vadd.f32 v8, v7;
	v7 =	vmul.f32 v6, v6;
	v8 =	vsub.f32 v17, v12;
	v23 =	vld.idx.msk [tilespmem:v18+s20+$0x0], $0xffff  }
0x199: {  	v6 =	vor.u32 s26, v0;
	v10 =	vld.idx.msk [tilespmem:v19+s18+$0x0], $0xffff  }
0x19a: {  	v7 =	vadd.f32 v7, v5;
	v8 =	vmul.f32 v8, v8;
	v11 =	vsub.f32 v13, v11;
	v15 =	vld.idx.msk [tilespmem:v19+s20+$0x0], $0xffff  }
.Ltmp2:
0x19b: {  	v5 =	vshll.u32 v6, $0x5;
	v12 =	vld.idx.msk [tilespmem:v20+s18+$0x0], $0xffff;
	(pc) =	sbr.rel @p0 .LBB2_7-.Ltmp2, $4  }
0x19c: {  	v7 =	vadd.f32 v8, v7;
	v13 =	vmul.f32 v11, v11;
	v16 =	vsub.f32 v16, v9;
	v14 =	vld.idx.msk [tilespmem:v20+s20+$0x0], $0xffff  }
0x19d: {  	v9 =	vor.u32 $0x13, v5;
	v8 =	vor.u32 $0x14, v5;
	v11 =	vld.idx.msk [tilespmem:v22+s18+$0x0], $0xffff  }
0x19e: {  	v17 =	vadd.f32 v13, v7;
	v18 =	vmul.f32 v16, v16;
	v16 =	vsub.f32 v21, v23;
	v13 =	vld.idx.msk [tilespmem:v22+s20+$0x0], $0xffff  }
0x19f: {  	s26 =	sadd.s32 $0x10, s26;
	v19 =	vor.u32 $0x7, v5;
	v20 =	vor.u32 $0x1, v5;
	v7 =	vld.idx.msk [tilespmem:v25+s16+$0x0], $0xffff  }
0x1a0: {  	_ =	sdelay $0x2  }
0x1a1: {  	v21 =	vor.u32 $0x2, v5  }
0x1a2: {  	v22 =	vld.idx.msk [tilespmem:v5+s18+$0x0], $0xffff  }
0x1a3: {  	v23 =	vld.idx.msk [tilespmem:v5+s20+$0x0], $0xffff;
	v24 =	vor.u32 $0x3, v5  }
0x1a4: {  	v25 =	vld.idx.msk [tilespmem:v20+s18+$0x0], $0xffff  }
0x1a5: {  	v40 =	vld.idx.msk [tilespmem:v20+s20+$0x0], $0xffff;
	v26 =	vor.u32 $0x4, v5  }
0x1a6: {  	v27 =	vld.idx.msk [tilespmem:v21+s18+$0x0], $0xffff  }
0x1a7: {  	v28 =	vor.u32 $0x5, v5;
	v21 =	vld.idx.msk [tilespmem:v21+s20+$0x0], $0xffff  }
0x1a8: {  	v29 =	vld.idx.msk [tilespmem:v24+s18+$0x0], $0xffff  }
0x1a9: {  	v30 =	vor.u32 $0x6, v5;
	v24 =	vld.idx.msk [tilespmem:v24+s20+$0x0], $0xffff  }
0x1aa: {  	v22 =	vsub.f32 v22, v23;
	v41 =	vld.idx.msk [tilespmem:v26+s18+$0x0], $0xffff;
	v20 =	vsub.f32 v25, v40  }
0x1ab: {  	v42 =	vld.idx.msk [tilespmem:v26+s20+$0x0], $0xffff  }
0x1ac: {  	v43 =	vld.idx.msk [tilespmem:v28+s18+$0x0], $0xffff;
	v22 =	vmul.f32 v22, v22;
	v20 =	vmul.f32 v20, v20;
	v21 =	vsub.f32 v27, v21  }
0x1ad: {  	v44 =	vor.u32 $0x8, v5;
	v28 =	vld.idx.msk [tilespmem:v28+s20+$0x0], $0xffff  }
0x1ae: {  	v45 =	vld.idx.msk [tilespmem:v30+s18+$0x0], $0xffff;
	v20 =	vadd.f32 v20, v22;
	v24 =	vsub.f32 v29, v24;
	v21 =	vmul.f32 v21, v21  }
0x1af: {  	v46 =	vor.u32 $0x9, v5;
	v30 =	vld.idx.msk [tilespmem:v30+s20+$0x0], $0xffff  }
0x1b0: {  	v47 =	vld.idx.msk [tilespmem:v19+s18+$0x0], $0xffff;
	v23 =	vsub.f32 v41, v42;
	v24 =	vmul.f32 v24, v24;
	v20 =	vadd.f32 v21, v20  }
0x1b1: {  	v48 =	vld.idx.msk [tilespmem:v19+s20+$0x0], $0xffff;
	v49 =	vor.u32 $0xA, v5  }
0x1b2: {  	v50 =	vld.idx.msk [tilespmem:v44+s18+$0x0], $0xffff;
	v26 =	vsub.f32 v43, v28;
	v23 =	vmul.f32 v23, v23;
	v20 =	vadd.f32 v24, v20  }
0x1b3: {  	v51 =	vor.u32 $0xB, v5;
	v27 =	vld.idx.msk [tilespmem:v44+s20+$0x0], $0xffff  }
0x1b4: {  	v52 =	vld.idx.msk [tilespmem:v46+s18+$0x0], $0xffff;
	v22 =	vsub.f32 v45, v30;
	v26 =	vmul.f32 v26, v26;
	v20 =	vadd.f32 v23, v20  }
0x1b5: {  	v53 =	vor.u32 $0xC, v5;
	v29 =	vld.idx.msk [tilespmem:v46+s20+$0x0], $0xffff  }
0x1b6: {  	v19 =	vsub.f32 v47, v48;
	v54 =	vld.idx.msk [tilespmem:v49+s18+$0x0], $0xffff;
	v22 =	vmul.f32 v22, v22;
	v20 =	vadd.f32 v26, v20  }
0x1b7: {  	v55 =	vor.u32 $0xD, v5;
	v25 =	vld.idx.msk [tilespmem:v49+s20+$0x0], $0xffff  }
0x1b8: {  	v56 =	vld.idx.msk [tilespmem:v51+s18+$0x0], $0xffff;
	v19 =	vmul.f32 v19, v19;
	v24 =	vsub.f32 v50, v27;
	v20 =	vadd.f32 v22, v20  }
0x1b9: {  	v57 =	vor.u32 $0xE, v5;
	v28 =	vld.idx.msk [tilespmem:v51+s20+$0x0], $0xffff  }
0x1ba: {  	v58 =	vld.idx.msk [tilespmem:v53+s18+$0x0], $0xffff;
	v23 =	vsub.f32 v52, v29;
	v59 =	vmul.f32 v24, v24;
	v19 =	vadd.f32 v19, v20  }
0x1bb: {  	v60 =	vor.u32 $0xF, v5;
	v30 =	vld.idx.msk [tilespmem:v53+s20+$0x0], $0xffff  }
0x1bc: {  	v61 =	vld.idx.msk [tilespmem:v55+s18+$0x0], $0xffff;
	v21 =	vsub.f32 v54, v25;
	v62 =	vmul.f32 v23, v23;
	v19 =	vadd.f32 v59, v19  }
0x1bd: {  	v63 =	vor.u32 $0x10, v5;
	v26 =	vld.idx.msk [tilespmem:v55+s20+$0x0], $0xffff  }
0x1be: {  	v33 =	vld.idx.msk [tilespmem:v57+s18+$0x0], $0xffff;
	v21 =	vmul.f32 v21, v21;
	v27 =	vsub.f32 v56, v28;
	v19 =	vadd.f32 v62, v19  }
0x1bf: {  	v34 =	vor.u32 $0x11, v5;
	v22 =	vld.idx.msk [tilespmem:v57+s20+$0x0], $0xffff  }
0x1c0: {  	v35 =	vld.idx.msk [tilespmem:v60+s18+$0x0], $0xffff;
	v27 =	vmul.f32 v27, v27;
	v29 =	vsub.f32 v58, v30;
	v19 =	vadd.f32 v21, v19  }
0x1c1: {  	v36 =	vor.u32 $0x12, v5;
	v24 =	vld.idx.msk [tilespmem:v60+s20+$0x0], $0xffff  }
0x1c2: {  	v37 =	vld.idx.msk [tilespmem:v63+s18+$0x0], $0xffff;
	v38 =	vmul.f32 v29, v29;
	v25 =	vsub.f32 v61, v26;
	v19 =	vadd.f32 v27, v19  }
0x1c3: {  	v23 =	vld.idx.msk [tilespmem:v63+s20+$0x0], $0xffff  }
0x1c4: {  	v39 =	vld.idx.msk [tilespmem:v34+s18+$0x0], $0xffff;
	v25 =	vmul.f32 v25, v25;
	v20 =	vsub.f32 v33, v22;
	v19 =	vadd.f32 v38, v19  }
0x1c5: {  	v40 =	vld.idx.msk [tilespmem:v34+s20+$0x0], $0xffff  }
0x1c6: {  	v41 =	vld.idx.msk [tilespmem:v36+s18+$0x0], $0xffff;
	v20 =	vmul.f32 v20, v20;
	v21 =	vsub.f32 v35, v24;
	v19 =	vadd.f32 v25, v19  }
0x1c7: {  	v42 =	vld.idx.msk [tilespmem:v36+s20+$0x0], $0xffff;
	v43 =	vor.u32 $0x15, v5  }
0x1c8: {  	v44 =	vld.idx.msk [tilespmem:v9+s18+$0x0], $0xffff;
	v23 =	vsub.f32 v37, v23;
	v45 =	vmul.f32 v21, v21;
	v19 =	vadd.f32 v20, v19  }
0x1c9: {  	v47 =	vor.u32 $0x16, v5;
	v46 =	vld.idx.msk [tilespmem:v9+s20+$0x0], $0xffff  }
0x1ca: {  	v48 =	vld.idx.msk [tilespmem:v8+s18+$0x0], $0xffff;
	v22 =	vsub.f32 v39, v40;
	v49 =	vmul.f32 v23, v23;
	v19 =	vadd.f32 v45, v19  }
0x1cb: {  	v17 =	vadd.f32 v18, v17;
	v51 =	vor.u32 $0x17, v5;
	v50 =	vld.idx.msk [tilespmem:v8+s20+$0x0], $0xffff  }
0x1cc: {  	v53 =	vld.idx.msk [tilespmem:v43+s18+$0x0], $0xffff;
	v52 =	vsub.f32 v41, v42;
	v54 =	vmul.f32 v22, v22;
	v19 =	vadd.f32 v49, v19  }
0x1cd: {  	v16 =	vmul.f32 v16, v16;
	v10 =	vsub.f32 v10, v15;
	v56 =	vld.idx.msk [tilespmem:v43+s20+$0x0], $0xffff;
	v55 =	vor.u32 $0x18, v5  }
0x1ce: {  	v9 =	vsub.f32 v44, v46;
	v57 =	vld.idx.msk [tilespmem:v47+s18+$0x0], $0xffff;
	v23 =	vmul.f32 v52, v52;
	v19 =	vadd.f32 v54, v19  }
0x1cf: {  	v12 =	vsub.f32 v12, v14;
	v16 =	vadd.f32 v16, v17;
	v58 =	vor.u32 $0x19, v5;
	v59 =	vld.idx.msk [tilespmem:v47+s20+$0x0], $0xffff  }
0x1d0: {  	v9 =	vmul.f32 v9, v9;
	v60 =	vld.idx.msk [tilespmem:v51+s18+$0x0], $0xffff;
	v8 =	vsub.f32 v48, v50;
	v19 =	vadd.f32 v23, v19  }
0x1d1: {  	v10 =	vmul.f32 v10, v10;
	v12 =	vmul.f32 v12, v12;
	v61 =	vor.u32 $0x1A, v5;
	v62 =	vld.idx.msk [tilespmem:v51+s20+$0x0], $0xffff  }
0x1d2: {  	v8 =	vmul.f32 v8, v8;
	v63 =	vld.idx.msk [tilespmem:v55+s18+$0x0], $0xffff;
	v24 =	vsub.f32 v53, v56;
	v9 =	vadd.f32 v9, v19  }
0x1d3: {  	v11 =	vsub.f32 v11, v13;
	v10 =	vadd.f32 v10, v16;
	v26 =	vor.u32 $0x1B, v5;
	v15 =	vld.idx.msk [tilespmem:v55+s20+$0x0], $0xffff  }
0x1d4: {  	v17 =	vld.idx.msk [tilespmem:v58+s20+$0x0], $0xffff;
	v29 =	vsub.f32 v57, v59;
	v28 =	vmul.f32 v24, v24;
	v8 =	vadd.f32 v8, v9  }
0x1d5: {  	v11 =	vmul.f32 v11, v11;
	v10 =	vadd.f32 v12, v10;
	v30 =	vor.u32 $0x1C, v5;
	v27 =	vld.idx.msk [tilespmem:v58+s18+$0x0], $0xffff  }
0x1d6: {  	v31 =	vld.idx.msk [tilespmem:v61+s18+$0x0], $0xffff;
	v32 =	vmul.f32 v29, v29;
	v16 =	vsub.f32 v60, v62;
	v8 =	vadd.f32 v28, v8  }
0x1d7: {  	v10 =	vadd.f32 v11, v10;
	v33 =	vor.u32 $0x1D, v5;
	v14 =	vld.idx.msk [tilespmem:v61+s20+$0x0], $0xffff  }
0x1d8: {  	v34 =	vld.idx.msk [tilespmem:v26+s18+$0x0], $0xffff;
	v15 =	vsub.f32 v63, v15;
	v35 =	vmul.f32 v16, v16;
	v8 =	vadd.f32 v32, v8  }
0x1d9: {  	v10 =	vadd.f32 $9.999999960e-13, v10;
	v36 =	vor.u32 $0x1E, v5;
	v13 =	vld.idx.msk [tilespmem:v26+s20+$0x0], $0xffff  }
0x1da: {  	v12 =	vld.idx.msk [tilespmem:v30+s20+$0x0], $0xffff;
	v38 =	vmul.f32 v15, v15;
	v39 =	vsub.f32 v27, v17;
	v8 =	vadd.f32 v35, v8  }
0x1db: {  	v41 =	vor.u32 $0x1F, v5;
	v37 =	vld.idx.msk [tilespmem:v30+s18+$0x0], $0xffff;
	v40 =	vshrl.u32 v10, $0x1  }
0x1dc: {  	v42 =	vld.idx.msk [tilespmem:v33+s18+$0x0], $0xffff;
	v14 =	vsub.f32 v31, v14;
	v43 =	vmul.f32 v39, v39;
	v8 =	vadd.f32 v38, v8  }
0x1dd: {  	v44 =	vadd.s32 $0x1FBD1DF5, v40;
	v11 =	vld.idx.msk [tilespmem:v33+s20+$0x0], $0xffff  }
0x1de: {  	v47 =	vld.idx.msk [tilespmem:v36+s20+$0x0], $0xffff;
	v13 =	vsub.f32 v34, v13;
	v46 =	vmul.f32 v14, v14;
	v8 =	vadd.f32 v43, v8  }
0x1df: {  	(erf) = vrcp.f32 v44;
	v45 =	vld.idx.msk [tilespmem:v36+s18+$0x0], $0xffff  }
0x1e0: {  	v48 =	vld.idx.msk [tilespmem:v41+s18+$0x0], $0xffff;
	v12 =	vsub.f32 v37, v12;
	v49 =	vmul.f32 v13, v13;
	v8 =	vadd.f32 v46, v8  }
0x1e1: {  	v5 =	vld.idx.msk [tilespmem:v41+s20+$0x0], $0xffff  }
0x1e2: {  	v50 =	vmul.f32 v12, v12;
	v11 =	vsub.f32 v42, v11;
	v8 =	vadd.f32 v49, v8;
	_ =	sdelay $0x1  }
0x1e3: {  	v51 =	vmul.f32 v11, v11;
	v52 =	vsub.f32 v45, v47;
	v8 =	vadd.f32 v50, v8;
	_ =	sdelay $0x1  }
0x1e4: {  	v5 =	vsub.f32 v48, v5;
	v53 =	vmul.f32 v52, v52;
	v8 =	vadd.f32 v51, v8;
	_ =	sdelay $0x1  }
0x1e5: {  	v5 =	vmul.f32 v5, v5;
	v54 =	vpop (erf);
	v8 =	vadd.f32 v53, v8  }
0x1e6: {  	v55 =	vmul.f32 v54, v10  }
0x1e7: {  	v5 =	vadd.f32 v5, v8  }
0x1e8: {  	v56 =	vadd.f32 v44, v55  }
0x1e9: {  	v5 =	vadd.f32 $9.999999960e-13, v5  }
0x1ea: {  	v8 =	vmul.f32 $5.000000000e-01, v56  }
0x1eb: {  	v57 =	vshrl.u32 v5, $0x1  }
0x1ec: {  	(erf) = vrcp.f32 v8;
	v9 =	vadd.s32 $0x1FBD1DF5, v57  }
0x1ed: {  	(erf) = vrcp.f32 v9;
	_ =	sdelay $0x7  }
0x1ee: {  	v58 =	vpop (erf)  }
0x1ef: {  	v59 =	vpop (erf)  }
0x1f0: {  	v12 =	vmul.f32 v59, v5;
	_ =	sdelay $0x1  }
0x1f1: {  	v9 =	vadd.f32 v9, v12;
	_ =	sdelay $0x1  }
0x1f2: {  	v9 =	vmul.f32 $5.000000000e-01, v9  }
0x1f3: {  	v3 =	vand.u32 v3, v6  }
0x1f4: {  	(erf) = vrcp.f32 v9;
	_ =	sdelay $0x3  }
0x1f5: {  	v6 =	vld.idx.msk [tilespmem:v3+s15+$0x0], $0xffff  }
0x1f6: {  	v3 =	vld.idx.msk [tilespmem:v3+s16+$0x0], $0xffff;
	_ =	sdelay $0x2  }
0x1f7: {  	v10 =	vmul.f32 v58, v10  }
0x1f8: {  	v60 =	vpop (erf)  }
0x1f9: {  	v4 =	vld.idx.msk [tilespmem:v4+s1+$0x0], $0xffff;
	v8 =	vadd.f32 v10, v8;
	v5 =	vmul.f32 v60, v5  }
0x1fa: {  	v7 =	vld.idx.msk [tilespmem:v7+s1+$0x0], $0xffff  }
0x1fb: {  	v6 =	vld.idx.msk [tilespmem:v6+s1+$0x0], $0xffff;
	v8 =	vmul.f32 $5.000000000e-01, v8;
	v5 =	vadd.f32 v5, v9  }
0x1fc: {  	v3 =	vld.idx.msk [tilespmem:v3+s1+$0x0], $0xffff  }
0x1fd: {  	s25 =	sadd.s32 $0x1, s25;
	v61 =	vsub.f32 $1.000000010e-01, v8;
	v5 =	vmul.f32 $5.000000000e-01, v5  }
0x1fe: {  	p0 =	sne.s32 s25, $0x20  }
.Ltmp3:
0x1ff: {  	vm0 =	veq.s32 v4, v7;
	v62 =	vmax.f32 v61, $0.0e+00;
	v63 =	vsub.f32 $1.000000010e-01, v5;
	(pc) =	sbr.rel @p0 .LBB2_6-.Ltmp3, $4  }
0x200: {  	v4 =	vsel vm0, v8, v62  }
0x201: {  	vm15 =	veq.s32 v6, v3;
	v2 =	vadd.f32 v4, v2;
	v3 =	vmax.f32 v63, $0.0e+00  }
0x202: {  	v3 =	vsel vm15, v5, v3  }
0x203: {  	v2 =	vadd.f32 v3, v2  }
0x204: {  	s23 =	sadd.s32 $0x1, s23  }
0x205: {  	p0 =	sne.s32 s23, s13  }
.Ltmp4:
0x206: {  	[tilespmem:$0x6100] =	vst v2;
	(pc) =	sbr.rel @p0 .LBB2_1-.Ltmp4, $4  }
0x207: {  	[hbm4b:s12+s1] =	stream.linear.scatter [tilespmem:s22], [sflag:$0x3], $0x10, $0x38;
	[tilespmem:$0x6110] =	vst v63  }
0x208: {  	_ =	swait.ge [sflag:s14], $0x10  }
0x209: {  	[sflag:s14] =	ssyncset.done $0x0  }
0x20a: {  	[sflag:s14] =	ssyncadd.s32 $0xFFFFFFF0  }
0x20b: {  	_ =	sfence.sel $0x180000  }
0x20c: {  	[bflag:$0x0] =	sbarrier.arrive $0xFFFF  }
0x20d: {  	p0 =	sne.s32 s2, $0x0;
	_ =	strace $0x90000047  }
0x20e: {  	s0 =	sadd.s32 @!p0 $0x100000, s0;
	[bflag:$0x2] =	sbarrier.arrive $0xFFFF  }
0x20f: {  	[sflag:s0] =	ssyncadd.tile.s32 @!p0 $0x1;
	_ =	shalt  }
.Lfunc_end2:
_tile_overlayer_lowered:
.L_overlay_start_2:
0x210: {  	(tag) =	ssettag $0x2  }
0x211: {  	s0 =	rddreg [dreg:$0x0];
	s2 =	stileid.u32  }
0x212: {  	s1 =	rddreg [dreg:$0x1];
	p0 =	sne.s32 s2, $0x0  }
0x213: {  	s3 =	rddreg [dreg:$0x2];
	[bflag:$0x3] =	sbarrier.arrive $0xFFFF;
	s2 =	simm.s32 @!p0 $0x1C03  }
0x214: {  	[timem:s3], [sflag:s2] =	dma.local @!p0 [hbm:s0], s1  }
0x215: {  	s0 =	simm.s32 @!p0 $0x3  }
0x216: {  	_ =	swait.ge @!p0 [sflag:s0], s1  }
0x217: {  	s1 =	ssub.s32 @!p0 $0x0, s1;
	[sflag:s0] =	ssyncset.done @!p0 $0x0  }
0x218: {  	[sflag:s0] =	ssyncadd.s32 @!p0 s1  }
0x219: {  	[bflag:$0x3] =	sbarrier.arrive $0xFFFF  }
0x21a: {  	_ =	shalt  }

</sc_bundles>
